<compile_context>
chip_gen: v7x
topology: tpu7x:2x2x1
jax: 0.10.2.dev20260603
libtpu: 0.0.44.dev20260713+nightly
codegen_flags: <defaults>
</compile_context>

<pallas_src>
import functools

import jax
import jax.numpy as jnp
from jax import lax
from jax.experimental import pallas as pl
from jax.experimental.pallas import tpu as pltpu
from jax.experimental.pallas import tpu_sc as plsc

B = 16384
HIST = 200
D = 32
ROW_A = 72

NC = 2
NS = 16
NW = NC * NS
PER_W = B // NW
CB = 8
NCHUNK = PER_W // CB
SCALE = 5.0 / HIST

_MESH = dict(core_axis_name="c", subcore_axis_name="s",
             num_cores=NC, num_subcores=NS)


def _body_a(gend_hbm, age_hbm, cidx_hbm, gtbl_hbm, atbl_hbm, ctbl_hbm,
            u_hbm, out_hbm,
            cidx_v, rows_v, gend_v, age_v, grows_v, arows_v, urows_v, out_v,
            semg0, semg1, semw0, semw1):
    semg = (semg0, semg1)
    semw = (semw0, semw1)
    wid = lax.axis_index("s") * NC + lax.axis_index("c")
    base0 = wid * PER_W

    pltpu.sync_copy(gend_hbm.at[pl.ds(base0, PER_W)], gend_v)
    pltpu.sync_copy(age_hbm.at[pl.ds(base0, PER_W)], age_v)

    def issue(c, ph):
        base = base0 + c * CB
        pltpu.sync_copy(cidx_hbm.at[pl.ds(base * HIST, CB * HIST)],
                        cidx_v.at[ph])
        pltpu.async_copy(ctbl_hbm.at[cidx_v.at[ph]], rows_v.at[ph], semg[ph])
        pltpu.async_copy(gtbl_hbm.at[gend_v.at[pl.ds(c * CB, CB)]],
                         grows_v.at[ph], semg[ph])
        pltpu.async_copy(atbl_hbm.at[age_v.at[pl.ds(c * CB, CB)]],
                         arows_v.at[ph], semg[ph])
        pltpu.async_copy(u_hbm.at[pl.ds(base, CB)], urows_v.at[ph], semg[ph])

    def wait_gathers(ph):
        pltpu.make_async_copy(ctbl_hbm.at[pl.ds(0, CB * HIST)],
                              rows_v.at[ph], semg[ph]).wait()
        pltpu.make_async_copy(gtbl_hbm.at[pl.ds(0, CB)],
                              grows_v.at[ph], semg[ph]).wait()
        pltpu.make_async_copy(atbl_hbm.at[pl.ds(0, CB)],
                              arows_v.at[ph], semg[ph]).wait()
        pltpu.make_async_copy(u_hbm.at[pl.ds(0, CB)],
                              urows_v.at[ph], semg[ph]).wait()

    def drain_out(ph):
        pltpu.make_async_copy(out_v.at[ph],
                              out_hbm.at[pl.ds(0, CB * ROW_A)],
                              semw[ph]).wait()

    def compute(c, ph):
        rows = rows_v.at[ph]
        out = out_v.at[ph]

        def pool(b, carry2):
            zero = jnp.zeros((16,), jnp.float32)

            @plsc.parallel_loop(0, HIST, step=4, unroll=2,
                                carry=(zero, zero, zero, zero))
            def red(h, accs):
                a0, a1, b0, b1 = accs
                r = b * HIST + h
                for k in range(4):
                    lo, hi = plsc.unpack(
                        rows[r + k, :], format=plsc.PackFormat.INTERLEAVED,
                        preferred_element_type=jnp.float32)
                    if k % 2 == 0:
                        a0, a1 = a0 + lo, a1 + hi
                    else:
                        b0, b1 = b0 + lo, b1 + hi
                return a0, a1, b0, b1

            a0, a1, b0, b1 = red
            out[pl.ds(b * ROW_A, 16)] = urows_v[ph, b, pl.ds(0, 16)]
            out[pl.ds(b * ROW_A + 16, 16)] = urows_v[ph, b, pl.ds(16, 16)]
            out[pl.ds(b * ROW_A + 32, 16)] = grows_v[ph, b, pl.ds(0, 16)]
            out[pl.ds(b * ROW_A + 36, 16)] = arows_v[ph, b, pl.ds(0, 16)]
            out[pl.ds(b * ROW_A + 40, 16)] = (a0 + b0) * SCALE
            out[pl.ds(b * ROW_A + 56, 16)] = (a1 + b1) * SCALE
            return carry2

        lax.fori_loop(0, CB, pool, 0)
        base = base0 + c * CB
        pltpu.async_copy(out_v.at[ph],
                         out_hbm.at[pl.ds(base * ROW_A, CB * ROW_A)],
                         semw[ph])

    issue(0, 0)

    def pair_body(p, carry):
        for ph in range(2):
            c = p * 2 + ph

            @pl.when(c + 1 < NCHUNK)
            def _():
                issue(c + 1, 1 - ph)

            wait_gathers(ph)

            @pl.when(c >= 2)
            def _():
                drain_out(ph)

            compute(c, ph)
        return carry

    lax.fori_loop(0, NCHUNK // 2, pair_body, 0)
    drain_out(0)
    drain_out(1)


GRP = 8
NGRP = PER_W // GRP


def _body_b(uidx_hbm, utt_hbm, out_hbm, uidx_v, slab_v, urow_v,
            semg0, semg1, semw0, semw1):
    semg = (semg0, semg1)
    semw = (semw0, semw1)
    wid = lax.axis_index("s") * NC + lax.axis_index("c")
    base0 = wid * PER_W
    pltpu.sync_copy(uidx_hbm.at[pl.ds(base0, PER_W)],
                    uidx_v.at[pl.ds(0, PER_W)])
    iota = lax.iota(jnp.int32, 16)

    def scalars(g, j):
        idx16 = uidx_v[pl.ds(g * GRP, 16)]
        r = jnp.max(jnp.where(iota == j, idx16, 0))
        c128 = pl.multiple_of((r // 128) * 128, 128)
        return r, c128

    def issue(g, ph):
        for j in range(GRP):
            r, c128 = scalars(g, j)
            pltpu.async_copy(utt_hbm.at[:, pl.ds(c128, 128)],
                             slab_v.at[ph, j], semg[ph])

    def drain_extract(g, ph):
        for j in range(GRP):
            pltpu.make_async_copy(utt_hbm.at[:, pl.ds(0, 128)],
                                  slab_v.at[ph, j], semg[ph]).wait()
            r, c128 = scalars(g, j)
            col = (r - c128) + jnp.zeros((16,), jnp.int32)
            phv = jnp.full((16,), ph, jnp.int32)
            jv = jnp.full((16,), j, jnp.int32)
            v0 = plsc.load_gather(slab_v, [phv, jv, iota, col])
            v1 = plsc.load_gather(slab_v, [phv, jv, 16 + iota, col])
            urow_v[ph, j, pl.ds(0, 16)] = v0
            urow_v[ph, j, pl.ds(16, 16)] = v1
        pltpu.async_copy(urow_v.at[ph],
                         out_hbm.at[pl.ds(base0 + g * GRP, GRP)], semw[ph])

    def drain_write(ph):
        pltpu.make_async_copy(urow_v.at[ph], out_hbm.at[pl.ds(0, GRP)],
                              semw[ph]).wait()

    issue(0, 0)

    def pair_body(p, carry):
        for ph in range(2):
            g = p * 2 + ph

            @pl.when(g + 1 < NGRP)
            def _():
                issue(g + 1, 1 - ph)

            @pl.when(g >= 2)
            def _():
                drain_write(ph)

            drain_extract(g, ph)
        return carry

    lax.fori_loop(0, NGRP // 2, pair_body, 0)
    drain_write(0)
    drain_write(1)


@functools.lru_cache(maxsize=None)
def _build(interpret: bool = False):
    ka = functools.partial(
        pl.kernel,
        out_type=jax.ShapeDtypeStruct((B * ROW_A,), jnp.float32),
        mesh=plsc.VectorSubcoreMesh(**_MESH),
        scratch_types=[
            pltpu.VMEM((2, CB * HIST,), jnp.int32),
            pltpu.VMEM((2, CB * HIST, D), jnp.bfloat16),
            pltpu.VMEM((PER_W,), jnp.int32),
            pltpu.VMEM((PER_W,), jnp.int32),
            pltpu.VMEM((2, CB, 16), jnp.float32),
            pltpu.VMEM((2, CB, 16), jnp.float32),
            pltpu.VMEM((2, CB, D), jnp.float32),
            pltpu.VMEM((2, CB * ROW_A), jnp.float32),
            pltpu.SemaphoreType.DMA,
            pltpu.SemaphoreType.DMA,
            pltpu.SemaphoreType.DMA,
            pltpu.SemaphoreType.DMA,
        ],
        compiler_params=pltpu.CompilerParams(use_tc_tiling_on_sc=False,
                                             needs_layout_passes=False),
        interpret=interpret,
    )(lambda *refs: _body_a(*refs))

    kb = functools.partial(
        pl.kernel,
        out_type=jax.ShapeDtypeStruct((B, D), jnp.float32),
        mesh=plsc.VectorSubcoreMesh(**_MESH),
        scratch_types=[
            pltpu.VMEM((PER_W + 16,), jnp.int32),
            pltpu.VMEM((2, GRP, 32, 128), jnp.float32),
            pltpu.VMEM((2, GRP, D), jnp.float32),
            pltpu.SemaphoreType.DMA,
            pltpu.SemaphoreType.DMA,
            pltpu.SemaphoreType.DMA,
            pltpu.SemaphoreType.DMA,
        ],
        compiler_params=pltpu.CompilerParams(use_tc_tiling_on_sc=True,
                                             needs_layout_passes=False),
        interpret=interpret,
    )(lambda *refs: _body_b(*refs))
    return ka, kb


def kernel(user_idx, gender, age, context_idx, user_table, gender_table,
           age_table, context_table):
    ka, kb = _build()
    gtbl = jnp.zeros((8, 16), jnp.float32).at[:3, :4].set(gender_table)
    atbl = jnp.zeros((104, 16), jnp.float32).at[:100, :4].set(age_table)
    perm = jnp.arange(32).reshape(2, 16).T.reshape(-1)
    ctbl = context_table.astype(jnp.bfloat16)[:, perm]
    u = kb(user_idx.astype(jnp.int32), user_table.T)
    out = ka(
        gender.astype(jnp.int32),
        age.astype(jnp.int32),
        context_idx.reshape(-1).astype(jnp.int32),
        gtbl,
        atbl,
        ctbl,
        u,
    )
    return out.reshape(B, ROW_A)

# --- scband reference (transcript-rebuilt; emitter-appended) ---
"""Pipeline reference for scband-user-model-9363028706411 (READ-ONLY COPY).

The authoritative reference and input builder live on the scoring server;
editing this copy changes nothing except your own understanding.
"""

import jax, jax.numpy as jnp
import numpy as np

EMBED_DIM = 32
NUM_USERS = 1000000
NUM_PRODUCTS = 100000
BATCH = 16384
HIST = 200


def setup_inputs(seed: int = 0) -> dict:
    key = jax.random.key(seed)
    k1, k2, k3, k4, k5, k6, k7, k8 = jax.random.split(key, 8)
    user_idx = jax.random.randint(k1, (BATCH,), 0, 1000000, dtype=jnp.int64 if jax.config.jax_enable_x64 else jnp.int32)
    gender = jax.random.randint(k2, (BATCH,), 0, 3)
    age = jax.random.randint(k3, (BATCH,), 0, 100)
    context_idx = jax.random.randint(k4, (BATCH, HIST), 0, 100000)
    user_table = jax.random.normal(k5, (NUM_USERS + 2, EMBED_DIM), dtype=jnp.float32) * 0.05
    gender_table = jax.random.normal(k6, (3, 4), dtype=jnp.float32) * 0.05
    age_table = jax.random.normal(k7, (100, 4), dtype=jnp.float32) * 0.05
    context_table = jax.random.normal(k8, (NUM_PRODUCTS + 2, EMBED_DIM), dtype=jnp.float32) * 0.05
    return {
        'user_idx': user_idx,
        'gender': gender,
        'age': age,
        'context_idx': context_idx,
        'user_table': user_table,
        'gender_table': gender_table,
        'age_table': age_table,
        'context_table': context_table,
    }


def reference(user_idx, gender, age, context_idx, user_table, gender_table, age_table, context_table):
    u = jnp.take(user_table, user_idx, axis=0)
    g = jnp.take(gender_table, gender, axis=0)
    a = jnp.take(age_table, age, axis=0)
    ctx = jnp.take(context_table, context_idx, axis=0)  # [B, HIST, D]
    context = jnp.mean(ctx, axis=1) * 5.0
    return jnp.concatenate([u, g, a, context], axis=-1)

if __name__ == "__main__":
    import jax
    _d = setup_inputs()
    print(jax.jit(kernel)(*tuple(_d.values())))

</pallas_src>

<mosaic_0001>
#map = affine_map<(d0, d1) -> (0)>
#map1 = affine_map<(d0, d1) -> (0, 0)>
module attributes {stable_mosaic.version = 14 : i64} {
  func.func @_lambda_(%arg0: i32, %arg1: i32, %arg2: memref<16384xi32, #tpu.memory_space<hbm>>, %arg3: memref<32x1000002xf32, #tpu.memory_space<hbm>>, %arg4: memref<16384x32xf32, #tpu.memory_space<hbm>>, %arg5: memref<528xi32, #tpu.memory_space<vmem>>, %arg6: memref<2x8x32x128xf32, #tpu.memory_space<vmem>>, %arg7: memref<2x8x32xf32, #tpu.memory_space<vmem>>, %arg8: memref<!tpu.dma_semaphore, #tpu.memory_space<semaphore_mem>>, %arg9: memref<!tpu.dma_semaphore, #tpu.memory_space<semaphore_mem>>, %arg10: memref<!tpu.dma_semaphore, #tpu.memory_space<semaphore_mem>>, %arg11: memref<!tpu.dma_semaphore, #tpu.memory_space<semaphore_mem>>) attributes {dimension_semantics = [#tpu.dimension_semantics<core_parallel>, #tpu.dimension_semantics<subcore_parallel>], iteration_bounds = array<i64: 2, 16>, scalar_prefetch = 0 : i64, scratch_operands = 7 : i64, tpu.core_type = #tpu.core_type<sc_vector_subcore>, window_params = [{transform_indices = #map}, {transform_indices = #map1}, {transform_indices = #map1}]} {
    %mul3A = arith.constant 2 : i32
    %mul3A_0 = arith.muli %arg1, %mul3A : i32
    %add3A = arith.addi %mul3A_0, %arg0 : i32
    %mul3A_1 = arith.constant 512 : i32
    %mul3A_2 = arith.muli %add3A, %mul3A_1 : i32
    "tpu.region"() ({
      %run_scoped3A = tpu.sem_alloc : memref<!tpu.dma_semaphore, #tpu.memory_space<semaphore_mem>>
      %dma_start3A_479 = arith.constant 0 : i32
      %dma_start3A_480 = tpu.memref_slice %arg5[%dma_start3A_479] : memref<528xi32, #tpu.memory_space<vmem>> -> memref<512xi32, #tpu.memory_space<vmem>>
      %dma_start3A_481 = tpu.memref_slice %arg2[%mul3A_2] : memref<16384xi32, #tpu.memory_space<hbm>> -> memref<512xi32, #tpu.memory_space<hbm>>
      %dma_start3A_482 = arith.constant 0 : i32
      %dma_start3A_483 = tpu.memref_slice %arg5[%dma_start3A_482] : memref<528xi32, #tpu.memory_space<vmem>> -> memref<512xi32, #tpu.memory_space<vmem>>
      %dma_start3A_484 = tpu.memref_slice %arg2[%mul3A_2] : memref<16384xi32, #tpu.memory_space<hbm>> -> memref<512xi32, #tpu.memory_space<hbm>>
      tpu.enqueue_dma source(%dma_start3A_484 : memref<512xi32, #tpu.memory_space<hbm>>) target(%dma_start3A_483 : memref<512xi32, #tpu.memory_space<vmem>>) target_semaphore(%run_scoped3A : memref<!tpu.dma_semaphore, #tpu.memory_space<semaphore_mem>>)
      %dma_wait3A_485 = arith.constant 0 : i32
      %dma_wait3A_486 = tpu.memref_slice %arg5[%dma_wait3A_485] : memref<528xi32, #tpu.memory_space<vmem>> -> memref<512xi32, #tpu.memory_space<vmem>>
      %dma_wait3A_487 = tpu.memref_slice %arg2[%mul3A_2] : memref<16384xi32, #tpu.memory_space<hbm>> -> memref<512xi32, #tpu.memory_space<hbm>>
      %dma_wait3A_488 = arith.constant 0 : i32
      %dma_wait3A_489 = tpu.memref_slice %arg5[%dma_wait3A_488] : memref<528xi32, #tpu.memory_space<vmem>> -> memref<512xi32, #tpu.memory_space<vmem>>
      %dma_wait3A_490 = tpu.memref_slice %arg2[%mul3A_2] : memref<16384xi32, #tpu.memory_space<hbm>> -> memref<512xi32, #tpu.memory_space<hbm>>
      tpu.wait_dma2 semaphore(%run_scoped3A : memref<!tpu.dma_semaphore, #tpu.memory_space<semaphore_mem>>) src(%dma_wait3A_490 : memref<512xi32, #tpu.memory_space<hbm>>) dst(%dma_wait3A_489 : memref<512xi32, #tpu.memory_space<vmem>>)
      tpu.yield
    }) : () -> ()
    %iota3A = tpu.iota {dimensions = array<i32: 0>} : vector<16xi32>
    %get3A = arith.constant 0 : index
    %get3A_3 = tpu.vector_load %arg5[%get3A] {strides = array<i32>} : memref<528xi32, #tpu.memory_space<vmem>>, vector<16xi32>,
    %eq3A = arith.constant 0 : i32
    %eq3A_4 = vector.broadcast %eq3A : i32 to vector<16xi32>
    %eq3A_5 = arith.cmpi eq, %iota3A, %eq3A_4 : vector<16xi32>
    %jit3A = arith.constant 0 : i32
    %broadcast_in_dim3A = vector.broadcast %jit3A : i32 to vector<16xi32>
    %select_n3A = arith.select %eq3A_5, %get3A_3, %broadcast_in_dim3A : vector<16xi1>, vector<16xi32>
    %reduce_max3A = arith.constant true
    %reduce_max3A_6 = vector.broadcast %reduce_max3A : i1 to vector<16xi1>
    %reduce_max3A_7 = arith.constant -2147483648 : i32
    %reduce_max3A_8 = vector.broadcast %reduce_max3A_7 : i32 to vector<16xi32>
    %reduce_max3A_9 = arith.xori %select_n3A, %reduce_max3A_8 : vector<16xi32>
    %reduce_max3A_10 = tpu.scan <max>, %reduce_max3A_9 masked %reduce_max3A_6 : vector<16xi32>, vector<16xi1> -> vector<16xi32>
    %reduce_max3A_11 = arith.xori %reduce_max3A_10, %reduce_max3A_8 : vector<16xi32>
    %reduce_max3A_12 = vector.extract %reduce_max3A_11[15] : i32 from vector<16xi32>
    %jit3A_13 = arith.constant 128 : i32
    %div3A = arith.divsi %reduce_max3A_12, %jit3A_13 : i32
    %sign3A = arith.constant 0 : i32
    %sign3A_14 = arith.cmpi sgt, %reduce_max3A_12, %sign3A : i32
    %sign3A_15 = arith.extui %sign3A_14 : i1 to i32
    %sign3A_16 = arith.constant 0 : i32
    %sign3A_17 = arith.cmpi slt, %reduce_max3A_12, %sign3A_16 : i32
    %sign3A_18 = arith.extui %sign3A_17 : i1 to i32
    %sign3A_19 = arith.subi %sign3A_15, %sign3A_18 : i32
    %sign3A_20 = arith.constant 0 : i32
    %sign3A_21 = arith.cmpi sgt, %jit3A_13, %sign3A_20 : i32
    %sign3A_22 = arith.extui %sign3A_21 : i1 to i32
    %sign3A_23 = arith.constant 0 : i32
    %sign3A_24 = arith.cmpi slt, %jit3A_13, %sign3A_23 : i32
    %sign3A_25 = arith.extui %sign3A_24 : i1 to i32
    %sign3A_26 = arith.subi %sign3A_22, %sign3A_25 : i32
    %ne3A = arith.cmpi ne, %sign3A_19, %sign3A_26 : i32
    %rem3A = arith.remsi %reduce_max3A_12, %jit3A_13 : i32
    %ne3A_27 = arith.constant 0 : i32
    %ne3A_28 = arith.cmpi ne, %rem3A, %ne3A_27 : i32
    %and3A = arith.andi %ne3A, %ne3A_28 : i1
    %sub3A = arith.constant 1 : i32
    %sub3A_29 = arith.subi %div3A, %sub3A : i32
    %select_n3A_30 = arith.select %and3A, %sub3A_29, %div3A : i32
    %mul3A_31 = arith.constant 128 : i32
    %mul3A_32 = arith.muli %select_n3A_30, %mul3A_31 : i32
    %multiple_of3A = tpu.assume_multiple %mul3A_32, 128 : i32
    %dma_start3A = arith.constant 0 : i32
    %dma_start3A_33 = arith.constant 0 : i32
    %dma_start3A_34 = arith.constant 0 : i32
    %dma_start3A_35 = arith.constant 0 : i32
    %dma_start3A_36 = tpu.memref_slice %arg6[%dma_start3A, %dma_start3A_33, %dma_start3A_34, %dma_start3A_35] : memref<2x8x32x128xf32, #tpu.memory_space<vmem>> -> memref<1x1x32x128xf32, #tpu.memory_space<vmem>>
    %dma_start3A_37 = tpu.memref_squeeze %dma_start3A_36 : memref<1x1x32x128xf32, #tpu.memory_space<vmem>> -> memref<32x128xf32, #tpu.memory_space<vmem>>
    %dma_start3A_38 = arith.constant 0 : i32
    %dma_start3A_39 = tpu.memref_slice %arg3[%dma_start3A_38, %multiple_of3A] : memref<32x1000002xf32, #tpu.memory_space<hbm>> -> memref<32x128xf32, #tpu.memory_space<hbm>>
    %dma_start3A_40 = arith.constant 0 : i32
    %dma_start3A_41 = arith.constant 0 : i32
    %dma_start3A_42 = tpu.memref_slice %arg6[%dma_start3A, %dma_start3A_33, %dma_start3A_40, %dma_start3A_41] : memref<2x8x32x128xf32, #tpu.memory_space<vmem>> -> memref<1x1x32x128xf32, #tpu.memory_space<vmem>>
    %dma_start3A_43 = tpu.memref_squeeze %dma_start3A_42 : memref<1x1x32x128xf32, #tpu.memory_space<vmem>> -> memref<32x128xf32, #tpu.memory_space<vmem>>
    %dma_start3A_44 = arith.constant 0 : i32
    %dma_start3A_45 = tpu.memref_slice %arg3[%dma_start3A_44, %multiple_of3A] : memref<32x1000002xf32, #tpu.memory_space<hbm>> -> memref<32x128xf32, #tpu.memory_space<hbm>>
    tpu.enqueue_dma source(%dma_start3A_45 : memref<32x128xf32, #tpu.memory_space<hbm>>) target(%dma_start3A_43 : memref<32x128xf32, #tpu.memory_space<vmem>>) target_semaphore(%arg8 : memref<!tpu.dma_semaphore, #tpu.memory_space<semaphore_mem>>)
    %get3A_46 = arith.constant 0 : index
    %get3A_47 = tpu.vector_load %arg5[%get3A_46] {strides = array<i32>} : memref<528xi32, #tpu.memory_space<vmem>>, vector<16xi32>,
    %eq3A_48 = arith.constant 1 : i32
    %eq3A_49 = vector.broadcast %eq3A_48 : i32 to vector<16xi32>
    %eq3A_50 = arith.cmpi eq, %iota3A, %eq3A_49 : vector<16xi32>
    %jit3A_51 = arith.constant 0 : i32
    %broadcast_in_dim3A_52 = vector.broadcast %jit3A_51 : i32 to vector<16xi32>
    %select_n3A_53 = arith.select %eq3A_50, %get3A_47, %broadcast_in_dim3A_52 : vector<16xi1>, vector<16xi32>
    %reduce_max3A_54 = arith.constant true
    %reduce_max3A_55 = vector.broadcast %reduce_max3A_54 : i1 to vector<16xi1>
    %reduce_max3A_56 = arith.constant -2147483648 : i32
    %reduce_max3A_57 = vector.broadcast %reduce_max3A_56 : i32 to vector<16xi32>
    %reduce_max3A_58 = arith.xori %select_n3A_53, %reduce_max3A_57 : vector<16xi32>
    %reduce_max3A_59 = tpu.scan <max>, %reduce_max3A_58 masked %reduce_max3A_55 : vector<16xi32>, vector<16xi1> -> vector<16xi32>
    %reduce_max3A_60 = arith.xori %reduce_max3A_59, %reduce_max3A_57 : vector<16xi32>
    %reduce_max3A_61 = vector.extract %reduce_max3A_60[15] : i32 from vector<16xi32>
    %jit3A_62 = arith.constant 128 : i32
    %div3A_63 = arith.divsi %reduce_max3A_61, %jit3A_62 : i32
    %sign3A_64 = arith.constant 0 : i32
    %sign3A_65 = arith.cmpi sgt, %reduce_max3A_61, %sign3A_64 : i32
    %sign3A_66 = arith.extui %sign3A_65 : i1 to i32
    %sign3A_67 = arith.constant 0 : i32
    %sign3A_68 = arith.cmpi slt, %reduce_max3A_61, %sign3A_67 : i32
    %sign3A_69 = arith.extui %sign3A_68 : i1 to i32
    %sign3A_70 = arith.subi %sign3A_66, %sign3A_69 : i32
    %sign3A_71 = arith.constant 0 : i32
    %sign3A_72 = arith.cmpi sgt, %jit3A_62, %sign3A_71 : i32
    %sign3A_73 = arith.extui %sign3A_72 : i1 to i32
    %sign3A_74 = arith.constant 0 : i32
    %sign3A_75 = arith.cmpi slt, %jit3A_62, %sign3A_74 : i32
    %sign3A_76 = arith.extui %sign3A_75 : i1 to i32
    %sign3A_77 = arith.subi %sign3A_73, %sign3A_76 : i32
    %ne3A_78 = arith.cmpi ne, %sign3A_70, %sign3A_77 : i32
    %rem3A_79 = arith.remsi %reduce_max3A_61, %jit3A_62 : i32
    %ne3A_80 = arith.constant 0 : i32
    %ne3A_81 = arith.cmpi ne, %rem3A_79, %ne3A_80 : i32
    %and3A_82 = arith.andi %ne3A_78, %ne3A_81 : i1
    %sub3A_83 = arith.constant 1 : i32
    %sub3A_84 = arith.subi %div3A_63, %sub3A_83 : i32
    %select_n3A_85 = arith.select %and3A_82, %sub3A_84, %div3A_63 : i32
    %mul3A_86 = arith.constant 128 : i32
    %mul3A_87 = arith.muli %select_n3A_85, %mul3A_86 : i32
    %multiple_of3A_88 = tpu.assume_multiple %mul3A_87, 128 : i32
    %dma_start3A_89 = arith.constant 0 : i32
    %dma_start3A_90 = arith.constant 1 : i32
    %dma_start3A_91 = arith.constant 0 : i32
    %dma_start3A_92 = arith.constant 0 : i32
    %dma_start3A_93 = tpu.memref_slice %arg6[%dma_start3A_89, %dma_start3A_90, %dma_start3A_91, %dma_start3A_92] : memref<2x8x32x128xf32, #tpu.memory_space<vmem>> -> memref<1x1x32x128xf32, #tpu.memory_space<vmem>>
    %dma_start3A_94 = tpu.memref_squeeze %dma_start3A_93 : memref<1x1x32x128xf32, #tpu.memory_space<vmem>> -> memref<32x128xf32, #tpu.memory_space<vmem>>
    %dma_start3A_95 = arith.constant 0 : i32
    %dma_start3A_96 = tpu.memref_slice %arg3[%dma_start3A_95, %multiple_of3A_88] : memref<32x1000002xf32, #tpu.memory_space<hbm>> -> memref<32x128xf32, #tpu.memory_space<hbm>>
    %dma_start3A_97 = arith.constant 0 : i32
    %dma_start3A_98 = arith.constant 0 : i32
    %dma_start3A_99 = tpu.memref_slice %arg6[%dma_start3A_89, %dma_start3A_90, %dma_start3A_97, %dma_start3A_98] : memref<2x8x32x128xf32, #tpu.memory_space<vmem>> -> memref<1x1x32x128xf32, #tpu.memory_space<vmem>>
    %dma_start3A_100 = tpu.memref_squeeze %dma_start3A_99 : memref<1x1x32x128xf32, #tpu.memory_space<vmem>> -> memref<32x128xf32, #tpu.memory_space<vmem>>
    %dma_start3A_101 = arith.constant 0 : i32
    %dma_start3A_102 = tpu.memref_slice %arg3[%dma_start3A_101, %multiple_of3A_88] : memref<32x1000002xf32, #tpu.memory_space<hbm>> -> memref<32x128xf32, #tpu.memory_space<hbm>>
    tpu.enqueue_dma source(%dma_start3A_102 : memref<32x128xf32, #tpu.memory_space<hbm>>) target(%dma_start3A_100 : memref<32x128xf32, #tpu.memory_space<vmem>>) target_semaphore(%arg8 : memref<!tpu.dma_semaphore, #tpu.memory_space<semaphore_mem>>)
    %get3A_103 = arith.constant 0 : index
    %get3A_104 = tpu.vector_load %arg5[%get3A_103] {strides = array<i32>} : memref<528xi32, #tpu.memory_space<vmem>>, vector<16xi32>,
    %eq3A_105 = arith.constant 2 : i32
    %eq3A_106 = vector.broadcast %eq3A_105 : i32 to vector<16xi32>
    %eq3A_107 = arith.cmpi eq, %iota3A, %eq3A_106 : vector<16xi32>
    %jit3A_108 = arith.constant 0 : i32
    %broadcast_in_dim3A_109 = vector.broadcast %jit3A_108 : i32 to vector<16xi32>
    %select_n3A_110 = arith.select %eq3A_107, %get3A_104, %broadcast_in_dim3A_109 : vector<16xi1>, vector<16xi32>
    %reduce_max3A_111 = arith.constant true
    %reduce_max3A_112 = vector.broadcast %reduce_max3A_111 : i1 to vector<16xi1>
    %reduce_max3A_113 = arith.constant -2147483648 : i32
    %reduce_max3A_114 = vector.broadcast %reduce_max3A_113 : i32 to vector<16xi32>
    %reduce_max3A_115 = arith.xori %select_n3A_110, %reduce_max3A_114 : vector<16xi32>
    %reduce_max3A_116 = tpu.scan <max>, %reduce_max3A_115 masked %reduce_max3A_112 : vector<16xi32>, vector<16xi1> -> vector<16xi32>
    %reduce_max3A_117 = arith.xori %reduce_max3A_116, %reduce_max3A_114 : vector<16xi32>
    %reduce_max3A_118 = vector.extract %reduce_max3A_117[15] : i32 from vector<16xi32>
    %jit3A_119 = arith.constant 128 : i32
    %div3A_120 = arith.divsi %reduce_max3A_118, %jit3A_119 : i32
    %sign3A_121 = arith.constant 0 : i32
    %sign3A_122 = arith.cmpi sgt, %reduce_max3A_118, %sign3A_121 : i32
    %sign3A_123 = arith.extui %sign3A_122 : i1 to i32
    %sign3A_124 = arith.constant 0 : i32
    %sign3A_125 = arith.cmpi slt, %reduce_max3A_118, %sign3A_124 : i32
    %sign3A_126 = arith.extui %sign3A_125 : i1 to i32
    %sign3A_127 = arith.subi %sign3A_123, %sign3A_126 : i32
    %sign3A_128 = arith.constant 0 : i32
    %sign3A_129 = arith.cmpi sgt, %jit3A_119, %sign3A_128 : i32
    %sign3A_130 = arith.extui %sign3A_129 : i1 to i32
    %sign3A_131 = arith.constant 0 : i32
    %sign3A_132 = arith.cmpi slt, %jit3A_119, %sign3A_131 : i32
    %sign3A_133 = arith.extui %sign3A_132 : i1 to i32
    %sign3A_134 = arith.subi %sign3A_130, %sign3A_133 : i32
    %ne3A_135 = arith.cmpi ne, %sign3A_127, %sign3A_134 : i32
    %rem3A_136 = arith.remsi %reduce_max3A_118, %jit3A_119 : i32
    %ne3A_137 = arith.constant 0 : i32
    %ne3A_138 = arith.cmpi ne, %rem3A_136, %ne3A_137 : i32
    %and3A_139 = arith.andi %ne3A_135, %ne3A_138 : i1
    %sub3A_140 = arith.constant 1 : i32
    %sub3A_141 = arith.subi %div3A_120, %sub3A_140 : i32
    %select_n3A_142 = arith.select %and3A_139, %sub3A_141, %div3A_120 : i32
    %mul3A_143 = arith.constant 128 : i32
    %mul3A_144 = arith.muli %select_n3A_142, %mul3A_143 : i32
    %multiple_of3A_145 = tpu.assume_multiple %mul3A_144, 128 : i32
    %dma_start3A_146 = arith.constant 0 : i32
    %dma_start3A_147 = arith.constant 2 : i32
    %dma_start3A_148 = arith.constant 0 : i32
    %dma_start3A_149 = arith.constant 0 : i32
    %dma_start3A_150 = tpu.memref_slice %arg6[%dma_start3A_146, %dma_start3A_147, %dma_start3A_148, %dma_start3A_149] : memref<2x8x32x128xf32, #tpu.memory_space<vmem>> -> memref<1x1x32x128xf32, #tpu.memory_space<vmem>>
    %dma_start3A_151 = tpu.memref_squeeze %dma_start3A_150 : memref<1x1x32x128xf32, #tpu.memory_space<vmem>> -> memref<32x128xf32, #tpu.memory_space<vmem>>
    %dma_start3A_152 = arith.constant 0 : i32
    %dma_start3A_153 = tpu.memref_slice %arg3[%dma_start3A_152, %multiple_of3A_145] : memref<32x1000002xf32, #tpu.memory_space<hbm>> -> memref<32x128xf32, #tpu.memory_space<hbm>>
    %dma_start3A_154 = arith.constant 0 : i32
    %dma_start3A_155 = arith.constant 0 : i32
    %dma_start3A_156 = tpu.memref_slice %arg6[%dma_start3A_146, %dma_start3A_147, %dma_start3A_154, %dma_start3A_155] : memref<2x8x32x128xf32, #tpu.memory_space<vmem>> -> memref<1x1x32x128xf32, #tpu.memory_space<vmem>>
    %dma_start3A_157 = tpu.memref_squeeze %dma_start3A_156 : memref<1x1x32x128xf32, #tpu.memory_space<vmem>> -> memref<32x128xf32, #tpu.memory_space<vmem>>
    %dma_start3A_158 = arith.constant 0 : i32
    %dma_start3A_159 = tpu.memref_slice %arg3[%dma_start3A_158, %multiple_of3A_145] : memref<32x1000002xf32, #tpu.memory_space<hbm>> -> memref<32x128xf32, #tpu.memory_space<hbm>>
    tpu.enqueue_dma source(%dma_start3A_159 : memref<32x128xf32, #tpu.memory_space<hbm>>) target(%dma_start3A_157 : memref<32x128xf32, #tpu.memory_space<vmem>>) target_semaphore(%arg8 : memref<!tpu.dma_semaphore, #tpu.memory_space<semaphore_mem>>)
    %get3A_160 = arith.constant 0 : index
    %get3A_161 = tpu.vector_load %arg5[%get3A_160] {strides = array<i32>} : memref<528xi32, #tpu.memory_space<vmem>>, vector<16xi32>,
    %eq3A_162 = arith.constant 3 : i32
    %eq3A_163 = vector.broadcast %eq3A_162 : i32 to vector<16xi32>
    %eq3A_164 = arith.cmpi eq, %iota3A, %eq3A_163 : vector<16xi32>
    %jit3A_165 = arith.constant 0 : i32
    %broadcast_in_dim3A_166 = vector.broadcast %jit3A_165 : i32 to vector<16xi32>
    %select_n3A_167 = arith.select %eq3A_164, %get3A_161, %broadcast_in_dim3A_166 : vector<16xi1>, vector<16xi32>
    %reduce_max3A_168 = arith.constant true
    %reduce_max3A_169 = vector.broadcast %reduce_max3A_168 : i1 to vector<16xi1>
    %reduce_max3A_170 = arith.constant -2147483648 : i32
    %reduce_max3A_171 = vector.broadcast %reduce_max3A_170 : i32 to vector<16xi32>
    %reduce_max3A_172 = arith.xori %select_n3A_167, %reduce_max3A_171 : vector<16xi32>
    %reduce_max3A_173 = tpu.scan <max>, %reduce_max3A_172 masked %reduce_max3A_169 : vector<16xi32>, vector<16xi1> -> vector<16xi32>
    %reduce_max3A_174 = arith.xori %reduce_max3A_173, %reduce_max3A_171 : vector<16xi32>
    %reduce_max3A_175 = vector.extract %reduce_max3A_174[15] : i32 from vector<16xi32>
    %jit3A_176 = arith.constant 128 : i32
    %div3A_177 = arith.divsi %reduce_max3A_175, %jit3A_176 : i32
    %sign3A_178 = arith.constant 0 : i32
    %sign3A_179 = arith.cmpi sgt, %reduce_max3A_175, %sign3A_178 : i32
    %sign3A_180 = arith.extui %sign3A_179 : i1 to i32
    %sign3A_181 = arith.constant 0 : i32
    %sign3A_182 = arith.cmpi slt, %reduce_max3A_175, %sign3A_181 : i32
    %sign3A_183 = arith.extui %sign3A_182 : i1 to i32
    %sign3A_184 = arith.subi %sign3A_180, %sign3A_183 : i32
    %sign3A_185 = arith.constant 0 : i32
    %sign3A_186 = arith.cmpi sgt, %jit3A_176, %sign3A_185 : i32
    %sign3A_187 = arith.extui %sign3A_186 : i1 to i32
    %sign3A_188 = arith.constant 0 : i32
    %sign3A_189 = arith.cmpi slt, %jit3A_176, %sign3A_188 : i32
    %sign3A_190 = arith.extui %sign3A_189 : i1 to i32
    %sign3A_191 = arith.subi %sign3A_187, %sign3A_190 : i32
    %ne3A_192 = arith.cmpi ne, %sign3A_184, %sign3A_191 : i32
    %rem3A_193 = arith.remsi %reduce_max3A_175, %jit3A_176 : i32
    %ne3A_194 = arith.constant 0 : i32
    %ne3A_195 = arith.cmpi ne, %rem3A_193, %ne3A_194 : i32
    %and3A_196 = arith.andi %ne3A_192, %ne3A_195 : i1
    %sub3A_197 = arith.constant 1 : i32
    %sub3A_198 = arith.subi %div3A_177, %sub3A_197 : i32
    %select_n3A_199 = arith.select %and3A_196, %sub3A_198, %div3A_177 : i32
    %mul3A_200 = arith.constant 128 : i32
    %mul3A_201 = arith.muli %select_n3A_199, %mul3A_200 : i32
    %multiple_of3A_202 = tpu.assume_multiple %mul3A_201, 128 : i32
    %dma_start3A_203 = arith.constant 0 : i32
    %dma_start3A_204 = arith.constant 3 : i32
    %dma_start3A_205 = arith.constant 0 : i32
    %dma_start3A_206 = arith.constant 0 : i32
    %dma_start3A_207 = tpu.memref_slice %arg6[%dma_start3A_203, %dma_start3A_204, %dma_start3A_205, %dma_start3A_206] : memref<2x8x32x128xf32, #tpu.memory_space<vmem>> -> memref<1x1x32x128xf32, #tpu.memory_space<vmem>>
    %dma_start3A_208 = tpu.memref_squeeze %dma_start3A_207 : memref<1x1x32x128xf32, #tpu.memory_space<vmem>> -> memref<32x128xf32, #tpu.memory_space<vmem>>
    %dma_start3A_209 = arith.constant 0 : i32
    %dma_start3A_210 = tpu.memref_slice %arg3[%dma_start3A_209, %multiple_of3A_202] : memref<32x1000002xf32, #tpu.memory_space<hbm>> -> memref<32x128xf32, #tpu.memory_space<hbm>>
    %dma_start3A_211 = arith.constant 0 : i32
    %dma_start3A_212 = arith.constant 0 : i32
    %dma_start3A_213 = tpu.memref_slice %arg6[%dma_start3A_203, %dma_start3A_204, %dma_start3A_211, %dma_start3A_212] : memref<2x8x32x128xf32, #tpu.memory_space<vmem>> -> memref<1x1x32x128xf32, #tpu.memory_space<vmem>>
    %dma_start3A_214 = tpu.memref_squeeze %dma_start3A_213 : memref<1x1x32x128xf32, #tpu.memory_space<vmem>> -> memref<32x128xf32, #tpu.memory_space<vmem>>
    %dma_start3A_215 = arith.constant 0 : i32
    %dma_start3A_216 = tpu.memref_slice %arg3[%dma_start3A_215, %multiple_of3A_202] : memref<32x1000002xf32, #tpu.memory_space<hbm>> -> memref<32x128xf32, #tpu.memory_space<hbm>>
    tpu.enqueue_dma source(%dma_start3A_216 : memref<32x128xf32, #tpu.memory_space<hbm>>) target(%dma_start3A_214 : memref<32x128xf32, #tpu.memory_space<vmem>>) target_semaphore(%arg8 : memref<!tpu.dma_semaphore, #tpu.memory_space<semaphore_mem>>)
    %get3A_217 = arith.constant 0 : index
    %get3A_218 = tpu.vector_load %arg5[%get3A_217] {strides = array<i32>} : memref<528xi32, #tpu.memory_space<vmem>>, vector<16xi32>,
    %eq3A_219 = arith.constant 4 : i32
    %eq3A_220 = vector.broadcast %eq3A_219 : i32 to vector<16xi32>
    %eq3A_221 = arith.cmpi eq, %iota3A, %eq3A_220 : vector<16xi32>
    %jit3A_222 = arith.constant 0 : i32
    %broadcast_in_dim3A_223 = vector.broadcast %jit3A_222 : i32 to vector<16xi32>
    %select_n3A_224 = arith.select %eq3A_221, %get3A_218, %broadcast_in_dim3A_223 : vector<16xi1>, vector<16xi32>
    %reduce_max3A_225 = arith.constant true
    %reduce_max3A_226 = vector.broadcast %reduce_max3A_225 : i1 to vector<16xi1>
    %reduce_max3A_227 = arith.constant -2147483648 : i32
    %reduce_max3A_228 = vector.broadcast %reduce_max3A_227 : i32 to vector<16xi32>
    %reduce_max3A_229 = arith.xori %select_n3A_224, %reduce_max3A_228 : vector<16xi32>
    %reduce_max3A_230 = tpu.scan <max>, %reduce_max3A_229 masked %reduce_max3A_226 : vector<16xi32>, vector<16xi1> -> vector<16xi32>
    %reduce_max3A_231 = arith.xori %reduce_max3A_230, %reduce_max3A_228 : vector<16xi32>
    %reduce_max3A_232 = vector.extract %reduce_max3A_231[15] : i32 from vector<16xi32>
    %jit3A_233 = arith.constant 128 : i32
    %div3A_234 = arith.divsi %reduce_max3A_232, %jit3A_233 : i32
    %sign3A_235 = arith.constant 0 : i32
    %sign3A_236 = arith.cmpi sgt, %reduce_max3A_232, %sign3A_235 : i32
    %sign3A_237 = arith.extui %sign3A_236 : i1 to i32
    %sign3A_238 = arith.constant 0 : i32
    %sign3A_239 = arith.cmpi slt, %reduce_max3A_232, %sign3A_238 : i32
    %sign3A_240 = arith.extui %sign3A_239 : i1 to i32
    %sign3A_241 = arith.subi %sign3A_237, %sign3A_240 : i32
    %sign3A_242 = arith.constant 0 : i32
    %sign3A_243 = arith.cmpi sgt, %jit3A_233, %sign3A_242 : i32
    %sign3A_244 = arith.extui %sign3A_243 : i1 to i32
    %sign3A_245 = arith.constant 0 : i32
    %sign3A_246 = arith.cmpi slt, %jit3A_233, %sign3A_245 : i32
    %sign3A_247 = arith.extui %sign3A_246 : i1 to i32
    %sign3A_248 = arith.subi %sign3A_244, %sign3A_247 : i32
    %ne3A_249 = arith.cmpi ne, %sign3A_241, %sign3A_248 : i32
    %rem3A_250 = arith.remsi %reduce_max3A_232, %jit3A_233 : i32
    %ne3A_251 = arith.constant 0 : i32
    %ne3A_252 = arith.cmpi ne, %rem3A_250, %ne3A_251 : i32
    %and3A_253 = arith.andi %ne3A_249, %ne3A_252 : i1
    %sub3A_254 = arith.constant 1 : i32
    %sub3A_255 = arith.subi %div3A_234, %sub3A_254 : i32
    %select_n3A_256 = arith.select %and3A_253, %sub3A_255, %div3A_234 : i32
    %mul3A_257 = arith.constant 128 : i32
    %mul3A_258 = arith.muli %select_n3A_256, %mul3A_257 : i32
    %multiple_of3A_259 = tpu.assume_multiple %mul3A_258, 128 : i32
    %dma_start3A_260 = arith.constant 0 : i32
    %dma_start3A_261 = arith.constant 4 : i32
    %dma_start3A_262 = arith.constant 0 : i32
    %dma_start3A_263 = arith.constant 0 : i32
    %dma_start3A_264 = tpu.memref_slice %arg6[%dma_start3A_260, %dma_start3A_261, %dma_start3A_262, %dma_start3A_263] : memref<2x8x32x128xf32, #tpu.memory_space<vmem>> -> memref<1x1x32x128xf32, #tpu.memory_space<vmem>>
    %dma_start3A_265 = tpu.memref_squeeze %dma_start3A_264 : memref<1x1x32x128xf32, #tpu.memory_space<vmem>> -> memref<32x128xf32, #tpu.memory_space<vmem>>
    %dma_start3A_266 = arith.constant 0 : i32
    %dma_start3A_267 = tpu.memref_slice %arg3[%dma_start3A_266, %multiple_of3A_259] : memref<32x1000002xf32, #tpu.memory_space<hbm>> -> memref<32x128xf32, #tpu.memory_space<hbm>>
    %dma_start3A_268 = arith.constant 0 : i32
    %dma_start3A_269 = arith.constant 0 : i32
    %dma_start3A_270 = tpu.memref_slice %arg6[%dma_start3A_260, %dma_start3A_261, %dma_start3A_268, %dma_start3A_269] : memref<2x8x32x128xf32, #tpu.memory_space<vmem>> -> memref<1x1x32x128xf32, #tpu.memory_space<vmem>>
    %dma_start3A_271 = tpu.memref_squeeze %dma_start3A_270 : memref<1x1x32x128xf32, #tpu.memory_space<vmem>> -> memref<32x128xf32, #tpu.memory_space<vmem>>
    %dma_start3A_272 = arith.constant 0 : i32
    %dma_start3A_273 = tpu.memref_slice %arg3[%dma_start3A_272, %multiple_of3A_259] : memref<32x1000002xf32, #tpu.memory_space<hbm>> -> memref<32x128xf32, #tpu.memory_space<hbm>>
    tpu.enqueue_dma source(%dma_start3A_273 : memref<32x128xf32, #tpu.memory_space<hbm>>) target(%dma_start3A_271 : memref<32x128xf32, #tpu.memory_space<vmem>>) target_semaphore(%arg8 : memref<!tpu.dma_semaphore, #tpu.memory_space<semaphore_mem>>)
    %get3A_274 = arith.constant 0 : index
    %get3A_275 = tpu.vector_load %arg5[%get3A_274] {strides = array<i32>} : memref<528xi32, #tpu.memory_space<vmem>>, vector<16xi32>,
    %eq3A_276 = arith.constant 5 : i32
    %eq3A_277 = vector.broadcast %eq3A_276 : i32 to vector<16xi32>
    %eq3A_278 = arith.cmpi eq, %iota3A, %eq3A_277 : vector<16xi32>
    %jit3A_279 = arith.constant 0 : i32
    %broadcast_in_dim3A_280 = vector.broadcast %jit3A_279 : i32 to vector<16xi32>
    %select_n3A_281 = arith.select %eq3A_278, %get3A_275, %broadcast_in_dim3A_280 : vector<16xi1>, vector<16xi32>
    %reduce_max3A_282 = arith.constant true
    %reduce_max3A_283 = vector.broadcast %reduce_max3A_282 : i1 to vector<16xi1>
    %reduce_max3A_284 = arith.constant -2147483648 : i32
    %reduce_max3A_285 = vector.broadcast %reduce_max3A_284 : i32 to vector<16xi32>
    %reduce_max3A_286 = arith.xori %select_n3A_281, %reduce_max3A_285 : vector<16xi32>
    %reduce_max3A_287 = tpu.scan <max>, %reduce_max3A_286 masked %reduce_max3A_283 : vector<16xi32>, vector<16xi1> -> vector<16xi32>
    %reduce_max3A_288 = arith.xori %reduce_max3A_287, %reduce_max3A_285 : vector<16xi32>
    %reduce_max3A_289 = vector.extract %reduce_max3A_288[15] : i32 from vector<16xi32>
    %jit3A_290 = arith.constant 128 : i32
    %div3A_291 = arith.divsi %reduce_max3A_289, %jit3A_290 : i32
    %sign3A_292 = arith.constant 0 : i32
    %sign3A_293 = arith.cmpi sgt, %reduce_max3A_289, %sign3A_292 : i32
    %sign3A_294 = arith.extui %sign3A_293 : i1 to i32
    %sign3A_295 = arith.constant 0 : i32
    %sign3A_296 = arith.cmpi slt, %reduce_max3A_289, %sign3A_295 : i32
    %sign3A_297 = arith.extui %sign3A_296 : i1 to i32
    %sign3A_298 = arith.subi %sign3A_294, %sign3A_297 : i32
    %sign3A_299 = arith.constant 0 : i32
    %sign3A_300 = arith.cmpi sgt, %jit3A_290, %sign3A_299 : i32
    %sign3A_301 = arith.extui %sign3A_300 : i1 to i32
    %sign3A_302 = arith.constant 0 : i32
    %sign3A_303 = arith.cmpi slt, %jit3A_290, %sign3A_302 : i32
    %sign3A_304 = arith.extui %sign3A_303 : i1 to i32
    %sign3A_305 = arith.subi %sign3A_301, %sign3A_304 : i32
    %ne3A_306 = arith.cmpi ne, %sign3A_298, %sign3A_305 : i32
    %rem3A_307 = arith.remsi %reduce_max3A_289, %jit3A_290 : i32
    %ne3A_308 = arith.constant 0 : i32
    %ne3A_309 = arith.cmpi ne, %rem3A_307, %ne3A_308 : i32
    %and3A_310 = arith.andi %ne3A_306, %ne3A_309 : i1
    %sub3A_311 = arith.constant 1 : i32
    %sub3A_312 = arith.subi %div3A_291, %sub3A_311 : i32
    %select_n3A_313 = arith.select %and3A_310, %sub3A_312, %div3A_291 : i32
    %mul3A_314 = arith.constant 128 : i32
    %mul3A_315 = arith.muli %select_n3A_313, %mul3A_314 : i32
    %multiple_of3A_316 = tpu.assume_multiple %mul3A_315, 128 : i32
    %dma_start3A_317 = arith.constant 0 : i32
    %dma_start3A_318 = arith.constant 5 : i32
    %dma_start3A_319 = arith.constant 0 : i32
    %dma_start3A_320 = arith.constant 0 : i32
    %dma_start3A_321 = tpu.memref_slice %arg6[%dma_start3A_317, %dma_start3A_318, %dma_start3A_319, %dma_start3A_320] : memref<2x8x32x128xf32, #tpu.memory_space<vmem>> -> memref<1x1x32x128xf32, #tpu.memory_space<vmem>>
    %dma_start3A_322 = tpu.memref_squeeze %dma_start3A_321 : memref<1x1x32x128xf32, #tpu.memory_space<vmem>> -> memref<32x128xf32, #tpu.memory_space<vmem>>
    %dma_start3A_323 = arith.constant 0 : i32
    %dma_start3A_324 = tpu.memref_slice %arg3[%dma_start3A_323, %multiple_of3A_316] : memref<32x1000002xf32, #tpu.memory_space<hbm>> -> memref<32x128xf32, #tpu.memory_space<hbm>>
    %dma_start3A_325 = arith.constant 0 : i32
    %dma_start3A_326 = arith.constant 0 : i32
    %dma_start3A_327 = tpu.memref_slice %arg6[%dma_start3A_317, %dma_start3A_318, %dma_start3A_325, %dma_start3A_326] : memref<2x8x32x128xf32, #tpu.memory_space<vmem>> -> memref<1x1x32x128xf32, #tpu.memory_space<vmem>>
    %dma_start3A_328 = tpu.memref_squeeze %dma_start3A_327 : memref<1x1x32x128xf32, #tpu.memory_space<vmem>> -> memref<32x128xf32, #tpu.memory_space<vmem>>
    %dma_start3A_329 = arith.constant 0 : i32
    %dma_start3A_330 = tpu.memref_slice %arg3[%dma_start3A_329, %multiple_of3A_316] : memref<32x1000002xf32, #tpu.memory_space<hbm>> -> memref<32x128xf32, #tpu.memory_space<hbm>>
    tpu.enqueue_dma source(%dma_start3A_330 : memref<32x128xf32, #tpu.memory_space<hbm>>) target(%dma_start3A_328 : memref<32x128xf32, #tpu.memory_space<vmem>>) target_semaphore(%arg8 : memref<!tpu.dma_semaphore, #tpu.memory_space<semaphore_mem>>)
    %get3A_331 = arith.constant 0 : index
    %get3A_332 = tpu.vector_load %arg5[%get3A_331] {strides = array<i32>} : memref<528xi32, #tpu.memory_space<vmem>>, vector<16xi32>,
    %eq3A_333 = arith.constant 6 : i32
    %eq3A_334 = vector.broadcast %eq3A_333 : i32 to vector<16xi32>
    %eq3A_335 = arith.cmpi eq, %iota3A, %eq3A_334 : vector<16xi32>
    %jit3A_336 = arith.constant 0 : i32
    %broadcast_in_dim3A_337 = vector.broadcast %jit3A_336 : i32 to vector<16xi32>
    %select_n3A_338 = arith.select %eq3A_335, %get3A_332, %broadcast_in_dim3A_337 : vector<16xi1>, vector<16xi32>
    %reduce_max3A_339 = arith.constant true
    %reduce_max3A_340 = vector.broadcast %reduce_max3A_339 : i1 to vector<16xi1>
    %reduce_max3A_341 = arith.constant -2147483648 : i32
    %reduce_max3A_342 = vector.broadcast %reduce_max3A_341 : i32 to vector<16xi32>
    %reduce_max3A_343 = arith.xori %select_n3A_338, %reduce_max3A_342 : vector<16xi32>
    %reduce_max3A_344 = tpu.scan <max>, %reduce_max3A_343 masked %reduce_max3A_340 : vector<16xi32>, vector<16xi1> -> vector<16xi32>
    %reduce_max3A_345 = arith.xori %reduce_max3A_344, %reduce_max3A_342 : vector<16xi32>
    %reduce_max3A_346 = vector.extract %reduce_max3A_345[15] : i32 from vector<16xi32>
    %jit3A_347 = arith.constant 128 : i32
    %div3A_348 = arith.divsi %reduce_max3A_346, %jit3A_347 : i32
    %sign3A_349 = arith.constant 0 : i32
    %sign3A_350 = arith.cmpi sgt, %reduce_max3A_346, %sign3A_349 : i32
    %sign3A_351 = arith.extui %sign3A_350 : i1 to i32
    %sign3A_352 = arith.constant 0 : i32
    %sign3A_353 = arith.cmpi slt, %reduce_max3A_346, %sign3A_352 : i32
    %sign3A_354 = arith.extui %sign3A_353 : i1 to i32
    %sign3A_355 = arith.subi %sign3A_351, %sign3A_354 : i32
    %sign3A_356 = arith.constant 0 : i32
    %sign3A_357 = arith.cmpi sgt, %jit3A_347, %sign3A_356 : i32
    %sign3A_358 = arith.extui %sign3A_357 : i1 to i32
    %sign3A_359 = arith.constant 0 : i32
    %sign3A_360 = arith.cmpi slt, %jit3A_347, %sign3A_359 : i32
    %sign3A_361 = arith.extui %sign3A_360 : i1 to i32
    %sign3A_362 = arith.subi %sign3A_358, %sign3A_361 : i32
    %ne3A_363 = arith.cmpi ne, %sign3A_355, %sign3A_362 : i32
    %rem3A_364 = arith.remsi %reduce_max3A_346, %jit3A_347 : i32
    %ne3A_365 = arith.constant 0 : i32
    %ne3A_366 = arith.cmpi ne, %rem3A_364, %ne3A_365 : i32
    %and3A_367 = arith.andi %ne3A_363, %ne3A_366 : i1
    %sub3A_368 = arith.constant 1 : i32
    %sub3A_369 = arith.subi %div3A_348, %sub3A_368 : i32
    %select_n3A_370 = arith.select %and3A_367, %sub3A_369, %div3A_348 : i32
    %mul3A_371 = arith.constant 128 : i32
    %mul3A_372 = arith.muli %select_n3A_370, %mul3A_371 : i32
    %multiple_of3A_373 = tpu.assume_multiple %mul3A_372, 128 : i32
    %dma_start3A_374 = arith.constant 0 : i32
    %dma_start3A_375 = arith.constant 6 : i32
    %dma_start3A_376 = arith.constant 0 : i32
    %dma_start3A_377 = arith.constant 0 : i32
    %dma_start3A_378 = tpu.memref_slice %arg6[%dma_start3A_374, %dma_start3A_375, %dma_start3A_376, %dma_start3A_377] : memref<2x8x32x128xf32, #tpu.memory_space<vmem>> -> memref<1x1x32x128xf32, #tpu.memory_space<vmem>>
    %dma_start3A_379 = tpu.memref_squeeze %dma_start3A_378 : memref<1x1x32x128xf32, #tpu.memory_space<vmem>> -> memref<32x128xf32, #tpu.memory_space<vmem>>
    %dma_start3A_380 = arith.constant 0 : i32
    %dma_start3A_381 = tpu.memref_slice %arg3[%dma_start3A_380, %multiple_of3A_373] : memref<32x1000002xf32, #tpu.memory_space<hbm>> -> memref<32x128xf32, #tpu.memory_space<hbm>>
    %dma_start3A_382 = arith.constant 0 : i32
    %dma_start3A_383 = arith.constant 0 : i32
    %dma_start3A_384 = tpu.memref_slice %arg6[%dma_start3A_374, %dma_start3A_375, %dma_start3A_382, %dma_start3A_383] : memref<2x8x32x128xf32, #tpu.memory_space<vmem>> -> memref<1x1x32x128xf32, #tpu.memory_space<vmem>>
    %dma_start3A_385 = tpu.memref_squeeze %dma_start3A_384 : memref<1x1x32x128xf32, #tpu.memory_space<vmem>> -> memref<32x128xf32, #tpu.memory_space<vmem>>
    %dma_start3A_386 = arith.constant 0 : i32
    %dma_start3A_387 = tpu.memref_slice %arg3[%dma_start3A_386, %multiple_of3A_373] : memref<32x1000002xf32, #tpu.memory_space<hbm>> -> memref<32x128xf32, #tpu.memory_space<hbm>>
    tpu.enqueue_dma source(%dma_start3A_387 : memref<32x128xf32, #tpu.memory_space<hbm>>) target(%dma_start3A_385 : memref<32x128xf32, #tpu.memory_space<vmem>>) target_semaphore(%arg8 : memref<!tpu.dma_semaphore, #tpu.memory_space<semaphore_mem>>)
    %get3A_388 = arith.constant 0 : index
    %get3A_389 = tpu.vector_load %arg5[%get3A_388] {strides = array<i32>} : memref<528xi32, #tpu.memory_space<vmem>>, vector<16xi32>,
    %eq3A_390 = arith.constant 7 : i32
    %eq3A_391 = vector.broadcast %eq3A_390 : i32 to vector<16xi32>
    %eq3A_392 = arith.cmpi eq, %iota3A, %eq3A_391 : vector<16xi32>
    %jit3A_393 = arith.constant 0 : i32
    %broadcast_in_dim3A_394 = vector.broadcast %jit3A_393 : i32 to vector<16xi32>
    %select_n3A_395 = arith.select %eq3A_392, %get3A_389, %broadcast_in_dim3A_394 : vector<16xi1>, vector<16xi32>
    %reduce_max3A_396 = arith.constant true
    %reduce_max3A_397 = vector.broadcast %reduce_max3A_396 : i1 to vector<16xi1>
    %reduce_max3A_398 = arith.constant -2147483648 : i32
    %reduce_max3A_399 = vector.broadcast %reduce_max3A_398 : i32 to vector<16xi32>
    %reduce_max3A_400 = arith.xori %select_n3A_395, %reduce_max3A_399 : vector<16xi32>
    %reduce_max3A_401 = tpu.scan <max>, %reduce_max3A_400 masked %reduce_max3A_397 : vector<16xi32>, vector<16xi1> -> vector<16xi32>
    %reduce_max3A_402 = arith.xori %reduce_max3A_401, %reduce_max3A_399 : vector<16xi32>
    %reduce_max3A_403 = vector.extract %reduce_max3A_402[15] : i32 from vector<16xi32>
    %jit3A_404 = arith.constant 128 : i32
    %div3A_405 = arith.divsi %reduce_max3A_403, %jit3A_404 : i32
    %sign3A_406 = arith.constant 0 : i32
    %sign3A_407 = arith.cmpi sgt, %reduce_max3A_403, %sign3A_406 : i32
    %sign3A_408 = arith.extui %sign3A_407 : i1 to i32
    %sign3A_409 = arith.constant 0 : i32
    %sign3A_410 = arith.cmpi slt, %reduce_max3A_403, %sign3A_409 : i32
    %sign3A_411 = arith.extui %sign3A_410 : i1 to i32
    %sign3A_412 = arith.subi %sign3A_408, %sign3A_411 : i32
    %sign3A_413 = arith.constant 0 : i32
    %sign3A_414 = arith.cmpi sgt, %jit3A_404, %sign3A_413 : i32
    %sign3A_415 = arith.extui %sign3A_414 : i1 to i32
    %sign3A_416 = arith.constant 0 : i32
    %sign3A_417 = arith.cmpi slt, %jit3A_404, %sign3A_416 : i32
    %sign3A_418 = arith.extui %sign3A_417 : i1 to i32
    %sign3A_419 = arith.subi %sign3A_415, %sign3A_418 : i32
    %ne3A_420 = arith.cmpi ne, %sign3A_412, %sign3A_419 : i32
    %rem3A_421 = arith.remsi %reduce_max3A_403, %jit3A_404 : i32
    %ne3A_422 = arith.constant 0 : i32
    %ne3A_423 = arith.cmpi ne, %rem3A_421, %ne3A_422 : i32
    %and3A_424 = arith.andi %ne3A_420, %ne3A_423 : i1
    %sub3A_425 = arith.constant 1 : i32
    %sub3A_426 = arith.subi %div3A_405, %sub3A_425 : i32
    %select_n3A_427 = arith.select %and3A_424, %sub3A_426, %div3A_405 : i32
    %mul3A_428 = arith.constant 128 : i32
    %mul3A_429 = arith.muli %select_n3A_427, %mul3A_428 : i32
    %multiple_of3A_430 = tpu.assume_multiple %mul3A_429, 128 : i32
    %dma_start3A_431 = arith.constant 0 : i32
    %dma_start3A_432 = arith.constant 7 : i32
    %dma_start3A_433 = arith.constant 0 : i32
    %dma_start3A_434 = arith.constant 0 : i32
    %dma_start3A_435 = tpu.memref_slice %arg6[%dma_start3A_431, %dma_start3A_432, %dma_start3A_433, %dma_start3A_434] : memref<2x8x32x128xf32, #tpu.memory_space<vmem>> -> memref<1x1x32x128xf32, #tpu.memory_space<vmem>>
    %dma_start3A_436 = tpu.memref_squeeze %dma_start3A_435 : memref<1x1x32x128xf32, #tpu.memory_space<vmem>> -> memref<32x128xf32, #tpu.memory_space<vmem>>
    %dma_start3A_437 = arith.constant 0 : i32
    %dma_start3A_438 = tpu.memref_slice %arg3[%dma_start3A_437, %multiple_of3A_430] : memref<32x1000002xf32, #tpu.memory_space<hbm>> -> memref<32x128xf32, #tpu.memory_space<hbm>>
    %dma_start3A_439 = arith.constant 0 : i32
    %dma_start3A_440 = arith.constant 0 : i32
    %dma_start3A_441 = tpu.memref_slice %arg6[%dma_start3A_431, %dma_start3A_432, %dma_start3A_439, %dma_start3A_440] : memref<2x8x32x128xf32, #tpu.memory_space<vmem>> -> memref<1x1x32x128xf32, #tpu.memory_space<vmem>>
    %dma_start3A_442 = tpu.memref_squeeze %dma_start3A_441 : memref<1x1x32x128xf32, #tpu.memory_space<vmem>> -> memref<32x128xf32, #tpu.memory_space<vmem>>
    %dma_start3A_443 = arith.constant 0 : i32
    %dma_start3A_444 = tpu.memref_slice %arg3[%dma_start3A_443, %multiple_of3A_430] : memref<32x1000002xf32, #tpu.memory_space<hbm>> -> memref<32x128xf32, #tpu.memory_space<hbm>>
    tpu.enqueue_dma source(%dma_start3A_444 : memref<32x128xf32, #tpu.memory_space<hbm>>) target(%dma_start3A_442 : memref<32x128xf32, #tpu.memory_space<vmem>>) target_semaphore(%arg8 : memref<!tpu.dma_semaphore, #tpu.memory_space<semaphore_mem>>)
    %scan3A = arith.constant 0 : i32
    %scan3A_445 = arith.constant 0 : i32
    %scan3A_446 = arith.constant 32 : i32
    %scan3A_447 = arith.addi %scan3A_445, %scan3A_446 : i32
    %scan3A_448 = arith.constant 1 : i32
    scf.for %scan3A_479 = %scan3A_445 to %scan3A_447 step %scan3A_448  : i32 {
      %mul3A_480 = arith.constant 2 : i32
      %mul3A_481 = arith.muli %scan3A_479, %mul3A_480 : i32
      %add3A_482 = arith.constant 0 : i32
      %add3A_483 = arith.addi %mul3A_481, %add3A_482 : i32
      %add3A_484 = arith.constant 1 : i32
      %add3A_485 = arith.addi %add3A_483, %add3A_484 : i32
      %lt3A = arith.constant 64 : i32
      %lt3A_486 = arith.cmpi slt, %add3A_485, %lt3A : i32
      %convert_element_type3A = arith.extui %lt3A_486 : i1 to i32
      %cond3A = arith.constant 0 : i32
      %cond3A_487 = arith.cmpi ne, %convert_element_type3A, %cond3A : i32
      scf.if %cond3A_487 {
        %add3A_1930 = arith.constant 1 : i32
        %add3A_1931 = arith.addi %add3A_483, %add3A_1930 : i32
        %mul3A_1932 = arith.constant 8 : i32
        %mul3A_1933 = arith.muli %add3A_1931, %mul3A_1932 : i32
        %get3A_1934 = arith.index_cast %mul3A_1933 : i32 to index
        %get3A_1935 = tpu.vector_load %arg5[%get3A_1934] {strides = array<i32>} : memref<528xi32, #tpu.memory_space<vmem>>, vector<16xi32>,
        %eq3A_1936 = arith.constant 0 : i32
        %eq3A_1937 = vector.broadcast %eq3A_1936 : i32 to vector<16xi32>
        %eq3A_1938 = arith.cmpi eq, %iota3A, %eq3A_1937 : vector<16xi32>
        %jit3A_1939 = arith.constant 0 : i32
        %broadcast_in_dim3A_1940 = vector.broadcast %jit3A_1939 : i32 to vector<16xi32>
        %select_n3A_1941 = arith.select %eq3A_1938, %get3A_1935, %broadcast_in_dim3A_1940 : vector<16xi1>, vector<16xi32>
        %reduce_max3A_1942 = arith.constant true
        %reduce_max3A_1943 = vector.broadcast %reduce_max3A_1942 : i1 to vector<16xi1>
        %reduce_max3A_1944 = arith.constant -2147483648 : i32
        %reduce_max3A_1945 = vector.broadcast %reduce_max3A_1944 : i32 to vector<16xi32>
        %reduce_max3A_1946 = arith.xori %select_n3A_1941, %reduce_max3A_1945 : vector<16xi32>
        %reduce_max3A_1947 = tpu.scan <max>, %reduce_max3A_1946 masked %reduce_max3A_1943 : vector<16xi32>, vector<16xi1> -> vector<16xi32>
        %reduce_max3A_1948 = arith.xori %reduce_max3A_1947, %reduce_max3A_1945 : vector<16xi32>
        %reduce_max3A_1949 = vector.extract %reduce_max3A_1948[15] : i32 from vector<16xi32>
        %jit3A_1950 = arith.constant 128 : i32
        %div3A_1951 = arith.divsi %reduce_max3A_1949, %jit3A_1950 : i32
        %sign3A_1952 = arith.constant 0 : i32
        %sign3A_1953 = arith.cmpi sgt, %reduce_max3A_1949, %sign3A_1952 : i32
        %sign3A_1954 = arith.extui %sign3A_1953 : i1 to i32
        %sign3A_1955 = arith.constant 0 : i32
        %sign3A_1956 = arith.cmpi slt, %reduce_max3A_1949, %sign3A_1955 : i32
        %sign3A_1957 = arith.extui %sign3A_1956 : i1 to i32
        %sign3A_1958 = arith.subi %sign3A_1954, %sign3A_1957 : i32
        %sign3A_1959 = arith.constant 0 : i32
        %sign3A_1960 = arith.cmpi sgt, %jit3A_1950, %sign3A_1959 : i32
        %sign3A_1961 = arith.extui %sign3A_1960 : i1 to i32
        %sign3A_1962 = arith.constant 0 : i32
        %sign3A_1963 = arith.cmpi slt, %jit3A_1950, %sign3A_1962 : i32
        %sign3A_1964 = arith.extui %sign3A_1963 : i1 to i32
        %sign3A_1965 = arith.subi %sign3A_1961, %sign3A_1964 : i32
        %ne3A_1966 = arith.cmpi ne, %sign3A_1958, %sign3A_1965 : i32
        %rem3A_1967 = arith.remsi %reduce_max3A_1949, %jit3A_1950 : i32
        %ne3A_1968 = arith.constant 0 : i32
        %ne3A_1969 = arith.cmpi ne, %rem3A_1967, %ne3A_1968 : i32
        %and3A_1970 = arith.andi %ne3A_1966, %ne3A_1969 : i1
        %sub3A_1971 = arith.constant 1 : i32
        %sub3A_1972 = arith.subi %div3A_1951, %sub3A_1971 : i32
        %select_n3A_1973 = arith.select %and3A_1970, %sub3A_1972, %div3A_1951 : i32
        %mul3A_1974 = arith.constant 128 : i32
        %mul3A_1975 = arith.muli %select_n3A_1973, %mul3A_1974 : i32
        %multiple_of3A_1976 = tpu.assume_multiple %mul3A_1975, 128 : i32
        %dma_start3A_1977 = arith.constant 1 : i32
        %dma_start3A_1978 = arith.constant 0 : i32
        %dma_start3A_1979 = arith.constant 0 : i32
        %dma_start3A_1980 = arith.constant 0 : i32
        %dma_start3A_1981 = tpu.memref_slice %arg6[%dma_start3A_1977, %dma_start3A_1978, %dma_start3A_1979, %dma_start3A_1980] : memref<2x8x32x128xf32, #tpu.memory_space<vmem>> -> memref<1x1x32x128xf32, #tpu.memory_space<vmem>>
        %dma_start3A_1982 = tpu.memref_squeeze %dma_start3A_1981 : memref<1x1x32x128xf32, #tpu.memory_space<vmem>> -> memref<32x128xf32, #tpu.memory_space<vmem>>
        %dma_start3A_1983 = arith.constant 0 : i32
        %dma_start3A_1984 = tpu.memref_slice %arg3[%dma_start3A_1983, %multiple_of3A_1976] : memref<32x1000002xf32, #tpu.memory_space<hbm>> -> memref<32x128xf32, #tpu.memory_space<hbm>>
        %dma_start3A_1985 = arith.constant 0 : i32
        %dma_start3A_1986 = arith.constant 0 : i32
        %dma_start3A_1987 = tpu.memref_slice %arg6[%dma_start3A_1977, %dma_start3A_1978, %dma_start3A_1985, %dma_start3A_1986] : memref<2x8x32x128xf32, #tpu.memory_space<vmem>> -> memref<1x1x32x128xf32, #tpu.memory_space<vmem>>
        %dma_start3A_1988 = tpu.memref_squeeze %dma_start3A_1987 : memref<1x1x32x128xf32, #tpu.memory_space<vmem>> -> memref<32x128xf32, #tpu.memory_space<vmem>>
        %dma_start3A_1989 = arith.constant 0 : i32
        %dma_start3A_1990 = tpu.memref_slice %arg3[%dma_start3A_1989, %multiple_of3A_1976] : memref<32x1000002xf32, #tpu.memory_space<hbm>> -> memref<32x128xf32, #tpu.memory_space<hbm>>
        tpu.enqueue_dma source(%dma_start3A_1990 : memref<32x128xf32, #tpu.memory_space<hbm>>) target(%dma_start3A_1988 : memref<32x128xf32, #tpu.memory_space<vmem>>) target_semaphore(%arg9 : memref<!tpu.dma_semaphore, #tpu.memory_space<semaphore_mem>>)
        %mul3A_1991 = arith.constant 8 : i32
        %mul3A_1992 = arith.muli %add3A_1931, %mul3A_1991 : i32
        %get3A_1993 = arith.index_cast %mul3A_1992 : i32 to index
        %get3A_1994 = tpu.vector_load %arg5[%get3A_1993] {strides = array<i32>} : memref<528xi32, #tpu.memory_space<vmem>>, vector<16xi32>,
        %eq3A_1995 = arith.constant 1 : i32
        %eq3A_1996 = vector.broadcast %eq3A_1995 : i32 to vector<16xi32>
        %eq3A_1997 = arith.cmpi eq, %iota3A, %eq3A_1996 : vector<16xi32>
        %jit3A_1998 = arith.constant 0 : i32
        %broadcast_in_dim3A_1999 = vector.broadcast %jit3A_1998 : i32 to vector<16xi32>
        %select_n3A_2000 = arith.select %eq3A_1997, %get3A_1994, %broadcast_in_dim3A_1999 : vector<16xi1>, vector<16xi32>
        %reduce_max3A_2001 = arith.constant true
        %reduce_max3A_2002 = vector.broadcast %reduce_max3A_2001 : i1 to vector<16xi1>
        %reduce_max3A_2003 = arith.constant -2147483648 : i32
        %reduce_max3A_2004 = vector.broadcast %reduce_max3A_2003 : i32 to vector<16xi32>
        %reduce_max3A_2005 = arith.xori %select_n3A_2000, %reduce_max3A_2004 : vector<16xi32>
        %reduce_max3A_2006 = tpu.scan <max>, %reduce_max3A_2005 masked %reduce_max3A_2002 : vector<16xi32>, vector<16xi1> -> vector<16xi32>
        %reduce_max3A_2007 = arith.xori %reduce_max3A_2006, %reduce_max3A_2004 : vector<16xi32>
        %reduce_max3A_2008 = vector.extract %reduce_max3A_2007[15] : i32 from vector<16xi32>
        %jit3A_2009 = arith.constant 128 : i32
        %div3A_2010 = arith.divsi %reduce_max3A_2008, %jit3A_2009 : i32
        %sign3A_2011 = arith.constant 0 : i32
        %sign3A_2012 = arith.cmpi sgt, %reduce_max3A_2008, %sign3A_2011 : i32
        %sign3A_2013 = arith.extui %sign3A_2012 : i1 to i32
        %sign3A_2014 = arith.constant 0 : i32
        %sign3A_2015 = arith.cmpi slt, %reduce_max3A_2008, %sign3A_2014 : i32
        %sign3A_2016 = arith.extui %sign3A_2015 : i1 to i32
        %sign3A_2017 = arith.subi %sign3A_2013, %sign3A_2016 : i32
        %sign3A_2018 = arith.constant 0 : i32
        %sign3A_2019 = arith.cmpi sgt, %jit3A_2009, %sign3A_2018 : i32
        %sign3A_2020 = arith.extui %sign3A_2019 : i1 to i32
        %sign3A_2021 = arith.constant 0 : i32
        %sign3A_2022 = arith.cmpi slt, %jit3A_2009, %sign3A_2021 : i32
        %sign3A_2023 = arith.extui %sign3A_2022 : i1 to i32
        %sign3A_2024 = arith.subi %sign3A_2020, %sign3A_2023 : i32
        %ne3A_2025 = arith.cmpi ne, %sign3A_2017, %sign3A_2024 : i32
        %rem3A_2026 = arith.remsi %reduce_max3A_2008, %jit3A_2009 : i32
        %ne3A_2027 = arith.constant 0 : i32
        %ne3A_2028 = arith.cmpi ne, %rem3A_2026, %ne3A_2027 : i32
        %and3A_2029 = arith.andi %ne3A_2025, %ne3A_2028 : i1
        %sub3A_2030 = arith.constant 1 : i32
        %sub3A_2031 = arith.subi %div3A_2010, %sub3A_2030 : i32
        %select_n3A_2032 = arith.select %and3A_2029, %sub3A_2031, %div3A_2010 : i32
        %mul3A_2033 = arith.constant 128 : i32
        %mul3A_2034 = arith.muli %select_n3A_2032, %mul3A_2033 : i32
        %multiple_of3A_2035 = tpu.assume_multiple %mul3A_2034, 128 : i32
        %dma_start3A_2036 = arith.constant 1 : i32
        %dma_start3A_2037 = arith.constant 1 : i32
        %dma_start3A_2038 = arith.constant 0 : i32
        %dma_start3A_2039 = arith.constant 0 : i32
        %dma_start3A_2040 = tpu.memref_slice %arg6[%dma_start3A_2036, %dma_start3A_2037, %dma_start3A_2038, %dma_start3A_2039] : memref<2x8x32x128xf32, #tpu.memory_space<vmem>> -> memref<1x1x32x128xf32, #tpu.memory_space<vmem>>
        %dma_start3A_2041 = tpu.memref_squeeze %dma_start3A_2040 : memref<1x1x32x128xf32, #tpu.memory_space<vmem>> -> memref<32x128xf32, #tpu.memory_space<vmem>>
        %dma_start3A_2042 = arith.constant 0 : i32
        %dma_start3A_2043 = tpu.memref_slice %arg3[%dma_start3A_2042, %multiple_of3A_2035] : memref<32x1000002xf32, #tpu.memory_space<hbm>> -> memref<32x128xf32, #tpu.memory_space<hbm>>
        %dma_start3A_2044 = arith.constant 0 : i32
        %dma_start3A_2045 = arith.constant 0 : i32
        %dma_start3A_2046 = tpu.memref_slice %arg6[%dma_start3A_2036, %dma_start3A_2037, %dma_start3A_2044, %dma_start3A_2045] : memref<2x8x32x128xf32, #tpu.memory_space<vmem>> -> memref<1x1x32x128xf32, #tpu.memory_space<vmem>>
        %dma_start3A_2047 = tpu.memref_squeeze %dma_start3A_2046 : memref<1x1x32x128xf32, #tpu.memory_space<vmem>> -> memref<32x128xf32, #tpu.memory_space<vmem>>
        %dma_start3A_2048 = arith.constant 0 : i32
        %dma_start3A_2049 = tpu.memref_slice %arg3[%dma_start3A_2048, %multiple_of3A_2035] : memref<32x1000002xf32, #tpu.memory_space<hbm>> -> memref<32x128xf32, #tpu.memory_space<hbm>>
        tpu.enqueue_dma source(%dma_start3A_2049 : memref<32x128xf32, #tpu.memory_space<hbm>>) target(%dma_start3A_2047 : memref<32x128xf32, #tpu.memory_space<vmem>>) target_semaphore(%arg9 : memref<!tpu.dma_semaphore, #tpu.memory_space<semaphore_mem>>)
        %mul3A_2050 = arith.constant 8 : i32
        %mul3A_2051 = arith.muli %add3A_1931, %mul3A_2050 : i32
        %get3A_2052 = arith.index_cast %mul3A_2051 : i32 to index
        %get3A_2053 = tpu.vector_load %arg5[%get3A_2052] {strides = array<i32>} : memref<528xi32, #tpu.memory_space<vmem>>, vector<16xi32>,
        %eq3A_2054 = arith.constant 2 : i32
        %eq3A_2055 = vector.broadcast %eq3A_2054 : i32 to vector<16xi32>
        %eq3A_2056 = arith.cmpi eq, %iota3A, %eq3A_2055 : vector<16xi32>
        %jit3A_2057 = arith.constant 0 : i32
        %broadcast_in_dim3A_2058 = vector.broadcast %jit3A_2057 : i32 to vector<16xi32>
        %select_n3A_2059 = arith.select %eq3A_2056, %get3A_2053, %broadcast_in_dim3A_2058 : vector<16xi1>, vector<16xi32>
        %reduce_max3A_2060 = arith.constant true
        %reduce_max3A_2061 = vector.broadcast %reduce_max3A_2060 : i1 to vector<16xi1>
        %reduce_max3A_2062 = arith.constant -2147483648 : i32
        %reduce_max3A_2063 = vector.broadcast %reduce_max3A_2062 : i32 to vector<16xi32>
        %reduce_max3A_2064 = arith.xori %select_n3A_2059, %reduce_max3A_2063 : vector<16xi32>
        %reduce_max3A_2065 = tpu.scan <max>, %reduce_max3A_2064 masked %reduce_max3A_2061 : vector<16xi32>, vector<16xi1> -> vector<16xi32>
        %reduce_max3A_2066 = arith.xori %reduce_max3A_2065, %reduce_max3A_2063 : vector<16xi32>
        %reduce_max3A_2067 = vector.extract %reduce_max3A_2066[15] : i32 from vector<16xi32>
        %jit3A_2068 = arith.constant 128 : i32
        %div3A_2069 = arith.divsi %reduce_max3A_2067, %jit3A_2068 : i32
        %sign3A_2070 = arith.constant 0 : i32
        %sign3A_2071 = arith.cmpi sgt, %reduce_max3A_2067, %sign3A_2070 : i32
        %sign3A_2072 = arith.extui %sign3A_2071 : i1 to i32
        %sign3A_2073 = arith.constant 0 : i32
        %sign3A_2074 = arith.cmpi slt, %reduce_max3A_2067, %sign3A_2073 : i32
        %sign3A_2075 = arith.extui %sign3A_2074 : i1 to i32
        %sign3A_2076 = arith.subi %sign3A_2072, %sign3A_2075 : i32
        %sign3A_2077 = arith.constant 0 : i32
        %sign3A_2078 = arith.cmpi sgt, %jit3A_2068, %sign3A_2077 : i32
        %sign3A_2079 = arith.extui %sign3A_2078 : i1 to i32
        %sign3A_2080 = arith.constant 0 : i32
        %sign3A_2081 = arith.cmpi slt, %jit3A_2068, %sign3A_2080 : i32
        %sign3A_2082 = arith.extui %sign3A_2081 : i1 to i32
        %sign3A_2083 = arith.subi %sign3A_2079, %sign3A_2082 : i32
        %ne3A_2084 = arith.cmpi ne, %sign3A_2076, %sign3A_2083 : i32
        %rem3A_2085 = arith.remsi %reduce_max3A_2067, %jit3A_2068 : i32
        %ne3A_2086 = arith.constant 0 : i32
        %ne3A_2087 = arith.cmpi ne, %rem3A_2085, %ne3A_2086 : i32
        %and3A_2088 = arith.andi %ne3A_2084, %ne3A_2087 : i1
        %sub3A_2089 = arith.constant 1 : i32
        %sub3A_2090 = arith.subi %div3A_2069, %sub3A_2089 : i32
        %select_n3A_2091 = arith.select %and3A_2088, %sub3A_2090, %div3A_2069 : i32
        %mul3A_2092 = arith.constant 128 : i32
        %mul3A_2093 = arith.muli %select_n3A_2091, %mul3A_2092 : i32
        %multiple_of3A_2094 = tpu.assume_multiple %mul3A_2093, 128 : i32
        %dma_start3A_2095 = arith.constant 1 : i32
        %dma_start3A_2096 = arith.constant 2 : i32
        %dma_start3A_2097 = arith.constant 0 : i32
        %dma_start3A_2098 = arith.constant 0 : i32
        %dma_start3A_2099 = tpu.memref_slice %arg6[%dma_start3A_2095, %dma_start3A_2096, %dma_start3A_2097, %dma_start3A_2098] : memref<2x8x32x128xf32, #tpu.memory_space<vmem>> -> memref<1x1x32x128xf32, #tpu.memory_space<vmem>>
        %dma_start3A_2100 = tpu.memref_squeeze %dma_start3A_2099 : memref<1x1x32x128xf32, #tpu.memory_space<vmem>> -> memref<32x128xf32, #tpu.memory_space<vmem>>
        %dma_start3A_2101 = arith.constant 0 : i32
        %dma_start3A_2102 = tpu.memref_slice %arg3[%dma_start3A_2101, %multiple_of3A_2094] : memref<32x1000002xf32, #tpu.memory_space<hbm>> -> memref<32x128xf32, #tpu.memory_space<hbm>>
        %dma_start3A_2103 = arith.constant 0 : i32
        %dma_start3A_2104 = arith.constant 0 : i32
        %dma_start3A_2105 = tpu.memref_slice %arg6[%dma_start3A_2095, %dma_start3A_2096, %dma_start3A_2103, %dma_start3A_2104] : memref<2x8x32x128xf32, #tpu.memory_space<vmem>> -> memref<1x1x32x128xf32, #tpu.memory_space<vmem>>
        %dma_start3A_2106 = tpu.memref_squeeze %dma_start3A_2105 : memref<1x1x32x128xf32, #tpu.memory_space<vmem>> -> memref<32x128xf32, #tpu.memory_space<vmem>>
        %dma_start3A_2107 = arith.constant 0 : i32
        %dma_start3A_2108 = tpu.memref_slice %arg3[%dma_start3A_2107, %multiple_of3A_2094] : memref<32x1000002xf32, #tpu.memory_space<hbm>> -> memref<32x128xf32, #tpu.memory_space<hbm>>
        tpu.enqueue_dma source(%dma_start3A_2108 : memref<32x128xf32, #tpu.memory_space<hbm>>) target(%dma_start3A_2106 : memref<32x128xf32, #tpu.memory_space<vmem>>) target_semaphore(%arg9 : memref<!tpu.dma_semaphore, #tpu.memory_space<semaphore_mem>>)
        %mul3A_2109 = arith.constant 8 : i32
        %mul3A_2110 = arith.muli %add3A_1931, %mul3A_2109 : i32
        %get3A_2111 = arith.index_cast %mul3A_2110 : i32 to index
        %get3A_2112 = tpu.vector_load %arg5[%get3A_2111] {strides = array<i32>} : memref<528xi32, #tpu.memory_space<vmem>>, vector<16xi32>,
        %eq3A_2113 = arith.constant 3 : i32
        %eq3A_2114 = vector.broadcast %eq3A_2113 : i32 to vector<16xi32>
        %eq3A_2115 = arith.cmpi eq, %iota3A, %eq3A_2114 : vector<16xi32>
        %jit3A_2116 = arith.constant 0 : i32
        %broadcast_in_dim3A_2117 = vector.broadcast %jit3A_2116 : i32 to vector<16xi32>
        %select_n3A_2118 = arith.select %eq3A_2115, %get3A_2112, %broadcast_in_dim3A_2117 : vector<16xi1>, vector<16xi32>
        %reduce_max3A_2119 = arith.constant true
        %reduce_max3A_2120 = vector.broadcast %reduce_max3A_2119 : i1 to vector<16xi1>
        %reduce_max3A_2121 = arith.constant -2147483648 : i32
        %reduce_max3A_2122 = vector.broadcast %reduce_max3A_2121 : i32 to vector<16xi32>
        %reduce_max3A_2123 = arith.xori %select_n3A_2118, %reduce_max3A_2122 : vector<16xi32>
        %reduce_max3A_2124 = tpu.scan <max>, %reduce_max3A_2123 masked %reduce_max3A_2120 : vector<16xi32>, vector<16xi1> -> vector<16xi32>
        %reduce_max3A_2125 = arith.xori %reduce_max3A_2124, %reduce_max3A_2122 : vector<16xi32>
        %reduce_max3A_2126 = vector.extract %reduce_max3A_2125[15] : i32 from vector<16xi32>
        %jit3A_2127 = arith.constant 128 : i32
        %div3A_2128 = arith.divsi %reduce_max3A_2126, %jit3A_2127 : i32
        %sign3A_2129 = arith.constant 0 : i32
        %sign3A_2130 = arith.cmpi sgt, %reduce_max3A_2126, %sign3A_2129 : i32
        %sign3A_2131 = arith.extui %sign3A_2130 : i1 to i32
        %sign3A_2132 = arith.constant 0 : i32
        %sign3A_2133 = arith.cmpi slt, %reduce_max3A_2126, %sign3A_2132 : i32
        %sign3A_2134 = arith.extui %sign3A_2133 : i1 to i32
        %sign3A_2135 = arith.subi %sign3A_2131, %sign3A_2134 : i32
        %sign3A_2136 = arith.constant 0 : i32
        %sign3A_2137 = arith.cmpi sgt, %jit3A_2127, %sign3A_2136 : i32
        %sign3A_2138 = arith.extui %sign3A_2137 : i1 to i32
        %sign3A_2139 = arith.constant 0 : i32
        %sign3A_2140 = arith.cmpi slt, %jit3A_2127, %sign3A_2139 : i32
        %sign3A_2141 = arith.extui %sign3A_2140 : i1 to i32
        %sign3A_2142 = arith.subi %sign3A_2138, %sign3A_2141 : i32
        %ne3A_2143 = arith.cmpi ne, %sign3A_2135, %sign3A_2142 : i32
        %rem3A_2144 = arith.remsi %reduce_max3A_2126, %jit3A_2127 : i32
        %ne3A_2145 = arith.constant 0 : i32
        %ne3A_2146 = arith.cmpi ne, %rem3A_2144, %ne3A_2145 : i32
        %and3A_2147 = arith.andi %ne3A_2143, %ne3A_2146 : i1
        %sub3A_2148 = arith.constant 1 : i32
        %sub3A_2149 = arith.subi %div3A_2128, %sub3A_2148 : i32
        %select_n3A_2150 = arith.select %and3A_2147, %sub3A_2149, %div3A_2128 : i32
        %mul3A_2151 = arith.constant 128 : i32
        %mul3A_2152 = arith.muli %select_n3A_2150, %mul3A_2151 : i32
        %multiple_of3A_2153 = tpu.assume_multiple %mul3A_2152, 128 : i32
        %dma_start3A_2154 = arith.constant 1 : i32
        %dma_start3A_2155 = arith.constant 3 : i32
        %dma_start3A_2156 = arith.constant 0 : i32
        %dma_start3A_2157 = arith.constant 0 : i32
        %dma_start3A_2158 = tpu.memref_slice %arg6[%dma_start3A_2154, %dma_start3A_2155, %dma_start3A_2156, %dma_start3A_2157] : memref<2x8x32x128xf32, #tpu.memory_space<vmem>> -> memref<1x1x32x128xf32, #tpu.memory_space<vmem>>
        %dma_start3A_2159 = tpu.memref_squeeze %dma_start3A_2158 : memref<1x1x32x128xf32, #tpu.memory_space<vmem>> -> memref<32x128xf32, #tpu.memory_space<vmem>>
        %dma_start3A_2160 = arith.constant 0 : i32
        %dma_start3A_2161 = tpu.memref_slice %arg3[%dma_start3A_2160, %multiple_of3A_2153] : memref<32x1000002xf32, #tpu.memory_space<hbm>> -> memref<32x128xf32, #tpu.memory_space<hbm>>
        %dma_start3A_2162 = arith.constant 0 : i32
        %dma_start3A_2163 = arith.constant 0 : i32
        %dma_start3A_2164 = tpu.memref_slice %arg6[%dma_start3A_2154, %dma_start3A_2155, %dma_start3A_2162, %dma_start3A_2163] : memref<2x8x32x128xf32, #tpu.memory_space<vmem>> -> memref<1x1x32x128xf32, #tpu.memory_space<vmem>>
        %dma_start3A_2165 = tpu.memref_squeeze %dma_start3A_2164 : memref<1x1x32x128xf32, #tpu.memory_space<vmem>> -> memref<32x128xf32, #tpu.memory_space<vmem>>
        %dma_start3A_2166 = arith.constant 0 : i32
        %dma_start3A_2167 = tpu.memref_slice %arg3[%dma_start3A_2166, %multiple_of3A_2153] : memref<32x1000002xf32, #tpu.memory_space<hbm>> -> memref<32x128xf32, #tpu.memory_space<hbm>>
        tpu.enqueue_dma source(%dma_start3A_2167 : memref<32x128xf32, #tpu.memory_space<hbm>>) target(%dma_start3A_2165 : memref<32x128xf32, #tpu.memory_space<vmem>>) target_semaphore(%arg9 : memref<!tpu.dma_semaphore, #tpu.memory_space<semaphore_mem>>)
        %mul3A_2168 = arith.constant 8 : i32
        %mul3A_2169 = arith.muli %add3A_1931, %mul3A_2168 : i32
        %get3A_2170 = arith.index_cast %mul3A_2169 : i32 to index
        %get3A_2171 = tpu.vector_load %arg5[%get3A_2170] {strides = array<i32>} : memref<528xi32, #tpu.memory_space<vmem>>, vector<16xi32>,
        %eq3A_2172 = arith.constant 4 : i32
        %eq3A_2173 = vector.broadcast %eq3A_2172 : i32 to vector<16xi32>
        %eq3A_2174 = arith.cmpi eq, %iota3A, %eq3A_2173 : vector<16xi32>
        %jit3A_2175 = arith.constant 0 : i32
        %broadcast_in_dim3A_2176 = vector.broadcast %jit3A_2175 : i32 to vector<16xi32>
        %select_n3A_2177 = arith.select %eq3A_2174, %get3A_2171, %broadcast_in_dim3A_2176 : vector<16xi1>, vector<16xi32>
        %reduce_max3A_2178 = arith.constant true
        %reduce_max3A_2179 = vector.broadcast %reduce_max3A_2178 : i1 to vector<16xi1>
        %reduce_max3A_2180 = arith.constant -2147483648 : i32
        %reduce_max3A_2181 = vector.broadcast %reduce_max3A_2180 : i32 to vector<16xi32>
        %reduce_max3A_2182 = arith.xori %select_n3A_2177, %reduce_max3A_2181 : vector<16xi32>
        %reduce_max3A_2183 = tpu.scan <max>, %reduce_max3A_2182 masked %reduce_max3A_2179 : vector<16xi32>, vector<16xi1> -> vector<16xi32>
        %reduce_max3A_2184 = arith.xori %reduce_max3A_2183, %reduce_max3A_2181 : vector<16xi32>
        %reduce_max3A_2185 = vector.extract %reduce_max3A_2184[15] : i32 from vector<16xi32>
        %jit3A_2186 = arith.constant 128 : i32
        %div3A_2187 = arith.divsi %reduce_max3A_2185, %jit3A_2186 : i32
        %sign3A_2188 = arith.constant 0 : i32
        %sign3A_2189 = arith.cmpi sgt, %reduce_max3A_2185, %sign3A_2188 : i32
        %sign3A_2190 = arith.extui %sign3A_2189 : i1 to i32
        %sign3A_2191 = arith.constant 0 : i32
        %sign3A_2192 = arith.cmpi slt, %reduce_max3A_2185, %sign3A_2191 : i32
        %sign3A_2193 = arith.extui %sign3A_2192 : i1 to i32
        %sign3A_2194 = arith.subi %sign3A_2190, %sign3A_2193 : i32
        %sign3A_2195 = arith.constant 0 : i32
        %sign3A_2196 = arith.cmpi sgt, %jit3A_2186, %sign3A_2195 : i32
        %sign3A_2197 = arith.extui %sign3A_2196 : i1 to i32
        %sign3A_2198 = arith.constant 0 : i32
        %sign3A_2199 = arith.cmpi slt, %jit3A_2186, %sign3A_2198 : i32
        %sign3A_2200 = arith.extui %sign3A_2199 : i1 to i32
        %sign3A_2201 = arith.subi %sign3A_2197, %sign3A_2200 : i32
        %ne3A_2202 = arith.cmpi ne, %sign3A_2194, %sign3A_2201 : i32
        %rem3A_2203 = arith.remsi %reduce_max3A_2185, %jit3A_2186 : i32
        %ne3A_2204 = arith.constant 0 : i32
        %ne3A_2205 = arith.cmpi ne, %rem3A_2203, %ne3A_2204 : i32
        %and3A_2206 = arith.andi %ne3A_2202, %ne3A_2205 : i1
        %sub3A_2207 = arith.constant 1 : i32
        %sub3A_2208 = arith.subi %div3A_2187, %sub3A_2207 : i32
        %select_n3A_2209 = arith.select %and3A_2206, %sub3A_2208, %div3A_2187 : i32
        %mul3A_2210 = arith.constant 128 : i32
        %mul3A_2211 = arith.muli %select_n3A_2209, %mul3A_2210 : i32
        %multiple_of3A_2212 = tpu.assume_multiple %mul3A_2211, 128 : i32
        %dma_start3A_2213 = arith.constant 1 : i32
        %dma_start3A_2214 = arith.constant 4 : i32
        %dma_start3A_2215 = arith.constant 0 : i32
        %dma_start3A_2216 = arith.constant 0 : i32
        %dma_start3A_2217 = tpu.memref_slice %arg6[%dma_start3A_2213, %dma_start3A_2214, %dma_start3A_2215, %dma_start3A_2216] : memref<2x8x32x128xf32, #tpu.memory_space<vmem>> -> memref<1x1x32x128xf32, #tpu.memory_space<vmem>>
        %dma_start3A_2218 = tpu.memref_squeeze %dma_start3A_2217 : memref<1x1x32x128xf32, #tpu.memory_space<vmem>> -> memref<32x128xf32, #tpu.memory_space<vmem>>
        %dma_start3A_2219 = arith.constant 0 : i32
        %dma_start3A_2220 = tpu.memref_slice %arg3[%dma_start3A_2219, %multiple_of3A_2212] : memref<32x1000002xf32, #tpu.memory_space<hbm>> -> memref<32x128xf32, #tpu.memory_space<hbm>>
        %dma_start3A_2221 = arith.constant 0 : i32
        %dma_start3A_2222 = arith.constant 0 : i32
        %dma_start3A_2223 = tpu.memref_slice %arg6[%dma_start3A_2213, %dma_start3A_2214, %dma_start3A_2221, %dma_start3A_2222] : memref<2x8x32x128xf32, #tpu.memory_space<vmem>> -> memref<1x1x32x128xf32, #tpu.memory_space<vmem>>
        %dma_start3A_2224 = tpu.memref_squeeze %dma_start3A_2223 : memref<1x1x32x128xf32, #tpu.memory_space<vmem>> -> memref<32x128xf32, #tpu.memory_space<vmem>>
        %dma_start3A_2225 = arith.constant 0 : i32
        %dma_start3A_2226 = tpu.memref_slice %arg3[%dma_start3A_2225, %multiple_of3A_2212] : memref<32x1000002xf32, #tpu.memory_space<hbm>> -> memref<32x128xf32, #tpu.memory_space<hbm>>
        tpu.enqueue_dma source(%dma_start3A_2226 : memref<32x128xf32, #tpu.memory_space<hbm>>) target(%dma_start3A_2224 : memref<32x128xf32, #tpu.memory_space<vmem>>) target_semaphore(%arg9 : memref<!tpu.dma_semaphore, #tpu.memory_space<semaphore_mem>>)
        %mul3A_2227 = arith.constant 8 : i32
        %mul3A_2228 = arith.muli %add3A_1931, %mul3A_2227 : i32
        %get3A_2229 = arith.index_cast %mul3A_2228 : i32 to index
        %get3A_2230 = tpu.vector_load %arg5[%get3A_2229] {strides = array<i32>} : memref<528xi32, #tpu.memory_space<vmem>>, vector<16xi32>,
        %eq3A_2231 = arith.constant 5 : i32
        %eq3A_2232 = vector.broadcast %eq3A_2231 : i32 to vector<16xi32>
        %eq3A_2233 = arith.cmpi eq, %iota3A, %eq3A_2232 : vector<16xi32>
        %jit3A_2234 = arith.constant 0 : i32
        %broadcast_in_dim3A_2235 = vector.broadcast %jit3A_2234 : i32 to vector<16xi32>
        %select_n3A_2236 = arith.select %eq3A_2233, %get3A_2230, %broadcast_in_dim3A_2235 : vector<16xi1>, vector<16xi32>
        %reduce_max3A_2237 = arith.constant true
        %reduce_max3A_2238 = vector.broadcast %reduce_max3A_2237 : i1 to vector<16xi1>
        %reduce_max3A_2239 = arith.constant -2147483648 : i32
        %reduce_max3A_2240 = vector.broadcast %reduce_max3A_2239 : i32 to vector<16xi32>
        %reduce_max3A_2241 = arith.xori %select_n3A_2236, %reduce_max3A_2240 : vector<16xi32>
        %reduce_max3A_2242 = tpu.scan <max>, %reduce_max3A_2241 masked %reduce_max3A_2238 : vector<16xi32>, vector<16xi1> -> vector<16xi32>
        %reduce_max3A_2243 = arith.xori %reduce_max3A_2242, %reduce_max3A_2240 : vector<16xi32>
        %reduce_max3A_2244 = vector.extract %reduce_max3A_2243[15] : i32 from vector<16xi32>
        %jit3A_2245 = arith.constant 128 : i32
        %div3A_2246 = arith.divsi %reduce_max3A_2244, %jit3A_2245 : i32
        %sign3A_2247 = arith.constant 0 : i32
        %sign3A_2248 = arith.cmpi sgt, %reduce_max3A_2244, %sign3A_2247 : i32
        %sign3A_2249 = arith.extui %sign3A_2248 : i1 to i32
        %sign3A_2250 = arith.constant 0 : i32
        %sign3A_2251 = arith.cmpi slt, %reduce_max3A_2244, %sign3A_2250 : i32
        %sign3A_2252 = arith.extui %sign3A_2251 : i1 to i32
        %sign3A_2253 = arith.subi %sign3A_2249, %sign3A_2252 : i32
        %sign3A_2254 = arith.constant 0 : i32
        %sign3A_2255 = arith.cmpi sgt, %jit3A_2245, %sign3A_2254 : i32
        %sign3A_2256 = arith.extui %sign3A_2255 : i1 to i32
        %sign3A_2257 = arith.constant 0 : i32
        %sign3A_2258 = arith.cmpi slt, %jit3A_2245, %sign3A_2257 : i32
        %sign3A_2259 = arith.extui %sign3A_2258 : i1 to i32
        %sign3A_2260 = arith.subi %sign3A_2256, %sign3A_2259 : i32
        %ne3A_2261 = arith.cmpi ne, %sign3A_2253, %sign3A_2260 : i32
        %rem3A_2262 = arith.remsi %reduce_max3A_2244, %jit3A_2245 : i32
        %ne3A_2263 = arith.constant 0 : i32
        %ne3A_2264 = arith.cmpi ne, %rem3A_2262, %ne3A_2263 : i32
        %and3A_2265 = arith.andi %ne3A_2261, %ne3A_2264 : i1
        %sub3A_2266 = arith.constant 1 : i32
        %sub3A_2267 = arith.subi %div3A_2246, %sub3A_2266 : i32
        %select_n3A_2268 = arith.select %and3A_2265, %sub3A_2267, %div3A_2246 : i32
        %mul3A_2269 = arith.constant 128 : i32
        %mul3A_2270 = arith.muli %select_n3A_2268, %mul3A_2269 : i32
        %multiple_of3A_2271 = tpu.assume_multiple %mul3A_2270, 128 : i32
        %dma_start3A_2272 = arith.constant 1 : i32
        %dma_start3A_2273 = arith.constant 5 : i32
        %dma_start3A_2274 = arith.constant 0 : i32
        %dma_start3A_2275 = arith.constant 0 : i32
        %dma_start3A_2276 = tpu.memref_slice %arg6[%dma_start3A_2272, %dma_start3A_2273, %dma_start3A_2274, %dma_start3A_2275] : memref<2x8x32x128xf32, #tpu.memory_space<vmem>> -> memref<1x1x32x128xf32, #tpu.memory_space<vmem>>
        %dma_start3A_2277 = tpu.memref_squeeze %dma_start3A_2276 : memref<1x1x32x128xf32, #tpu.memory_space<vmem>> -> memref<32x128xf32, #tpu.memory_space<vmem>>
        %dma_start3A_2278 = arith.constant 0 : i32
        %dma_start3A_2279 = tpu.memref_slice %arg3[%dma_start3A_2278, %multiple_of3A_2271] : memref<32x1000002xf32, #tpu.memory_space<hbm>> -> memref<32x128xf32, #tpu.memory_space<hbm>>
        %dma_start3A_2280 = arith.constant 0 : i32
        %dma_start3A_2281 = arith.constant 0 : i32
        %dma_start3A_2282 = tpu.memref_slice %arg6[%dma_start3A_2272, %dma_start3A_2273, %dma_start3A_2280, %dma_start3A_2281] : memref<2x8x32x128xf32, #tpu.memory_space<vmem>> -> memref<1x1x32x128xf32, #tpu.memory_space<vmem>>
        %dma_start3A_2283 = tpu.memref_squeeze %dma_start3A_2282 : memref<1x1x32x128xf32, #tpu.memory_space<vmem>> -> memref<32x128xf32, #tpu.memory_space<vmem>>
        %dma_start3A_2284 = arith.constant 0 : i32
        %dma_start3A_2285 = tpu.memref_slice %arg3[%dma_start3A_2284, %multiple_of3A_2271] : memref<32x1000002xf32, #tpu.memory_space<hbm>> -> memref<32x128xf32, #tpu.memory_space<hbm>>
        tpu.enqueue_dma source(%dma_start3A_2285 : memref<32x128xf32, #tpu.memory_space<hbm>>) target(%dma_start3A_2283 : memref<32x128xf32, #tpu.memory_space<vmem>>) target_semaphore(%arg9 : memref<!tpu.dma_semaphore, #tpu.memory_space<semaphore_mem>>)
        %mul3A_2286 = arith.constant 8 : i32
        %mul3A_2287 = arith.muli %add3A_1931, %mul3A_2286 : i32
        %get3A_2288 = arith.index_cast %mul3A_2287 : i32 to index
        %get3A_2289 = tpu.vector_load %arg5[%get3A_2288] {strides = array<i32>} : memref<528xi32, #tpu.memory_space<vmem>>, vector<16xi32>,
        %eq3A_2290 = arith.constant 6 : i32
        %eq3A_2291 = vector.broadcast %eq3A_2290 : i32 to vector<16xi32>
        %eq3A_2292 = arith.cmpi eq, %iota3A, %eq3A_2291 : vector<16xi32>
        %jit3A_2293 = arith.constant 0 : i32
        %broadcast_in_dim3A_2294 = vector.broadcast %jit3A_2293 : i32 to vector<16xi32>
        %select_n3A_2295 = arith.select %eq3A_2292, %get3A_2289, %broadcast_in_dim3A_2294 : vector<16xi1>, vector<16xi32>
        %reduce_max3A_2296 = arith.constant true
        %reduce_max3A_2297 = vector.broadcast %reduce_max3A_2296 : i1 to vector<16xi1>
        %reduce_max3A_2298 = arith.constant -2147483648 : i32
        %reduce_max3A_2299 = vector.broadcast %reduce_max3A_2298 : i32 to vector<16xi32>
        %reduce_max3A_2300 = arith.xori %select_n3A_2295, %reduce_max3A_2299 : vector<16xi32>
        %reduce_max3A_2301 = tpu.scan <max>, %reduce_max3A_2300 masked %reduce_max3A_2297 : vector<16xi32>, vector<16xi1> -> vector<16xi32>
        %reduce_max3A_2302 = arith.xori %reduce_max3A_2301, %reduce_max3A_2299 : vector<16xi32>
        %reduce_max3A_2303 = vector.extract %reduce_max3A_2302[15] : i32 from vector<16xi32>
        %jit3A_2304 = arith.constant 128 : i32
        %div3A_2305 = arith.divsi %reduce_max3A_2303, %jit3A_2304 : i32
        %sign3A_2306 = arith.constant 0 : i32
        %sign3A_2307 = arith.cmpi sgt, %reduce_max3A_2303, %sign3A_2306 : i32
        %sign3A_2308 = arith.extui %sign3A_2307 : i1 to i32
        %sign3A_2309 = arith.constant 0 : i32
        %sign3A_2310 = arith.cmpi slt, %reduce_max3A_2303, %sign3A_2309 : i32
        %sign3A_2311 = arith.extui %sign3A_2310 : i1 to i32
        %sign3A_2312 = arith.subi %sign3A_2308, %sign3A_2311 : i32
        %sign3A_2313 = arith.constant 0 : i32
        %sign3A_2314 = arith.cmpi sgt, %jit3A_2304, %sign3A_2313 : i32
        %sign3A_2315 = arith.extui %sign3A_2314 : i1 to i32
        %sign3A_2316 = arith.constant 0 : i32
        %sign3A_2317 = arith.cmpi slt, %jit3A_2304, %sign3A_2316 : i32
        %sign3A_2318 = arith.extui %sign3A_2317 : i1 to i32
        %sign3A_2319 = arith.subi %sign3A_2315, %sign3A_2318 : i32
        %ne3A_2320 = arith.cmpi ne, %sign3A_2312, %sign3A_2319 : i32
        %rem3A_2321 = arith.remsi %reduce_max3A_2303, %jit3A_2304 : i32
        %ne3A_2322 = arith.constant 0 : i32
        %ne3A_2323 = arith.cmpi ne, %rem3A_2321, %ne3A_2322 : i32
        %and3A_2324 = arith.andi %ne3A_2320, %ne3A_2323 : i1
        %sub3A_2325 = arith.constant 1 : i32
        %sub3A_2326 = arith.subi %div3A_2305, %sub3A_2325 : i32
        %select_n3A_2327 = arith.select %and3A_2324, %sub3A_2326, %div3A_2305 : i32
        %mul3A_2328 = arith.constant 128 : i32
        %mul3A_2329 = arith.muli %select_n3A_2327, %mul3A_2328 : i32
        %multiple_of3A_2330 = tpu.assume_multiple %mul3A_2329, 128 : i32
        %dma_start3A_2331 = arith.constant 1 : i32
        %dma_start3A_2332 = arith.constant 6 : i32
        %dma_start3A_2333 = arith.constant 0 : i32
        %dma_start3A_2334 = arith.constant 0 : i32
        %dma_start3A_2335 = tpu.memref_slice %arg6[%dma_start3A_2331, %dma_start3A_2332, %dma_start3A_2333, %dma_start3A_2334] : memref<2x8x32x128xf32, #tpu.memory_space<vmem>> -> memref<1x1x32x128xf32, #tpu.memory_space<vmem>>
        %dma_start3A_2336 = tpu.memref_squeeze %dma_start3A_2335 : memref<1x1x32x128xf32, #tpu.memory_space<vmem>> -> memref<32x128xf32, #tpu.memory_space<vmem>>
        %dma_start3A_2337 = arith.constant 0 : i32
        %dma_start3A_2338 = tpu.memref_slice %arg3[%dma_start3A_2337, %multiple_of3A_2330] : memref<32x1000002xf32, #tpu.memory_space<hbm>> -> memref<32x128xf32, #tpu.memory_space<hbm>>
        %dma_start3A_2339 = arith.constant 0 : i32
        %dma_start3A_2340 = arith.constant 0 : i32
        %dma_start3A_2341 = tpu.memref_slice %arg6[%dma_start3A_2331, %dma_start3A_2332, %dma_start3A_2339, %dma_start3A_2340] : memref<2x8x32x128xf32, #tpu.memory_space<vmem>> -> memref<1x1x32x128xf32, #tpu.memory_space<vmem>>
        %dma_start3A_2342 = tpu.memref_squeeze %dma_start3A_2341 : memref<1x1x32x128xf32, #tpu.memory_space<vmem>> -> memref<32x128xf32, #tpu.memory_space<vmem>>
        %dma_start3A_2343 = arith.constant 0 : i32
        %dma_start3A_2344 = tpu.memref_slice %arg3[%dma_start3A_2343, %multiple_of3A_2330] : memref<32x1000002xf32, #tpu.memory_space<hbm>> -> memref<32x128xf32, #tpu.memory_space<hbm>>
        tpu.enqueue_dma source(%dma_start3A_2344 : memref<32x128xf32, #tpu.memory_space<hbm>>) target(%dma_start3A_2342 : memref<32x128xf32, #tpu.memory_space<vmem>>) target_semaphore(%arg9 : memref<!tpu.dma_semaphore, #tpu.memory_space<semaphore_mem>>)
        %mul3A_2345 = arith.constant 8 : i32
        %mul3A_2346 = arith.muli %add3A_1931, %mul3A_2345 : i32
        %get3A_2347 = arith.index_cast %mul3A_2346 : i32 to index
        %get3A_2348 = tpu.vector_load %arg5[%get3A_2347] {strides = array<i32>} : memref<528xi32, #tpu.memory_space<vmem>>, vector<16xi32>,
        %eq3A_2349 = arith.constant 7 : i32
        %eq3A_2350 = vector.broadcast %eq3A_2349 : i32 to vector<16xi32>
        %eq3A_2351 = arith.cmpi eq, %iota3A, %eq3A_2350 : vector<16xi32>
        %jit3A_2352 = arith.constant 0 : i32
        %broadcast_in_dim3A_2353 = vector.broadcast %jit3A_2352 : i32 to vector<16xi32>
        %select_n3A_2354 = arith.select %eq3A_2351, %get3A_2348, %broadcast_in_dim3A_2353 : vector<16xi1>, vector<16xi32>
        %reduce_max3A_2355 = arith.constant true
        %reduce_max3A_2356 = vector.broadcast %reduce_max3A_2355 : i1 to vector<16xi1>
        %reduce_max3A_2357 = arith.constant -2147483648 : i32
        %reduce_max3A_2358 = vector.broadcast %reduce_max3A_2357 : i32 to vector<16xi32>
        %reduce_max3A_2359 = arith.xori %select_n3A_2354, %reduce_max3A_2358 : vector<16xi32>
        %reduce_max3A_2360 = tpu.scan <max>, %reduce_max3A_2359 masked %reduce_max3A_2356 : vector<16xi32>, vector<16xi1> -> vector<16xi32>
        %reduce_max3A_2361 = arith.xori %reduce_max3A_2360, %reduce_max3A_2358 : vector<16xi32>
        %reduce_max3A_2362 = vector.extract %reduce_max3A_2361[15] : i32 from vector<16xi32>
        %jit3A_2363 = arith.constant 128 : i32
        %div3A_2364 = arith.divsi %reduce_max3A_2362, %jit3A_2363 : i32
        %sign3A_2365 = arith.constant 0 : i32
        %sign3A_2366 = arith.cmpi sgt, %reduce_max3A_2362, %sign3A_2365 : i32
        %sign3A_2367 = arith.extui %sign3A_2366 : i1 to i32
        %sign3A_2368 = arith.constant 0 : i32
        %sign3A_2369 = arith.cmpi slt, %reduce_max3A_2362, %sign3A_2368 : i32
        %sign3A_2370 = arith.extui %sign3A_2369 : i1 to i32
        %sign3A_2371 = arith.subi %sign3A_2367, %sign3A_2370 : i32
        %sign3A_2372 = arith.constant 0 : i32
        %sign3A_2373 = arith.cmpi sgt, %jit3A_2363, %sign3A_2372 : i32
        %sign3A_2374 = arith.extui %sign3A_2373 : i1 to i32
        %sign3A_2375 = arith.constant 0 : i32
        %sign3A_2376 = arith.cmpi slt, %jit3A_2363, %sign3A_2375 : i32
        %sign3A_2377 = arith.extui %sign3A_2376 : i1 to i32
        %sign3A_2378 = arith.subi %sign3A_2374, %sign3A_2377 : i32
        %ne3A_2379 = arith.cmpi ne, %sign3A_2371, %sign3A_2378 : i32
        %rem3A_2380 = arith.remsi %reduce_max3A_2362, %jit3A_2363 : i32
        %ne3A_2381 = arith.constant 0 : i32
        %ne3A_2382 = arith.cmpi ne, %rem3A_2380, %ne3A_2381 : i32
        %and3A_2383 = arith.andi %ne3A_2379, %ne3A_2382 : i1
        %sub3A_2384 = arith.constant 1 : i32
        %sub3A_2385 = arith.subi %div3A_2364, %sub3A_2384 : i32
        %select_n3A_2386 = arith.select %and3A_2383, %sub3A_2385, %div3A_2364 : i32
        %mul3A_2387 = arith.constant 128 : i32
        %mul3A_2388 = arith.muli %select_n3A_2386, %mul3A_2387 : i32
        %multiple_of3A_2389 = tpu.assume_multiple %mul3A_2388, 128 : i32
        %dma_start3A_2390 = arith.constant 1 : i32
        %dma_start3A_2391 = arith.constant 7 : i32
        %dma_start3A_2392 = arith.constant 0 : i32
        %dma_start3A_2393 = arith.constant 0 : i32
        %dma_start3A_2394 = tpu.memref_slice %arg6[%dma_start3A_2390, %dma_start3A_2391, %dma_start3A_2392, %dma_start3A_2393] : memref<2x8x32x128xf32, #tpu.memory_space<vmem>> -> memref<1x1x32x128xf32, #tpu.memory_space<vmem>>
        %dma_start3A_2395 = tpu.memref_squeeze %dma_start3A_2394 : memref<1x1x32x128xf32, #tpu.memory_space<vmem>> -> memref<32x128xf32, #tpu.memory_space<vmem>>
        %dma_start3A_2396 = arith.constant 0 : i32
        %dma_start3A_2397 = tpu.memref_slice %arg3[%dma_start3A_2396, %multiple_of3A_2389] : memref<32x1000002xf32, #tpu.memory_space<hbm>> -> memref<32x128xf32, #tpu.memory_space<hbm>>
        %dma_start3A_2398 = arith.constant 0 : i32
        %dma_start3A_2399 = arith.constant 0 : i32
        %dma_start3A_2400 = tpu.memref_slice %arg6[%dma_start3A_2390, %dma_start3A_2391, %dma_start3A_2398, %dma_start3A_2399] : memref<2x8x32x128xf32, #tpu.memory_space<vmem>> -> memref<1x1x32x128xf32, #tpu.memory_space<vmem>>
        %dma_start3A_2401 = tpu.memref_squeeze %dma_start3A_2400 : memref<1x1x32x128xf32, #tpu.memory_space<vmem>> -> memref<32x128xf32, #tpu.memory_space<vmem>>
        %dma_start3A_2402 = arith.constant 0 : i32
        %dma_start3A_2403 = tpu.memref_slice %arg3[%dma_start3A_2402, %multiple_of3A_2389] : memref<32x1000002xf32, #tpu.memory_space<hbm>> -> memref<32x128xf32, #tpu.memory_space<hbm>>
        tpu.enqueue_dma source(%dma_start3A_2403 : memref<32x128xf32, #tpu.memory_space<hbm>>) target(%dma_start3A_2401 : memref<32x128xf32, #tpu.memory_space<vmem>>) target_semaphore(%arg9 : memref<!tpu.dma_semaphore, #tpu.memory_space<semaphore_mem>>)
      } else {
      }
      %ge3A = arith.constant 2 : i32
      %ge3A_488 = arith.cmpi sge, %add3A_483, %ge3A : i32
      %convert_element_type3A_489 = arith.extui %ge3A_488 : i1 to i32
      %cond3A_490 = arith.constant 0 : i32
      %cond3A_491 = arith.cmpi ne, %convert_element_type3A_489, %cond3A_490 : i32
      scf.if %cond3A_491 {
        %dma_wait3A_1930 = arith.constant 0 : i32
        %dma_wait3A_1931 = arith.constant 0 : i32
        %dma_wait3A_1932 = arith.constant 0 : i32
        %dma_wait3A_1933 = tpu.memref_slice %arg7[%dma_wait3A_1930, %dma_wait3A_1931, %dma_wait3A_1932] : memref<2x8x32xf32, #tpu.memory_space<vmem>> -> memref<1x8x32xf32, #tpu.memory_space<vmem>>
        %dma_wait3A_1934 = tpu.memref_squeeze %dma_wait3A_1933 : memref<1x8x32xf32, #tpu.memory_space<vmem>> -> memref<8x32xf32, #tpu.memory_space<vmem>>
        %dma_wait3A_1935 = arith.constant 0 : i32
        %dma_wait3A_1936 = arith.constant 0 : i32
        %dma_wait3A_1937 = tpu.memref_slice %arg4[%dma_wait3A_1935, %dma_wait3A_1936] : memref<16384x32xf32, #tpu.memory_space<hbm>> -> memref<8x32xf32, #tpu.memory_space<hbm>>
        %dma_wait3A_1938 = arith.constant 0 : i32
        %dma_wait3A_1939 = arith.constant 0 : i32
        %dma_wait3A_1940 = tpu.memref_slice %arg4[%dma_wait3A_1938, %dma_wait3A_1939] : memref<16384x32xf32, #tpu.memory_space<hbm>> -> memref<8x32xf32, #tpu.memory_space<hbm>>
        %dma_wait3A_1941 = arith.constant 0 : i32
        %dma_wait3A_1942 = arith.constant 0 : i32
        %dma_wait3A_1943 = tpu.memref_slice %arg7[%dma_wait3A_1930, %dma_wait3A_1941, %dma_wait3A_1942] : memref<2x8x32xf32, #tpu.memory_space<vmem>> -> memref<1x8x32xf32, #tpu.memory_space<vmem>>
        %dma_wait3A_1944 = tpu.memref_squeeze %dma_wait3A_1943 : memref<1x8x32xf32, #tpu.memory_space<vmem>> -> memref<8x32xf32, #tpu.memory_space<vmem>>
        tpu.wait_dma2 semaphore(%arg10 : memref<!tpu.dma_semaphore, #tpu.memory_space<semaphore_mem>>) src(%dma_wait3A_1944 : memref<8x32xf32, #tpu.memory_space<vmem>>) dst(%dma_wait3A_1940 : memref<8x32xf32, #tpu.memory_space<hbm>>)
      } else {
      }
      %dma_wait3A_492 = arith.constant 0 : i32
      %dma_wait3A_493 = arith.constant 0 : i32
      %dma_wait3A_494 = arith.constant 0 : i32
      %dma_wait3A_495 = arith.constant 0 : i32
      %dma_wait3A_496 = tpu.memref_slice %arg6[%dma_wait3A_492, %dma_wait3A_493, %dma_wait3A_494, %dma_wait3A_495] : memref<2x8x32x128xf32, #tpu.memory_space<vmem>> -> memref<1x1x32x128xf32, #tpu.memory_space<vmem>>
      %dma_wait3A_497 = tpu.memref_squeeze %dma_wait3A_496 : memref<1x1x32x128xf32, #tpu.memory_space<vmem>> -> memref<32x128xf32, #tpu.memory_space<vmem>>
      %dma_wait3A_498 = arith.constant 0 : i32
      %dma_wait3A_499 = arith.constant 0 : i32
      %dma_wait3A_500 = tpu.memref_slice %arg3[%dma_wait3A_498, %dma_wait3A_499] : memref<32x1000002xf32, #tpu.memory_space<hbm>> -> memref<32x128xf32, #tpu.memory_space<hbm>>
      %dma_wait3A_501 = arith.constant 0 : i32
      %dma_wait3A_502 = arith.constant 0 : i32
      %dma_wait3A_503 = tpu.memref_slice %arg6[%dma_wait3A_492, %dma_wait3A_493, %dma_wait3A_501, %dma_wait3A_502] : memref<2x8x32x128xf32, #tpu.memory_space<vmem>> -> memref<1x1x32x128xf32, #tpu.memory_space<vmem>>
      %dma_wait3A_504 = tpu.memref_squeeze %dma_wait3A_503 : memref<1x1x32x128xf32, #tpu.memory_space<vmem>> -> memref<32x128xf32, #tpu.memory_space<vmem>>
      %dma_wait3A_505 = arith.constant 0 : i32
      %dma_wait3A_506 = arith.constant 0 : i32
      %dma_wait3A_507 = tpu.memref_slice %arg3[%dma_wait3A_505, %dma_wait3A_506] : memref<32x1000002xf32, #tpu.memory_space<hbm>> -> memref<32x128xf32, #tpu.memory_space<hbm>>
      tpu.wait_dma2 semaphore(%arg8 : memref<!tpu.dma_semaphore, #tpu.memory_space<semaphore_mem>>) src(%dma_wait3A_507 : memref<32x128xf32, #tpu.memory_space<hbm>>) dst(%dma_wait3A_504 : memref<32x128xf32, #tpu.memory_space<vmem>>)
      %mul3A_508 = arith.constant 8 : i32
      %mul3A_509 = arith.muli %add3A_483, %mul3A_508 : i32
      %get3A_510 = arith.index_cast %mul3A_509 : i32 to index
      %get3A_511 = tpu.vector_load %arg5[%get3A_510] {strides = array<i32>} : memref<528xi32, #tpu.memory_space<vmem>>, vector<16xi32>,
      %eq3A_512 = arith.constant 0 : i32
      %eq3A_513 = vector.broadcast %eq3A_512 : i32 to vector<16xi32>
      %eq3A_514 = arith.cmpi eq, %iota3A, %eq3A_513 : vector<16xi32>
      %jit3A_515 = arith.constant 0 : i32
      %broadcast_in_dim3A_516 = vector.broadcast %jit3A_515 : i32 to vector<16xi32>
      %select_n3A_517 = arith.select %eq3A_514, %get3A_511, %broadcast_in_dim3A_516 : vector<16xi1>, vector<16xi32>
      %reduce_max3A_518 = arith.constant true
      %reduce_max3A_519 = vector.broadcast %reduce_max3A_518 : i1 to vector<16xi1>
      %reduce_max3A_520 = arith.constant -2147483648 : i32
      %reduce_max3A_521 = vector.broadcast %reduce_max3A_520 : i32 to vector<16xi32>
      %reduce_max3A_522 = arith.xori %select_n3A_517, %reduce_max3A_521 : vector<16xi32>
      %reduce_max3A_523 = tpu.scan <max>, %reduce_max3A_522 masked %reduce_max3A_519 : vector<16xi32>, vector<16xi1> -> vector<16xi32>
      %reduce_max3A_524 = arith.xori %reduce_max3A_523, %reduce_max3A_521 : vector<16xi32>
      %reduce_max3A_525 = vector.extract %reduce_max3A_524[15] : i32 from vector<16xi32>
      %jit3A_526 = arith.constant 128 : i32
      %div3A_527 = arith.divsi %reduce_max3A_525, %jit3A_526 : i32
      %sign3A_528 = arith.constant 0 : i32
      %sign3A_529 = arith.cmpi sgt, %reduce_max3A_525, %sign3A_528 : i32
      %sign3A_530 = arith.extui %sign3A_529 : i1 to i32
      %sign3A_531 = arith.constant 0 : i32
      %sign3A_532 = arith.cmpi slt, %reduce_max3A_525, %sign3A_531 : i32
      %sign3A_533 = arith.extui %sign3A_532 : i1 to i32
      %sign3A_534 = arith.subi %sign3A_530, %sign3A_533 : i32
      %sign3A_535 = arith.constant 0 : i32
      %sign3A_536 = arith.cmpi sgt, %jit3A_526, %sign3A_535 : i32
      %sign3A_537 = arith.extui %sign3A_536 : i1 to i32
      %sign3A_538 = arith.constant 0 : i32
      %sign3A_539 = arith.cmpi slt, %jit3A_526, %sign3A_538 : i32
      %sign3A_540 = arith.extui %sign3A_539 : i1 to i32
      %sign3A_541 = arith.subi %sign3A_537, %sign3A_540 : i32
      %ne3A_542 = arith.cmpi ne, %sign3A_534, %sign3A_541 : i32
      %rem3A_543 = arith.remsi %reduce_max3A_525, %jit3A_526 : i32
      %ne3A_544 = arith.constant 0 : i32
      %ne3A_545 = arith.cmpi ne, %rem3A_543, %ne3A_544 : i32
      %and3A_546 = arith.andi %ne3A_542, %ne3A_545 : i1
      %sub3A_547 = arith.constant 1 : i32
      %sub3A_548 = arith.subi %div3A_527, %sub3A_547 : i32
      %select_n3A_549 = arith.select %and3A_546, %sub3A_548, %div3A_527 : i32
      %mul3A_550 = arith.constant 128 : i32
      %mul3A_551 = arith.muli %select_n3A_549, %mul3A_550 : i32
      %multiple_of3A_552 = tpu.assume_multiple %mul3A_551, 128 : i32
      %sub3A_553 = arith.subi %reduce_max3A_525, %multiple_of3A_552 : i32
      %broadcast_in_dim3A_554 = arith.constant 0 : i32
      %broadcast_in_dim3A_555 = vector.broadcast %broadcast_in_dim3A_554 : i32 to vector<16xi32>
      %add3A_556 = vector.broadcast %sub3A_553 : i32 to vector<16xi32>
      %add3A_557 = arith.addi %add3A_556, %broadcast_in_dim3A_555 : vector<16xi32>
      %broadcast_in_dim3A_558 = arith.constant 0 : i32
      %broadcast_in_dim3A_559 = vector.broadcast %broadcast_in_dim3A_558 : i32 to vector<16xi32>
      %broadcast_in_dim3A_560 = arith.constant 0 : i32
      %broadcast_in_dim3A_561 = vector.broadcast %broadcast_in_dim3A_560 : i32 to vector<16xi32>
      %gather3A = tpu.vector_load_idx %arg6[%broadcast_in_dim3A_559, %broadcast_in_dim3A_561, %iota3A, %add3A_557] : memref<2x8x32x128xf32, #tpu.memory_space<vmem>>[vector<16xi32>, vector<16xi32>, vector<16xi32>, vector<16xi32>], vector<16xf32>,
      %add3A_562 = arith.constant 16 : i32
      %add3A_563 = vector.broadcast %add3A_562 : i32 to vector<16xi32>
      %add3A_564 = arith.addi %add3A_563, %iota3A : vector<16xi32>
      %gather3A_565 = tpu.vector_load_idx %arg6[%broadcast_in_dim3A_559, %broadcast_in_dim3A_561, %add3A_564, %add3A_557] : memref<2x8x32x128xf32, #tpu.memory_space<vmem>>[vector<16xi32>, vector<16xi32>, vector<16xi32>, vector<16xi32>], vector<16xf32>,
      %swap3A = arith.constant 0 : i32
      %swap3A_566 = arith.constant 0 : i32
      %swap3A_567 = arith.index_cast %swap3A : i32 to index
      %swap3A_568 = arith.index_cast %swap3A_566 : i32 to index
      %swap3A_569 = arith.constant 0 : index
      %swap3A_570 = tpu.vector_load %arg7[%swap3A_567, %swap3A_568, %swap3A_569] {strides = array<i32>} : memref<2x8x32xf32, #tpu.memory_space<vmem>>, vector<16xf32>,
      tpu.vector_store %arg7[%swap3A_567, %swap3A_568, %swap3A_569], %gather3A {strides = array<i32>} : memref<2x8x32xf32, #tpu.memory_space<vmem>>, vector<16xf32>,
      %swap3A_571 = arith.constant 0 : i32
      %swap3A_572 = arith.constant 0 : i32
      %swap3A_573 = arith.index_cast %swap3A_571 : i32 to index
      %swap3A_574 = arith.index_cast %swap3A_572 : i32 to index
      %swap3A_575 = arith.constant 16 : index
      %swap3A_576 = tpu.vector_load %arg7[%swap3A_573, %swap3A_574, %swap3A_575] {strides = array<i32>} : memref<2x8x32xf32, #tpu.memory_space<vmem>>, vector<16xf32>,
      tpu.vector_store %arg7[%swap3A_573, %swap3A_574, %swap3A_575], %gather3A_565 {strides = array<i32>} : memref<2x8x32xf32, #tpu.memory_space<vmem>>, vector<16xf32>,
      %dma_wait3A_577 = arith.constant 0 : i32
      %dma_wait3A_578 = arith.constant 1 : i32
      %dma_wait3A_579 = arith.constant 0 : i32
      %dma_wait3A_580 = arith.constant 0 : i32
      %dma_wait3A_581 = tpu.memref_slice %arg6[%dma_wait3A_577, %dma_wait3A_578, %dma_wait3A_579, %dma_wait3A_580] : memref<2x8x32x128xf32, #tpu.memory_space<vmem>> -> memref<1x1x32x128xf32, #tpu.memory_space<vmem>>
      %dma_wait3A_582 = tpu.memref_squeeze %dma_wait3A_581 : memref<1x1x32x128xf32, #tpu.memory_space<vmem>> -> memref<32x128xf32, #tpu.memory_space<vmem>>
      %dma_wait3A_583 = arith.constant 0 : i32
      %dma_wait3A_584 = arith.constant 0 : i32
      %dma_wait3A_585 = tpu.memref_slice %arg3[%dma_wait3A_583, %dma_wait3A_584] : memref<32x1000002xf32, #tpu.memory_space<hbm>> -> memref<32x128xf32, #tpu.memory_space<hbm>>
      %dma_wait3A_586 = arith.constant 0 : i32
      %dma_wait3A_587 = arith.constant 0 : i32
      %dma_wait3A_588 = tpu.memref_slice %arg6[%dma_wait3A_577, %dma_wait3A_578, %dma_wait3A_586, %dma_wait3A_587] : memref<2x8x32x128xf32, #tpu.memory_space<vmem>> -> memref<1x1x32x128xf32, #tpu.memory_space<vmem>>
      %dma_wait3A_589 = tpu.memref_squeeze %dma_wait3A_588 : memref<1x1x32x128xf32, #tpu.memory_space<vmem>> -> memref<32x128xf32, #tpu.memory_space<vmem>>
      %dma_wait3A_590 = arith.constant 0 : i32
      %dma_wait3A_591 = arith.constant 0 : i32
      %dma_wait3A_592 = tpu.memref_slice %arg3[%dma_wait3A_590, %dma_wait3A_591] : memref<32x1000002xf32, #tpu.memory_space<hbm>> -> memref<32x128xf32, #tpu.memory_space<hbm>>
      tpu.wait_dma2 semaphore(%arg8 : memref<!tpu.dma_semaphore, #tpu.memory_space<semaphore_mem>>) src(%dma_wait3A_592 : memref<32x128xf32, #tpu.memory_space<hbm>>) dst(%dma_wait3A_589 : memref<32x128xf32, #tpu.memory_space<vmem>>)
      %mul3A_593 = arith.constant 8 : i32
      %mul3A_594 = arith.muli %add3A_483, %mul3A_593 : i32
      %get3A_595 = arith.index_cast %mul3A_594 : i32 to index
      %get3A_596 = tpu.vector_load %arg5[%get3A_595] {strides = array<i32>} : memref<528xi32, #tpu.memory_space<vmem>>, vector<16xi32>,
      %eq3A_597 = arith.constant 1 : i32
      %eq3A_598 = vector.broadcast %eq3A_597 : i32 to vector<16xi32>
      %eq3A_599 = arith.cmpi eq, %iota3A, %eq3A_598 : vector<16xi32>
      %jit3A_600 = arith.constant 0 : i32
      %broadcast_in_dim3A_601 = vector.broadcast %jit3A_600 : i32 to vector<16xi32>
      %select_n3A_602 = arith.select %eq3A_599, %get3A_596, %broadcast_in_dim3A_601 : vector<16xi1>, vector<16xi32>
      %reduce_max3A_603 = arith.constant true
      %reduce_max3A_604 = vector.broadcast %reduce_max3A_603 : i1 to vector<16xi1>
      %reduce_max3A_605 = arith.constant -2147483648 : i32
      %reduce_max3A_606 = vector.broadcast %reduce_max3A_605 : i32 to vector<16xi32>
      %reduce_max3A_607 = arith.xori %select_n3A_602, %reduce_max3A_606 : vector<16xi32>
      %reduce_max3A_608 = tpu.scan <max>, %reduce_max3A_607 masked %reduce_max3A_604 : vector<16xi32>, vector<16xi1> -> vector<16xi32>
      %reduce_max3A_609 = arith.xori %reduce_max3A_608, %reduce_max3A_606 : vector<16xi32>
      %reduce_max3A_610 = vector.extract %reduce_max3A_609[15] : i32 from vector<16xi32>
      %jit3A_611 = arith.constant 128 : i32
      %div3A_612 = arith.divsi %reduce_max3A_610, %jit3A_611 : i32
      %sign3A_613 = arith.constant 0 : i32
      %sign3A_614 = arith.cmpi sgt, %reduce_max3A_610, %sign3A_613 : i32
      %sign3A_615 = arith.extui %sign3A_614 : i1 to i32
      %sign3A_616 = arith.constant 0 : i32
      %sign3A_617 = arith.cmpi slt, %reduce_max3A_610, %sign3A_616 : i32
      %sign3A_618 = arith.extui %sign3A_617 : i1 to i32
      %sign3A_619 = arith.subi %sign3A_615, %sign3A_618 : i32
      %sign3A_620 = arith.constant 0 : i32
      %sign3A_621 = arith.cmpi sgt, %jit3A_611, %sign3A_620 : i32
      %sign3A_622 = arith.extui %sign3A_621 : i1 to i32
      %sign3A_623 = arith.constant 0 : i32
      %sign3A_624 = arith.cmpi slt, %jit3A_611, %sign3A_623 : i32
      %sign3A_625 = arith.extui %sign3A_624 : i1 to i32
      %sign3A_626 = arith.subi %sign3A_622, %sign3A_625 : i32
      %ne3A_627 = arith.cmpi ne, %sign3A_619, %sign3A_626 : i32
      %rem3A_628 = arith.remsi %reduce_max3A_610, %jit3A_611 : i32
      %ne3A_629 = arith.constant 0 : i32
      %ne3A_630 = arith.cmpi ne, %rem3A_628, %ne3A_629 : i32
      %and3A_631 = arith.andi %ne3A_627, %ne3A_630 : i1
      %sub3A_632 = arith.constant 1 : i32
      %sub3A_633 = arith.subi %div3A_612, %sub3A_632 : i32
      %select_n3A_634 = arith.select %and3A_631, %sub3A_633, %div3A_612 : i32
      %mul3A_635 = arith.constant 128 : i32
      %mul3A_636 = arith.muli %select_n3A_634, %mul3A_635 : i32
      %multiple_of3A_637 = tpu.assume_multiple %mul3A_636, 128 : i32
      %sub3A_638 = arith.subi %reduce_max3A_610, %multiple_of3A_637 : i32
      %broadcast_in_dim3A_639 = arith.constant 0 : i32
      %broadcast_in_dim3A_640 = vector.broadcast %broadcast_in_dim3A_639 : i32 to vector<16xi32>
      %add3A_641 = vector.broadcast %sub3A_638 : i32 to vector<16xi32>
      %add3A_642 = arith.addi %add3A_641, %broadcast_in_dim3A_640 : vector<16xi32>
      %broadcast_in_dim3A_643 = arith.constant 0 : i32
      %broadcast_in_dim3A_644 = vector.broadcast %broadcast_in_dim3A_643 : i32 to vector<16xi32>
      %broadcast_in_dim3A_645 = arith.constant 1 : i32
      %broadcast_in_dim3A_646 = vector.broadcast %broadcast_in_dim3A_645 : i32 to vector<16xi32>
      %gather3A_647 = tpu.vector_load_idx %arg6[%broadcast_in_dim3A_644, %broadcast_in_dim3A_646, %iota3A, %add3A_642] : memref<2x8x32x128xf32, #tpu.memory_space<vmem>>[vector<16xi32>, vector<16xi32>, vector<16xi32>, vector<16xi32>], vector<16xf32>,
      %add3A_648 = arith.constant 16 : i32
      %add3A_649 = vector.broadcast %add3A_648 : i32 to vector<16xi32>
      %add3A_650 = arith.addi %add3A_649, %iota3A : vector<16xi32>
      %gather3A_651 = tpu.vector_load_idx %arg6[%broadcast_in_dim3A_644, %broadcast_in_dim3A_646, %add3A_650, %add3A_642] : memref<2x8x32x128xf32, #tpu.memory_space<vmem>>[vector<16xi32>, vector<16xi32>, vector<16xi32>, vector<16xi32>], vector<16xf32>,
      %swap3A_652 = arith.constant 0 : i32
      %swap3A_653 = arith.constant 1 : i32
      %swap3A_654 = arith.index_cast %swap3A_652 : i32 to index
      %swap3A_655 = arith.index_cast %swap3A_653 : i32 to index
      %swap3A_656 = arith.constant 0 : index
      %swap3A_657 = tpu.vector_load %arg7[%swap3A_654, %swap3A_655, %swap3A_656] {strides = array<i32>} : memref<2x8x32xf32, #tpu.memory_space<vmem>>, vector<16xf32>,
      tpu.vector_store %arg7[%swap3A_654, %swap3A_655, %swap3A_656], %gather3A_647 {strides = array<i32>} : memref<2x8x32xf32, #tpu.memory_space<vmem>>, vector<16xf32>,
      %swap3A_658 = arith.constant 0 : i32
      %swap3A_659 = arith.constant 1 : i32
      %swap3A_660 = arith.index_cast %swap3A_658 : i32 to index
      %swap3A_661 = arith.index_cast %swap3A_659 : i32 to index
      %swap3A_662 = arith.constant 16 : index
      %swap3A_663 = tpu.vector_load %arg7[%swap3A_660, %swap3A_661, %swap3A_662] {strides = array<i32>} : memref<2x8x32xf32, #tpu.memory_space<vmem>>, vector<16xf32>,
      tpu.vector_store %arg7[%swap3A_660, %swap3A_661, %swap3A_662], %gather3A_651 {strides = array<i32>} : memref<2x8x32xf32, #tpu.memory_space<vmem>>, vector<16xf32>,
      %dma_wait3A_664 = arith.constant 0 : i32
      %dma_wait3A_665 = arith.constant 2 : i32
      %dma_wait3A_666 = arith.constant 0 : i32
      %dma_wait3A_667 = arith.constant 0 : i32
      %dma_wait3A_668 = tpu.memref_slice %arg6[%dma_wait3A_664, %dma_wait3A_665, %dma_wait3A_666, %dma_wait3A_667] : memref<2x8x32x128xf32, #tpu.memory_space<vmem>> -> memref<1x1x32x128xf32, #tpu.memory_space<vmem>>
      %dma_wait3A_669 = tpu.memref_squeeze %dma_wait3A_668 : memref<1x1x32x128xf32, #tpu.memory_space<vmem>> -> memref<32x128xf32, #tpu.memory_space<vmem>>
      %dma_wait3A_670 = arith.constant 0 : i32
      %dma_wait3A_671 = arith.constant 0 : i32
      %dma_wait3A_672 = tpu.memref_slice %arg3[%dma_wait3A_670, %dma_wait3A_671] : memref<32x1000002xf32, #tpu.memory_space<hbm>> -> memref<32x128xf32, #tpu.memory_space<hbm>>
      %dma_wait3A_673 = arith.constant 0 : i32
      %dma_wait3A_674 = arith.constant 0 : i32
      %dma_wait3A_675 = tpu.memref_slice %arg6[%dma_wait3A_664, %dma_wait3A_665, %dma_wait3A_673, %dma_wait3A_674] : memref<2x8x32x128xf32, #tpu.memory_space<vmem>> -> memref<1x1x32x128xf32, #tpu.memory_space<vmem>>
      %dma_wait3A_676 = tpu.memref_squeeze %dma_wait3A_675 : memref<1x1x32x128xf32, #tpu.memory_space<vmem>> -> memref<32x128xf32, #tpu.memory_space<vmem>>
      %dma_wait3A_677 = arith.constant 0 : i32
      %dma_wait3A_678 = arith.constant 0 : i32
      %dma_wait3A_679 = tpu.memref_slice %arg3[%dma_wait3A_677, %dma_wait3A_678] : memref<32x1000002xf32, #tpu.memory_space<hbm>> -> memref<32x128xf32, #tpu.memory_space<hbm>>
      tpu.wait_dma2 semaphore(%arg8 : memref<!tpu.dma_semaphore, #tpu.memory_space<semaphore_mem>>) src(%dma_wait3A_679 : memref<32x128xf32, #tpu.memory_space<hbm>>) dst(%dma_wait3A_676 : memref<32x128xf32, #tpu.memory_space<vmem>>)
      %mul3A_680 = arith.constant 8 : i32
      %mul3A_681 = arith.muli %add3A_483, %mul3A_680 : i32
      %get3A_682 = arith.index_cast %mul3A_681 : i32 to index
      %get3A_683 = tpu.vector_load %arg5[%get3A_682] {strides = array<i32>} : memref<528xi32, #tpu.memory_space<vmem>>, vector<16xi32>,
      %eq3A_684 = arith.constant 2 : i32
      %eq3A_685 = vector.broadcast %eq3A_684 : i32 to vector<16xi32>
      %eq3A_686 = arith.cmpi eq, %iota3A, %eq3A_685 : vector<16xi32>
      %jit3A_687 = arith.constant 0 : i32
      %broadcast_in_dim3A_688 = vector.broadcast %jit3A_687 : i32 to vector<16xi32>
      %select_n3A_689 = arith.select %eq3A_686, %get3A_683, %broadcast_in_dim3A_688 : vector<16xi1>, vector<16xi32>
      %reduce_max3A_690 = arith.constant true
      %reduce_max3A_691 = vector.broadcast %reduce_max3A_690 : i1 to vector<16xi1>
      %reduce_max3A_692 = arith.constant -2147483648 : i32
      %reduce_max3A_693 = vector.broadcast %reduce_max3A_692 : i32 to vector<16xi32>
      %reduce_max3A_694 = arith.xori %select_n3A_689, %reduce_max3A_693 : vector<16xi32>
      %reduce_max3A_695 = tpu.scan <max>, %reduce_max3A_694 masked %reduce_max3A_691 : vector<16xi32>, vector<16xi1> -> vector<16xi32>
      %reduce_max3A_696 = arith.xori %reduce_max3A_695, %reduce_max3A_693 : vector<16xi32>
      %reduce_max3A_697 = vector.extract %reduce_max3A_696[15] : i32 from vector<16xi32>
      %jit3A_698 = arith.constant 128 : i32
      %div3A_699 = arith.divsi %reduce_max3A_697, %jit3A_698 : i32
      %sign3A_700 = arith.constant 0 : i32
      %sign3A_701 = arith.cmpi sgt, %reduce_max3A_697, %sign3A_700 : i32
      %sign3A_702 = arith.extui %sign3A_701 : i1 to i32
      %sign3A_703 = arith.constant 0 : i32
      %sign3A_704 = arith.cmpi slt, %reduce_max3A_697, %sign3A_703 : i32
      %sign3A_705 = arith.extui %sign3A_704 : i1 to i32
      %sign3A_706 = arith.subi %sign3A_702, %sign3A_705 : i32
      %sign3A_707 = arith.constant 0 : i32
      %sign3A_708 = arith.cmpi sgt, %jit3A_698, %sign3A_707 : i32
      %sign3A_709 = arith.extui %sign3A_708 : i1 to i32
      %sign3A_710 = arith.constant 0 : i32
      %sign3A_711 = arith.cmpi slt, %jit3A_698, %sign3A_710 : i32
      %sign3A_712 = arith.extui %sign3A_711 : i1 to i32
      %sign3A_713 = arith.subi %sign3A_709, %sign3A_712 : i32
      %ne3A_714 = arith.cmpi ne, %sign3A_706, %sign3A_713 : i32
      %rem3A_715 = arith.remsi %reduce_max3A_697, %jit3A_698 : i32
      %ne3A_716 = arith.constant 0 : i32
      %ne3A_717 = arith.cmpi ne, %rem3A_715, %ne3A_716 : i32
      %and3A_718 = arith.andi %ne3A_714, %ne3A_717 : i1
      %sub3A_719 = arith.constant 1 : i32
      %sub3A_720 = arith.subi %div3A_699, %sub3A_719 : i32
      %select_n3A_721 = arith.select %and3A_718, %sub3A_720, %div3A_699 : i32
      %mul3A_722 = arith.constant 128 : i32
      %mul3A_723 = arith.muli %select_n3A_721, %mul3A_722 : i32
      %multiple_of3A_724 = tpu.assume_multiple %mul3A_723, 128 : i32
      %sub3A_725 = arith.subi %reduce_max3A_697, %multiple_of3A_724 : i32
      %broadcast_in_dim3A_726 = arith.constant 0 : i32
      %broadcast_in_dim3A_727 = vector.broadcast %broadcast_in_dim3A_726 : i32 to vector<16xi32>
      %add3A_728 = vector.broadcast %sub3A_725 : i32 to vector<16xi32>
      %add3A_729 = arith.addi %add3A_728, %broadcast_in_dim3A_727 : vector<16xi32>
      %broadcast_in_dim3A_730 = arith.constant 0 : i32
      %broadcast_in_dim3A_731 = vector.broadcast %broadcast_in_dim3A_730 : i32 to vector<16xi32>
      %broadcast_in_dim3A_732 = arith.constant 2 : i32
      %broadcast_in_dim3A_733 = vector.broadcast %broadcast_in_dim3A_732 : i32 to vector<16xi32>
      %gather3A_734 = tpu.vector_load_idx %arg6[%broadcast_in_dim3A_731, %broadcast_in_dim3A_733, %iota3A, %add3A_729] : memref<2x8x32x128xf32, #tpu.memory_space<vmem>>[vector<16xi32>, vector<16xi32>, vector<16xi32>, vector<16xi32>], vector<16xf32>,
      %add3A_735 = arith.constant 16 : i32
      %add3A_736 = vector.broadcast %add3A_735 : i32 to vector<16xi32>
      %add3A_737 = arith.addi %add3A_736, %iota3A : vector<16xi32>
      %gather3A_738 = tpu.vector_load_idx %arg6[%broadcast_in_dim3A_731, %broadcast_in_dim3A_733, %add3A_737, %add3A_729] : memref<2x8x32x128xf32, #tpu.memory_space<vmem>>[vector<16xi32>, vector<16xi32>, vector<16xi32>, vector<16xi32>], vector<16xf32>,
      %swap3A_739 = arith.constant 0 : i32
      %swap3A_740 = arith.constant 2 : i32
      %swap3A_741 = arith.index_cast %swap3A_739 : i32 to index
      %swap3A_742 = arith.index_cast %swap3A_740 : i32 to index
      %swap3A_743 = arith.constant 0 : index
      %swap3A_744 = tpu.vector_load %arg7[%swap3A_741, %swap3A_742, %swap3A_743] {strides = array<i32>} : memref<2x8x32xf32, #tpu.memory_space<vmem>>, vector<16xf32>,
      tpu.vector_store %arg7[%swap3A_741, %swap3A_742, %swap3A_743], %gather3A_734 {strides = array<i32>} : memref<2x8x32xf32, #tpu.memory_space<vmem>>, vector<16xf32>,
      %swap3A_745 = arith.constant 0 : i32
      %swap3A_746 = arith.constant 2 : i32
      %swap3A_747 = arith.index_cast %swap3A_745 : i32 to index
      %swap3A_748 = arith.index_cast %swap3A_746 : i32 to index
      %swap3A_749 = arith.constant 16 : index
      %swap3A_750 = tpu.vector_load %arg7[%swap3A_747, %swap3A_748, %swap3A_749] {strides = array<i32>} : memref<2x8x32xf32, #tpu.memory_space<vmem>>, vector<16xf32>,
      tpu.vector_store %arg7[%swap3A_747, %swap3A_748, %swap3A_749], %gather3A_738 {strides = array<i32>} : memref<2x8x32xf32, #tpu.memory_space<vmem>>, vector<16xf32>,
      %dma_wait3A_751 = arith.constant 0 : i32
      %dma_wait3A_752 = arith.constant 3 : i32
      %dma_wait3A_753 = arith.constant 0 : i32
      %dma_wait3A_754 = arith.constant 0 : i32
      %dma_wait3A_755 = tpu.memref_slice %arg6[%dma_wait3A_751, %dma_wait3A_752, %dma_wait3A_753, %dma_wait3A_754] : memref<2x8x32x128xf32, #tpu.memory_space<vmem>> -> memref<1x1x32x128xf32, #tpu.memory_space<vmem>>
      %dma_wait3A_756 = tpu.memref_squeeze %dma_wait3A_755 : memref<1x1x32x128xf32, #tpu.memory_space<vmem>> -> memref<32x128xf32, #tpu.memory_space<vmem>>
      %dma_wait3A_757 = arith.constant 0 : i32
      %dma_wait3A_758 = arith.constant 0 : i32
      %dma_wait3A_759 = tpu.memref_slice %arg3[%dma_wait3A_757, %dma_wait3A_758] : memref<32x1000002xf32, #tpu.memory_space<hbm>> -> memref<32x128xf32, #tpu.memory_space<hbm>>
      %dma_wait3A_760 = arith.constant 0 : i32
      %dma_wait3A_761 = arith.constant 0 : i32
      %dma_wait3A_762 = tpu.memref_slice %arg6[%dma_wait3A_751, %dma_wait3A_752, %dma_wait3A_760, %dma_wait3A_761] : memref<2x8x32x128xf32, #tpu.memory_space<vmem>> -> memref<1x1x32x128xf32, #tpu.memory_space<vmem>>
      %dma_wait3A_763 = tpu.memref_squeeze %dma_wait3A_762 : memref<1x1x32x128xf32, #tpu.memory_space<vmem>> -> memref<32x128xf32, #tpu.memory_space<vmem>>
      %dma_wait3A_764 = arith.constant 0 : i32
      %dma_wait3A_765 = arith.constant 0 : i32
      %dma_wait3A_766 = tpu.memref_slice %arg3[%dma_wait3A_764, %dma_wait3A_765] : memref<32x1000002xf32, #tpu.memory_space<hbm>> -> memref<32x128xf32, #tpu.memory_space<hbm>>
      tpu.wait_dma2 semaphore(%arg8 : memref<!tpu.dma_semaphore, #tpu.memory_space<semaphore_mem>>) src(%dma_wait3A_766 : memref<32x128xf32, #tpu.memory_space<hbm>>) dst(%dma_wait3A_763 : memref<32x128xf32, #tpu.memory_space<vmem>>)
      %mul3A_767 = arith.constant 8 : i32
      %mul3A_768 = arith.muli %add3A_483, %mul3A_767 : i32
      %get3A_769 = arith.index_cast %mul3A_768 : i32 to index
      %get3A_770 = tpu.vector_load %arg5[%get3A_769] {strides = array<i32>} : memref<528xi32, #tpu.memory_space<vmem>>, vector<16xi32>,
      %eq3A_771 = arith.constant 3 : i32
      %eq3A_772 = vector.broadcast %eq3A_771 : i32 to vector<16xi32>
      %eq3A_773 = arith.cmpi eq, %iota3A, %eq3A_772 : vector<16xi32>
      %jit3A_774 = arith.constant 0 : i32
      %broadcast_in_dim3A_775 = vector.broadcast %jit3A_774 : i32 to vector<16xi32>
      %select_n3A_776 = arith.select %eq3A_773, %get3A_770, %broadcast_in_dim3A_775 : vector<16xi1>, vector<16xi32>
      %reduce_max3A_777 = arith.constant true
      %reduce_max3A_778 = vector.broadcast %reduce_max3A_777 : i1 to vector<16xi1>
      %reduce_max3A_779 = arith.constant -2147483648 : i32
      %reduce_max3A_780 = vector.broadcast %reduce_max3A_779 : i32 to vector<16xi32>
      %reduce_max3A_781 = arith.xori %select_n3A_776, %reduce_max3A_780 : vector<16xi32>
      %reduce_max3A_782 = tpu.scan <max>, %reduce_max3A_781 masked %reduce_max3A_778 : vector<16xi32>, vector<16xi1> -> vector<16xi32>
      %reduce_max3A_783 = arith.xori %reduce_max3A_782, %reduce_max3A_780 : vector<16xi32>
      %reduce_max3A_784 = vector.extract %reduce_max3A_783[15] : i32 from vector<16xi32>
      %jit3A_785 = arith.constant 128 : i32
      %div3A_786 = arith.divsi %reduce_max3A_784, %jit3A_785 : i32
      %sign3A_787 = arith.constant 0 : i32
      %sign3A_788 = arith.cmpi sgt, %reduce_max3A_784, %sign3A_787 : i32
      %sign3A_789 = arith.extui %sign3A_788 : i1 to i32
      %sign3A_790 = arith.constant 0 : i32
      %sign3A_791 = arith.cmpi slt, %reduce_max3A_784, %sign3A_790 : i32
      %sign3A_792 = arith.extui %sign3A_791 : i1 to i32
      %sign3A_793 = arith.subi %sign3A_789, %sign3A_792 : i32
      %sign3A_794 = arith.constant 0 : i32
      %sign3A_795 = arith.cmpi sgt, %jit3A_785, %sign3A_794 : i32
      %sign3A_796 = arith.extui %sign3A_795 : i1 to i32
      %sign3A_797 = arith.constant 0 : i32
      %sign3A_798 = arith.cmpi slt, %jit3A_785, %sign3A_797 : i32
      %sign3A_799 = arith.extui %sign3A_798 : i1 to i32
      %sign3A_800 = arith.subi %sign3A_796, %sign3A_799 : i32
      %ne3A_801 = arith.cmpi ne, %sign3A_793, %sign3A_800 : i32
      %rem3A_802 = arith.remsi %reduce_max3A_784, %jit3A_785 : i32
      %ne3A_803 = arith.constant 0 : i32
      %ne3A_804 = arith.cmpi ne, %rem3A_802, %ne3A_803 : i32
      %and3A_805 = arith.andi %ne3A_801, %ne3A_804 : i1
      %sub3A_806 = arith.constant 1 : i32
      %sub3A_807 = arith.subi %div3A_786, %sub3A_806 : i32
      %select_n3A_808 = arith.select %and3A_805, %sub3A_807, %div3A_786 : i32
      %mul3A_809 = arith.constant 128 : i32
      %mul3A_810 = arith.muli %select_n3A_808, %mul3A_809 : i32
      %multiple_of3A_811 = tpu.assume_multiple %mul3A_810, 128 : i32
      %sub3A_812 = arith.subi %reduce_max3A_784, %multiple_of3A_811 : i32
      %broadcast_in_dim3A_813 = arith.constant 0 : i32
      %broadcast_in_dim3A_814 = vector.broadcast %broadcast_in_dim3A_813 : i32 to vector<16xi32>
      %add3A_815 = vector.broadcast %sub3A_812 : i32 to vector<16xi32>
      %add3A_816 = arith.addi %add3A_815, %broadcast_in_dim3A_814 : vector<16xi32>
      %broadcast_in_dim3A_817 = arith.constant 0 : i32
      %broadcast_in_dim3A_818 = vector.broadcast %broadcast_in_dim3A_817 : i32 to vector<16xi32>
      %broadcast_in_dim3A_819 = arith.constant 3 : i32
      %broadcast_in_dim3A_820 = vector.broadcast %broadcast_in_dim3A_819 : i32 to vector<16xi32>
      %gather3A_821 = tpu.vector_load_idx %arg6[%broadcast_in_dim3A_818, %broadcast_in_dim3A_820, %iota3A, %add3A_816] : memref<2x8x32x128xf32, #tpu.memory_space<vmem>>[vector<16xi32>, vector<16xi32>, vector<16xi32>, vector<16xi32>], vector<16xf32>,
      %add3A_822 = arith.constant 16 : i32
      %add3A_823 = vector.broadcast %add3A_822 : i32 to vector<16xi32>
      %add3A_824 = arith.addi %add3A_823, %iota3A : vector<16xi32>
      %gather3A_825 = tpu.vector_load_idx %arg6[%broadcast_in_dim3A_818, %broadcast_in_dim3A_820, %add3A_824, %add3A_816] : memref<2x8x32x128xf32, #tpu.memory_space<vmem>>[vector<16xi32>, vector<16xi32>, vector<16xi32>, vector<16xi32>], vector<16xf32>,
      %swap3A_826 = arith.constant 0 : i32
      %swap3A_827 = arith.constant 3 : i32
      %swap3A_828 = arith.index_cast %swap3A_826 : i32 to index
      %swap3A_829 = arith.index_cast %swap3A_827 : i32 to index
      %swap3A_830 = arith.constant 0 : index
      %swap3A_831 = tpu.vector_load %arg7[%swap3A_828, %swap3A_829, %swap3A_830] {strides = array<i32>} : memref<2x8x32xf32, #tpu.memory_space<vmem>>, vector<16xf32>,
      tpu.vector_store %arg7[%swap3A_828, %swap3A_829, %swap3A_830], %gather3A_821 {strides = array<i32>} : memref<2x8x32xf32, #tpu.memory_space<vmem>>, vector<16xf32>,
      %swap3A_832 = arith.constant 0 : i32
      %swap3A_833 = arith.constant 3 : i32
      %swap3A_834 = arith.index_cast %swap3A_832 : i32 to index
      %swap3A_835 = arith.index_cast %swap3A_833 : i32 to index
      %swap3A_836 = arith.constant 16 : index
      %swap3A_837 = tpu.vector_load %arg7[%swap3A_834, %swap3A_835, %swap3A_836] {strides = array<i32>} : memref<2x8x32xf32, #tpu.memory_space<vmem>>, vector<16xf32>,
      tpu.vector_store %arg7[%swap3A_834, %swap3A_835, %swap3A_836], %gather3A_825 {strides = array<i32>} : memref<2x8x32xf32, #tpu.memory_space<vmem>>, vector<16xf32>,
      %dma_wait3A_838 = arith.constant 0 : i32
      %dma_wait3A_839 = arith.constant 4 : i32
      %dma_wait3A_840 = arith.constant 0 : i32
      %dma_wait3A_841 = arith.constant 0 : i32
      %dma_wait3A_842 = tpu.memref_slice %arg6[%dma_wait3A_838, %dma_wait3A_839, %dma_wait3A_840, %dma_wait3A_841] : memref<2x8x32x128xf32, #tpu.memory_space<vmem>> -> memref<1x1x32x128xf32, #tpu.memory_space<vmem>>
      %dma_wait3A_843 = tpu.memref_squeeze %dma_wait3A_842 : memref<1x1x32x128xf32, #tpu.memory_space<vmem>> -> memref<32x128xf32, #tpu.memory_space<vmem>>
      %dma_wait3A_844 = arith.constant 0 : i32
      %dma_wait3A_845 = arith.constant 0 : i32
      %dma_wait3A_846 = tpu.memref_slice %arg3[%dma_wait3A_844, %dma_wait3A_845] : memref<32x1000002xf32, #tpu.memory_space<hbm>> -> memref<32x128xf32, #tpu.memory_space<hbm>>
      %dma_wait3A_847 = arith.constant 0 : i32
      %dma_wait3A_848 = arith.constant 0 : i32
      %dma_wait3A_849 = tpu.memref_slice %arg6[%dma_wait3A_838, %dma_wait3A_839, %dma_wait3A_847, %dma_wait3A_848] : memref<2x8x32x128xf32, #tpu.memory_space<vmem>> -> memref<1x1x32x128xf32, #tpu.memory_space<vmem>>
      %dma_wait3A_850 = tpu.memref_squeeze %dma_wait3A_849 : memref<1x1x32x128xf32, #tpu.memory_space<vmem>> -> memref<32x128xf32, #tpu.memory_space<vmem>>
      %dma_wait3A_851 = arith.constant 0 : i32
      %dma_wait3A_852 = arith.constant 0 : i32
      %dma_wait3A_853 = tpu.memref_slice %arg3[%dma_wait3A_851, %dma_wait3A_852] : memref<32x1000002xf32, #tpu.memory_space<hbm>> -> memref<32x128xf32, #tpu.memory_space<hbm>>
      tpu.wait_dma2 semaphore(%arg8 : memref<!tpu.dma_semaphore, #tpu.memory_space<semaphore_mem>>) src(%dma_wait3A_853 : memref<32x128xf32, #tpu.memory_space<hbm>>) dst(%dma_wait3A_850 : memref<32x128xf32, #tpu.memory_space<vmem>>)
      %mul3A_854 = arith.constant 8 : i32
      %mul3A_855 = arith.muli %add3A_483, %mul3A_854 : i32
      %get3A_856 = arith.index_cast %mul3A_855 : i32 to index
      %get3A_857 = tpu.vector_load %arg5[%get3A_856] {strides = array<i32>} : memref<528xi32, #tpu.memory_space<vmem>>, vector<16xi32>,
      %eq3A_858 = arith.constant 4 : i32
      %eq3A_859 = vector.broadcast %eq3A_858 : i32 to vector<16xi32>
      %eq3A_860 = arith.cmpi eq, %iota3A, %eq3A_859 : vector<16xi32>
      %jit3A_861 = arith.constant 0 : i32
      %broadcast_in_dim3A_862 = vector.broadcast %jit3A_861 : i32 to vector<16xi32>
      %select_n3A_863 = arith.select %eq3A_860, %get3A_857, %broadcast_in_dim3A_862 : vector<16xi1>, vector<16xi32>
      %reduce_max3A_864 = arith.constant true
      %reduce_max3A_865 = vector.broadcast %reduce_max3A_864 : i1 to vector<16xi1>
      %reduce_max3A_866 = arith.constant -2147483648 : i32
      %reduce_max3A_867 = vector.broadcast %reduce_max3A_866 : i32 to vector<16xi32>
      %reduce_max3A_868 = arith.xori %select_n3A_863, %reduce_max3A_867 : vector<16xi32>
      %reduce_max3A_869 = tpu.scan <max>, %reduce_max3A_868 masked %reduce_max3A_865 : vector<16xi32>, vector<16xi1> -> vector<16xi32>
      %reduce_max3A_870 = arith.xori %reduce_max3A_869, %reduce_max3A_867 : vector<16xi32>
      %reduce_max3A_871 = vector.extract %reduce_max3A_870[15] : i32 from vector<16xi32>
      %jit3A_872 = arith.constant 128 : i32
      %div3A_873 = arith.divsi %reduce_max3A_871, %jit3A_872 : i32
      %sign3A_874 = arith.constant 0 : i32
      %sign3A_875 = arith.cmpi sgt, %reduce_max3A_871, %sign3A_874 : i32
      %sign3A_876 = arith.extui %sign3A_875 : i1 to i32
      %sign3A_877 = arith.constant 0 : i32
      %sign3A_878 = arith.cmpi slt, %reduce_max3A_871, %sign3A_877 : i32
      %sign3A_879 = arith.extui %sign3A_878 : i1 to i32
      %sign3A_880 = arith.subi %sign3A_876, %sign3A_879 : i32
      %sign3A_881 = arith.constant 0 : i32
      %sign3A_882 = arith.cmpi sgt, %jit3A_872, %sign3A_881 : i32
      %sign3A_883 = arith.extui %sign3A_882 : i1 to i32
      %sign3A_884 = arith.constant 0 : i32
      %sign3A_885 = arith.cmpi slt, %jit3A_872, %sign3A_884 : i32
      %sign3A_886 = arith.extui %sign3A_885 : i1 to i32
      %sign3A_887 = arith.subi %sign3A_883, %sign3A_886 : i32
      %ne3A_888 = arith.cmpi ne, %sign3A_880, %sign3A_887 : i32
      %rem3A_889 = arith.remsi %reduce_max3A_871, %jit3A_872 : i32
      %ne3A_890 = arith.constant 0 : i32
      %ne3A_891 = arith.cmpi ne, %rem3A_889, %ne3A_890 : i32
      %and3A_892 = arith.andi %ne3A_888, %ne3A_891 : i1
      %sub3A_893 = arith.constant 1 : i32
      %sub3A_894 = arith.subi %div3A_873, %sub3A_893 : i32
      %select_n3A_895 = arith.select %and3A_892, %sub3A_894, %div3A_873 : i32
      %mul3A_896 = arith.constant 128 : i32
      %mul3A_897 = arith.muli %select_n3A_895, %mul3A_896 : i32
      %multiple_of3A_898 = tpu.assume_multiple %mul3A_897, 128 : i32
      %sub3A_899 = arith.subi %reduce_max3A_871, %multiple_of3A_898 : i32
      %broadcast_in_dim3A_900 = arith.constant 0 : i32
      %broadcast_in_dim3A_901 = vector.broadcast %broadcast_in_dim3A_900 : i32 to vector<16xi32>
      %add3A_902 = vector.broadcast %sub3A_899 : i32 to vector<16xi32>
      %add3A_903 = arith.addi %add3A_902, %broadcast_in_dim3A_901 : vector<16xi32>
      %broadcast_in_dim3A_904 = arith.constant 0 : i32
      %broadcast_in_dim3A_905 = vector.broadcast %broadcast_in_dim3A_904 : i32 to vector<16xi32>
      %broadcast_in_dim3A_906 = arith.constant 4 : i32
      %broadcast_in_dim3A_907 = vector.broadcast %broadcast_in_dim3A_906 : i32 to vector<16xi32>
      %gather3A_908 = tpu.vector_load_idx %arg6[%broadcast_in_dim3A_905, %broadcast_in_dim3A_907, %iota3A, %add3A_903] : memref<2x8x32x128xf32, #tpu.memory_space<vmem>>[vector<16xi32>, vector<16xi32>, vector<16xi32>, vector<16xi32>], vector<16xf32>,
      %add3A_909 = arith.constant 16 : i32
      %add3A_910 = vector.broadcast %add3A_909 : i32 to vector<16xi32>
      %add3A_911 = arith.addi %add3A_910, %iota3A : vector<16xi32>
      %gather3A_912 = tpu.vector_load_idx %arg6[%broadcast_in_dim3A_905, %broadcast_in_dim3A_907, %add3A_911, %add3A_903] : memref<2x8x32x128xf32, #tpu.memory_space<vmem>>[vector<16xi32>, vector<16xi32>, vector<16xi32>, vector<16xi32>], vector<16xf32>,
      %swap3A_913 = arith.constant 0 : i32
      %swap3A_914 = arith.constant 4 : i32
      %swap3A_915 = arith.index_cast %swap3A_913 : i32 to index
      %swap3A_916 = arith.index_cast %swap3A_914 : i32 to index
      %swap3A_917 = arith.constant 0 : index
      %swap3A_918 = tpu.vector_load %arg7[%swap3A_915, %swap3A_916, %swap3A_917] {strides = array<i32>} : memref<2x8x32xf32, #tpu.memory_space<vmem>>, vector<16xf32>,
      tpu.vector_store %arg7[%swap3A_915, %swap3A_916, %swap3A_917], %gather3A_908 {strides = array<i32>} : memref<2x8x32xf32, #tpu.memory_space<vmem>>, vector<16xf32>,
      %swap3A_919 = arith.constant 0 : i32
      %swap3A_920 = arith.constant 4 : i32
      %swap3A_921 = arith.index_cast %swap3A_919 : i32 to index
      %swap3A_922 = arith.index_cast %swap3A_920 : i32 to index
      %swap3A_923 = arith.constant 16 : index
      %swap3A_924 = tpu.vector_load %arg7[%swap3A_921, %swap3A_922, %swap3A_923] {strides = array<i32>} : memref<2x8x32xf32, #tpu.memory_space<vmem>>, vector<16xf32>,
      tpu.vector_store %arg7[%swap3A_921, %swap3A_922, %swap3A_923], %gather3A_912 {strides = array<i32>} : memref<2x8x32xf32, #tpu.memory_space<vmem>>, vector<16xf32>,
      %dma_wait3A_925 = arith.constant 0 : i32
      %dma_wait3A_926 = arith.constant 5 : i32
      %dma_wait3A_927 = arith.constant 0 : i32
      %dma_wait3A_928 = arith.constant 0 : i32
      %dma_wait3A_929 = tpu.memref_slice %arg6[%dma_wait3A_925, %dma_wait3A_926, %dma_wait3A_927, %dma_wait3A_928] : memref<2x8x32x128xf32, #tpu.memory_space<vmem>> -> memref<1x1x32x128xf32, #tpu.memory_space<vmem>>
      %dma_wait3A_930 = tpu.memref_squeeze %dma_wait3A_929 : memref<1x1x32x128xf32, #tpu.memory_space<vmem>> -> memref<32x128xf32, #tpu.memory_space<vmem>>
      %dma_wait3A_931 = arith.constant 0 : i32
      %dma_wait3A_932 = arith.constant 0 : i32
      %dma_wait3A_933 = tpu.memref_slice %arg3[%dma_wait3A_931, %dma_wait3A_932] : memref<32x1000002xf32, #tpu.memory_space<hbm>> -> memref<32x128xf32, #tpu.memory_space<hbm>>
      %dma_wait3A_934 = arith.constant 0 : i32
      %dma_wait3A_935 = arith.constant 0 : i32
      %dma_wait3A_936 = tpu.memref_slice %arg6[%dma_wait3A_925, %dma_wait3A_926, %dma_wait3A_934, %dma_wait3A_935] : memref<2x8x32x128xf32, #tpu.memory_space<vmem>> -> memref<1x1x32x128xf32, #tpu.memory_space<vmem>>
      %dma_wait3A_937 = tpu.memref_squeeze %dma_wait3A_936 : memref<1x1x32x128xf32, #tpu.memory_space<vmem>> -> memref<32x128xf32, #tpu.memory_space<vmem>>
      %dma_wait3A_938 = arith.constant 0 : i32
      %dma_wait3A_939 = arith.constant 0 : i32
      %dma_wait3A_940 = tpu.memref_slice %arg3[%dma_wait3A_938, %dma_wait3A_939] : memref<32x1000002xf32, #tpu.memory_space<hbm>> -> memref<32x128xf32, #tpu.memory_space<hbm>>
      tpu.wait_dma2 semaphore(%arg8 : memref<!tpu.dma_semaphore, #tpu.memory_space<semaphore_mem>>) src(%dma_wait3A_940 : memref<32x128xf32, #tpu.memory_space<hbm>>) dst(%dma_wait3A_937 : memref<32x128xf32, #tpu.memory_space<vmem>>)
      %mul3A_941 = arith.constant 8 : i32
      %mul3A_942 = arith.muli %add3A_483, %mul3A_941 : i32
      %get3A_943 = arith.index_cast %mul3A_942 : i32 to index
      %get3A_944 = tpu.vector_load %arg5[%get3A_943] {strides = array<i32>} : memref<528xi32, #tpu.memory_space<vmem>>, vector<16xi32>,
      %eq3A_945 = arith.constant 5 : i32
      %eq3A_946 = vector.broadcast %eq3A_945 : i32 to vector<16xi32>
      %eq3A_947 = arith.cmpi eq, %iota3A, %eq3A_946 : vector<16xi32>
      %jit3A_948 = arith.constant 0 : i32
      %broadcast_in_dim3A_949 = vector.broadcast %jit3A_948 : i32 to vector<16xi32>
      %select_n3A_950 = arith.select %eq3A_947, %get3A_944, %broadcast_in_dim3A_949 : vector<16xi1>, vector<16xi32>
      %reduce_max3A_951 = arith.constant true
      %reduce_max3A_952 = vector.broadcast %reduce_max3A_951 : i1 to vector<16xi1>
      %reduce_max3A_953 = arith.constant -2147483648 : i32
      %reduce_max3A_954 = vector.broadcast %reduce_max3A_953 : i32 to vector<16xi32>
      %reduce_max3A_955 = arith.xori %select_n3A_950, %reduce_max3A_954 : vector<16xi32>
      %reduce_max3A_956 = tpu.scan <max>, %reduce_max3A_955 masked %reduce_max3A_952 : vector<16xi32>, vector<16xi1> -> vector<16xi32>
      %reduce_max3A_957 = arith.xori %reduce_max3A_956, %reduce_max3A_954 : vector<16xi32>
      %reduce_max3A_958 = vector.extract %reduce_max3A_957[15] : i32 from vector<16xi32>
      %jit3A_959 = arith.constant 128 : i32
      %div3A_960 = arith.divsi %reduce_max3A_958, %jit3A_959 : i32
      %sign3A_961 = arith.constant 0 : i32
      %sign3A_962 = arith.cmpi sgt, %reduce_max3A_958, %sign3A_961 : i32
      %sign3A_963 = arith.extui %sign3A_962 : i1 to i32
      %sign3A_964 = arith.constant 0 : i32
      %sign3A_965 = arith.cmpi slt, %reduce_max3A_958, %sign3A_964 : i32
      %sign3A_966 = arith.extui %sign3A_965 : i1 to i32
      %sign3A_967 = arith.subi %sign3A_963, %sign3A_966 : i32
      %sign3A_968 = arith.constant 0 : i32
      %sign3A_969 = arith.cmpi sgt, %jit3A_959, %sign3A_968 : i32
      %sign3A_970 = arith.extui %sign3A_969 : i1 to i32
      %sign3A_971 = arith.constant 0 : i32
      %sign3A_972 = arith.cmpi slt, %jit3A_959, %sign3A_971 : i32
      %sign3A_973 = arith.extui %sign3A_972 : i1 to i32
      %sign3A_974 = arith.subi %sign3A_970, %sign3A_973 : i32
      %ne3A_975 = arith.cmpi ne, %sign3A_967, %sign3A_974 : i32
      %rem3A_976 = arith.remsi %reduce_max3A_958, %jit3A_959 : i32
      %ne3A_977 = arith.constant 0 : i32
      %ne3A_978 = arith.cmpi ne, %rem3A_976, %ne3A_977 : i32
      %and3A_979 = arith.andi %ne3A_975, %ne3A_978 : i1
      %sub3A_980 = arith.constant 1 : i32
      %sub3A_981 = arith.subi %div3A_960, %sub3A_980 : i32
      %select_n3A_982 = arith.select %and3A_979, %sub3A_981, %div3A_960 : i32
      %mul3A_983 = arith.constant 128 : i32
      %mul3A_984 = arith.muli %select_n3A_982, %mul3A_983 : i32
      %multiple_of3A_985 = tpu.assume_multiple %mul3A_984, 128 : i32
      %sub3A_986 = arith.subi %reduce_max3A_958, %multiple_of3A_985 : i32
      %broadcast_in_dim3A_987 = arith.constant 0 : i32
      %broadcast_in_dim3A_988 = vector.broadcast %broadcast_in_dim3A_987 : i32 to vector<16xi32>
      %add3A_989 = vector.broadcast %sub3A_986 : i32 to vector<16xi32>
      %add3A_990 = arith.addi %add3A_989, %broadcast_in_dim3A_988 : vector<16xi32>
      %broadcast_in_dim3A_991 = arith.constant 0 : i32
      %broadcast_in_dim3A_992 = vector.broadcast %broadcast_in_dim3A_991 : i32 to vector<16xi32>
      %broadcast_in_dim3A_993 = arith.constant 5 : i32
      %broadcast_in_dim3A_994 = vector.broadcast %broadcast_in_dim3A_993 : i32 to vector<16xi32>
      %gather3A_995 = tpu.vector_load_idx %arg6[%broadcast_in_dim3A_992, %broadcast_in_dim3A_994, %iota3A, %add3A_990] : memref<2x8x32x128xf32, #tpu.memory_space<vmem>>[vector<16xi32>, vector<16xi32>, vector<16xi32>, vector<16xi32>], vector<16xf32>,
      %add3A_996 = arith.constant 16 : i32
      %add3A_997 = vector.broadcast %add3A_996 : i32 to vector<16xi32>
      %add3A_998 = arith.addi %add3A_997, %iota3A : vector<16xi32>
      %gather3A_999 = tpu.vector_load_idx %arg6[%broadcast_in_dim3A_992, %broadcast_in_dim3A_994, %add3A_998, %add3A_990] : memref<2x8x32x128xf32, #tpu.memory_space<vmem>>[vector<16xi32>, vector<16xi32>, vector<16xi32>, vector<16xi32>], vector<16xf32>,
      %swap3A_1000 = arith.constant 0 : i32
      %swap3A_1001 = arith.constant 5 : i32
      %swap3A_1002 = arith.index_cast %swap3A_1000 : i32 to index
      %swap3A_1003 = arith.index_cast %swap3A_1001 : i32 to index
      %swap3A_1004 = arith.constant 0 : index
      %swap3A_1005 = tpu.vector_load %arg7[%swap3A_1002, %swap3A_1003, %swap3A_1004] {strides = array<i32>} : memref<2x8x32xf32, #tpu.memory_space<vmem>>, vector<16xf32>,
      tpu.vector_store %arg7[%swap3A_1002, %swap3A_1003, %swap3A_1004], %gather3A_995 {strides = array<i32>} : memref<2x8x32xf32, #tpu.memory_space<vmem>>, vector<16xf32>,
      %swap3A_1006 = arith.constant 0 : i32
      %swap3A_1007 = arith.constant 5 : i32
      %swap3A_1008 = arith.index_cast %swap3A_1006 : i32 to index
      %swap3A_1009 = arith.index_cast %swap3A_1007 : i32 to index
      %swap3A_1010 = arith.constant 16 : index
      %swap3A_1011 = tpu.vector_load %arg7[%swap3A_1008, %swap3A_1009, %swap3A_1010] {strides = array<i32>} : memref<2x8x32xf32, #tpu.memory_space<vmem>>, vector<16xf32>,
      tpu.vector_store %arg7[%swap3A_1008, %swap3A_1009, %swap3A_1010], %gather3A_999 {strides = array<i32>} : memref<2x8x32xf32, #tpu.memory_space<vmem>>, vector<16xf32>,
      %dma_wait3A_1012 = arith.constant 0 : i32
      %dma_wait3A_1013 = arith.constant 6 : i32
      %dma_wait3A_1014 = arith.constant 0 : i32
      %dma_wait3A_1015 = arith.constant 0 : i32
      %dma_wait3A_1016 = tpu.memref_slice %arg6[%dma_wait3A_1012, %dma_wait3A_1013, %dma_wait3A_1014, %dma_wait3A_1015] : memref<2x8x32x128xf32, #tpu.memory_space<vmem>> -> memref<1x1x32x128xf32, #tpu.memory_space<vmem>>
      %dma_wait3A_1017 = tpu.memref_squeeze %dma_wait3A_1016 : memref<1x1x32x128xf32, #tpu.memory_space<vmem>> -> memref<32x128xf32, #tpu.memory_space<vmem>>
      %dma_wait3A_1018 = arith.constant 0 : i32
      %dma_wait3A_1019 = arith.constant 0 : i32
      %dma_wait3A_1020 = tpu.memref_slice %arg3[%dma_wait3A_1018, %dma_wait3A_1019] : memref<32x1000002xf32, #tpu.memory_space<hbm>> -> memref<32x128xf32, #tpu.memory_space<hbm>>
      %dma_wait3A_1021 = arith.constant 0 : i32
      %dma_wait3A_1022 = arith.constant 0 : i32
      %dma_wait3A_1023 = tpu.memref_slice %arg6[%dma_wait3A_1012, %dma_wait3A_1013, %dma_wait3A_1021, %dma_wait3A_1022] : memref<2x8x32x128xf32, #tpu.memory_space<vmem>> -> memref<1x1x32x128xf32, #tpu.memory_space<vmem>>
      %dma_wait3A_1024 = tpu.memref_squeeze %dma_wait3A_1023 : memref<1x1x32x128xf32, #tpu.memory_space<vmem>> -> memref<32x128xf32, #tpu.memory_space<vmem>>
      %dma_wait3A_1025 = arith.constant 0 : i32
      %dma_wait3A_1026 = arith.constant 0 : i32
      %dma_wait3A_1027 = tpu.memref_slice %arg3[%dma_wait3A_1025, %dma_wait3A_1026] : memref<32x1000002xf32, #tpu.memory_space<hbm>> -> memref<32x128xf32, #tpu.memory_space<hbm>>
      tpu.wait_dma2 semaphore(%arg8 : memref<!tpu.dma_semaphore, #tpu.memory_space<semaphore_mem>>) src(%dma_wait3A_1027 : memref<32x128xf32, #tpu.memory_space<hbm>>) dst(%dma_wait3A_1024 : memref<32x128xf32, #tpu.memory_space<vmem>>)
      %mul3A_1028 = arith.constant 8 : i32
      %mul3A_1029 = arith.muli %add3A_483, %mul3A_1028 : i32
      %get3A_1030 = arith.index_cast %mul3A_1029 : i32 to index
      %get3A_1031 = tpu.vector_load %arg5[%get3A_1030] {strides = array<i32>} : memref<528xi32, #tpu.memory_space<vmem>>, vector<16xi32>,
      %eq3A_1032 = arith.constant 6 : i32
      %eq3A_1033 = vector.broadcast %eq3A_1032 : i32 to vector<16xi32>
      %eq3A_1034 = arith.cmpi eq, %iota3A, %eq3A_1033 : vector<16xi32>
      %jit3A_1035 = arith.constant 0 : i32
      %broadcast_in_dim3A_1036 = vector.broadcast %jit3A_1035 : i32 to vector<16xi32>
      %select_n3A_1037 = arith.select %eq3A_1034, %get3A_1031, %broadcast_in_dim3A_1036 : vector<16xi1>, vector<16xi32>
      %reduce_max3A_1038 = arith.constant true
      %reduce_max3A_1039 = vector.broadcast %reduce_max3A_1038 : i1 to vector<16xi1>
      %reduce_max3A_1040 = arith.constant -2147483648 : i32
      %reduce_max3A_1041 = vector.broadcast %reduce_max3A_1040 : i32 to vector<16xi32>
      %reduce_max3A_1042 = arith.xori %select_n3A_1037, %reduce_max3A_1041 : vector<16xi32>
      %reduce_max3A_1043 = tpu.scan <max>, %reduce_max3A_1042 masked %reduce_max3A_1039 : vector<16xi32>, vector<16xi1> -> vector<16xi32>
      %reduce_max3A_1044 = arith.xori %reduce_max3A_1043, %reduce_max3A_1041 : vector<16xi32>
      %reduce_max3A_1045 = vector.extract %reduce_max3A_1044[15] : i32 from vector<16xi32>
      %jit3A_1046 = arith.constant 128 : i32
      %div3A_1047 = arith.divsi %reduce_max3A_1045, %jit3A_1046 : i32
      %sign3A_1048 = arith.constant 0 : i32
      %sign3A_1049 = arith.cmpi sgt, %reduce_max3A_1045, %sign3A_1048 : i32
      %sign3A_1050 = arith.extui %sign3A_1049 : i1 to i32
      %sign3A_1051 = arith.constant 0 : i32
      %sign3A_1052 = arith.cmpi slt, %reduce_max3A_1045, %sign3A_1051 : i32
      %sign3A_1053 = arith.extui %sign3A_1052 : i1 to i32
      %sign3A_1054 = arith.subi %sign3A_1050, %sign3A_1053 : i32
      %sign3A_1055 = arith.constant 0 : i32
      %sign3A_1056 = arith.cmpi sgt, %jit3A_1046, %sign3A_1055 : i32
      %sign3A_1057 = arith.extui %sign3A_1056 : i1 to i32
      %sign3A_1058 = arith.constant 0 : i32
      %sign3A_1059 = arith.cmpi slt, %jit3A_1046, %sign3A_1058 : i32
      %sign3A_1060 = arith.extui %sign3A_1059 : i1 to i32
      %sign3A_1061 = arith.subi %sign3A_1057, %sign3A_1060 : i32
      %ne3A_1062 = arith.cmpi ne, %sign3A_1054, %sign3A_1061 : i32
      %rem3A_1063 = arith.remsi %reduce_max3A_1045, %jit3A_1046 : i32
      %ne3A_1064 = arith.constant 0 : i32
      %ne3A_1065 = arith.cmpi ne, %rem3A_1063, %ne3A_1064 : i32
      %and3A_1066 = arith.andi %ne3A_1062, %ne3A_1065 : i1
      %sub3A_1067 = arith.constant 1 : i32
      %sub3A_1068 = arith.subi %div3A_1047, %sub3A_1067 : i32
      %select_n3A_1069 = arith.select %and3A_1066, %sub3A_1068, %div3A_1047 : i32
      %mul3A_1070 = arith.constant 128 : i32
      %mul3A_1071 = arith.muli %select_n3A_1069, %mul3A_1070 : i32
      %multiple_of3A_1072 = tpu.assume_multiple %mul3A_1071, 128 : i32
      %sub3A_1073 = arith.subi %reduce_max3A_1045, %multiple_of3A_1072 : i32
      %broadcast_in_dim3A_1074 = arith.constant 0 : i32
      %broadcast_in_dim3A_1075 = vector.broadcast %broadcast_in_dim3A_1074 : i32 to vector<16xi32>
      %add3A_1076 = vector.broadcast %sub3A_1073 : i32 to vector<16xi32>
      %add3A_1077 = arith.addi %add3A_1076, %broadcast_in_dim3A_1075 : vector<16xi32>
      %broadcast_in_dim3A_1078 = arith.constant 0 : i32
      %broadcast_in_dim3A_1079 = vector.broadcast %broadcast_in_dim3A_1078 : i32 to vector<16xi32>
      %broadcast_in_dim3A_1080 = arith.constant 6 : i32
      %broadcast_in_dim3A_1081 = vector.broadcast %broadcast_in_dim3A_1080 : i32 to vector<16xi32>
      %gather3A_1082 = tpu.vector_load_idx %arg6[%broadcast_in_dim3A_1079, %broadcast_in_dim3A_1081, %iota3A, %add3A_1077] : memref<2x8x32x128xf32, #tpu.memory_space<vmem>>[vector<16xi32>, vector<16xi32>, vector<16xi32>, vector<16xi32>], vector<16xf32>,
      %add3A_1083 = arith.constant 16 : i32
      %add3A_1084 = vector.broadcast %add3A_1083 : i32 to vector<16xi32>
      %add3A_1085 = arith.addi %add3A_1084, %iota3A : vector<16xi32>
      %gather3A_1086 = tpu.vector_load_idx %arg6[%broadcast_in_dim3A_1079, %broadcast_in_dim3A_1081, %add3A_1085, %add3A_1077] : memref<2x8x32x128xf32, #tpu.memory_space<vmem>>[vector<16xi32>, vector<16xi32>, vector<16xi32>, vector<16xi32>], vector<16xf32>,
      %swap3A_1087 = arith.constant 0 : i32
      %swap3A_1088 = arith.constant 6 : i32
      %swap3A_1089 = arith.index_cast %swap3A_1087 : i32 to index
      %swap3A_1090 = arith.index_cast %swap3A_1088 : i32 to index
      %swap3A_1091 = arith.constant 0 : index
      %swap3A_1092 = tpu.vector_load %arg7[%swap3A_1089, %swap3A_1090, %swap3A_1091] {strides = array<i32>} : memref<2x8x32xf32, #tpu.memory_space<vmem>>, vector<16xf32>,
      tpu.vector_store %arg7[%swap3A_1089, %swap3A_1090, %swap3A_1091], %gather3A_1082 {strides = array<i32>} : memref<2x8x32xf32, #tpu.memory_space<vmem>>, vector<16xf32>,
      %swap3A_1093 = arith.constant 0 : i32
      %swap3A_1094 = arith.constant 6 : i32
      %swap3A_1095 = arith.index_cast %swap3A_1093 : i32 to index
      %swap3A_1096 = arith.index_cast %swap3A_1094 : i32 to index
      %swap3A_1097 = arith.constant 16 : index
      %swap3A_1098 = tpu.vector_load %arg7[%swap3A_1095, %swap3A_1096, %swap3A_1097] {strides = array<i32>} : memref<2x8x32xf32, #tpu.memory_space<vmem>>, vector<16xf32>,
      tpu.vector_store %arg7[%swap3A_1095, %swap3A_1096, %swap3A_1097], %gather3A_1086 {strides = array<i32>} : memref<2x8x32xf32, #tpu.memory_space<vmem>>, vector<16xf32>,
      %dma_wait3A_1099 = arith.constant 0 : i32
      %dma_wait3A_1100 = arith.constant 7 : i32
      %dma_wait3A_1101 = arith.constant 0 : i32
      %dma_wait3A_1102 = arith.constant 0 : i32
      %dma_wait3A_1103 = tpu.memref_slice %arg6[%dma_wait3A_1099, %dma_wait3A_1100, %dma_wait3A_1101, %dma_wait3A_1102] : memref<2x8x32x128xf32, #tpu.memory_space<vmem>> -> memref<1x1x32x128xf32, #tpu.memory_space<vmem>>
      %dma_wait3A_1104 = tpu.memref_squeeze %dma_wait3A_1103 : memref<1x1x32x128xf32, #tpu.memory_space<vmem>> -> memref<32x128xf32, #tpu.memory_space<vmem>>
      %dma_wait3A_1105 = arith.constant 0 : i32
      %dma_wait3A_1106 = arith.constant 0 : i32
      %dma_wait3A_1107 = tpu.memref_slice %arg3[%dma_wait3A_1105, %dma_wait3A_1106] : memref<32x1000002xf32, #tpu.memory_space<hbm>> -> memref<32x128xf32, #tpu.memory_space<hbm>>
      %dma_wait3A_1108 = arith.constant 0 : i32
      %dma_wait3A_1109 = arith.constant 0 : i32
      %dma_wait3A_1110 = tpu.memref_slice %arg6[%dma_wait3A_1099, %dma_wait3A_1100, %dma_wait3A_1108, %dma_wait3A_1109] : memref<2x8x32x128xf32, #tpu.memory_space<vmem>> -> memref<1x1x32x128xf32, #tpu.memory_space<vmem>>
      %dma_wait3A_1111 = tpu.memref_squeeze %dma_wait3A_1110 : memref<1x1x32x128xf32, #tpu.memory_space<vmem>> -> memref<32x128xf32, #tpu.memory_space<vmem>>
      %dma_wait3A_1112 = arith.constant 0 : i32
      %dma_wait3A_1113 = arith.constant 0 : i32
      %dma_wait3A_1114 = tpu.memref_slice %arg3[%dma_wait3A_1112, %dma_wait3A_1113] : memref<32x1000002xf32, #tpu.memory_space<hbm>> -> memref<32x128xf32, #tpu.memory_space<hbm>>
      tpu.wait_dma2 semaphore(%arg8 : memref<!tpu.dma_semaphore, #tpu.memory_space<semaphore_mem>>) src(%dma_wait3A_1114 : memref<32x128xf32, #tpu.memory_space<hbm>>) dst(%dma_wait3A_1111 : memref<32x128xf32, #tpu.memory_space<vmem>>)
      %mul3A_1115 = arith.constant 8 : i32
      %mul3A_1116 = arith.muli %add3A_483, %mul3A_1115 : i32
      %get3A_1117 = arith.index_cast %mul3A_1116 : i32 to index
      %get3A_1118 = tpu.vector_load %arg5[%get3A_1117] {strides = array<i32>} : memref<528xi32, #tpu.memory_space<vmem>>, vector<16xi32>,
      %eq3A_1119 = arith.constant 7 : i32
      %eq3A_1120 = vector.broadcast %eq3A_1119 : i32 to vector<16xi32>
      %eq3A_1121 = arith.cmpi eq, %iota3A, %eq3A_1120 : vector<16xi32>
      %jit3A_1122 = arith.constant 0 : i32
      %broadcast_in_dim3A_1123 = vector.broadcast %jit3A_1122 : i32 to vector<16xi32>
      %select_n3A_1124 = arith.select %eq3A_1121, %get3A_1118, %broadcast_in_dim3A_1123 : vector<16xi1>, vector<16xi32>
      %reduce_max3A_1125 = arith.constant true
      %reduce_max3A_1126 = vector.broadcast %reduce_max3A_1125 : i1 to vector<16xi1>
      %reduce_max3A_1127 = arith.constant -2147483648 : i32
      %reduce_max3A_1128 = vector.broadcast %reduce_max3A_1127 : i32 to vector<16xi32>
      %reduce_max3A_1129 = arith.xori %select_n3A_1124, %reduce_max3A_1128 : vector<16xi32>
      %reduce_max3A_1130 = tpu.scan <max>, %reduce_max3A_1129 masked %reduce_max3A_1126 : vector<16xi32>, vector<16xi1> -> vector<16xi32>
      %reduce_max3A_1131 = arith.xori %reduce_max3A_1130, %reduce_max3A_1128 : vector<16xi32>
      %reduce_max3A_1132 = vector.extract %reduce_max3A_1131[15] : i32 from vector<16xi32>
      %jit3A_1133 = arith.constant 128 : i32
      %div3A_1134 = arith.divsi %reduce_max3A_1132, %jit3A_1133 : i32
      %sign3A_1135 = arith.constant 0 : i32
      %sign3A_1136 = arith.cmpi sgt, %reduce_max3A_1132, %sign3A_1135 : i32
      %sign3A_1137 = arith.extui %sign3A_1136 : i1 to i32
      %sign3A_1138 = arith.constant 0 : i32
      %sign3A_1139 = arith.cmpi slt, %reduce_max3A_1132, %sign3A_1138 : i32
      %sign3A_1140 = arith.extui %sign3A_1139 : i1 to i32
      %sign3A_1141 = arith.subi %sign3A_1137, %sign3A_1140 : i32
      %sign3A_1142 = arith.constant 0 : i32
      %sign3A_1143 = arith.cmpi sgt, %jit3A_1133, %sign3A_1142 : i32
      %sign3A_1144 = arith.extui %sign3A_1143 : i1 to i32
      %sign3A_1145 = arith.constant 0 : i32
      %sign3A_1146 = arith.cmpi slt, %jit3A_1133, %sign3A_1145 : i32
      %sign3A_1147 = arith.extui %sign3A_1146 : i1 to i32
      %sign3A_1148 = arith.subi %sign3A_1144, %sign3A_1147 : i32
      %ne3A_1149 = arith.cmpi ne, %sign3A_1141, %sign3A_1148 : i32
      %rem3A_1150 = arith.remsi %reduce_max3A_1132, %jit3A_1133 : i32
      %ne3A_1151 = arith.constant 0 : i32
      %ne3A_1152 = arith.cmpi ne, %rem3A_1150, %ne3A_1151 : i32
      %and3A_1153 = arith.andi %ne3A_1149, %ne3A_1152 : i1
      %sub3A_1154 = arith.constant 1 : i32
      %sub3A_1155 = arith.subi %div3A_1134, %sub3A_1154 : i32
      %select_n3A_1156 = arith.select %and3A_1153, %sub3A_1155, %div3A_1134 : i32
      %mul3A_1157 = arith.constant 128 : i32
      %mul3A_1158 = arith.muli %select_n3A_1156, %mul3A_1157 : i32
      %multiple_of3A_1159 = tpu.assume_multiple %mul3A_1158, 128 : i32
      %sub3A_1160 = arith.subi %reduce_max3A_1132, %multiple_of3A_1159 : i32
      %broadcast_in_dim3A_1161 = arith.constant 0 : i32
      %broadcast_in_dim3A_1162 = vector.broadcast %broadcast_in_dim3A_1161 : i32 to vector<16xi32>
      %add3A_1163 = vector.broadcast %sub3A_1160 : i32 to vector<16xi32>
      %add3A_1164 = arith.addi %add3A_1163, %broadcast_in_dim3A_1162 : vector<16xi32>
      %broadcast_in_dim3A_1165 = arith.constant 0 : i32
      %broadcast_in_dim3A_1166 = vector.broadcast %broadcast_in_dim3A_1165 : i32 to vector<16xi32>
      %broadcast_in_dim3A_1167 = arith.constant 7 : i32
      %broadcast_in_dim3A_1168 = vector.broadcast %broadcast_in_dim3A_1167 : i32 to vector<16xi32>
      %gather3A_1169 = tpu.vector_load_idx %arg6[%broadcast_in_dim3A_1166, %broadcast_in_dim3A_1168, %iota3A, %add3A_1164] : memref<2x8x32x128xf32, #tpu.memory_space<vmem>>[vector<16xi32>, vector<16xi32>, vector<16xi32>, vector<16xi32>], vector<16xf32>,
      %add3A_1170 = arith.constant 16 : i32
      %add3A_1171 = vector.broadcast %add3A_1170 : i32 to vector<16xi32>
      %add3A_1172 = arith.addi %add3A_1171, %iota3A : vector<16xi32>
      %gather3A_1173 = tpu.vector_load_idx %arg6[%broadcast_in_dim3A_1166, %broadcast_in_dim3A_1168, %add3A_1172, %add3A_1164] : memref<2x8x32x128xf32, #tpu.memory_space<vmem>>[vector<16xi32>, vector<16xi32>, vector<16xi32>, vector<16xi32>], vector<16xf32>,
      %swap3A_1174 = arith.constant 0 : i32
      %swap3A_1175 = arith.constant 7 : i32
      %swap3A_1176 = arith.index_cast %swap3A_1174 : i32 to index
      %swap3A_1177 = arith.index_cast %swap3A_1175 : i32 to index
      %swap3A_1178 = arith.constant 0 : index
      %swap3A_1179 = tpu.vector_load %arg7[%swap3A_1176, %swap3A_1177, %swap3A_1178] {strides = array<i32>} : memref<2x8x32xf32, #tpu.memory_space<vmem>>, vector<16xf32>,
      tpu.vector_store %arg7[%swap3A_1176, %swap3A_1177, %swap3A_1178], %gather3A_1169 {strides = array<i32>} : memref<2x8x32xf32, #tpu.memory_space<vmem>>, vector<16xf32>,
      %swap3A_1180 = arith.constant 0 : i32
      %swap3A_1181 = arith.constant 7 : i32
      %swap3A_1182 = arith.index_cast %swap3A_1180 : i32 to index
      %swap3A_1183 = arith.index_cast %swap3A_1181 : i32 to index
      %swap3A_1184 = arith.constant 16 : index
      %swap3A_1185 = tpu.vector_load %arg7[%swap3A_1182, %swap3A_1183, %swap3A_1184] {strides = array<i32>} : memref<2x8x32xf32, #tpu.memory_space<vmem>>, vector<16xf32>,
      tpu.vector_store %arg7[%swap3A_1182, %swap3A_1183, %swap3A_1184], %gather3A_1173 {strides = array<i32>} : memref<2x8x32xf32, #tpu.memory_space<vmem>>, vector<16xf32>,
      %mul3A_1186 = arith.constant 8 : i32
      %mul3A_1187 = arith.muli %add3A_483, %mul3A_1186 : i32
      %add3A_1188 = arith.addi %mul3A_2, %mul3A_1187 : i32
      %dma_start3A_1189 = arith.constant 0 : i32
      %dma_start3A_1190 = arith.constant 0 : i32
      %dma_start3A_1191 = arith.constant 0 : i32
      %dma_start3A_1192 = tpu.memref_slice %arg7[%dma_start3A_1189, %dma_start3A_1190, %dma_start3A_1191] : memref<2x8x32xf32, #tpu.memory_space<vmem>> -> memref<1x8x32xf32, #tpu.memory_space<vmem>>
      %dma_start3A_1193 = tpu.memref_squeeze %dma_start3A_1192 : memref<1x8x32xf32, #tpu.memory_space<vmem>> -> memref<8x32xf32, #tpu.memory_space<vmem>>
      %dma_start3A_1194 = arith.constant 0 : i32
      %dma_start3A_1195 = tpu.memref_slice %arg4[%add3A_1188, %dma_start3A_1194] : memref<16384x32xf32, #tpu.memory_space<hbm>> -> memref<8x32xf32, #tpu.memory_space<hbm>>
      %dma_start3A_1196 = arith.constant 0 : i32
      %dma_start3A_1197 = tpu.memref_slice %arg4[%add3A_1188, %dma_start3A_1196] : memref<16384x32xf32, #tpu.memory_space<hbm>> -> memref<8x32xf32, #tpu.memory_space<hbm>>
      %dma_start3A_1198 = arith.constant 0 : i32
      %dma_start3A_1199 = arith.constant 0 : i32
      %dma_start3A_1200 = tpu.memref_slice %arg7[%dma_start3A_1189, %dma_start3A_1198, %dma_start3A_1199] : memref<2x8x32xf32, #tpu.memory_space<vmem>> -> memref<1x8x32xf32, #tpu.memory_space<vmem>>
      %dma_start3A_1201 = tpu.memref_squeeze %dma_start3A_1200 : memref<1x8x32xf32, #tpu.memory_space<vmem>> -> memref<8x32xf32, #tpu.memory_space<vmem>>
      tpu.enqueue_dma source(%dma_start3A_1201 : memref<8x32xf32, #tpu.memory_space<vmem>>) target(%dma_start3A_1197 : memref<8x32xf32, #tpu.memory_space<hbm>>) target_semaphore(%arg10 : memref<!tpu.dma_semaphore, #tpu.memory_space<semaphore_mem>>)
      %mul3A_1202 = arith.constant 2 : i32
      %mul3A_1203 = arith.muli %scan3A_479, %mul3A_1202 : i32
      %add3A_1204 = arith.constant 1 : i32
      %add3A_1205 = arith.addi %mul3A_1203, %add3A_1204 : i32
      %add3A_1206 = arith.constant 1 : i32
      %add3A_1207 = arith.addi %add3A_1205, %add3A_1206 : i32
      %lt3A_1208 = arith.constant 64 : i32
      %lt3A_1209 = arith.cmpi slt, %add3A_1207, %lt3A_1208 : i32
      %convert_element_type3A_1210 = arith.extui %lt3A_1209 : i1 to i32
      %cond3A_1211 = arith.constant 0 : i32
      %cond3A_1212 = arith.cmpi ne, %convert_element_type3A_1210, %cond3A_1211 : i32
      scf.if %cond3A_1212 {
        %add3A_1930 = arith.constant 1 : i32
        %add3A_1931 = arith.addi %add3A_1205, %add3A_1930 : i32
        %mul3A_1932 = arith.constant 8 : i32
        %mul3A_1933 = arith.muli %add3A_1931, %mul3A_1932 : i32
        %get3A_1934 = arith.index_cast %mul3A_1933 : i32 to index
        %get3A_1935 = tpu.vector_load %arg5[%get3A_1934] {strides = array<i32>} : memref<528xi32, #tpu.memory_space<vmem>>, vector<16xi32>,
        %eq3A_1936 = arith.constant 0 : i32
        %eq3A_1937 = vector.broadcast %eq3A_1936 : i32 to vector<16xi32>
        %eq3A_1938 = arith.cmpi eq, %iota3A, %eq3A_1937 : vector<16xi32>
        %jit3A_1939 = arith.constant 0 : i32
        %broadcast_in_dim3A_1940 = vector.broadcast %jit3A_1939 : i32 to vector<16xi32>
        %select_n3A_1941 = arith.select %eq3A_1938, %get3A_1935, %broadcast_in_dim3A_1940 : vector<16xi1>, vector<16xi32>
        %reduce_max3A_1942 = arith.constant true
        %reduce_max3A_1943 = vector.broadcast %reduce_max3A_1942 : i1 to vector<16xi1>
        %reduce_max3A_1944 = arith.constant -2147483648 : i32
        %reduce_max3A_1945 = vector.broadcast %reduce_max3A_1944 : i32 to vector<16xi32>
        %reduce_max3A_1946 = arith.xori %select_n3A_1941, %reduce_max3A_1945 : vector<16xi32>
        %reduce_max3A_1947 = tpu.scan <max>, %reduce_max3A_1946 masked %reduce_max3A_1943 : vector<16xi32>, vector<16xi1> -> vector<16xi32>
        %reduce_max3A_1948 = arith.xori %reduce_max3A_1947, %reduce_max3A_1945 : vector<16xi32>
        %reduce_max3A_1949 = vector.extract %reduce_max3A_1948[15] : i32 from vector<16xi32>
        %jit3A_1950 = arith.constant 128 : i32
        %div3A_1951 = arith.divsi %reduce_max3A_1949, %jit3A_1950 : i32
        %sign3A_1952 = arith.constant 0 : i32
        %sign3A_1953 = arith.cmpi sgt, %reduce_max3A_1949, %sign3A_1952 : i32
        %sign3A_1954 = arith.extui %sign3A_1953 : i1 to i32
        %sign3A_1955 = arith.constant 0 : i32
        %sign3A_1956 = arith.cmpi slt, %reduce_max3A_1949, %sign3A_1955 : i32
        %sign3A_1957 = arith.extui %sign3A_1956 : i1 to i32
        %sign3A_1958 = arith.subi %sign3A_1954, %sign3A_1957 : i32
        %sign3A_1959 = arith.constant 0 : i32
        %sign3A_1960 = arith.cmpi sgt, %jit3A_1950, %sign3A_1959 : i32
        %sign3A_1961 = arith.extui %sign3A_1960 : i1 to i32
        %sign3A_1962 = arith.constant 0 : i32
        %sign3A_1963 = arith.cmpi slt, %jit3A_1950, %sign3A_1962 : i32
        %sign3A_1964 = arith.extui %sign3A_1963 : i1 to i32
        %sign3A_1965 = arith.subi %sign3A_1961, %sign3A_1964 : i32
        %ne3A_1966 = arith.cmpi ne, %sign3A_1958, %sign3A_1965 : i32
        %rem3A_1967 = arith.remsi %reduce_max3A_1949, %jit3A_1950 : i32
        %ne3A_1968 = arith.constant 0 : i32
        %ne3A_1969 = arith.cmpi ne, %rem3A_1967, %ne3A_1968 : i32
        %and3A_1970 = arith.andi %ne3A_1966, %ne3A_1969 : i1
        %sub3A_1971 = arith.constant 1 : i32
        %sub3A_1972 = arith.subi %div3A_1951, %sub3A_1971 : i32
        %select_n3A_1973 = arith.select %and3A_1970, %sub3A_1972, %div3A_1951 : i32
        %mul3A_1974 = arith.constant 128 : i32
        %mul3A_1975 = arith.muli %select_n3A_1973, %mul3A_1974 : i32
        %multiple_of3A_1976 = tpu.assume_multiple %mul3A_1975, 128 : i32
        %dma_start3A_1977 = arith.constant 0 : i32
        %dma_start3A_1978 = arith.constant 0 : i32
        %dma_start3A_1979 = arith.constant 0 : i32
        %dma_start3A_1980 = arith.constant 0 : i32
        %dma_start3A_1981 = tpu.memref_slice %arg6[%dma_start3A_1977, %dma_start3A_1978, %dma_start3A_1979, %dma_start3A_1980] : memref<2x8x32x128xf32, #tpu.memory_space<vmem>> -> memref<1x1x32x128xf32, #tpu.memory_space<vmem>>
        %dma_start3A_1982 = tpu.memref_squeeze %dma_start3A_1981 : memref<1x1x32x128xf32, #tpu.memory_space<vmem>> -> memref<32x128xf32, #tpu.memory_space<vmem>>
        %dma_start3A_1983 = arith.constant 0 : i32
        %dma_start3A_1984 = tpu.memref_slice %arg3[%dma_start3A_1983, %multiple_of3A_1976] : memref<32x1000002xf32, #tpu.memory_space<hbm>> -> memref<32x128xf32, #tpu.memory_space<hbm>>
        %dma_start3A_1985 = arith.constant 0 : i32
        %dma_start3A_1986 = arith.constant 0 : i32
        %dma_start3A_1987 = tpu.memref_slice %arg6[%dma_start3A_1977, %dma_start3A_1978, %dma_start3A_1985, %dma_start3A_1986] : memref<2x8x32x128xf32, #tpu.memory_space<vmem>> -> memref<1x1x32x128xf32, #tpu.memory_space<vmem>>
        %dma_start3A_1988 = tpu.memref_squeeze %dma_start3A_1987 : memref<1x1x32x128xf32, #tpu.memory_space<vmem>> -> memref<32x128xf32, #tpu.memory_space<vmem>>
        %dma_start3A_1989 = arith.constant 0 : i32
        %dma_start3A_1990 = tpu.memref_slice %arg3[%dma_start3A_1989, %multiple_of3A_1976] : memref<32x1000002xf32, #tpu.memory_space<hbm>> -> memref<32x128xf32, #tpu.memory_space<hbm>>
        tpu.enqueue_dma source(%dma_start3A_1990 : memref<32x128xf32, #tpu.memory_space<hbm>>) target(%dma_start3A_1988 : memref<32x128xf32, #tpu.memory_space<vmem>>) target_semaphore(%arg8 : memref<!tpu.dma_semaphore, #tpu.memory_space<semaphore_mem>>)
        %mul3A_1991 = arith.constant 8 : i32
        %mul3A_1992 = arith.muli %add3A_1931, %mul3A_1991 : i32
        %get3A_1993 = arith.index_cast %mul3A_1992 : i32 to index
        %get3A_1994 = tpu.vector_load %arg5[%get3A_1993] {strides = array<i32>} : memref<528xi32, #tpu.memory_space<vmem>>, vector<16xi32>,
        %eq3A_1995 = arith.constant 1 : i32
        %eq3A_1996 = vector.broadcast %eq3A_1995 : i32 to vector<16xi32>
        %eq3A_1997 = arith.cmpi eq, %iota3A, %eq3A_1996 : vector<16xi32>
        %jit3A_1998 = arith.constant 0 : i32
        %broadcast_in_dim3A_1999 = vector.broadcast %jit3A_1998 : i32 to vector<16xi32>
        %select_n3A_2000 = arith.select %eq3A_1997, %get3A_1994, %broadcast_in_dim3A_1999 : vector<16xi1>, vector<16xi32>
        %reduce_max3A_2001 = arith.constant true
        %reduce_max3A_2002 = vector.broadcast %reduce_max3A_2001 : i1 to vector<16xi1>
        %reduce_max3A_2003 = arith.constant -2147483648 : i32
        %reduce_max3A_2004 = vector.broadcast %reduce_max3A_2003 : i32 to vector<16xi32>
        %reduce_max3A_2005 = arith.xori %select_n3A_2000, %reduce_max3A_2004 : vector<16xi32>
        %reduce_max3A_2006 = tpu.scan <max>, %reduce_max3A_2005 masked %reduce_max3A_2002 : vector<16xi32>, vector<16xi1> -> vector<16xi32>
        %reduce_max3A_2007 = arith.xori %reduce_max3A_2006, %reduce_max3A_2004 : vector<16xi32>
        %reduce_max3A_2008 = vector.extract %reduce_max3A_2007[15] : i32 from vector<16xi32>
        %jit3A_2009 = arith.constant 128 : i32
        %div3A_2010 = arith.divsi %reduce_max3A_2008, %jit3A_2009 : i32
        %sign3A_2011 = arith.constant 0 : i32
        %sign3A_2012 = arith.cmpi sgt, %reduce_max3A_2008, %sign3A_2011 : i32
        %sign3A_2013 = arith.extui %sign3A_2012 : i1 to i32
        %sign3A_2014 = arith.constant 0 : i32
        %sign3A_2015 = arith.cmpi slt, %reduce_max3A_2008, %sign3A_2014 : i32
        %sign3A_2016 = arith.extui %sign3A_2015 : i1 to i32
        %sign3A_2017 = arith.subi %sign3A_2013, %sign3A_2016 : i32
        %sign3A_2018 = arith.constant 0 : i32
        %sign3A_2019 = arith.cmpi sgt, %jit3A_2009, %sign3A_2018 : i32
        %sign3A_2020 = arith.extui %sign3A_2019 : i1 to i32
        %sign3A_2021 = arith.constant 0 : i32
        %sign3A_2022 = arith.cmpi slt, %jit3A_2009, %sign3A_2021 : i32
        %sign3A_2023 = arith.extui %sign3A_2022 : i1 to i32
        %sign3A_2024 = arith.subi %sign3A_2020, %sign3A_2023 : i32
        %ne3A_2025 = arith.cmpi ne, %sign3A_2017, %sign3A_2024 : i32
        %rem3A_2026 = arith.remsi %reduce_max3A_2008, %jit3A_2009 : i32
        %ne3A_2027 = arith.constant 0 : i32
        %ne3A_2028 = arith.cmpi ne, %rem3A_2026, %ne3A_2027 : i32
        %and3A_2029 = arith.andi %ne3A_2025, %ne3A_2028 : i1
        %sub3A_2030 = arith.constant 1 : i32
        %sub3A_2031 = arith.subi %div3A_2010, %sub3A_2030 : i32
        %select_n3A_2032 = arith.select %and3A_2029, %sub3A_2031, %div3A_2010 : i32
        %mul3A_2033 = arith.constant 128 : i32
        %mul3A_2034 = arith.muli %select_n3A_2032, %mul3A_2033 : i32
        %multiple_of3A_2035 = tpu.assume_multiple %mul3A_2034, 128 : i32
        %dma_start3A_2036 = arith.constant 0 : i32
        %dma_start3A_2037 = arith.constant 1 : i32
        %dma_start3A_2038 = arith.constant 0 : i32
        %dma_start3A_2039 = arith.constant 0 : i32
        %dma_start3A_2040 = tpu.memref_slice %arg6[%dma_start3A_2036, %dma_start3A_2037, %dma_start3A_2038, %dma_start3A_2039] : memref<2x8x32x128xf32, #tpu.memory_space<vmem>> -> memref<1x1x32x128xf32, #tpu.memory_space<vmem>>
        %dma_start3A_2041 = tpu.memref_squeeze %dma_start3A_2040 : memref<1x1x32x128xf32, #tpu.memory_space<vmem>> -> memref<32x128xf32, #tpu.memory_space<vmem>>
        %dma_start3A_2042 = arith.constant 0 : i32
        %dma_start3A_2043 = tpu.memref_slice %arg3[%dma_start3A_2042, %multiple_of3A_2035] : memref<32x1000002xf32, #tpu.memory_space<hbm>> -> memref<32x128xf32, #tpu.memory_space<hbm>>
        %dma_start3A_2044 = arith.constant 0 : i32
        %dma_start3A_2045 = arith.constant 0 : i32
        %dma_start3A_2046 = tpu.memref_slice %arg6[%dma_start3A_2036, %dma_start3A_2037, %dma_start3A_2044, %dma_start3A_2045] : memref<2x8x32x128xf32, #tpu.memory_space<vmem>> -> memref<1x1x32x128xf32, #tpu.memory_space<vmem>>
        %dma_start3A_2047 = tpu.memref_squeeze %dma_start3A_2046 : memref<1x1x32x128xf32, #tpu.memory_space<vmem>> -> memref<32x128xf32, #tpu.memory_space<vmem>>
        %dma_start3A_2048 = arith.constant 0 : i32
        %dma_start3A_2049 = tpu.memref_slice %arg3[%dma_start3A_2048, %multiple_of3A_2035] : memref<32x1000002xf32, #tpu.memory_space<hbm>> -> memref<32x128xf32, #tpu.memory_space<hbm>>
        tpu.enqueue_dma source(%dma_start3A_2049 : memref<32x128xf32, #tpu.memory_space<hbm>>) target(%dma_start3A_2047 : memref<32x128xf32, #tpu.memory_space<vmem>>) target_semaphore(%arg8 : memref<!tpu.dma_semaphore, #tpu.memory_space<semaphore_mem>>)
        %mul3A_2050 = arith.constant 8 : i32
        %mul3A_2051 = arith.muli %add3A_1931, %mul3A_2050 : i32
        %get3A_2052 = arith.index_cast %mul3A_2051 : i32 to index
        %get3A_2053 = tpu.vector_load %arg5[%get3A_2052] {strides = array<i32>} : memref<528xi32, #tpu.memory_space<vmem>>, vector<16xi32>,
        %eq3A_2054 = arith.constant 2 : i32
        %eq3A_2055 = vector.broadcast %eq3A_2054 : i32 to vector<16xi32>
        %eq3A_2056 = arith.cmpi eq, %iota3A, %eq3A_2055 : vector<16xi32>
        %jit3A_2057 = arith.constant 0 : i32
        %broadcast_in_dim3A_2058 = vector.broadcast %jit3A_2057 : i32 to vector<16xi32>
        %select_n3A_2059 = arith.select %eq3A_2056, %get3A_2053, %broadcast_in_dim3A_2058 : vector<16xi1>, vector<16xi32>
        %reduce_max3A_2060 = arith.constant true
        %reduce_max3A_2061 = vector.broadcast %reduce_max3A_2060 : i1 to vector<16xi1>
        %reduce_max3A_2062 = arith.constant -2147483648 : i32
        %reduce_max3A_2063 = vector.broadcast %reduce_max3A_2062 : i32 to vector<16xi32>
        %reduce_max3A_2064 = arith.xori %select_n3A_2059, %reduce_max3A_2063 : vector<16xi32>
        %reduce_max3A_2065 = tpu.scan <max>, %reduce_max3A_2064 masked %reduce_max3A_2061 : vector<16xi32>, vector<16xi1> -> vector<16xi32>
        %reduce_max3A_2066 = arith.xori %reduce_max3A_2065, %reduce_max3A_2063 : vector<16xi32>
        %reduce_max3A_2067 = vector.extract %reduce_max3A_2066[15] : i32 from vector<16xi32>
        %jit3A_2068 = arith.constant 128 : i32
        %div3A_2069 = arith.divsi %reduce_max3A_2067, %jit3A_2068 : i32
        %sign3A_2070 = arith.constant 0 : i32
        %sign3A_2071 = arith.cmpi sgt, %reduce_max3A_2067, %sign3A_2070 : i32
        %sign3A_2072 = arith.extui %sign3A_2071 : i1 to i32
        %sign3A_2073 = arith.constant 0 : i32
        %sign3A_2074 = arith.cmpi slt, %reduce_max3A_2067, %sign3A_2073 : i32
        %sign3A_2075 = arith.extui %sign3A_2074 : i1 to i32
        %sign3A_2076 = arith.subi %sign3A_2072, %sign3A_2075 : i32
        %sign3A_2077 = arith.constant 0 : i32
        %sign3A_2078 = arith.cmpi sgt, %jit3A_2068, %sign3A_2077 : i32
        %sign3A_2079 = arith.extui %sign3A_2078 : i1 to i32
        %sign3A_2080 = arith.constant 0 : i32
        %sign3A_2081 = arith.cmpi slt, %jit3A_2068, %sign3A_2080 : i32
        %sign3A_2082 = arith.extui %sign3A_2081 : i1 to i32
        %sign3A_2083 = arith.subi %sign3A_2079, %sign3A_2082 : i32
        %ne3A_2084 = arith.cmpi ne, %sign3A_2076, %sign3A_2083 : i32
        %rem3A_2085 = arith.remsi %reduce_max3A_2067, %jit3A_2068 : i32
        %ne3A_2086 = arith.constant 0 : i32
        %ne3A_2087 = arith.cmpi ne, %rem3A_2085, %ne3A_2086 : i32
        %and3A_2088 = arith.andi %ne3A_2084, %ne3A_2087 : i1
        %sub3A_2089 = arith.constant 1 : i32
        %sub3A_2090 = arith.subi %div3A_2069, %sub3A_2089 : i32
        %select_n3A_2091 = arith.select %and3A_2088, %sub3A_2090, %div3A_2069 : i32
        %mul3A_2092 = arith.constant 128 : i32
        %mul3A_2093 = arith.muli %select_n3A_2091, %mul3A_2092 : i32
        %multiple_of3A_2094 = tpu.assume_multiple %mul3A_2093, 128 : i32
        %dma_start3A_2095 = arith.constant 0 : i32
        %dma_start3A_2096 = arith.constant 2 : i32
        %dma_start3A_2097 = arith.constant 0 : i32
        %dma_start3A_2098 = arith.constant 0 : i32
        %dma_start3A_2099 = tpu.memref_slice %arg6[%dma_start3A_2095, %dma_start3A_2096, %dma_start3A_2097, %dma_start3A_2098] : memref<2x8x32x128xf32, #tpu.memory_space<vmem>> -> memref<1x1x32x128xf32, #tpu.memory_space<vmem>>
        %dma_start3A_2100 = tpu.memref_squeeze %dma_start3A_2099 : memref<1x1x32x128xf32, #tpu.memory_space<vmem>> -> memref<32x128xf32, #tpu.memory_space<vmem>>
        %dma_start3A_2101 = arith.constant 0 : i32
        %dma_start3A_2102 = tpu.memref_slice %arg3[%dma_start3A_2101, %multiple_of3A_2094] : memref<32x1000002xf32, #tpu.memory_space<hbm>> -> memref<32x128xf32, #tpu.memory_space<hbm>>
        %dma_start3A_2103 = arith.constant 0 : i32
        %dma_start3A_2104 = arith.constant 0 : i32
        %dma_start3A_2105 = tpu.memref_slice %arg6[%dma_start3A_2095, %dma_start3A_2096, %dma_start3A_2103, %dma_start3A_2104] : memref<2x8x32x128xf32, #tpu.memory_space<vmem>> -> memref<1x1x32x128xf32, #tpu.memory_space<vmem>>
        %dma_start3A_2106 = tpu.memref_squeeze %dma_start3A_2105 : memref<1x1x32x128xf32, #tpu.memory_space<vmem>> -> memref<32x128xf32, #tpu.memory_space<vmem>>
        %dma_start3A_2107 = arith.constant 0 : i32
        %dma_start3A_2108 = tpu.memref_slice %arg3[%dma_start3A_2107, %multiple_of3A_2094] : memref<32x1000002xf32, #tpu.memory_space<hbm>> -> memref<32x128xf32, #tpu.memory_space<hbm>>
        tpu.enqueue_dma source(%dma_start3A_2108 : memref<32x128xf32, #tpu.memory_space<hbm>>) target(%dma_start3A_2106 : memref<32x128xf32, #tpu.memory_space<vmem>>) target_semaphore(%arg8 : memref<!tpu.dma_semaphore, #tpu.memory_space<semaphore_mem>>)
        %mul3A_2109 = arith.constant 8 : i32
        %mul3A_2110 = arith.muli %add3A_1931, %mul3A_2109 : i32
        %get3A_2111 = arith.index_cast %mul3A_2110 : i32 to index
        %get3A_2112 = tpu.vector_load %arg5[%get3A_2111] {strides = array<i32>} : memref<528xi32, #tpu.memory_space<vmem>>, vector<16xi32>,
        %eq3A_2113 = arith.constant 3 : i32
        %eq3A_2114 = vector.broadcast %eq3A_2113 : i32 to vector<16xi32>
        %eq3A_2115 = arith.cmpi eq, %iota3A, %eq3A_2114 : vector<16xi32>
        %jit3A_2116 = arith.constant 0 : i32
        %broadcast_in_dim3A_2117 = vector.broadcast %jit3A_2116 : i32 to vector<16xi32>
        %select_n3A_2118 = arith.select %eq3A_2115, %get3A_2112, %broadcast_in_dim3A_2117 : vector<16xi1>, vector<16xi32>
        %reduce_max3A_2119 = arith.constant true
        %reduce_max3A_2120 = vector.broadcast %reduce_max3A_2119 : i1 to vector<16xi1>
        %reduce_max3A_2121 = arith.constant -2147483648 : i32
        %reduce_max3A_2122 = vector.broadcast %reduce_max3A_2121 : i32 to vector<16xi32>
        %reduce_max3A_2123 = arith.xori %select_n3A_2118, %reduce_max3A_2122 : vector<16xi32>
        %reduce_max3A_2124 = tpu.scan <max>, %reduce_max3A_2123 masked %reduce_max3A_2120 : vector<16xi32>, vector<16xi1> -> vector<16xi32>
        %reduce_max3A_2125 = arith.xori %reduce_max3A_2124, %reduce_max3A_2122 : vector<16xi32>
        %reduce_max3A_2126 = vector.extract %reduce_max3A_2125[15] : i32 from vector<16xi32>
        %jit3A_2127 = arith.constant 128 : i32
        %div3A_2128 = arith.divsi %reduce_max3A_2126, %jit3A_2127 : i32
        %sign3A_2129 = arith.constant 0 : i32
        %sign3A_2130 = arith.cmpi sgt, %reduce_max3A_2126, %sign3A_2129 : i32
        %sign3A_2131 = arith.extui %sign3A_2130 : i1 to i32
        %sign3A_2132 = arith.constant 0 : i32
        %sign3A_2133 = arith.cmpi slt, %reduce_max3A_2126, %sign3A_2132 : i32
        %sign3A_2134 = arith.extui %sign3A_2133 : i1 to i32
        %sign3A_2135 = arith.subi %sign3A_2131, %sign3A_2134 : i32
        %sign3A_2136 = arith.constant 0 : i32
        %sign3A_2137 = arith.cmpi sgt, %jit3A_2127, %sign3A_2136 : i32
        %sign3A_2138 = arith.extui %sign3A_2137 : i1 to i32
        %sign3A_2139 = arith.constant 0 : i32
        %sign3A_2140 = arith.cmpi slt, %jit3A_2127, %sign3A_2139 : i32
        %sign3A_2141 = arith.extui %sign3A_2140 : i1 to i32
        %sign3A_2142 = arith.subi %sign3A_2138, %sign3A_2141 : i32
        %ne3A_2143 = arith.cmpi ne, %sign3A_2135, %sign3A_2142 : i32
        %rem3A_2144 = arith.remsi %reduce_max3A_2126, %jit3A_2127 : i32
        %ne3A_2145 = arith.constant 0 : i32
        %ne3A_2146 = arith.cmpi ne, %rem3A_2144, %ne3A_2145 : i32
        %and3A_2147 = arith.andi %ne3A_2143, %ne3A_2146 : i1
        %sub3A_2148 = arith.constant 1 : i32
        %sub3A_2149 = arith.subi %div3A_2128, %sub3A_2148 : i32
        %select_n3A_2150 = arith.select %and3A_2147, %sub3A_2149, %div3A_2128 : i32
        %mul3A_2151 = arith.constant 128 : i32
        %mul3A_2152 = arith.muli %select_n3A_2150, %mul3A_2151 : i32
        %multiple_of3A_2153 = tpu.assume_multiple %mul3A_2152, 128 : i32
        %dma_start3A_2154 = arith.constant 0 : i32
        %dma_start3A_2155 = arith.constant 3 : i32
        %dma_start3A_2156 = arith.constant 0 : i32
        %dma_start3A_2157 = arith.constant 0 : i32
        %dma_start3A_2158 = tpu.memref_slice %arg6[%dma_start3A_2154, %dma_start3A_2155, %dma_start3A_2156, %dma_start3A_2157] : memref<2x8x32x128xf32, #tpu.memory_space<vmem>> -> memref<1x1x32x128xf32, #tpu.memory_space<vmem>>
        %dma_start3A_2159 = tpu.memref_squeeze %dma_start3A_2158 : memref<1x1x32x128xf32, #tpu.memory_space<vmem>> -> memref<32x128xf32, #tpu.memory_space<vmem>>
        %dma_start3A_2160 = arith.constant 0 : i32
        %dma_start3A_2161 = tpu.memref_slice %arg3[%dma_start3A_2160, %multiple_of3A_2153] : memref<32x1000002xf32, #tpu.memory_space<hbm>> -> memref<32x128xf32, #tpu.memory_space<hbm>>
        %dma_start3A_2162 = arith.constant 0 : i32
        %dma_start3A_2163 = arith.constant 0 : i32
        %dma_start3A_2164 = tpu.memref_slice %arg6[%dma_start3A_2154, %dma_start3A_2155, %dma_start3A_2162, %dma_start3A_2163] : memref<2x8x32x128xf32, #tpu.memory_space<vmem>> -> memref<1x1x32x128xf32, #tpu.memory_space<vmem>>
        %dma_start3A_2165 = tpu.memref_squeeze %dma_start3A_2164 : memref<1x1x32x128xf32, #tpu.memory_space<vmem>> -> memref<32x128xf32, #tpu.memory_space<vmem>>
        %dma_start3A_2166 = arith.constant 0 : i32
        %dma_start3A_2167 = tpu.memref_slice %arg3[%dma_start3A_2166, %multiple_of3A_2153] : memref<32x1000002xf32, #tpu.memory_space<hbm>> -> memref<32x128xf32, #tpu.memory_space<hbm>>
        tpu.enqueue_dma source(%dma_start3A_2167 : memref<32x128xf32, #tpu.memory_space<hbm>>) target(%dma_start3A_2165 : memref<32x128xf32, #tpu.memory_space<vmem>>) target_semaphore(%arg8 : memref<!tpu.dma_semaphore, #tpu.memory_space<semaphore_mem>>)
        %mul3A_2168 = arith.constant 8 : i32
        %mul3A_2169 = arith.muli %add3A_1931, %mul3A_2168 : i32
        %get3A_2170 = arith.index_cast %mul3A_2169 : i32 to index
        %get3A_2171 = tpu.vector_load %arg5[%get3A_2170] {strides = array<i32>} : memref<528xi32, #tpu.memory_space<vmem>>, vector<16xi32>,
        %eq3A_2172 = arith.constant 4 : i32
        %eq3A_2173 = vector.broadcast %eq3A_2172 : i32 to vector<16xi32>
        %eq3A_2174 = arith.cmpi eq, %iota3A, %eq3A_2173 : vector<16xi32>
        %jit3A_2175 = arith.constant 0 : i32
        %broadcast_in_dim3A_2176 = vector.broadcast %jit3A_2175 : i32 to vector<16xi32>
        %select_n3A_2177 = arith.select %eq3A_2174, %get3A_2171, %broadcast_in_dim3A_2176 : vector<16xi1>, vector<16xi32>
        %reduce_max3A_2178 = arith.constant true
        %reduce_max3A_2179 = vector.broadcast %reduce_max3A_2178 : i1 to vector<16xi1>
        %reduce_max3A_2180 = arith.constant -2147483648 : i32
        %reduce_max3A_2181 = vector.broadcast %reduce_max3A_2180 : i32 to vector<16xi32>
        %reduce_max3A_2182 = arith.xori %select_n3A_2177, %reduce_max3A_2181 : vector<16xi32>
        %reduce_max3A_2183 = tpu.scan <max>, %reduce_max3A_2182 masked %reduce_max3A_2179 : vector<16xi32>, vector<16xi1> -> vector<16xi32>
        %reduce_max3A_2184 = arith.xori %reduce_max3A_2183, %reduce_max3A_2181 : vector<16xi32>
        %reduce_max3A_2185 = vector.extract %reduce_max3A_2184[15] : i32 from vector<16xi32>
        %jit3A_2186 = arith.constant 128 : i32
        %div3A_2187 = arith.divsi %reduce_max3A_2185, %jit3A_2186 : i32
        %sign3A_2188 = arith.constant 0 : i32
        %sign3A_2189 = arith.cmpi sgt, %reduce_max3A_2185, %sign3A_2188 : i32
        %sign3A_2190 = arith.extui %sign3A_2189 : i1 to i32
        %sign3A_2191 = arith.constant 0 : i32
        %sign3A_2192 = arith.cmpi slt, %reduce_max3A_2185, %sign3A_2191 : i32
        %sign3A_2193 = arith.extui %sign3A_2192 : i1 to i32
        %sign3A_2194 = arith.subi %sign3A_2190, %sign3A_2193 : i32
        %sign3A_2195 = arith.constant 0 : i32
        %sign3A_2196 = arith.cmpi sgt, %jit3A_2186, %sign3A_2195 : i32
        %sign3A_2197 = arith.extui %sign3A_2196 : i1 to i32
        %sign3A_2198 = arith.constant 0 : i32
        %sign3A_2199 = arith.cmpi slt, %jit3A_2186, %sign3A_2198 : i32
        %sign3A_2200 = arith.extui %sign3A_2199 : i1 to i32
        %sign3A_2201 = arith.subi %sign3A_2197, %sign3A_2200 : i32
        %ne3A_2202 = arith.cmpi ne, %sign3A_2194, %sign3A_2201 : i32
        %rem3A_2203 = arith.remsi %reduce_max3A_2185, %jit3A_2186 : i32
        %ne3A_2204 = arith.constant 0 : i32
        %ne3A_2205 = arith.cmpi ne, %rem3A_2203, %ne3A_2204 : i32
        %and3A_2206 = arith.andi %ne3A_2202, %ne3A_2205 : i1
        %sub3A_2207 = arith.constant 1 : i32
        %sub3A_2208 = arith.subi %div3A_2187, %sub3A_2207 : i32
        %select_n3A_2209 = arith.select %and3A_2206, %sub3A_2208, %div3A_2187 : i32
        %mul3A_2210 = arith.constant 128 : i32
        %mul3A_2211 = arith.muli %select_n3A_2209, %mul3A_2210 : i32
        %multiple_of3A_2212 = tpu.assume_multiple %mul3A_2211, 128 : i32
        %dma_start3A_2213 = arith.constant 0 : i32
        %dma_start3A_2214 = arith.constant 4 : i32
        %dma_start3A_2215 = arith.constant 0 : i32
        %dma_start3A_2216 = arith.constant 0 : i32
        %dma_start3A_2217 = tpu.memref_slice %arg6[%dma_start3A_2213, %dma_start3A_2214, %dma_start3A_2215, %dma_start3A_2216] : memref<2x8x32x128xf32, #tpu.memory_space<vmem>> -> memref<1x1x32x128xf32, #tpu.memory_space<vmem>>
        %dma_start3A_2218 = tpu.memref_squeeze %dma_start3A_2217 : memref<1x1x32x128xf32, #tpu.memory_space<vmem>> -> memref<32x128xf32, #tpu.memory_space<vmem>>
        %dma_start3A_2219 = arith.constant 0 : i32
        %dma_start3A_2220 = tpu.memref_slice %arg3[%dma_start3A_2219, %multiple_of3A_2212] : memref<32x1000002xf32, #tpu.memory_space<hbm>> -> memref<32x128xf32, #tpu.memory_space<hbm>>
        %dma_start3A_2221 = arith.constant 0 : i32
        %dma_start3A_2222 = arith.constant 0 : i32
        %dma_start3A_2223 = tpu.memref_slice %arg6[%dma_start3A_2213, %dma_start3A_2214, %dma_start3A_2221, %dma_start3A_2222] : memref<2x8x32x128xf32, #tpu.memory_space<vmem>> -> memref<1x1x32x128xf32, #tpu.memory_space<vmem>>
        %dma_start3A_2224 = tpu.memref_squeeze %dma_start3A_2223 : memref<1x1x32x128xf32, #tpu.memory_space<vmem>> -> memref<32x128xf32, #tpu.memory_space<vmem>>
        %dma_start3A_2225 = arith.constant 0 : i32
        %dma_start3A_2226 = tpu.memref_slice %arg3[%dma_start3A_2225, %multiple_of3A_2212] : memref<32x1000002xf32, #tpu.memory_space<hbm>> -> memref<32x128xf32, #tpu.memory_space<hbm>>
        tpu.enqueue_dma source(%dma_start3A_2226 : memref<32x128xf32, #tpu.memory_space<hbm>>) target(%dma_start3A_2224 : memref<32x128xf32, #tpu.memory_space<vmem>>) target_semaphore(%arg8 : memref<!tpu.dma_semaphore, #tpu.memory_space<semaphore_mem>>)
        %mul3A_2227 = arith.constant 8 : i32
        %mul3A_2228 = arith.muli %add3A_1931, %mul3A_2227 : i32
        %get3A_2229 = arith.index_cast %mul3A_2228 : i32 to index
        %get3A_2230 = tpu.vector_load %arg5[%get3A_2229] {strides = array<i32>} : memref<528xi32, #tpu.memory_space<vmem>>, vector<16xi32>,
        %eq3A_2231 = arith.constant 5 : i32
        %eq3A_2232 = vector.broadcast %eq3A_2231 : i32 to vector<16xi32>
        %eq3A_2233 = arith.cmpi eq, %iota3A, %eq3A_2232 : vector<16xi32>
        %jit3A_2234 = arith.constant 0 : i32
        %broadcast_in_dim3A_2235 = vector.broadcast %jit3A_2234 : i32 to vector<16xi32>
        %select_n3A_2236 = arith.select %eq3A_2233, %get3A_2230, %broadcast_in_dim3A_2235 : vector<16xi1>, vector<16xi32>
        %reduce_max3A_2237 = arith.constant true
        %reduce_max3A_2238 = vector.broadcast %reduce_max3A_2237 : i1 to vector<16xi1>
        %reduce_max3A_2239 = arith.constant -2147483648 : i32
        %reduce_max3A_2240 = vector.broadcast %reduce_max3A_2239 : i32 to vector<16xi32>
        %reduce_max3A_2241 = arith.xori %select_n3A_2236, %reduce_max3A_2240 : vector<16xi32>
        %reduce_max3A_2242 = tpu.scan <max>, %reduce_max3A_2241 masked %reduce_max3A_2238 : vector<16xi32>, vector<16xi1> -> vector<16xi32>
        %reduce_max3A_2243 = arith.xori %reduce_max3A_2242, %reduce_max3A_2240 : vector<16xi32>
        %reduce_max3A_2244 = vector.extract %reduce_max3A_2243[15] : i32 from vector<16xi32>
        %jit3A_2245 = arith.constant 128 : i32
        %div3A_2246 = arith.divsi %reduce_max3A_2244, %jit3A_2245 : i32
        %sign3A_2247 = arith.constant 0 : i32
        %sign3A_2248 = arith.cmpi sgt, %reduce_max3A_2244, %sign3A_2247 : i32
        %sign3A_2249 = arith.extui %sign3A_2248 : i1 to i32
        %sign3A_2250 = arith.constant 0 : i32
        %sign3A_2251 = arith.cmpi slt, %reduce_max3A_2244, %sign3A_2250 : i32
        %sign3A_2252 = arith.extui %sign3A_2251 : i1 to i32
        %sign3A_2253 = arith.subi %sign3A_2249, %sign3A_2252 : i32
        %sign3A_2254 = arith.constant 0 : i32
        %sign3A_2255 = arith.cmpi sgt, %jit3A_2245, %sign3A_2254 : i32
        %sign3A_2256 = arith.extui %sign3A_2255 : i1 to i32
        %sign3A_2257 = arith.constant 0 : i32
        %sign3A_2258 = arith.cmpi slt, %jit3A_2245, %sign3A_2257 : i32
        %sign3A_2259 = arith.extui %sign3A_2258 : i1 to i32
        %sign3A_2260 = arith.subi %sign3A_2256, %sign3A_2259 : i32
        %ne3A_2261 = arith.cmpi ne, %sign3A_2253, %sign3A_2260 : i32
        %rem3A_2262 = arith.remsi %reduce_max3A_2244, %jit3A_2245 : i32
        %ne3A_2263 = arith.constant 0 : i32
        %ne3A_2264 = arith.cmpi ne, %rem3A_2262, %ne3A_2263 : i32
        %and3A_2265 = arith.andi %ne3A_2261, %ne3A_2264 : i1
        %sub3A_2266 = arith.constant 1 : i32
        %sub3A_2267 = arith.subi %div3A_2246, %sub3A_2266 : i32
        %select_n3A_2268 = arith.select %and3A_2265, %sub3A_2267, %div3A_2246 : i32
        %mul3A_2269 = arith.constant 128 : i32
        %mul3A_2270 = arith.muli %select_n3A_2268, %mul3A_2269 : i32
        %multiple_of3A_2271 = tpu.assume_multiple %mul3A_2270, 128 : i32
        %dma_start3A_2272 = arith.constant 0 : i32
        %dma_start3A_2273 = arith.constant 5 : i32
        %dma_start3A_2274 = arith.constant 0 : i32
        %dma_start3A_2275 = arith.constant 0 : i32
        %dma_start3A_2276 = tpu.memref_slice %arg6[%dma_start3A_2272, %dma_start3A_2273, %dma_start3A_2274, %dma_start3A_2275] : memref<2x8x32x128xf32, #tpu.memory_space<vmem>> -> memref<1x1x32x128xf32, #tpu.memory_space<vmem>>
        %dma_start3A_2277 = tpu.memref_squeeze %dma_start3A_2276 : memref<1x1x32x128xf32, #tpu.memory_space<vmem>> -> memref<32x128xf32, #tpu.memory_space<vmem>>
        %dma_start3A_2278 = arith.constant 0 : i32
        %dma_start3A_2279 = tpu.memref_slice %arg3[%dma_start3A_2278, %multiple_of3A_2271] : memref<32x1000002xf32, #tpu.memory_space<hbm>> -> memref<32x128xf32, #tpu.memory_space<hbm>>
        %dma_start3A_2280 = arith.constant 0 : i32
        %dma_start3A_2281 = arith.constant 0 : i32
        %dma_start3A_2282 = tpu.memref_slice %arg6[%dma_start3A_2272, %dma_start3A_2273, %dma_start3A_2280, %dma_start3A_2281] : memref<2x8x32x128xf32, #tpu.memory_space<vmem>> -> memref<1x1x32x128xf32, #tpu.memory_space<vmem>>
        %dma_start3A_2283 = tpu.memref_squeeze %dma_start3A_2282 : memref<1x1x32x128xf32, #tpu.memory_space<vmem>> -> memref<32x128xf32, #tpu.memory_space<vmem>>
        %dma_start3A_2284 = arith.constant 0 : i32
        %dma_start3A_2285 = tpu.memref_slice %arg3[%dma_start3A_2284, %multiple_of3A_2271] : memref<32x1000002xf32, #tpu.memory_space<hbm>> -> memref<32x128xf32, #tpu.memory_space<hbm>>
        tpu.enqueue_dma source(%dma_start3A_2285 : memref<32x128xf32, #tpu.memory_space<hbm>>) target(%dma_start3A_2283 : memref<32x128xf32, #tpu.memory_space<vmem>>) target_semaphore(%arg8 : memref<!tpu.dma_semaphore, #tpu.memory_space<semaphore_mem>>)
        %mul3A_2286 = arith.constant 8 : i32
        %mul3A_2287 = arith.muli %add3A_1931, %mul3A_2286 : i32
        %get3A_2288 = arith.index_cast %mul3A_2287 : i32 to index
        %get3A_2289 = tpu.vector_load %arg5[%get3A_2288] {strides = array<i32>} : memref<528xi32, #tpu.memory_space<vmem>>, vector<16xi32>,
        %eq3A_2290 = arith.constant 6 : i32
        %eq3A_2291 = vector.broadcast %eq3A_2290 : i32 to vector<16xi32>
        %eq3A_2292 = arith.cmpi eq, %iota3A, %eq3A_2291 : vector<16xi32>
        %jit3A_2293 = arith.constant 0 : i32
        %broadcast_in_dim3A_2294 = vector.broadcast %jit3A_2293 : i32 to vector<16xi32>
        %select_n3A_2295 = arith.select %eq3A_2292, %get3A_2289, %broadcast_in_dim3A_2294 : vector<16xi1>, vector<16xi32>
        %reduce_max3A_2296 = arith.constant true
        %reduce_max3A_2297 = vector.broadcast %reduce_max3A_2296 : i1 to vector<16xi1>
        %reduce_max3A_2298 = arith.constant -2147483648 : i32
        %reduce_max3A_2299 = vector.broadcast %reduce_max3A_2298 : i32 to vector<16xi32>
        %reduce_max3A_2300 = arith.xori %select_n3A_2295, %reduce_max3A_2299 : vector<16xi32>
        %reduce_max3A_2301 = tpu.scan <max>, %reduce_max3A_2300 masked %reduce_max3A_2297 : vector<16xi32>, vector<16xi1> -> vector<16xi32>
        %reduce_max3A_2302 = arith.xori %reduce_max3A_2301, %reduce_max3A_2299 : vector<16xi32>
        %reduce_max3A_2303 = vector.extract %reduce_max3A_2302[15] : i32 from vector<16xi32>
        %jit3A_2304 = arith.constant 128 : i32
        %div3A_2305 = arith.divsi %reduce_max3A_2303, %jit3A_2304 : i32
        %sign3A_2306 = arith.constant 0 : i32
        %sign3A_2307 = arith.cmpi sgt, %reduce_max3A_2303, %sign3A_2306 : i32
        %sign3A_2308 = arith.extui %sign3A_2307 : i1 to i32
        %sign3A_2309 = arith.constant 0 : i32
        %sign3A_2310 = arith.cmpi slt, %reduce_max3A_2303, %sign3A_2309 : i32
        %sign3A_2311 = arith.extui %sign3A_2310 : i1 to i32
        %sign3A_2312 = arith.subi %sign3A_2308, %sign3A_2311 : i32
        %sign3A_2313 = arith.constant 0 : i32
        %sign3A_2314 = arith.cmpi sgt, %jit3A_2304, %sign3A_2313 : i32
        %sign3A_2315 = arith.extui %sign3A_2314 : i1 to i32
        %sign3A_2316 = arith.constant 0 : i32
        %sign3A_2317 = arith.cmpi slt, %jit3A_2304, %sign3A_2316 : i32
        %sign3A_2318 = arith.extui %sign3A_2317 : i1 to i32
        %sign3A_2319 = arith.subi %sign3A_2315, %sign3A_2318 : i32
        %ne3A_2320 = arith.cmpi ne, %sign3A_2312, %sign3A_2319 : i32
        %rem3A_2321 = arith.remsi %reduce_max3A_2303, %jit3A_2304 : i32
        %ne3A_2322 = arith.constant 0 : i32
        %ne3A_2323 = arith.cmpi ne, %rem3A_2321, %ne3A_2322 : i32
        %and3A_2324 = arith.andi %ne3A_2320, %ne3A_2323 : i1
        %sub3A_2325 = arith.constant 1 : i32
        %sub3A_2326 = arith.subi %div3A_2305, %sub3A_2325 : i32
        %select_n3A_2327 = arith.select %and3A_2324, %sub3A_2326, %div3A_2305 : i32
        %mul3A_2328 = arith.constant 128 : i32
        %mul3A_2329 = arith.muli %select_n3A_2327, %mul3A_2328 : i32
        %multiple_of3A_2330 = tpu.assume_multiple %mul3A_2329, 128 : i32
        %dma_start3A_2331 = arith.constant 0 : i32
        %dma_start3A_2332 = arith.constant 6 : i32
        %dma_start3A_2333 = arith.constant 0 : i32
        %dma_start3A_2334 = arith.constant 0 : i32
        %dma_start3A_2335 = tpu.memref_slice %arg6[%dma_start3A_2331, %dma_start3A_2332, %dma_start3A_2333, %dma_start3A_2334] : memref<2x8x32x128xf32, #tpu.memory_space<vmem>> -> memref<1x1x32x128xf32, #tpu.memory_space<vmem>>
        %dma_start3A_2336 = tpu.memref_squeeze %dma_start3A_2335 : memref<1x1x32x128xf32, #tpu.memory_space<vmem>> -> memref<32x128xf32, #tpu.memory_space<vmem>>
        %dma_start3A_2337 = arith.constant 0 : i32
        %dma_start3A_2338 = tpu.memref_slice %arg3[%dma_start3A_2337, %multiple_of3A_2330] : memref<32x1000002xf32, #tpu.memory_space<hbm>> -> memref<32x128xf32, #tpu.memory_space<hbm>>
        %dma_start3A_2339 = arith.constant 0 : i32
        %dma_start3A_2340 = arith.constant 0 : i32
        %dma_start3A_2341 = tpu.memref_slice %arg6[%dma_start3A_2331, %dma_start3A_2332, %dma_start3A_2339, %dma_start3A_2340] : memref<2x8x32x128xf32, #tpu.memory_space<vmem>> -> memref<1x1x32x128xf32, #tpu.memory_space<vmem>>
        %dma_start3A_2342 = tpu.memref_squeeze %dma_start3A_2341 : memref<1x1x32x128xf32, #tpu.memory_space<vmem>> -> memref<32x128xf32, #tpu.memory_space<vmem>>
        %dma_start3A_2343 = arith.constant 0 : i32
        %dma_start3A_2344 = tpu.memref_slice %arg3[%dma_start3A_2343, %multiple_of3A_2330] : memref<32x1000002xf32, #tpu.memory_space<hbm>> -> memref<32x128xf32, #tpu.memory_space<hbm>>
        tpu.enqueue_dma source(%dma_start3A_2344 : memref<32x128xf32, #tpu.memory_space<hbm>>) target(%dma_start3A_2342 : memref<32x128xf32, #tpu.memory_space<vmem>>) target_semaphore(%arg8 : memref<!tpu.dma_semaphore, #tpu.memory_space<semaphore_mem>>)
        %mul3A_2345 = arith.constant 8 : i32
        %mul3A_2346 = arith.muli %add3A_1931, %mul3A_2345 : i32
        %get3A_2347 = arith.index_cast %mul3A_2346 : i32 to index
        %get3A_2348 = tpu.vector_load %arg5[%get3A_2347] {strides = array<i32>} : memref<528xi32, #tpu.memory_space<vmem>>, vector<16xi32>,
        %eq3A_2349 = arith.constant 7 : i32
        %eq3A_2350 = vector.broadcast %eq3A_2349 : i32 to vector<16xi32>
        %eq3A_2351 = arith.cmpi eq, %iota3A, %eq3A_2350 : vector<16xi32>
        %jit3A_2352 = arith.constant 0 : i32
        %broadcast_in_dim3A_2353 = vector.broadcast %jit3A_2352 : i32 to vector<16xi32>
        %select_n3A_2354 = arith.select %eq3A_2351, %get3A_2348, %broadcast_in_dim3A_2353 : vector<16xi1>, vector<16xi32>
        %reduce_max3A_2355 = arith.constant true
        %reduce_max3A_2356 = vector.broadcast %reduce_max3A_2355 : i1 to vector<16xi1>
        %reduce_max3A_2357 = arith.constant -2147483648 : i32
        %reduce_max3A_2358 = vector.broadcast %reduce_max3A_2357 : i32 to vector<16xi32>
        %reduce_max3A_2359 = arith.xori %select_n3A_2354, %reduce_max3A_2358 : vector<16xi32>
        %reduce_max3A_2360 = tpu.scan <max>, %reduce_max3A_2359 masked %reduce_max3A_2356 : vector<16xi32>, vector<16xi1> -> vector<16xi32>
        %reduce_max3A_2361 = arith.xori %reduce_max3A_2360, %reduce_max3A_2358 : vector<16xi32>
        %reduce_max3A_2362 = vector.extract %reduce_max3A_2361[15] : i32 from vector<16xi32>
        %jit3A_2363 = arith.constant 128 : i32
        %div3A_2364 = arith.divsi %reduce_max3A_2362, %jit3A_2363 : i32
        %sign3A_2365 = arith.constant 0 : i32
        %sign3A_2366 = arith.cmpi sgt, %reduce_max3A_2362, %sign3A_2365 : i32
        %sign3A_2367 = arith.extui %sign3A_2366 : i1 to i32
        %sign3A_2368 = arith.constant 0 : i32
        %sign3A_2369 = arith.cmpi slt, %reduce_max3A_2362, %sign3A_2368 : i32
        %sign3A_2370 = arith.extui %sign3A_2369 : i1 to i32
        %sign3A_2371 = arith.subi %sign3A_2367, %sign3A_2370 : i32
        %sign3A_2372 = arith.constant 0 : i32
        %sign3A_2373 = arith.cmpi sgt, %jit3A_2363, %sign3A_2372 : i32
        %sign3A_2374 = arith.extui %sign3A_2373 : i1 to i32
        %sign3A_2375 = arith.constant 0 : i32
        %sign3A_2376 = arith.cmpi slt, %jit3A_2363, %sign3A_2375 : i32
        %sign3A_2377 = arith.extui %sign3A_2376 : i1 to i32
        %sign3A_2378 = arith.subi %sign3A_2374, %sign3A_2377 : i32
        %ne3A_2379 = arith.cmpi ne, %sign3A_2371, %sign3A_2378 : i32
        %rem3A_2380 = arith.remsi %reduce_max3A_2362, %jit3A_2363 : i32
        %ne3A_2381 = arith.constant 0 : i32
        %ne3A_2382 = arith.cmpi ne, %rem3A_2380, %ne3A_2381 : i32
        %and3A_2383 = arith.andi %ne3A_2379, %ne3A_2382 : i1
        %sub3A_2384 = arith.constant 1 : i32
        %sub3A_2385 = arith.subi %div3A_2364, %sub3A_2384 : i32
        %select_n3A_2386 = arith.select %and3A_2383, %sub3A_2385, %div3A_2364 : i32
        %mul3A_2387 = arith.constant 128 : i32
        %mul3A_2388 = arith.muli %select_n3A_2386, %mul3A_2387 : i32
        %multiple_of3A_2389 = tpu.assume_multiple %mul3A_2388, 128 : i32
        %dma_start3A_2390 = arith.constant 0 : i32
        %dma_start3A_2391 = arith.constant 7 : i32
        %dma_start3A_2392 = arith.constant 0 : i32
        %dma_start3A_2393 = arith.constant 0 : i32
        %dma_start3A_2394 = tpu.memref_slice %arg6[%dma_start3A_2390, %dma_start3A_2391, %dma_start3A_2392, %dma_start3A_2393] : memref<2x8x32x128xf32, #tpu.memory_space<vmem>> -> memref<1x1x32x128xf32, #tpu.memory_space<vmem>>
        %dma_start3A_2395 = tpu.memref_squeeze %dma_start3A_2394 : memref<1x1x32x128xf32, #tpu.memory_space<vmem>> -> memref<32x128xf32, #tpu.memory_space<vmem>>
        %dma_start3A_2396 = arith.constant 0 : i32
        %dma_start3A_2397 = tpu.memref_slice %arg3[%dma_start3A_2396, %multiple_of3A_2389] : memref<32x1000002xf32, #tpu.memory_space<hbm>> -> memref<32x128xf32, #tpu.memory_space<hbm>>
        %dma_start3A_2398 = arith.constant 0 : i32
        %dma_start3A_2399 = arith.constant 0 : i32
        %dma_start3A_2400 = tpu.memref_slice %arg6[%dma_start3A_2390, %dma_start3A_2391, %dma_start3A_2398, %dma_start3A_2399] : memref<2x8x32x128xf32, #tpu.memory_space<vmem>> -> memref<1x1x32x128xf32, #tpu.memory_space<vmem>>
        %dma_start3A_2401 = tpu.memref_squeeze %dma_start3A_2400 : memref<1x1x32x128xf32, #tpu.memory_space<vmem>> -> memref<32x128xf32, #tpu.memory_space<vmem>>
        %dma_start3A_2402 = arith.constant 0 : i32
        %dma_start3A_2403 = tpu.memref_slice %arg3[%dma_start3A_2402, %multiple_of3A_2389] : memref<32x1000002xf32, #tpu.memory_space<hbm>> -> memref<32x128xf32, #tpu.memory_space<hbm>>
        tpu.enqueue_dma source(%dma_start3A_2403 : memref<32x128xf32, #tpu.memory_space<hbm>>) target(%dma_start3A_2401 : memref<32x128xf32, #tpu.memory_space<vmem>>) target_semaphore(%arg8 : memref<!tpu.dma_semaphore, #tpu.memory_space<semaphore_mem>>)
      } else {
      }
      %ge3A_1213 = arith.constant 2 : i32
      %ge3A_1214 = arith.cmpi sge, %add3A_1205, %ge3A_1213 : i32
      %convert_element_type3A_1215 = arith.extui %ge3A_1214 : i1 to i32
      %cond3A_1216 = arith.constant 0 : i32
      %cond3A_1217 = arith.cmpi ne, %convert_element_type3A_1215, %cond3A_1216 : i32
      scf.if %cond3A_1217 {
        %dma_wait3A_1930 = arith.constant 1 : i32
        %dma_wait3A_1931 = arith.constant 0 : i32
        %dma_wait3A_1932 = arith.constant 0 : i32
        %dma_wait3A_1933 = tpu.memref_slice %arg7[%dma_wait3A_1930, %dma_wait3A_1931, %dma_wait3A_1932] : memref<2x8x32xf32, #tpu.memory_space<vmem>> -> memref<1x8x32xf32, #tpu.memory_space<vmem>>
        %dma_wait3A_1934 = tpu.memref_squeeze %dma_wait3A_1933 : memref<1x8x32xf32, #tpu.memory_space<vmem>> -> memref<8x32xf32, #tpu.memory_space<vmem>>
        %dma_wait3A_1935 = arith.constant 0 : i32
        %dma_wait3A_1936 = arith.constant 0 : i32
        %dma_wait3A_1937 = tpu.memref_slice %arg4[%dma_wait3A_1935, %dma_wait3A_1936] : memref<16384x32xf32, #tpu.memory_space<hbm>> -> memref<8x32xf32, #tpu.memory_space<hbm>>
        %dma_wait3A_1938 = arith.constant 0 : i32
        %dma_wait3A_1939 = arith.constant 0 : i32
        %dma_wait3A_1940 = tpu.memref_slice %arg4[%dma_wait3A_1938, %dma_wait3A_1939] : memref<16384x32xf32, #tpu.memory_space<hbm>> -> memref<8x32xf32, #tpu.memory_space<hbm>>
        %dma_wait3A_1941 = arith.constant 0 : i32
        %dma_wait3A_1942 = arith.constant 0 : i32
        %dma_wait3A_1943 = tpu.memref_slice %arg7[%dma_wait3A_1930, %dma_wait3A_1941, %dma_wait3A_1942] : memref<2x8x32xf32, #tpu.memory_space<vmem>> -> memref<1x8x32xf32, #tpu.memory_space<vmem>>
        %dma_wait3A_1944 = tpu.memref_squeeze %dma_wait3A_1943 : memref<1x8x32xf32, #tpu.memory_space<vmem>> -> memref<8x32xf32, #tpu.memory_space<vmem>>
        tpu.wait_dma2 semaphore(%arg11 : memref<!tpu.dma_semaphore, #tpu.memory_space<semaphore_mem>>) src(%dma_wait3A_1944 : memref<8x32xf32, #tpu.memory_space<vmem>>) dst(%dma_wait3A_1940 : memref<8x32xf32, #tpu.memory_space<hbm>>)
      } else {
      }
      %dma_wait3A_1218 = arith.constant 1 : i32
      %dma_wait3A_1219 = arith.constant 0 : i32
      %dma_wait3A_1220 = arith.constant 0 : i32
      %dma_wait3A_1221 = arith.constant 0 : i32
      %dma_wait3A_1222 = tpu.memref_slice %arg6[%dma_wait3A_1218, %dma_wait3A_1219, %dma_wait3A_1220, %dma_wait3A_1221] : memref<2x8x32x128xf32, #tpu.memory_space<vmem>> -> memref<1x1x32x128xf32, #tpu.memory_space<vmem>>
      %dma_wait3A_1223 = tpu.memref_squeeze %dma_wait3A_1222 : memref<1x1x32x128xf32, #tpu.memory_space<vmem>> -> memref<32x128xf32, #tpu.memory_space<vmem>>
      %dma_wait3A_1224 = arith.constant 0 : i32
      %dma_wait3A_1225 = arith.constant 0 : i32
      %dma_wait3A_1226 = tpu.memref_slice %arg3[%dma_wait3A_1224, %dma_wait3A_1225] : memref<32x1000002xf32, #tpu.memory_space<hbm>> -> memref<32x128xf32, #tpu.memory_space<hbm>>
      %dma_wait3A_1227 = arith.constant 0 : i32
      %dma_wait3A_1228 = arith.constant 0 : i32
      %dma_wait3A_1229 = tpu.memref_slice %arg6[%dma_wait3A_1218, %dma_wait3A_1219, %dma_wait3A_1227, %dma_wait3A_1228] : memref<2x8x32x128xf32, #tpu.memory_space<vmem>> -> memref<1x1x32x128xf32, #tpu.memory_space<vmem>>
      %dma_wait3A_1230 = tpu.memref_squeeze %dma_wait3A_1229 : memref<1x1x32x128xf32, #tpu.memory_space<vmem>> -> memref<32x128xf32, #tpu.memory_space<vmem>>
      %dma_wait3A_1231 = arith.constant 0 : i32
      %dma_wait3A_1232 = arith.constant 0 : i32
      %dma_wait3A_1233 = tpu.memref_slice %arg3[%dma_wait3A_1231, %dma_wait3A_1232] : memref<32x1000002xf32, #tpu.memory_space<hbm>> -> memref<32x128xf32, #tpu.memory_space<hbm>>
      tpu.wait_dma2 semaphore(%arg9 : memref<!tpu.dma_semaphore, #tpu.memory_space<semaphore_mem>>) src(%dma_wait3A_1233 : memref<32x128xf32, #tpu.memory_space<hbm>>) dst(%dma_wait3A_1230 : memref<32x128xf32, #tpu.memory_space<vmem>>)
      %mul3A_1234 = arith.constant 8 : i32
      %mul3A_1235 = arith.muli %add3A_1205, %mul3A_1234 : i32
      %get3A_1236 = arith.index_cast %mul3A_1235 : i32 to index
      %get3A_1237 = tpu.vector_load %arg5[%get3A_1236] {strides = array<i32>} : memref<528xi32, #tpu.memory_space<vmem>>, vector<16xi32>,
      %eq3A_1238 = arith.constant 0 : i32
      %eq3A_1239 = vector.broadcast %eq3A_1238 : i32 to vector<16xi32>
      %eq3A_1240 = arith.cmpi eq, %iota3A, %eq3A_1239 : vector<16xi32>
      %jit3A_1241 = arith.constant 0 : i32
      %broadcast_in_dim3A_1242 = vector.broadcast %jit3A_1241 : i32 to vector<16xi32>
      %select_n3A_1243 = arith.select %eq3A_1240, %get3A_1237, %broadcast_in_dim3A_1242 : vector<16xi1>, vector<16xi32>
      %reduce_max3A_1244 = arith.constant true
      %reduce_max3A_1245 = vector.broadcast %reduce_max3A_1244 : i1 to vector<16xi1>
      %reduce_max3A_1246 = arith.constant -2147483648 : i32
      %reduce_max3A_1247 = vector.broadcast %reduce_max3A_1246 : i32 to vector<16xi32>
      %reduce_max3A_1248 = arith.xori %select_n3A_1243, %reduce_max3A_1247 : vector<16xi32>
      %reduce_max3A_1249 = tpu.scan <max>, %reduce_max3A_1248 masked %reduce_max3A_1245 : vector<16xi32>, vector<16xi1> -> vector<16xi32>
      %reduce_max3A_1250 = arith.xori %reduce_max3A_1249, %reduce_max3A_1247 : vector<16xi32>
      %reduce_max3A_1251 = vector.extract %reduce_max3A_1250[15] : i32 from vector<16xi32>
      %jit3A_1252 = arith.constant 128 : i32
      %div3A_1253 = arith.divsi %reduce_max3A_1251, %jit3A_1252 : i32
      %sign3A_1254 = arith.constant 0 : i32
      %sign3A_1255 = arith.cmpi sgt, %reduce_max3A_1251, %sign3A_1254 : i32
      %sign3A_1256 = arith.extui %sign3A_1255 : i1 to i32
      %sign3A_1257 = arith.constant 0 : i32
      %sign3A_1258 = arith.cmpi slt, %reduce_max3A_1251, %sign3A_1257 : i32
      %sign3A_1259 = arith.extui %sign3A_1258 : i1 to i32
      %sign3A_1260 = arith.subi %sign3A_1256, %sign3A_1259 : i32
      %sign3A_1261 = arith.constant 0 : i32
      %sign3A_1262 = arith.cmpi sgt, %jit3A_1252, %sign3A_1261 : i32
      %sign3A_1263 = arith.extui %sign3A_1262 : i1 to i32
      %sign3A_1264 = arith.constant 0 : i32
      %sign3A_1265 = arith.cmpi slt, %jit3A_1252, %sign3A_1264 : i32
      %sign3A_1266 = arith.extui %sign3A_1265 : i1 to i32
      %sign3A_1267 = arith.subi %sign3A_1263, %sign3A_1266 : i32
      %ne3A_1268 = arith.cmpi ne, %sign3A_1260, %sign3A_1267 : i32
      %rem3A_1269 = arith.remsi %reduce_max3A_1251, %jit3A_1252 : i32
      %ne3A_1270 = arith.constant 0 : i32
      %ne3A_1271 = arith.cmpi ne, %rem3A_1269, %ne3A_1270 : i32
      %and3A_1272 = arith.andi %ne3A_1268, %ne3A_1271 : i1
      %sub3A_1273 = arith.constant 1 : i32
      %sub3A_1274 = arith.subi %div3A_1253, %sub3A_1273 : i32
      %select_n3A_1275 = arith.select %and3A_1272, %sub3A_1274, %div3A_1253 : i32
      %mul3A_1276 = arith.constant 128 : i32
      %mul3A_1277 = arith.muli %select_n3A_1275, %mul3A_1276 : i32
      %multiple_of3A_1278 = tpu.assume_multiple %mul3A_1277, 128 : i32
      %sub3A_1279 = arith.subi %reduce_max3A_1251, %multiple_of3A_1278 : i32
      %broadcast_in_dim3A_1280 = arith.constant 0 : i32
      %broadcast_in_dim3A_1281 = vector.broadcast %broadcast_in_dim3A_1280 : i32 to vector<16xi32>
      %add3A_1282 = vector.broadcast %sub3A_1279 : i32 to vector<16xi32>
      %add3A_1283 = arith.addi %add3A_1282, %broadcast_in_dim3A_1281 : vector<16xi32>
      %broadcast_in_dim3A_1284 = arith.constant 1 : i32
      %broadcast_in_dim3A_1285 = vector.broadcast %broadcast_in_dim3A_1284 : i32 to vector<16xi32>
      %broadcast_in_dim3A_1286 = arith.constant 0 : i32
      %broadcast_in_dim3A_1287 = vector.broadcast %broadcast_in_dim3A_1286 : i32 to vector<16xi32>
      %gather3A_1288 = tpu.vector_load_idx %arg6[%broadcast_in_dim3A_1285, %broadcast_in_dim3A_1287, %iota3A, %add3A_1283] : memref<2x8x32x128xf32, #tpu.memory_space<vmem>>[vector<16xi32>, vector<16xi32>, vector<16xi32>, vector<16xi32>], vector<16xf32>,
      %add3A_1289 = arith.constant 16 : i32
      %add3A_1290 = vector.broadcast %add3A_1289 : i32 to vector<16xi32>
      %add3A_1291 = arith.addi %add3A_1290, %iota3A : vector<16xi32>
      %gather3A_1292 = tpu.vector_load_idx %arg6[%broadcast_in_dim3A_1285, %broadcast_in_dim3A_1287, %add3A_1291, %add3A_1283] : memref<2x8x32x128xf32, #tpu.memory_space<vmem>>[vector<16xi32>, vector<16xi32>, vector<16xi32>, vector<16xi32>], vector<16xf32>,
      %swap3A_1293 = arith.constant 1 : i32
      %swap3A_1294 = arith.constant 0 : i32
      %swap3A_1295 = arith.index_cast %swap3A_1293 : i32 to index
      %swap3A_1296 = arith.index_cast %swap3A_1294 : i32 to index
      %swap3A_1297 = arith.constant 0 : index
      %swap3A_1298 = tpu.vector_load %arg7[%swap3A_1295, %swap3A_1296, %swap3A_1297] {strides = array<i32>} : memref<2x8x32xf32, #tpu.memory_space<vmem>>, vector<16xf32>,
      tpu.vector_store %arg7[%swap3A_1295, %swap3A_1296, %swap3A_1297], %gather3A_1288 {strides = array<i32>} : memref<2x8x32xf32, #tpu.memory_space<vmem>>, vector<16xf32>,
      %swap3A_1299 = arith.constant 1 : i32
      %swap3A_1300 = arith.constant 0 : i32
      %swap3A_1301 = arith.index_cast %swap3A_1299 : i32 to index
      %swap3A_1302 = arith.index_cast %swap3A_1300 : i32 to index
      %swap3A_1303 = arith.constant 16 : index
      %swap3A_1304 = tpu.vector_load %arg7[%swap3A_1301, %swap3A_1302, %swap3A_1303] {strides = array<i32>} : memref<2x8x32xf32, #tpu.memory_space<vmem>>, vector<16xf32>,
      tpu.vector_store %arg7[%swap3A_1301, %swap3A_1302, %swap3A_1303], %gather3A_1292 {strides = array<i32>} : memref<2x8x32xf32, #tpu.memory_space<vmem>>, vector<16xf32>,
      %dma_wait3A_1305 = arith.constant 1 : i32
      %dma_wait3A_1306 = arith.constant 1 : i32
      %dma_wait3A_1307 = arith.constant 0 : i32
      %dma_wait3A_1308 = arith.constant 0 : i32
      %dma_wait3A_1309 = tpu.memref_slice %arg6[%dma_wait3A_1305, %dma_wait3A_1306, %dma_wait3A_1307, %dma_wait3A_1308] : memref<2x8x32x128xf32, #tpu.memory_space<vmem>> -> memref<1x1x32x128xf32, #tpu.memory_space<vmem>>
      %dma_wait3A_1310 = tpu.memref_squeeze %dma_wait3A_1309 : memref<1x1x32x128xf32, #tpu.memory_space<vmem>> -> memref<32x128xf32, #tpu.memory_space<vmem>>
      %dma_wait3A_1311 = arith.constant 0 : i32
      %dma_wait3A_1312 = arith.constant 0 : i32
      %dma_wait3A_1313 = tpu.memref_slice %arg3[%dma_wait3A_1311, %dma_wait3A_1312] : memref<32x1000002xf32, #tpu.memory_space<hbm>> -> memref<32x128xf32, #tpu.memory_space<hbm>>
      %dma_wait3A_1314 = arith.constant 0 : i32
      %dma_wait3A_1315 = arith.constant 0 : i32
      %dma_wait3A_1316 = tpu.memref_slice %arg6[%dma_wait3A_1305, %dma_wait3A_1306, %dma_wait3A_1314, %dma_wait3A_1315] : memref<2x8x32x128xf32, #tpu.memory_space<vmem>> -> memref<1x1x32x128xf32, #tpu.memory_space<vmem>>
      %dma_wait3A_1317 = tpu.memref_squeeze %dma_wait3A_1316 : memref<1x1x32x128xf32, #tpu.memory_space<vmem>> -> memref<32x128xf32, #tpu.memory_space<vmem>>
      %dma_wait3A_1318 = arith.constant 0 : i32
      %dma_wait3A_1319 = arith.constant 0 : i32
      %dma_wait3A_1320 = tpu.memref_slice %arg3[%dma_wait3A_1318, %dma_wait3A_1319] : memref<32x1000002xf32, #tpu.memory_space<hbm>> -> memref<32x128xf32, #tpu.memory_space<hbm>>
      tpu.wait_dma2 semaphore(%arg9 : memref<!tpu.dma_semaphore, #tpu.memory_space<semaphore_mem>>) src(%dma_wait3A_1320 : memref<32x128xf32, #tpu.memory_space<hbm>>) dst(%dma_wait3A_1317 : memref<32x128xf32, #tpu.memory_space<vmem>>)
      %mul3A_1321 = arith.constant 8 : i32
      %mul3A_1322 = arith.muli %add3A_1205, %mul3A_1321 : i32
      %get3A_1323 = arith.index_cast %mul3A_1322 : i32 to index
      %get3A_1324 = tpu.vector_load %arg5[%get3A_1323] {strides = array<i32>} : memref<528xi32, #tpu.memory_space<vmem>>, vector<16xi32>,
      %eq3A_1325 = arith.constant 1 : i32
      %eq3A_1326 = vector.broadcast %eq3A_1325 : i32 to vector<16xi32>
      %eq3A_1327 = arith.cmpi eq, %iota3A, %eq3A_1326 : vector<16xi32>
      %jit3A_1328 = arith.constant 0 : i32
      %broadcast_in_dim3A_1329 = vector.broadcast %jit3A_1328 : i32 to vector<16xi32>
      %select_n3A_1330 = arith.select %eq3A_1327, %get3A_1324, %broadcast_in_dim3A_1329 : vector<16xi1>, vector<16xi32>
      %reduce_max3A_1331 = arith.constant true
      %reduce_max3A_1332 = vector.broadcast %reduce_max3A_1331 : i1 to vector<16xi1>
      %reduce_max3A_1333 = arith.constant -2147483648 : i32
      %reduce_max3A_1334 = vector.broadcast %reduce_max3A_1333 : i32 to vector<16xi32>
      %reduce_max3A_1335 = arith.xori %select_n3A_1330, %reduce_max3A_1334 : vector<16xi32>
      %reduce_max3A_1336 = tpu.scan <max>, %reduce_max3A_1335 masked %reduce_max3A_1332 : vector<16xi32>, vector<16xi1> -> vector<16xi32>
      %reduce_max3A_1337 = arith.xori %reduce_max3A_1336, %reduce_max3A_1334 : vector<16xi32>
      %reduce_max3A_1338 = vector.extract %reduce_max3A_1337[15] : i32 from vector<16xi32>
      %jit3A_1339 = arith.constant 128 : i32
      %div3A_1340 = arith.divsi %reduce_max3A_1338, %jit3A_1339 : i32
      %sign3A_1341 = arith.constant 0 : i32
      %sign3A_1342 = arith.cmpi sgt, %reduce_max3A_1338, %sign3A_1341 : i32
      %sign3A_1343 = arith.extui %sign3A_1342 : i1 to i32
      %sign3A_1344 = arith.constant 0 : i32
      %sign3A_1345 = arith.cmpi slt, %reduce_max3A_1338, %sign3A_1344 : i32
      %sign3A_1346 = arith.extui %sign3A_1345 : i1 to i32
      %sign3A_1347 = arith.subi %sign3A_1343, %sign3A_1346 : i32
      %sign3A_1348 = arith.constant 0 : i32
      %sign3A_1349 = arith.cmpi sgt, %jit3A_1339, %sign3A_1348 : i32
      %sign3A_1350 = arith.extui %sign3A_1349 : i1 to i32
      %sign3A_1351 = arith.constant 0 : i32
      %sign3A_1352 = arith.cmpi slt, %jit3A_1339, %sign3A_1351 : i32
      %sign3A_1353 = arith.extui %sign3A_1352 : i1 to i32
      %sign3A_1354 = arith.subi %sign3A_1350, %sign3A_1353 : i32
      %ne3A_1355 = arith.cmpi ne, %sign3A_1347, %sign3A_1354 : i32
      %rem3A_1356 = arith.remsi %reduce_max3A_1338, %jit3A_1339 : i32
      %ne3A_1357 = arith.constant 0 : i32
      %ne3A_1358 = arith.cmpi ne, %rem3A_1356, %ne3A_1357 : i32
      %and3A_1359 = arith.andi %ne3A_1355, %ne3A_1358 : i1
      %sub3A_1360 = arith.constant 1 : i32
      %sub3A_1361 = arith.subi %div3A_1340, %sub3A_1360 : i32
      %select_n3A_1362 = arith.select %and3A_1359, %sub3A_1361, %div3A_1340 : i32
      %mul3A_1363 = arith.constant 128 : i32
      %mul3A_1364 = arith.muli %select_n3A_1362, %mul3A_1363 : i32
      %multiple_of3A_1365 = tpu.assume_multiple %mul3A_1364, 128 : i32
      %sub3A_1366 = arith.subi %reduce_max3A_1338, %multiple_of3A_1365 : i32
      %broadcast_in_dim3A_1367 = arith.constant 0 : i32
      %broadcast_in_dim3A_1368 = vector.broadcast %broadcast_in_dim3A_1367 : i32 to vector<16xi32>
      %add3A_1369 = vector.broadcast %sub3A_1366 : i32 to vector<16xi32>
      %add3A_1370 = arith.addi %add3A_1369, %broadcast_in_dim3A_1368 : vector<16xi32>
      %broadcast_in_dim3A_1371 = arith.constant 1 : i32
      %broadcast_in_dim3A_1372 = vector.broadcast %broadcast_in_dim3A_1371 : i32 to vector<16xi32>
      %broadcast_in_dim3A_1373 = arith.constant 1 : i32
      %broadcast_in_dim3A_1374 = vector.broadcast %broadcast_in_dim3A_1373 : i32 to vector<16xi32>
      %gather3A_1375 = tpu.vector_load_idx %arg6[%broadcast_in_dim3A_1372, %broadcast_in_dim3A_1374, %iota3A, %add3A_1370] : memref<2x8x32x128xf32, #tpu.memory_space<vmem>>[vector<16xi32>, vector<16xi32>, vector<16xi32>, vector<16xi32>], vector<16xf32>,
      %add3A_1376 = arith.constant 16 : i32
      %add3A_1377 = vector.broadcast %add3A_1376 : i32 to vector<16xi32>
      %add3A_1378 = arith.addi %add3A_1377, %iota3A : vector<16xi32>
      %gather3A_1379 = tpu.vector_load_idx %arg6[%broadcast_in_dim3A_1372, %broadcast_in_dim3A_1374, %add3A_1378, %add3A_1370] : memref<2x8x32x128xf32, #tpu.memory_space<vmem>>[vector<16xi32>, vector<16xi32>, vector<16xi32>, vector<16xi32>], vector<16xf32>,
      %swap3A_1380 = arith.constant 1 : i32
      %swap3A_1381 = arith.constant 1 : i32
      %swap3A_1382 = arith.index_cast %swap3A_1380 : i32 to index
      %swap3A_1383 = arith.index_cast %swap3A_1381 : i32 to index
      %swap3A_1384 = arith.constant 0 : index
      %swap3A_1385 = tpu.vector_load %arg7[%swap3A_1382, %swap3A_1383, %swap3A_1384] {strides = array<i32>} : memref<2x8x32xf32, #tpu.memory_space<vmem>>, vector<16xf32>,
      tpu.vector_store %arg7[%swap3A_1382, %swap3A_1383, %swap3A_1384], %gather3A_1375 {strides = array<i32>} : memref<2x8x32xf32, #tpu.memory_space<vmem>>, vector<16xf32>,
      %swap3A_1386 = arith.constant 1 : i32
      %swap3A_1387 = arith.constant 1 : i32
      %swap3A_1388 = arith.index_cast %swap3A_1386 : i32 to index
      %swap3A_1389 = arith.index_cast %swap3A_1387 : i32 to index
      %swap3A_1390 = arith.constant 16 : index
      %swap3A_1391 = tpu.vector_load %arg7[%swap3A_1388, %swap3A_1389, %swap3A_1390] {strides = array<i32>} : memref<2x8x32xf32, #tpu.memory_space<vmem>>, vector<16xf32>,
      tpu.vector_store %arg7[%swap3A_1388, %swap3A_1389, %swap3A_1390], %gather3A_1379 {strides = array<i32>} : memref<2x8x32xf32, #tpu.memory_space<vmem>>, vector<16xf32>,
      %dma_wait3A_1392 = arith.constant 1 : i32
      %dma_wait3A_1393 = arith.constant 2 : i32
      %dma_wait3A_1394 = arith.constant 0 : i32
      %dma_wait3A_1395 = arith.constant 0 : i32
      %dma_wait3A_1396 = tpu.memref_slice %arg6[%dma_wait3A_1392, %dma_wait3A_1393, %dma_wait3A_1394, %dma_wait3A_1395] : memref<2x8x32x128xf32, #tpu.memory_space<vmem>> -> memref<1x1x32x128xf32, #tpu.memory_space<vmem>>
      %dma_wait3A_1397 = tpu.memref_squeeze %dma_wait3A_1396 : memref<1x1x32x128xf32, #tpu.memory_space<vmem>> -> memref<32x128xf32, #tpu.memory_space<vmem>>
      %dma_wait3A_1398 = arith.constant 0 : i32
      %dma_wait3A_1399 = arith.constant 0 : i32
      %dma_wait3A_1400 = tpu.memref_slice %arg3[%dma_wait3A_1398, %dma_wait3A_1399] : memref<32x1000002xf32, #tpu.memory_space<hbm>> -> memref<32x128xf32, #tpu.memory_space<hbm>>
      %dma_wait3A_1401 = arith.constant 0 : i32
      %dma_wait3A_1402 = arith.constant 0 : i32
      %dma_wait3A_1403 = tpu.memref_slice %arg6[%dma_wait3A_1392, %dma_wait3A_1393, %dma_wait3A_1401, %dma_wait3A_1402] : memref<2x8x32x128xf32, #tpu.memory_space<vmem>> -> memref<1x1x32x128xf32, #tpu.memory_space<vmem>>
      %dma_wait3A_1404 = tpu.memref_squeeze %dma_wait3A_1403 : memref<1x1x32x128xf32, #tpu.memory_space<vmem>> -> memref<32x128xf32, #tpu.memory_space<vmem>>
      %dma_wait3A_1405 = arith.constant 0 : i32
      %dma_wait3A_1406 = arith.constant 0 : i32
      %dma_wait3A_1407 = tpu.memref_slice %arg3[%dma_wait3A_1405, %dma_wait3A_1406] : memref<32x1000002xf32, #tpu.memory_space<hbm>> -> memref<32x128xf32, #tpu.memory_space<hbm>>
      tpu.wait_dma2 semaphore(%arg9 : memref<!tpu.dma_semaphore, #tpu.memory_space<semaphore_mem>>) src(%dma_wait3A_1407 : memref<32x128xf32, #tpu.memory_space<hbm>>) dst(%dma_wait3A_1404 : memref<32x128xf32, #tpu.memory_space<vmem>>)
      %mul3A_1408 = arith.constant 8 : i32
      %mul3A_1409 = arith.muli %add3A_1205, %mul3A_1408 : i32
      %get3A_1410 = arith.index_cast %mul3A_1409 : i32 to index
      %get3A_1411 = tpu.vector_load %arg5[%get3A_1410] {strides = array<i32>} : memref<528xi32, #tpu.memory_space<vmem>>, vector<16xi32>,
      %eq3A_1412 = arith.constant 2 : i32
      %eq3A_1413 = vector.broadcast %eq3A_1412 : i32 to vector<16xi32>
      %eq3A_1414 = arith.cmpi eq, %iota3A, %eq3A_1413 : vector<16xi32>
      %jit3A_1415 = arith.constant 0 : i32
      %broadcast_in_dim3A_1416 = vector.broadcast %jit3A_1415 : i32 to vector<16xi32>
      %select_n3A_1417 = arith.select %eq3A_1414, %get3A_1411, %broadcast_in_dim3A_1416 : vector<16xi1>, vector<16xi32>
      %reduce_max3A_1418 = arith.constant true
      %reduce_max3A_1419 = vector.broadcast %reduce_max3A_1418 : i1 to vector<16xi1>
      %reduce_max3A_1420 = arith.constant -2147483648 : i32
      %reduce_max3A_1421 = vector.broadcast %reduce_max3A_1420 : i32 to vector<16xi32>
      %reduce_max3A_1422 = arith.xori %select_n3A_1417, %reduce_max3A_1421 : vector<16xi32>
      %reduce_max3A_1423 = tpu.scan <max>, %reduce_max3A_1422 masked %reduce_max3A_1419 : vector<16xi32>, vector<16xi1> -> vector<16xi32>
      %reduce_max3A_1424 = arith.xori %reduce_max3A_1423, %reduce_max3A_1421 : vector<16xi32>
      %reduce_max3A_1425 = vector.extract %reduce_max3A_1424[15] : i32 from vector<16xi32>
      %jit3A_1426 = arith.constant 128 : i32
      %div3A_1427 = arith.divsi %reduce_max3A_1425, %jit3A_1426 : i32
      %sign3A_1428 = arith.constant 0 : i32
      %sign3A_1429 = arith.cmpi sgt, %reduce_max3A_1425, %sign3A_1428 : i32
      %sign3A_1430 = arith.extui %sign3A_1429 : i1 to i32
      %sign3A_1431 = arith.constant 0 : i32
      %sign3A_1432 = arith.cmpi slt, %reduce_max3A_1425, %sign3A_1431 : i32
      %sign3A_1433 = arith.extui %sign3A_1432 : i1 to i32
      %sign3A_1434 = arith.subi %sign3A_1430, %sign3A_1433 : i32
      %sign3A_1435 = arith.constant 0 : i32
      %sign3A_1436 = arith.cmpi sgt, %jit3A_1426, %sign3A_1435 : i32
      %sign3A_1437 = arith.extui %sign3A_1436 : i1 to i32
      %sign3A_1438 = arith.constant 0 : i32
      %sign3A_1439 = arith.cmpi slt, %jit3A_1426, %sign3A_1438 : i32
      %sign3A_1440 = arith.extui %sign3A_1439 : i1 to i32
      %sign3A_1441 = arith.subi %sign3A_1437, %sign3A_1440 : i32
      %ne3A_1442 = arith.cmpi ne, %sign3A_1434, %sign3A_1441 : i32
      %rem3A_1443 = arith.remsi %reduce_max3A_1425, %jit3A_1426 : i32
      %ne3A_1444 = arith.constant 0 : i32
      %ne3A_1445 = arith.cmpi ne, %rem3A_1443, %ne3A_1444 : i32
      %and3A_1446 = arith.andi %ne3A_1442, %ne3A_1445 : i1
      %sub3A_1447 = arith.constant 1 : i32
      %sub3A_1448 = arith.subi %div3A_1427, %sub3A_1447 : i32
      %select_n3A_1449 = arith.select %and3A_1446, %sub3A_1448, %div3A_1427 : i32
      %mul3A_1450 = arith.constant 128 : i32
      %mul3A_1451 = arith.muli %select_n3A_1449, %mul3A_1450 : i32
      %multiple_of3A_1452 = tpu.assume_multiple %mul3A_1451, 128 : i32
      %sub3A_1453 = arith.subi %reduce_max3A_1425, %multiple_of3A_1452 : i32
      %broadcast_in_dim3A_1454 = arith.constant 0 : i32
      %broadcast_in_dim3A_1455 = vector.broadcast %broadcast_in_dim3A_1454 : i32 to vector<16xi32>
      %add3A_1456 = vector.broadcast %sub3A_1453 : i32 to vector<16xi32>
      %add3A_1457 = arith.addi %add3A_1456, %broadcast_in_dim3A_1455 : vector<16xi32>
      %broadcast_in_dim3A_1458 = arith.constant 1 : i32
      %broadcast_in_dim3A_1459 = vector.broadcast %broadcast_in_dim3A_1458 : i32 to vector<16xi32>
      %broadcast_in_dim3A_1460 = arith.constant 2 : i32
      %broadcast_in_dim3A_1461 = vector.broadcast %broadcast_in_dim3A_1460 : i32 to vector<16xi32>
      %gather3A_1462 = tpu.vector_load_idx %arg6[%broadcast_in_dim3A_1459, %broadcast_in_dim3A_1461, %iota3A, %add3A_1457] : memref<2x8x32x128xf32, #tpu.memory_space<vmem>>[vector<16xi32>, vector<16xi32>, vector<16xi32>, vector<16xi32>], vector<16xf32>,
      %add3A_1463 = arith.constant 16 : i32
      %add3A_1464 = vector.broadcast %add3A_1463 : i32 to vector<16xi32>
      %add3A_1465 = arith.addi %add3A_1464, %iota3A : vector<16xi32>
      %gather3A_1466 = tpu.vector_load_idx %arg6[%broadcast_in_dim3A_1459, %broadcast_in_dim3A_1461, %add3A_1465, %add3A_1457] : memref<2x8x32x128xf32, #tpu.memory_space<vmem>>[vector<16xi32>, vector<16xi32>, vector<16xi32>, vector<16xi32>], vector<16xf32>,
      %swap3A_1467 = arith.constant 1 : i32
      %swap3A_1468 = arith.constant 2 : i32
      %swap3A_1469 = arith.index_cast %swap3A_1467 : i32 to index
      %swap3A_1470 = arith.index_cast %swap3A_1468 : i32 to index
      %swap3A_1471 = arith.constant 0 : index
      %swap3A_1472 = tpu.vector_load %arg7[%swap3A_1469, %swap3A_1470, %swap3A_1471] {strides = array<i32>} : memref<2x8x32xf32, #tpu.memory_space<vmem>>, vector<16xf32>,
      tpu.vector_store %arg7[%swap3A_1469, %swap3A_1470, %swap3A_1471], %gather3A_1462 {strides = array<i32>} : memref<2x8x32xf32, #tpu.memory_space<vmem>>, vector<16xf32>,
      %swap3A_1473 = arith.constant 1 : i32
      %swap3A_1474 = arith.constant 2 : i32
      %swap3A_1475 = arith.index_cast %swap3A_1473 : i32 to index
      %swap3A_1476 = arith.index_cast %swap3A_1474 : i32 to index
      %swap3A_1477 = arith.constant 16 : index
      %swap3A_1478 = tpu.vector_load %arg7[%swap3A_1475, %swap3A_1476, %swap3A_1477] {strides = array<i32>} : memref<2x8x32xf32, #tpu.memory_space<vmem>>, vector<16xf32>,
      tpu.vector_store %arg7[%swap3A_1475, %swap3A_1476, %swap3A_1477], %gather3A_1466 {strides = array<i32>} : memref<2x8x32xf32, #tpu.memory_space<vmem>>, vector<16xf32>,
      %dma_wait3A_1479 = arith.constant 1 : i32
      %dma_wait3A_1480 = arith.constant 3 : i32
      %dma_wait3A_1481 = arith.constant 0 : i32
      %dma_wait3A_1482 = arith.constant 0 : i32
      %dma_wait3A_1483 = tpu.memref_slice %arg6[%dma_wait3A_1479, %dma_wait3A_1480, %dma_wait3A_1481, %dma_wait3A_1482] : memref<2x8x32x128xf32, #tpu.memory_space<vmem>> -> memref<1x1x32x128xf32, #tpu.memory_space<vmem>>
      %dma_wait3A_1484 = tpu.memref_squeeze %dma_wait3A_1483 : memref<1x1x32x128xf32, #tpu.memory_space<vmem>> -> memref<32x128xf32, #tpu.memory_space<vmem>>
      %dma_wait3A_1485 = arith.constant 0 : i32
      %dma_wait3A_1486 = arith.constant 0 : i32
      %dma_wait3A_1487 = tpu.memref_slice %arg3[%dma_wait3A_1485, %dma_wait3A_1486] : memref<32x1000002xf32, #tpu.memory_space<hbm>> -> memref<32x128xf32, #tpu.memory_space<hbm>>
      %dma_wait3A_1488 = arith.constant 0 : i32
      %dma_wait3A_1489 = arith.constant 0 : i32
      %dma_wait3A_1490 = tpu.memref_slice %arg6[%dma_wait3A_1479, %dma_wait3A_1480, %dma_wait3A_1488, %dma_wait3A_1489] : memref<2x8x32x128xf32, #tpu.memory_space<vmem>> -> memref<1x1x32x128xf32, #tpu.memory_space<vmem>>
      %dma_wait3A_1491 = tpu.memref_squeeze %dma_wait3A_1490 : memref<1x1x32x128xf32, #tpu.memory_space<vmem>> -> memref<32x128xf32, #tpu.memory_space<vmem>>
      %dma_wait3A_1492 = arith.constant 0 : i32
      %dma_wait3A_1493 = arith.constant 0 : i32
      %dma_wait3A_1494 = tpu.memref_slice %arg3[%dma_wait3A_1492, %dma_wait3A_1493] : memref<32x1000002xf32, #tpu.memory_space<hbm>> -> memref<32x128xf32, #tpu.memory_space<hbm>>
      tpu.wait_dma2 semaphore(%arg9 : memref<!tpu.dma_semaphore, #tpu.memory_space<semaphore_mem>>) src(%dma_wait3A_1494 : memref<32x128xf32, #tpu.memory_space<hbm>>) dst(%dma_wait3A_1491 : memref<32x128xf32, #tpu.memory_space<vmem>>)
      %mul3A_1495 = arith.constant 8 : i32
      %mul3A_1496 = arith.muli %add3A_1205, %mul3A_1495 : i32
      %get3A_1497 = arith.index_cast %mul3A_1496 : i32 to index
      %get3A_1498 = tpu.vector_load %arg5[%get3A_1497] {strides = array<i32>} : memref<528xi32, #tpu.memory_space<vmem>>, vector<16xi32>,
      %eq3A_1499 = arith.constant 3 : i32
      %eq3A_1500 = vector.broadcast %eq3A_1499 : i32 to vector<16xi32>
      %eq3A_1501 = arith.cmpi eq, %iota3A, %eq3A_1500 : vector<16xi32>
      %jit3A_1502 = arith.constant 0 : i32
      %broadcast_in_dim3A_1503 = vector.broadcast %jit3A_1502 : i32 to vector<16xi32>
      %select_n3A_1504 = arith.select %eq3A_1501, %get3A_1498, %broadcast_in_dim3A_1503 : vector<16xi1>, vector<16xi32>
      %reduce_max3A_1505 = arith.constant true
      %reduce_max3A_1506 = vector.broadcast %reduce_max3A_1505 : i1 to vector<16xi1>
      %reduce_max3A_1507 = arith.constant -2147483648 : i32
      %reduce_max3A_1508 = vector.broadcast %reduce_max3A_1507 : i32 to vector<16xi32>
      %reduce_max3A_1509 = arith.xori %select_n3A_1504, %reduce_max3A_1508 : vector<16xi32>
      %reduce_max3A_1510 = tpu.scan <max>, %reduce_max3A_1509 masked %reduce_max3A_1506 : vector<16xi32>, vector<16xi1> -> vector<16xi32>
      %reduce_max3A_1511 = arith.xori %reduce_max3A_1510, %reduce_max3A_1508 : vector<16xi32>
      %reduce_max3A_1512 = vector.extract %reduce_max3A_1511[15] : i32 from vector<16xi32>
      %jit3A_1513 = arith.constant 128 : i32
      %div3A_1514 = arith.divsi %reduce_max3A_1512, %jit3A_1513 : i32
      %sign3A_1515 = arith.constant 0 : i32
      %sign3A_1516 = arith.cmpi sgt, %reduce_max3A_1512, %sign3A_1515 : i32
      %sign3A_1517 = arith.extui %sign3A_1516 : i1 to i32
      %sign3A_1518 = arith.constant 0 : i32
      %sign3A_1519 = arith.cmpi slt, %reduce_max3A_1512, %sign3A_1518 : i32
      %sign3A_1520 = arith.extui %sign3A_1519 : i1 to i32
      %sign3A_1521 = arith.subi %sign3A_1517, %sign3A_1520 : i32
      %sign3A_1522 = arith.constant 0 : i32
      %sign3A_1523 = arith.cmpi sgt, %jit3A_1513, %sign3A_1522 : i32
      %sign3A_1524 = arith.extui %sign3A_1523 : i1 to i32
      %sign3A_1525 = arith.constant 0 : i32
      %sign3A_1526 = arith.cmpi slt, %jit3A_1513, %sign3A_1525 : i32
      %sign3A_1527 = arith.extui %sign3A_1526 : i1 to i32
      %sign3A_1528 = arith.subi %sign3A_1524, %sign3A_1527 : i32
      %ne3A_1529 = arith.cmpi ne, %sign3A_1521, %sign3A_1528 : i32
      %rem3A_1530 = arith.remsi %reduce_max3A_1512, %jit3A_1513 : i32
      %ne3A_1531 = arith.constant 0 : i32
      %ne3A_1532 = arith.cmpi ne, %rem3A_1530, %ne3A_1531 : i32
      %and3A_1533 = arith.andi %ne3A_1529, %ne3A_1532 : i1
      %sub3A_1534 = arith.constant 1 : i32
      %sub3A_1535 = arith.subi %div3A_1514, %sub3A_1534 : i32
      %select_n3A_1536 = arith.select %and3A_1533, %sub3A_1535, %div3A_1514 : i32
      %mul3A_1537 = arith.constant 128 : i32
      %mul3A_1538 = arith.muli %select_n3A_1536, %mul3A_1537 : i32
      %multiple_of3A_1539 = tpu.assume_multiple %mul3A_1538, 128 : i32
      %sub3A_1540 = arith.subi %reduce_max3A_1512, %multiple_of3A_1539 : i32
      %broadcast_in_dim3A_1541 = arith.constant 0 : i32
      %broadcast_in_dim3A_1542 = vector.broadcast %broadcast_in_dim3A_1541 : i32 to vector<16xi32>
      %add3A_1543 = vector.broadcast %sub3A_1540 : i32 to vector<16xi32>
      %add3A_1544 = arith.addi %add3A_1543, %broadcast_in_dim3A_1542 : vector<16xi32>
      %broadcast_in_dim3A_1545 = arith.constant 1 : i32
      %broadcast_in_dim3A_1546 = vector.broadcast %broadcast_in_dim3A_1545 : i32 to vector<16xi32>
      %broadcast_in_dim3A_1547 = arith.constant 3 : i32
      %broadcast_in_dim3A_1548 = vector.broadcast %broadcast_in_dim3A_1547 : i32 to vector<16xi32>
      %gather3A_1549 = tpu.vector_load_idx %arg6[%broadcast_in_dim3A_1546, %broadcast_in_dim3A_1548, %iota3A, %add3A_1544] : memref<2x8x32x128xf32, #tpu.memory_space<vmem>>[vector<16xi32>, vector<16xi32>, vector<16xi32>, vector<16xi32>], vector<16xf32>,
      %add3A_1550 = arith.constant 16 : i32
      %add3A_1551 = vector.broadcast %add3A_1550 : i32 to vector<16xi32>
      %add3A_1552 = arith.addi %add3A_1551, %iota3A : vector<16xi32>
      %gather3A_1553 = tpu.vector_load_idx %arg6[%broadcast_in_dim3A_1546, %broadcast_in_dim3A_1548, %add3A_1552, %add3A_1544] : memref<2x8x32x128xf32, #tpu.memory_space<vmem>>[vector<16xi32>, vector<16xi32>, vector<16xi32>, vector<16xi32>], vector<16xf32>,
      %swap3A_1554 = arith.constant 1 : i32
      %swap3A_1555 = arith.constant 3 : i32
      %swap3A_1556 = arith.index_cast %swap3A_1554 : i32 to index
      %swap3A_1557 = arith.index_cast %swap3A_1555 : i32 to index
      %swap3A_1558 = arith.constant 0 : index
      %swap3A_1559 = tpu.vector_load %arg7[%swap3A_1556, %swap3A_1557, %swap3A_1558] {strides = array<i32>} : memref<2x8x32xf32, #tpu.memory_space<vmem>>, vector<16xf32>,
      tpu.vector_store %arg7[%swap3A_1556, %swap3A_1557, %swap3A_1558], %gather3A_1549 {strides = array<i32>} : memref<2x8x32xf32, #tpu.memory_space<vmem>>, vector<16xf32>,
      %swap3A_1560 = arith.constant 1 : i32
      %swap3A_1561 = arith.constant 3 : i32
      %swap3A_1562 = arith.index_cast %swap3A_1560 : i32 to index
      %swap3A_1563 = arith.index_cast %swap3A_1561 : i32 to index
      %swap3A_1564 = arith.constant 16 : index
      %swap3A_1565 = tpu.vector_load %arg7[%swap3A_1562, %swap3A_1563, %swap3A_1564] {strides = array<i32>} : memref<2x8x32xf32, #tpu.memory_space<vmem>>, vector<16xf32>,
      tpu.vector_store %arg7[%swap3A_1562, %swap3A_1563, %swap3A_1564], %gather3A_1553 {strides = array<i32>} : memref<2x8x32xf32, #tpu.memory_space<vmem>>, vector<16xf32>,
      %dma_wait3A_1566 = arith.constant 1 : i32
      %dma_wait3A_1567 = arith.constant 4 : i32
      %dma_wait3A_1568 = arith.constant 0 : i32
      %dma_wait3A_1569 = arith.constant 0 : i32
      %dma_wait3A_1570 = tpu.memref_slice %arg6[%dma_wait3A_1566, %dma_wait3A_1567, %dma_wait3A_1568, %dma_wait3A_1569] : memref<2x8x32x128xf32, #tpu.memory_space<vmem>> -> memref<1x1x32x128xf32, #tpu.memory_space<vmem>>
      %dma_wait3A_1571 = tpu.memref_squeeze %dma_wait3A_1570 : memref<1x1x32x128xf32, #tpu.memory_space<vmem>> -> memref<32x128xf32, #tpu.memory_space<vmem>>
      %dma_wait3A_1572 = arith.constant 0 : i32
      %dma_wait3A_1573 = arith.constant 0 : i32
      %dma_wait3A_1574 = tpu.memref_slice %arg3[%dma_wait3A_1572, %dma_wait3A_1573] : memref<32x1000002xf32, #tpu.memory_space<hbm>> -> memref<32x128xf32, #tpu.memory_space<hbm>>
      %dma_wait3A_1575 = arith.constant 0 : i32
      %dma_wait3A_1576 = arith.constant 0 : i32
      %dma_wait3A_1577 = tpu.memref_slice %arg6[%dma_wait3A_1566, %dma_wait3A_1567, %dma_wait3A_1575, %dma_wait3A_1576] : memref<2x8x32x128xf32, #tpu.memory_space<vmem>> -> memref<1x1x32x128xf32, #tpu.memory_space<vmem>>
      %dma_wait3A_1578 = tpu.memref_squeeze %dma_wait3A_1577 : memref<1x1x32x128xf32, #tpu.memory_space<vmem>> -> memref<32x128xf32, #tpu.memory_space<vmem>>
      %dma_wait3A_1579 = arith.constant 0 : i32
      %dma_wait3A_1580 = arith.constant 0 : i32
      %dma_wait3A_1581 = tpu.memref_slice %arg3[%dma_wait3A_1579, %dma_wait3A_1580] : memref<32x1000002xf32, #tpu.memory_space<hbm>> -> memref<32x128xf32, #tpu.memory_space<hbm>>
      tpu.wait_dma2 semaphore(%arg9 : memref<!tpu.dma_semaphore, #tpu.memory_space<semaphore_mem>>) src(%dma_wait3A_1581 : memref<32x128xf32, #tpu.memory_space<hbm>>) dst(%dma_wait3A_1578 : memref<32x128xf32, #tpu.memory_space<vmem>>)
      %mul3A_1582 = arith.constant 8 : i32
      %mul3A_1583 = arith.muli %add3A_1205, %mul3A_1582 : i32
      %get3A_1584 = arith.index_cast %mul3A_1583 : i32 to index
      %get3A_1585 = tpu.vector_load %arg5[%get3A_1584] {strides = array<i32>} : memref<528xi32, #tpu.memory_space<vmem>>, vector<16xi32>,
      %eq3A_1586 = arith.constant 4 : i32
      %eq3A_1587 = vector.broadcast %eq3A_1586 : i32 to vector<16xi32>
      %eq3A_1588 = arith.cmpi eq, %iota3A, %eq3A_1587 : vector<16xi32>
      %jit3A_1589 = arith.constant 0 : i32
      %broadcast_in_dim3A_1590 = vector.broadcast %jit3A_1589 : i32 to vector<16xi32>
      %select_n3A_1591 = arith.select %eq3A_1588, %get3A_1585, %broadcast_in_dim3A_1590 : vector<16xi1>, vector<16xi32>
      %reduce_max3A_1592 = arith.constant true
      %reduce_max3A_1593 = vector.broadcast %reduce_max3A_1592 : i1 to vector<16xi1>
      %reduce_max3A_1594 = arith.constant -2147483648 : i32
      %reduce_max3A_1595 = vector.broadcast %reduce_max3A_1594 : i32 to vector<16xi32>
      %reduce_max3A_1596 = arith.xori %select_n3A_1591, %reduce_max3A_1595 : vector<16xi32>
      %reduce_max3A_1597 = tpu.scan <max>, %reduce_max3A_1596 masked %reduce_max3A_1593 : vector<16xi32>, vector<16xi1> -> vector<16xi32>
      %reduce_max3A_1598 = arith.xori %reduce_max3A_1597, %reduce_max3A_1595 : vector<16xi32>
      %reduce_max3A_1599 = vector.extract %reduce_max3A_1598[15] : i32 from vector<16xi32>
      %jit3A_1600 = arith.constant 128 : i32
      %div3A_1601 = arith.divsi %reduce_max3A_1599, %jit3A_1600 : i32
      %sign3A_1602 = arith.constant 0 : i32
      %sign3A_1603 = arith.cmpi sgt, %reduce_max3A_1599, %sign3A_1602 : i32
      %sign3A_1604 = arith.extui %sign3A_1603 : i1 to i32
      %sign3A_1605 = arith.constant 0 : i32
      %sign3A_1606 = arith.cmpi slt, %reduce_max3A_1599, %sign3A_1605 : i32
      %sign3A_1607 = arith.extui %sign3A_1606 : i1 to i32
      %sign3A_1608 = arith.subi %sign3A_1604, %sign3A_1607 : i32
      %sign3A_1609 = arith.constant 0 : i32
      %sign3A_1610 = arith.cmpi sgt, %jit3A_1600, %sign3A_1609 : i32
      %sign3A_1611 = arith.extui %sign3A_1610 : i1 to i32
      %sign3A_1612 = arith.constant 0 : i32
      %sign3A_1613 = arith.cmpi slt, %jit3A_1600, %sign3A_1612 : i32
      %sign3A_1614 = arith.extui %sign3A_1613 : i1 to i32
      %sign3A_1615 = arith.subi %sign3A_1611, %sign3A_1614 : i32
      %ne3A_1616 = arith.cmpi ne, %sign3A_1608, %sign3A_1615 : i32
      %rem3A_1617 = arith.remsi %reduce_max3A_1599, %jit3A_1600 : i32
      %ne3A_1618 = arith.constant 0 : i32
      %ne3A_1619 = arith.cmpi ne, %rem3A_1617, %ne3A_1618 : i32
      %and3A_1620 = arith.andi %ne3A_1616, %ne3A_1619 : i1
      %sub3A_1621 = arith.constant 1 : i32
      %sub3A_1622 = arith.subi %div3A_1601, %sub3A_1621 : i32
      %select_n3A_1623 = arith.select %and3A_1620, %sub3A_1622, %div3A_1601 : i32
      %mul3A_1624 = arith.constant 128 : i32
      %mul3A_1625 = arith.muli %select_n3A_1623, %mul3A_1624 : i32
      %multiple_of3A_1626 = tpu.assume_multiple %mul3A_1625, 128 : i32
      %sub3A_1627 = arith.subi %reduce_max3A_1599, %multiple_of3A_1626 : i32
      %broadcast_in_dim3A_1628 = arith.constant 0 : i32
      %broadcast_in_dim3A_1629 = vector.broadcast %broadcast_in_dim3A_1628 : i32 to vector<16xi32>
      %add3A_1630 = vector.broadcast %sub3A_1627 : i32 to vector<16xi32>
      %add3A_1631 = arith.addi %add3A_1630, %broadcast_in_dim3A_1629 : vector<16xi32>
      %broadcast_in_dim3A_1632 = arith.constant 1 : i32
      %broadcast_in_dim3A_1633 = vector.broadcast %broadcast_in_dim3A_1632 : i32 to vector<16xi32>
      %broadcast_in_dim3A_1634 = arith.constant 4 : i32
      %broadcast_in_dim3A_1635 = vector.broadcast %broadcast_in_dim3A_1634 : i32 to vector<16xi32>
      %gather3A_1636 = tpu.vector_load_idx %arg6[%broadcast_in_dim3A_1633, %broadcast_in_dim3A_1635, %iota3A, %add3A_1631] : memref<2x8x32x128xf32, #tpu.memory_space<vmem>>[vector<16xi32>, vector<16xi32>, vector<16xi32>, vector<16xi32>], vector<16xf32>,
      %add3A_1637 = arith.constant 16 : i32
      %add3A_1638 = vector.broadcast %add3A_1637 : i32 to vector<16xi32>
      %add3A_1639 = arith.addi %add3A_1638, %iota3A : vector<16xi32>
      %gather3A_1640 = tpu.vector_load_idx %arg6[%broadcast_in_dim3A_1633, %broadcast_in_dim3A_1635, %add3A_1639, %add3A_1631] : memref<2x8x32x128xf32, #tpu.memory_space<vmem>>[vector<16xi32>, vector<16xi32>, vector<16xi32>, vector<16xi32>], vector<16xf32>,
      %swap3A_1641 = arith.constant 1 : i32
      %swap3A_1642 = arith.constant 4 : i32
      %swap3A_1643 = arith.index_cast %swap3A_1641 : i32 to index
      %swap3A_1644 = arith.index_cast %swap3A_1642 : i32 to index
      %swap3A_1645 = arith.constant 0 : index
      %swap3A_1646 = tpu.vector_load %arg7[%swap3A_1643, %swap3A_1644, %swap3A_1645] {strides = array<i32>} : memref<2x8x32xf32, #tpu.memory_space<vmem>>, vector<16xf32>,
      tpu.vector_store %arg7[%swap3A_1643, %swap3A_1644, %swap3A_1645], %gather3A_1636 {strides = array<i32>} : memref<2x8x32xf32, #tpu.memory_space<vmem>>, vector<16xf32>,
      %swap3A_1647 = arith.constant 1 : i32
      %swap3A_1648 = arith.constant 4 : i32
      %swap3A_1649 = arith.index_cast %swap3A_1647 : i32 to index
      %swap3A_1650 = arith.index_cast %swap3A_1648 : i32 to index
      %swap3A_1651 = arith.constant 16 : index
      %swap3A_1652 = tpu.vector_load %arg7[%swap3A_1649, %swap3A_1650, %swap3A_1651] {strides = array<i32>} : memref<2x8x32xf32, #tpu.memory_space<vmem>>, vector<16xf32>,
      tpu.vector_store %arg7[%swap3A_1649, %swap3A_1650, %swap3A_1651], %gather3A_1640 {strides = array<i32>} : memref<2x8x32xf32, #tpu.memory_space<vmem>>, vector<16xf32>,
      %dma_wait3A_1653 = arith.constant 1 : i32
      %dma_wait3A_1654 = arith.constant 5 : i32
      %dma_wait3A_1655 = arith.constant 0 : i32
      %dma_wait3A_1656 = arith.constant 0 : i32
      %dma_wait3A_1657 = tpu.memref_slice %arg6[%dma_wait3A_1653, %dma_wait3A_1654, %dma_wait3A_1655, %dma_wait3A_1656] : memref<2x8x32x128xf32, #tpu.memory_space<vmem>> -> memref<1x1x32x128xf32, #tpu.memory_space<vmem>>
      %dma_wait3A_1658 = tpu.memref_squeeze %dma_wait3A_1657 : memref<1x1x32x128xf32, #tpu.memory_space<vmem>> -> memref<32x128xf32, #tpu.memory_space<vmem>>
      %dma_wait3A_1659 = arith.constant 0 : i32
      %dma_wait3A_1660 = arith.constant 0 : i32
      %dma_wait3A_1661 = tpu.memref_slice %arg3[%dma_wait3A_1659, %dma_wait3A_1660] : memref<32x1000002xf32, #tpu.memory_space<hbm>> -> memref<32x128xf32, #tpu.memory_space<hbm>>
      %dma_wait3A_1662 = arith.constant 0 : i32
      %dma_wait3A_1663 = arith.constant 0 : i32
      %dma_wait3A_1664 = tpu.memref_slice %arg6[%dma_wait3A_1653, %dma_wait3A_1654, %dma_wait3A_1662, %dma_wait3A_1663] : memref<2x8x32x128xf32, #tpu.memory_space<vmem>> -> memref<1x1x32x128xf32, #tpu.memory_space<vmem>>
      %dma_wait3A_1665 = tpu.memref_squeeze %dma_wait3A_1664 : memref<1x1x32x128xf32, #tpu.memory_space<vmem>> -> memref<32x128xf32, #tpu.memory_space<vmem>>
      %dma_wait3A_1666 = arith.constant 0 : i32
      %dma_wait3A_1667 = arith.constant 0 : i32
      %dma_wait3A_1668 = tpu.memref_slice %arg3[%dma_wait3A_1666, %dma_wait3A_1667] : memref<32x1000002xf32, #tpu.memory_space<hbm>> -> memref<32x128xf32, #tpu.memory_space<hbm>>
      tpu.wait_dma2 semaphore(%arg9 : memref<!tpu.dma_semaphore, #tpu.memory_space<semaphore_mem>>) src(%dma_wait3A_1668 : memref<32x128xf32, #tpu.memory_space<hbm>>) dst(%dma_wait3A_1665 : memref<32x128xf32, #tpu.memory_space<vmem>>)
      %mul3A_1669 = arith.constant 8 : i32
      %mul3A_1670 = arith.muli %add3A_1205, %mul3A_1669 : i32
      %get3A_1671 = arith.index_cast %mul3A_1670 : i32 to index
      %get3A_1672 = tpu.vector_load %arg5[%get3A_1671] {strides = array<i32>} : memref<528xi32, #tpu.memory_space<vmem>>, vector<16xi32>,
      %eq3A_1673 = arith.constant 5 : i32
      %eq3A_1674 = vector.broadcast %eq3A_1673 : i32 to vector<16xi32>
      %eq3A_1675 = arith.cmpi eq, %iota3A, %eq3A_1674 : vector<16xi32>
      %jit3A_1676 = arith.constant 0 : i32
      %broadcast_in_dim3A_1677 = vector.broadcast %jit3A_1676 : i32 to vector<16xi32>
      %select_n3A_1678 = arith.select %eq3A_1675, %get3A_1672, %broadcast_in_dim3A_1677 : vector<16xi1>, vector<16xi32>
      %reduce_max3A_1679 = arith.constant true
      %reduce_max3A_1680 = vector.broadcast %reduce_max3A_1679 : i1 to vector<16xi1>
      %reduce_max3A_1681 = arith.constant -2147483648 : i32
      %reduce_max3A_1682 = vector.broadcast %reduce_max3A_1681 : i32 to vector<16xi32>
      %reduce_max3A_1683 = arith.xori %select_n3A_1678, %reduce_max3A_1682 : vector<16xi32>
      %reduce_max3A_1684 = tpu.scan <max>, %reduce_max3A_1683 masked %reduce_max3A_1680 : vector<16xi32>, vector<16xi1> -> vector<16xi32>
      %reduce_max3A_1685 = arith.xori %reduce_max3A_1684, %reduce_max3A_1682 : vector<16xi32>
      %reduce_max3A_1686 = vector.extract %reduce_max3A_1685[15] : i32 from vector<16xi32>
      %jit3A_1687 = arith.constant 128 : i32
      %div3A_1688 = arith.divsi %reduce_max3A_1686, %jit3A_1687 : i32
      %sign3A_1689 = arith.constant 0 : i32
      %sign3A_1690 = arith.cmpi sgt, %reduce_max3A_1686, %sign3A_1689 : i32
      %sign3A_1691 = arith.extui %sign3A_1690 : i1 to i32
      %sign3A_1692 = arith.constant 0 : i32
      %sign3A_1693 = arith.cmpi slt, %reduce_max3A_1686, %sign3A_1692 : i32
      %sign3A_1694 = arith.extui %sign3A_1693 : i1 to i32
      %sign3A_1695 = arith.subi %sign3A_1691, %sign3A_1694 : i32
      %sign3A_1696 = arith.constant 0 : i32
      %sign3A_1697 = arith.cmpi sgt, %jit3A_1687, %sign3A_1696 : i32
      %sign3A_1698 = arith.extui %sign3A_1697 : i1 to i32
      %sign3A_1699 = arith.constant 0 : i32
      %sign3A_1700 = arith.cmpi slt, %jit3A_1687, %sign3A_1699 : i32
      %sign3A_1701 = arith.extui %sign3A_1700 : i1 to i32
      %sign3A_1702 = arith.subi %sign3A_1698, %sign3A_1701 : i32
      %ne3A_1703 = arith.cmpi ne, %sign3A_1695, %sign3A_1702 : i32
      %rem3A_1704 = arith.remsi %reduce_max3A_1686, %jit3A_1687 : i32
      %ne3A_1705 = arith.constant 0 : i32
      %ne3A_1706 = arith.cmpi ne, %rem3A_1704, %ne3A_1705 : i32
      %and3A_1707 = arith.andi %ne3A_1703, %ne3A_1706 : i1
      %sub3A_1708 = arith.constant 1 : i32
      %sub3A_1709 = arith.subi %div3A_1688, %sub3A_1708 : i32
      %select_n3A_1710 = arith.select %and3A_1707, %sub3A_1709, %div3A_1688 : i32
      %mul3A_1711 = arith.constant 128 : i32
      %mul3A_1712 = arith.muli %select_n3A_1710, %mul3A_1711 : i32
      %multiple_of3A_1713 = tpu.assume_multiple %mul3A_1712, 128 : i32
      %sub3A_1714 = arith.subi %reduce_max3A_1686, %multiple_of3A_1713 : i32
      %broadcast_in_dim3A_1715 = arith.constant 0 : i32
      %broadcast_in_dim3A_1716 = vector.broadcast %broadcast_in_dim3A_1715 : i32 to vector<16xi32>
      %add3A_1717 = vector.broadcast %sub3A_1714 : i32 to vector<16xi32>
      %add3A_1718 = arith.addi %add3A_1717, %broadcast_in_dim3A_1716 : vector<16xi32>
      %broadcast_in_dim3A_1719 = arith.constant 1 : i32
      %broadcast_in_dim3A_1720 = vector.broadcast %broadcast_in_dim3A_1719 : i32 to vector<16xi32>
      %broadcast_in_dim3A_1721 = arith.constant 5 : i32
      %broadcast_in_dim3A_1722 = vector.broadcast %broadcast_in_dim3A_1721 : i32 to vector<16xi32>
      %gather3A_1723 = tpu.vector_load_idx %arg6[%broadcast_in_dim3A_1720, %broadcast_in_dim3A_1722, %iota3A, %add3A_1718] : memref<2x8x32x128xf32, #tpu.memory_space<vmem>>[vector<16xi32>, vector<16xi32>, vector<16xi32>, vector<16xi32>], vector<16xf32>,
      %add3A_1724 = arith.constant 16 : i32
      %add3A_1725 = vector.broadcast %add3A_1724 : i32 to vector<16xi32>
      %add3A_1726 = arith.addi %add3A_1725, %iota3A : vector<16xi32>
      %gather3A_1727 = tpu.vector_load_idx %arg6[%broadcast_in_dim3A_1720, %broadcast_in_dim3A_1722, %add3A_1726, %add3A_1718] : memref<2x8x32x128xf32, #tpu.memory_space<vmem>>[vector<16xi32>, vector<16xi32>, vector<16xi32>, vector<16xi32>], vector<16xf32>,
      %swap3A_1728 = arith.constant 1 : i32
      %swap3A_1729 = arith.constant 5 : i32
      %swap3A_1730 = arith.index_cast %swap3A_1728 : i32 to index
      %swap3A_1731 = arith.index_cast %swap3A_1729 : i32 to index
      %swap3A_1732 = arith.constant 0 : index
      %swap3A_1733 = tpu.vector_load %arg7[%swap3A_1730, %swap3A_1731, %swap3A_1732] {strides = array<i32>} : memref<2x8x32xf32, #tpu.memory_space<vmem>>, vector<16xf32>,
      tpu.vector_store %arg7[%swap3A_1730, %swap3A_1731, %swap3A_1732], %gather3A_1723 {strides = array<i32>} : memref<2x8x32xf32, #tpu.memory_space<vmem>>, vector<16xf32>,
      %swap3A_1734 = arith.constant 1 : i32
      %swap3A_1735 = arith.constant 5 : i32
      %swap3A_1736 = arith.index_cast %swap3A_1734 : i32 to index
      %swap3A_1737 = arith.index_cast %swap3A_1735 : i32 to index
      %swap3A_1738 = arith.constant 16 : index
      %swap3A_1739 = tpu.vector_load %arg7[%swap3A_1736, %swap3A_1737, %swap3A_1738] {strides = array<i32>} : memref<2x8x32xf32, #tpu.memory_space<vmem>>, vector<16xf32>,
      tpu.vector_store %arg7[%swap3A_1736, %swap3A_1737, %swap3A_1738], %gather3A_1727 {strides = array<i32>} : memref<2x8x32xf32, #tpu.memory_space<vmem>>, vector<16xf32>,
      %dma_wait3A_1740 = arith.constant 1 : i32
      %dma_wait3A_1741 = arith.constant 6 : i32
      %dma_wait3A_1742 = arith.constant 0 : i32
      %dma_wait3A_1743 = arith.constant 0 : i32
      %dma_wait3A_1744 = tpu.memref_slice %arg6[%dma_wait3A_1740, %dma_wait3A_1741, %dma_wait3A_1742, %dma_wait3A_1743] : memref<2x8x32x128xf32, #tpu.memory_space<vmem>> -> memref<1x1x32x128xf32, #tpu.memory_space<vmem>>
      %dma_wait3A_1745 = tpu.memref_squeeze %dma_wait3A_1744 : memref<1x1x32x128xf32, #tpu.memory_space<vmem>> -> memref<32x128xf32, #tpu.memory_space<vmem>>
      %dma_wait3A_1746 = arith.constant 0 : i32
      %dma_wait3A_1747 = arith.constant 0 : i32
      %dma_wait3A_1748 = tpu.memref_slice %arg3[%dma_wait3A_1746, %dma_wait3A_1747] : memref<32x1000002xf32, #tpu.memory_space<hbm>> -> memref<32x128xf32, #tpu.memory_space<hbm>>
      %dma_wait3A_1749 = arith.constant 0 : i32
      %dma_wait3A_1750 = arith.constant 0 : i32
      %dma_wait3A_1751 = tpu.memref_slice %arg6[%dma_wait3A_1740, %dma_wait3A_1741, %dma_wait3A_1749, %dma_wait3A_1750] : memref<2x8x32x128xf32, #tpu.memory_space<vmem>> -> memref<1x1x32x128xf32, #tpu.memory_space<vmem>>
      %dma_wait3A_1752 = tpu.memref_squeeze %dma_wait3A_1751 : memref<1x1x32x128xf32, #tpu.memory_space<vmem>> -> memref<32x128xf32, #tpu.memory_space<vmem>>
      %dma_wait3A_1753 = arith.constant 0 : i32
      %dma_wait3A_1754 = arith.constant 0 : i32
      %dma_wait3A_1755 = tpu.memref_slice %arg3[%dma_wait3A_1753, %dma_wait3A_1754] : memref<32x1000002xf32, #tpu.memory_space<hbm>> -> memref<32x128xf32, #tpu.memory_space<hbm>>
      tpu.wait_dma2 semaphore(%arg9 : memref<!tpu.dma_semaphore, #tpu.memory_space<semaphore_mem>>) src(%dma_wait3A_1755 : memref<32x128xf32, #tpu.memory_space<hbm>>) dst(%dma_wait3A_1752 : memref<32x128xf32, #tpu.memory_space<vmem>>)
      %mul3A_1756 = arith.constant 8 : i32
      %mul3A_1757 = arith.muli %add3A_1205, %mul3A_1756 : i32
      %get3A_1758 = arith.index_cast %mul3A_1757 : i32 to index
      %get3A_1759 = tpu.vector_load %arg5[%get3A_1758] {strides = array<i32>} : memref<528xi32, #tpu.memory_space<vmem>>, vector<16xi32>,
      %eq3A_1760 = arith.constant 6 : i32
      %eq3A_1761 = vector.broadcast %eq3A_1760 : i32 to vector<16xi32>
      %eq3A_1762 = arith.cmpi eq, %iota3A, %eq3A_1761 : vector<16xi32>
      %jit3A_1763 = arith.constant 0 : i32
      %broadcast_in_dim3A_1764 = vector.broadcast %jit3A_1763 : i32 to vector<16xi32>
      %select_n3A_1765 = arith.select %eq3A_1762, %get3A_1759, %broadcast_in_dim3A_1764 : vector<16xi1>, vector<16xi32>
      %reduce_max3A_1766 = arith.constant true
      %reduce_max3A_1767 = vector.broadcast %reduce_max3A_1766 : i1 to vector<16xi1>
      %reduce_max3A_1768 = arith.constant -2147483648 : i32
      %reduce_max3A_1769 = vector.broadcast %reduce_max3A_1768 : i32 to vector<16xi32>
      %reduce_max3A_1770 = arith.xori %select_n3A_1765, %reduce_max3A_1769 : vector<16xi32>
      %reduce_max3A_1771 = tpu.scan <max>, %reduce_max3A_1770 masked %reduce_max3A_1767 : vector<16xi32>, vector<16xi1> -> vector<16xi32>
      %reduce_max3A_1772 = arith.xori %reduce_max3A_1771, %reduce_max3A_1769 : vector<16xi32>
      %reduce_max3A_1773 = vector.extract %reduce_max3A_1772[15] : i32 from vector<16xi32>
      %jit3A_1774 = arith.constant 128 : i32
      %div3A_1775 = arith.divsi %reduce_max3A_1773, %jit3A_1774 : i32
      %sign3A_1776 = arith.constant 0 : i32
      %sign3A_1777 = arith.cmpi sgt, %reduce_max3A_1773, %sign3A_1776 : i32
      %sign3A_1778 = arith.extui %sign3A_1777 : i1 to i32
      %sign3A_1779 = arith.constant 0 : i32
      %sign3A_1780 = arith.cmpi slt, %reduce_max3A_1773, %sign3A_1779 : i32
      %sign3A_1781 = arith.extui %sign3A_1780 : i1 to i32
      %sign3A_1782 = arith.subi %sign3A_1778, %sign3A_1781 : i32
      %sign3A_1783 = arith.constant 0 : i32
      %sign3A_1784 = arith.cmpi sgt, %jit3A_1774, %sign3A_1783 : i32
      %sign3A_1785 = arith.extui %sign3A_1784 : i1 to i32
      %sign3A_1786 = arith.constant 0 : i32
      %sign3A_1787 = arith.cmpi slt, %jit3A_1774, %sign3A_1786 : i32
      %sign3A_1788 = arith.extui %sign3A_1787 : i1 to i32
      %sign3A_1789 = arith.subi %sign3A_1785, %sign3A_1788 : i32
      %ne3A_1790 = arith.cmpi ne, %sign3A_1782, %sign3A_1789 : i32
      %rem3A_1791 = arith.remsi %reduce_max3A_1773, %jit3A_1774 : i32
      %ne3A_1792 = arith.constant 0 : i32
      %ne3A_1793 = arith.cmpi ne, %rem3A_1791, %ne3A_1792 : i32
      %and3A_1794 = arith.andi %ne3A_1790, %ne3A_1793 : i1
      %sub3A_1795 = arith.constant 1 : i32
      %sub3A_1796 = arith.subi %div3A_1775, %sub3A_1795 : i32
      %select_n3A_1797 = arith.select %and3A_1794, %sub3A_1796, %div3A_1775 : i32
      %mul3A_1798 = arith.constant 128 : i32
      %mul3A_1799 = arith.muli %select_n3A_1797, %mul3A_1798 : i32
      %multiple_of3A_1800 = tpu.assume_multiple %mul3A_1799, 128 : i32
      %sub3A_1801 = arith.subi %reduce_max3A_1773, %multiple_of3A_1800 : i32
      %broadcast_in_dim3A_1802 = arith.constant 0 : i32
      %broadcast_in_dim3A_1803 = vector.broadcast %broadcast_in_dim3A_1802 : i32 to vector<16xi32>
      %add3A_1804 = vector.broadcast %sub3A_1801 : i32 to vector<16xi32>
      %add3A_1805 = arith.addi %add3A_1804, %broadcast_in_dim3A_1803 : vector<16xi32>
      %broadcast_in_dim3A_1806 = arith.constant 1 : i32
      %broadcast_in_dim3A_1807 = vector.broadcast %broadcast_in_dim3A_1806 : i32 to vector<16xi32>
      %broadcast_in_dim3A_1808 = arith.constant 6 : i32
      %broadcast_in_dim3A_1809 = vector.broadcast %broadcast_in_dim3A_1808 : i32 to vector<16xi32>
      %gather3A_1810 = tpu.vector_load_idx %arg6[%broadcast_in_dim3A_1807, %broadcast_in_dim3A_1809, %iota3A, %add3A_1805] : memref<2x8x32x128xf32, #tpu.memory_space<vmem>>[vector<16xi32>, vector<16xi32>, vector<16xi32>, vector<16xi32>], vector<16xf32>,
      %add3A_1811 = arith.constant 16 : i32
      %add3A_1812 = vector.broadcast %add3A_1811 : i32 to vector<16xi32>
      %add3A_1813 = arith.addi %add3A_1812, %iota3A : vector<16xi32>
      %gather3A_1814 = tpu.vector_load_idx %arg6[%broadcast_in_dim3A_1807, %broadcast_in_dim3A_1809, %add3A_1813, %add3A_1805] : memref<2x8x32x128xf32, #tpu.memory_space<vmem>>[vector<16xi32>, vector<16xi32>, vector<16xi32>, vector<16xi32>], vector<16xf32>,
      %swap3A_1815 = arith.constant 1 : i32
      %swap3A_1816 = arith.constant 6 : i32
      %swap3A_1817 = arith.index_cast %swap3A_1815 : i32 to index
      %swap3A_1818 = arith.index_cast %swap3A_1816 : i32 to index
      %swap3A_1819 = arith.constant 0 : index
      %swap3A_1820 = tpu.vector_load %arg7[%swap3A_1817, %swap3A_1818, %swap3A_1819] {strides = array<i32>} : memref<2x8x32xf32, #tpu.memory_space<vmem>>, vector<16xf32>,
      tpu.vector_store %arg7[%swap3A_1817, %swap3A_1818, %swap3A_1819], %gather3A_1810 {strides = array<i32>} : memref<2x8x32xf32, #tpu.memory_space<vmem>>, vector<16xf32>,
      %swap3A_1821 = arith.constant 1 : i32
      %swap3A_1822 = arith.constant 6 : i32
      %swap3A_1823 = arith.index_cast %swap3A_1821 : i32 to index
      %swap3A_1824 = arith.index_cast %swap3A_1822 : i32 to index
      %swap3A_1825 = arith.constant 16 : index
      %swap3A_1826 = tpu.vector_load %arg7[%swap3A_1823, %swap3A_1824, %swap3A_1825] {strides = array<i32>} : memref<2x8x32xf32, #tpu.memory_space<vmem>>, vector<16xf32>,
      tpu.vector_store %arg7[%swap3A_1823, %swap3A_1824, %swap3A_1825], %gather3A_1814 {strides = array<i32>} : memref<2x8x32xf32, #tpu.memory_space<vmem>>, vector<16xf32>,
      %dma_wait3A_1827 = arith.constant 1 : i32
      %dma_wait3A_1828 = arith.constant 7 : i32
      %dma_wait3A_1829 = arith.constant 0 : i32
      %dma_wait3A_1830 = arith.constant 0 : i32
      %dma_wait3A_1831 = tpu.memref_slice %arg6[%dma_wait3A_1827, %dma_wait3A_1828, %dma_wait3A_1829, %dma_wait3A_1830] : memref<2x8x32x128xf32, #tpu.memory_space<vmem>> -> memref<1x1x32x128xf32, #tpu.memory_space<vmem>>
      %dma_wait3A_1832 = tpu.memref_squeeze %dma_wait3A_1831 : memref<1x1x32x128xf32, #tpu.memory_space<vmem>> -> memref<32x128xf32, #tpu.memory_space<vmem>>
      %dma_wait3A_1833 = arith.constant 0 : i32
      %dma_wait3A_1834 = arith.constant 0 : i32
      %dma_wait3A_1835 = tpu.memref_slice %arg3[%dma_wait3A_1833, %dma_wait3A_1834] : memref<32x1000002xf32, #tpu.memory_space<hbm>> -> memref<32x128xf32, #tpu.memory_space<hbm>>
      %dma_wait3A_1836 = arith.constant 0 : i32
      %dma_wait3A_1837 = arith.constant 0 : i32
      %dma_wait3A_1838 = tpu.memref_slice %arg6[%dma_wait3A_1827, %dma_wait3A_1828, %dma_wait3A_1836, %dma_wait3A_1837] : memref<2x8x32x128xf32, #tpu.memory_space<vmem>> -> memref<1x1x32x128xf32, #tpu.memory_space<vmem>>
      %dma_wait3A_1839 = tpu.memref_squeeze %dma_wait3A_1838 : memref<1x1x32x128xf32, #tpu.memory_space<vmem>> -> memref<32x128xf32, #tpu.memory_space<vmem>>
      %dma_wait3A_1840 = arith.constant 0 : i32
      %dma_wait3A_1841 = arith.constant 0 : i32
      %dma_wait3A_1842 = tpu.memref_slice %arg3[%dma_wait3A_1840, %dma_wait3A_1841] : memref<32x1000002xf32, #tpu.memory_space<hbm>> -> memref<32x128xf32, #tpu.memory_space<hbm>>
      tpu.wait_dma2 semaphore(%arg9 : memref<!tpu.dma_semaphore, #tpu.memory_space<semaphore_mem>>) src(%dma_wait3A_1842 : memref<32x128xf32, #tpu.memory_space<hbm>>) dst(%dma_wait3A_1839 : memref<32x128xf32, #tpu.memory_space<vmem>>)
      %mul3A_1843 = arith.constant 8 : i32
      %mul3A_1844 = arith.muli %add3A_1205, %mul3A_1843 : i32
      %get3A_1845 = arith.index_cast %mul3A_1844 : i32 to index
      %get3A_1846 = tpu.vector_load %arg5[%get3A_1845] {strides = array<i32>} : memref<528xi32, #tpu.memory_space<vmem>>, vector<16xi32>,
      %eq3A_1847 = arith.constant 7 : i32
      %eq3A_1848 = vector.broadcast %eq3A_1847 : i32 to vector<16xi32>
      %eq3A_1849 = arith.cmpi eq, %iota3A, %eq3A_1848 : vector<16xi32>
      %jit3A_1850 = arith.constant 0 : i32
      %broadcast_in_dim3A_1851 = vector.broadcast %jit3A_1850 : i32 to vector<16xi32>
      %select_n3A_1852 = arith.select %eq3A_1849, %get3A_1846, %broadcast_in_dim3A_1851 : vector<16xi1>, vector<16xi32>
      %reduce_max3A_1853 = arith.constant true
      %reduce_max3A_1854 = vector.broadcast %reduce_max3A_1853 : i1 to vector<16xi1>
      %reduce_max3A_1855 = arith.constant -2147483648 : i32
      %reduce_max3A_1856 = vector.broadcast %reduce_max3A_1855 : i32 to vector<16xi32>
      %reduce_max3A_1857 = arith.xori %select_n3A_1852, %reduce_max3A_1856 : vector<16xi32>
      %reduce_max3A_1858 = tpu.scan <max>, %reduce_max3A_1857 masked %reduce_max3A_1854 : vector<16xi32>, vector<16xi1> -> vector<16xi32>
      %reduce_max3A_1859 = arith.xori %reduce_max3A_1858, %reduce_max3A_1856 : vector<16xi32>
      %reduce_max3A_1860 = vector.extract %reduce_max3A_1859[15] : i32 from vector<16xi32>
      %jit3A_1861 = arith.constant 128 : i32
      %div3A_1862 = arith.divsi %reduce_max3A_1860, %jit3A_1861 : i32
      %sign3A_1863 = arith.constant 0 : i32
      %sign3A_1864 = arith.cmpi sgt, %reduce_max3A_1860, %sign3A_1863 : i32
      %sign3A_1865 = arith.extui %sign3A_1864 : i1 to i32
      %sign3A_1866 = arith.constant 0 : i32
      %sign3A_1867 = arith.cmpi slt, %reduce_max3A_1860, %sign3A_1866 : i32
      %sign3A_1868 = arith.extui %sign3A_1867 : i1 to i32
      %sign3A_1869 = arith.subi %sign3A_1865, %sign3A_1868 : i32
      %sign3A_1870 = arith.constant 0 : i32
      %sign3A_1871 = arith.cmpi sgt, %jit3A_1861, %sign3A_1870 : i32
      %sign3A_1872 = arith.extui %sign3A_1871 : i1 to i32
      %sign3A_1873 = arith.constant 0 : i32
      %sign3A_1874 = arith.cmpi slt, %jit3A_1861, %sign3A_1873 : i32
      %sign3A_1875 = arith.extui %sign3A_1874 : i1 to i32
      %sign3A_1876 = arith.subi %sign3A_1872, %sign3A_1875 : i32
      %ne3A_1877 = arith.cmpi ne, %sign3A_1869, %sign3A_1876 : i32
      %rem3A_1878 = arith.remsi %reduce_max3A_1860, %jit3A_1861 : i32
      %ne3A_1879 = arith.constant 0 : i32
      %ne3A_1880 = arith.cmpi ne, %rem3A_1878, %ne3A_1879 : i32
      %and3A_1881 = arith.andi %ne3A_1877, %ne3A_1880 : i1
      %sub3A_1882 = arith.constant 1 : i32
      %sub3A_1883 = arith.subi %div3A_1862, %sub3A_1882 : i32
      %select_n3A_1884 = arith.select %and3A_1881, %sub3A_1883, %div3A_1862 : i32
      %mul3A_1885 = arith.constant 128 : i32
      %mul3A_1886 = arith.muli %select_n3A_1884, %mul3A_1885 : i32
      %multiple_of3A_1887 = tpu.assume_multiple %mul3A_1886, 128 : i32
      %sub3A_1888 = arith.subi %reduce_max3A_1860, %multiple_of3A_1887 : i32
      %broadcast_in_dim3A_1889 = arith.constant 0 : i32
      %broadcast_in_dim3A_1890 = vector.broadcast %broadcast_in_dim3A_1889 : i32 to vector<16xi32>
      %add3A_1891 = vector.broadcast %sub3A_1888 : i32 to vector<16xi32>
      %add3A_1892 = arith.addi %add3A_1891, %broadcast_in_dim3A_1890 : vector<16xi32>
      %broadcast_in_dim3A_1893 = arith.constant 1 : i32
      %broadcast_in_dim3A_1894 = vector.broadcast %broadcast_in_dim3A_1893 : i32 to vector<16xi32>
      %broadcast_in_dim3A_1895 = arith.constant 7 : i32
      %broadcast_in_dim3A_1896 = vector.broadcast %broadcast_in_dim3A_1895 : i32 to vector<16xi32>
      %gather3A_1897 = tpu.vector_load_idx %arg6[%broadcast_in_dim3A_1894, %broadcast_in_dim3A_1896, %iota3A, %add3A_1892] : memref<2x8x32x128xf32, #tpu.memory_space<vmem>>[vector<16xi32>, vector<16xi32>, vector<16xi32>, vector<16xi32>], vector<16xf32>,
      %add3A_1898 = arith.constant 16 : i32
      %add3A_1899 = vector.broadcast %add3A_1898 : i32 to vector<16xi32>
      %add3A_1900 = arith.addi %add3A_1899, %iota3A : vector<16xi32>
      %gather3A_1901 = tpu.vector_load_idx %arg6[%broadcast_in_dim3A_1894, %broadcast_in_dim3A_1896, %add3A_1900, %add3A_1892] : memref<2x8x32x128xf32, #tpu.memory_space<vmem>>[vector<16xi32>, vector<16xi32>, vector<16xi32>, vector<16xi32>], vector<16xf32>,
      %swap3A_1902 = arith.constant 1 : i32
      %swap3A_1903 = arith.constant 7 : i32
      %swap3A_1904 = arith.index_cast %swap3A_1902 : i32 to index
      %swap3A_1905 = arith.index_cast %swap3A_1903 : i32 to index
      %swap3A_1906 = arith.constant 0 : index
      %swap3A_1907 = tpu.vector_load %arg7[%swap3A_1904, %swap3A_1905, %swap3A_1906] {strides = array<i32>} : memref<2x8x32xf32, #tpu.memory_space<vmem>>, vector<16xf32>,
      tpu.vector_store %arg7[%swap3A_1904, %swap3A_1905, %swap3A_1906], %gather3A_1897 {strides = array<i32>} : memref<2x8x32xf32, #tpu.memory_space<vmem>>, vector<16xf32>,
      %swap3A_1908 = arith.constant 1 : i32
      %swap3A_1909 = arith.constant 7 : i32
      %swap3A_1910 = arith.index_cast %swap3A_1908 : i32 to index
      %swap3A_1911 = arith.index_cast %swap3A_1909 : i32 to index
      %swap3A_1912 = arith.constant 16 : index
      %swap3A_1913 = tpu.vector_load %arg7[%swap3A_1910, %swap3A_1911, %swap3A_1912] {strides = array<i32>} : memref<2x8x32xf32, #tpu.memory_space<vmem>>, vector<16xf32>,
      tpu.vector_store %arg7[%swap3A_1910, %swap3A_1911, %swap3A_1912], %gather3A_1901 {strides = array<i32>} : memref<2x8x32xf32, #tpu.memory_space<vmem>>, vector<16xf32>,
      %mul3A_1914 = arith.constant 8 : i32
      %mul3A_1915 = arith.muli %add3A_1205, %mul3A_1914 : i32
      %add3A_1916 = arith.addi %mul3A_2, %mul3A_1915 : i32
      %dma_start3A_1917 = arith.constant 1 : i32
      %dma_start3A_1918 = arith.constant 0 : i32
      %dma_start3A_1919 = arith.constant 0 : i32
      %dma_start3A_1920 = tpu.memref_slice %arg7[%dma_start3A_1917, %dma_start3A_1918, %dma_start3A_1919] : memref<2x8x32xf32, #tpu.memory_space<vmem>> -> memref<1x8x32xf32, #tpu.memory_space<vmem>>
      %dma_start3A_1921 = tpu.memref_squeeze %dma_start3A_1920 : memref<1x8x32xf32, #tpu.memory_space<vmem>> -> memref<8x32xf32, #tpu.memory_space<vmem>>
      %dma_start3A_1922 = arith.constant 0 : i32
      %dma_start3A_1923 = tpu.memref_slice %arg4[%add3A_1916, %dma_start3A_1922] : memref<16384x32xf32, #tpu.memory_space<hbm>> -> memref<8x32xf32, #tpu.memory_space<hbm>>
      %dma_start3A_1924 = arith.constant 0 : i32
      %dma_start3A_1925 = tpu.memref_slice %arg4[%add3A_1916, %dma_start3A_1924] : memref<16384x32xf32, #tpu.memory_space<hbm>> -> memref<8x32xf32, #tpu.memory_space<hbm>>
      %dma_start3A_1926 = arith.constant 0 : i32
      %dma_start3A_1927 = arith.constant 0 : i32
      %dma_start3A_1928 = tpu.memref_slice %arg7[%dma_start3A_1917, %dma_start3A_1926, %dma_start3A_1927] : memref<2x8x32xf32, #tpu.memory_space<vmem>> -> memref<1x8x32xf32, #tpu.memory_space<vmem>>
      %dma_start3A_1929 = tpu.memref_squeeze %dma_start3A_1928 : memref<1x8x32xf32, #tpu.memory_space<vmem>> -> memref<8x32xf32, #tpu.memory_space<vmem>>
      tpu.enqueue_dma source(%dma_start3A_1929 : memref<8x32xf32, #tpu.memory_space<vmem>>) target(%dma_start3A_1925 : memref<8x32xf32, #tpu.memory_space<hbm>>) target_semaphore(%arg11 : memref<!tpu.dma_semaphore, #tpu.memory_space<semaphore_mem>>)
    }
    %scan3A_449 = arith.constant 32 : i32
    %dma_wait3A = arith.constant 0 : i32
    %dma_wait3A_450 = arith.constant 0 : i32
    %dma_wait3A_451 = arith.constant 0 : i32
    %dma_wait3A_452 = tpu.memref_slice %arg7[%dma_wait3A, %dma_wait3A_450, %dma_wait3A_451] : memref<2x8x32xf32, #tpu.memory_space<vmem>> -> memref<1x8x32xf32, #tpu.memory_space<vmem>>
    %dma_wait3A_453 = tpu.memref_squeeze %dma_wait3A_452 : memref<1x8x32xf32, #tpu.memory_space<vmem>> -> memref<8x32xf32, #tpu.memory_space<vmem>>
    %dma_wait3A_454 = arith.constant 0 : i32
    %dma_wait3A_455 = arith.constant 0 : i32
    %dma_wait3A_456 = tpu.memref_slice %arg4[%dma_wait3A_454, %dma_wait3A_455] : memref<16384x32xf32, #tpu.memory_space<hbm>> -> memref<8x32xf32, #tpu.memory_space<hbm>>
    %dma_wait3A_457 = arith.constant 0 : i32
    %dma_wait3A_458 = arith.constant 0 : i32
    %dma_wait3A_459 = tpu.memref_slice %arg4[%dma_wait3A_457, %dma_wait3A_458] : memref<16384x32xf32, #tpu.memory_space<hbm>> -> memref<8x32xf32, #tpu.memory_space<hbm>>
    %dma_wait3A_460 = arith.constant 0 : i32
    %dma_wait3A_461 = arith.constant 0 : i32
    %dma_wait3A_462 = tpu.memref_slice %arg7[%dma_wait3A, %dma_wait3A_460, %dma_wait3A_461] : memref<2x8x32xf32, #tpu.memory_space<vmem>> -> memref<1x8x32xf32, #tpu.memory_space<vmem>>
    %dma_wait3A_463 = tpu.memref_squeeze %dma_wait3A_462 : memref<1x8x32xf32, #tpu.memory_space<vmem>> -> memref<8x32xf32, #tpu.memory_space<vmem>>
    tpu.wait_dma2 semaphore(%arg10 : memref<!tpu.dma_semaphore, #tpu.memory_space<semaphore_mem>>) src(%dma_wait3A_463 : memref<8x32xf32, #tpu.memory_space<vmem>>) dst(%dma_wait3A_459 : memref<8x32xf32, #tpu.memory_space<hbm>>)
    %dma_wait3A_464 = arith.constant 1 : i32
    %dma_wait3A_465 = arith.constant 0 : i32
    %dma_wait3A_466 = arith.constant 0 : i32
    %dma_wait3A_467 = tpu.memref_slice %arg7[%dma_wait3A_464, %dma_wait3A_465, %dma_wait3A_466] : memref<2x8x32xf32, #tpu.memory_space<vmem>> -> memref<1x8x32xf32, #tpu.memory_space<vmem>>
    %dma_wait3A_468 = tpu.memref_squeeze %dma_wait3A_467 : memref<1x8x32xf32, #tpu.memory_space<vmem>> -> memref<8x32xf32, #tpu.memory_space<vmem>>
    %dma_wait3A_469 = arith.constant 0 : i32
    %dma_wait3A_470 = arith.constant 0 : i32
    %dma_wait3A_471 = tpu.memref_slice %arg4[%dma_wait3A_469, %dma_wait3A_470] : memref<16384x32xf32, #tpu.memory_space<hbm>> -> memref<8x32xf32, #tpu.memory_space<hbm>>
    %dma_wait3A_472 = arith.constant 0 : i32
    %dma_wait3A_473 = arith.constant 0 : i32
    %dma_wait3A_474 = tpu.memref_slice %arg4[%dma_wait3A_472, %dma_wait3A_473] : memref<16384x32xf32, #tpu.memory_space<hbm>> -> memref<8x32xf32, #tpu.memory_space<hbm>>
    %dma_wait3A_475 = arith.constant 0 : i32
    %dma_wait3A_476 = arith.constant 0 : i32
    %dma_wait3A_477 = tpu.memref_slice %arg7[%dma_wait3A_464, %dma_wait3A_475, %dma_wait3A_476] : memref<2x8x32xf32, #tpu.memory_space<vmem>> -> memref<1x8x32xf32, #tpu.memory_space<vmem>>
    %dma_wait3A_478 = tpu.memref_squeeze %dma_wait3A_477 : memref<1x8x32xf32, #tpu.memory_space<vmem>> -> memref<8x32xf32, #tpu.memory_space<vmem>>
    tpu.wait_dma2 semaphore(%arg11 : memref<!tpu.dma_semaphore, #tpu.memory_space<semaphore_mem>>) src(%dma_wait3A_478 : memref<8x32xf32, #tpu.memory_space<vmem>>) dst(%dma_wait3A_474 : memref<8x32xf32, #tpu.memory_space<hbm>>)
    return
  }
}

#map = affine_map<(d0, d1) -> (0)>
#map1 = affine_map<(d0, d1) -> (0, 0)>
module attributes {stable_mosaic.version = 14 : i64} {
  func.func @_lambda_(%arg0: i32, %arg1: i32, %arg2: memref<16384xi32, #tpu.memory_space<hbm>>, %arg3: memref<16384xi32, #tpu.memory_space<hbm>>, %arg4: memref<3276800xi32, #tpu.memory_space<hbm>>, %arg5: memref<8x16xf32, #tpu.memory_space<hbm>>, %arg6: memref<104x16xf32, #tpu.memory_space<hbm>>, %arg7: memref<100002x32xbf16, #tpu.memory_space<hbm>>, %arg8: memref<16384x32xf32, #tpu.memory_space<hbm>>, %arg9: memref<1179648xf32, #tpu.memory_space<hbm>>, %arg10: memref<2x1600xi32, #tpu.memory_space<vmem>>, %arg11: memref<2x1600x32xbf16, #tpu.memory_space<vmem>>, %arg12: memref<512xi32, #tpu.memory_space<vmem>>, %arg13: memref<512xi32, #tpu.memory_space<vmem>>, %arg14: memref<2x8x16xf32, #tpu.memory_space<vmem>>, %arg15: memref<2x8x16xf32, #tpu.memory_space<vmem>>, %arg16: memref<2x8x32xf32, #tpu.memory_space<vmem>>, %arg17: memref<2x576xf32, #tpu.memory_space<vmem>>, %arg18: memref<!tpu.dma_semaphore, #tpu.memory_space<semaphore_mem>>, %arg19: memref<!tpu.dma_semaphore, #tpu.memory_space<semaphore_mem>>, %arg20: memref<!tpu.dma_semaphore, #tpu.memory_space<semaphore_mem>>, %arg21: memref<!tpu.dma_semaphore, #tpu.memory_space<semaphore_mem>>) attributes {dimension_semantics = [#tpu.dimension_semantics<core_parallel>, #tpu.dimension_semantics<subcore_parallel>], iteration_bounds = array<i64: 2, 16>, scalar_prefetch = 0 : i64, scratch_operands = 12 : i64, tpu.core_type = #tpu.core_type<sc_vector_subcore>, window_params = [{transform_indices = #map}, {transform_indices = #map}, {transform_indices = #map}, {transform_indices = #map1}, {transform_indices = #map1}, {transform_indices = #map1}, {transform_indices = #map1}, {transform_indices = #map}]} {
    %mul3A = arith.constant 2 : i32
    %mul3A_0 = arith.muli %arg1, %mul3A : i32
    %add3A = arith.addi %mul3A_0, %arg0 : i32
    %mul3A_1 = arith.constant 512 : i32
    %mul3A_2 = arith.muli %add3A, %mul3A_1 : i32
    "tpu.region"() ({
      %run_scoped3A_77 = tpu.sem_alloc : memref<!tpu.dma_semaphore, #tpu.memory_space<semaphore_mem>>
      %dma_start3A_78 = tpu.memref_slice %arg2[%mul3A_2] : memref<16384xi32, #tpu.memory_space<hbm>> -> memref<512xi32, #tpu.memory_space<hbm>>
      %dma_start3A_79 = tpu.memref_slice %arg2[%mul3A_2] : memref<16384xi32, #tpu.memory_space<hbm>> -> memref<512xi32, #tpu.memory_space<hbm>>
      tpu.enqueue_dma source(%dma_start3A_79 : memref<512xi32, #tpu.memory_space<hbm>>) target(%arg12 : memref<512xi32, #tpu.memory_space<vmem>>) target_semaphore(%run_scoped3A_77 : memref<!tpu.dma_semaphore, #tpu.memory_space<semaphore_mem>>)
      %dma_wait3A_80 = tpu.memref_slice %arg2[%mul3A_2] : memref<16384xi32, #tpu.memory_space<hbm>> -> memref<512xi32, #tpu.memory_space<hbm>>
      %dma_wait3A_81 = tpu.memref_slice %arg2[%mul3A_2] : memref<16384xi32, #tpu.memory_space<hbm>> -> memref<512xi32, #tpu.memory_space<hbm>>
      tpu.wait_dma2 semaphore(%run_scoped3A_77 : memref<!tpu.dma_semaphore, #tpu.memory_space<semaphore_mem>>) src(%dma_wait3A_81 : memref<512xi32, #tpu.memory_space<hbm>>) dst(%arg12 : memref<512xi32, #tpu.memory_space<vmem>>)
      tpu.yield
    }) : () -> ()
    "tpu.region"() ({
      %run_scoped3A_77 = tpu.sem_alloc : memref<!tpu.dma_semaphore, #tpu.memory_space<semaphore_mem>>
      %dma_start3A_78 = tpu.memref_slice %arg3[%mul3A_2] : memref<16384xi32, #tpu.memory_space<hbm>> -> memref<512xi32, #tpu.memory_space<hbm>>
      %dma_start3A_79 = tpu.memref_slice %arg3[%mul3A_2] : memref<16384xi32, #tpu.memory_space<hbm>> -> memref<512xi32, #tpu.memory_space<hbm>>
      tpu.enqueue_dma source(%dma_start3A_79 : memref<512xi32, #tpu.memory_space<hbm>>) target(%arg13 : memref<512xi32, #tpu.memory_space<vmem>>) target_semaphore(%run_scoped3A_77 : memref<!tpu.dma_semaphore, #tpu.memory_space<semaphore_mem>>)
      %dma_wait3A_80 = tpu.memref_slice %arg3[%mul3A_2] : memref<16384xi32, #tpu.memory_space<hbm>> -> memref<512xi32, #tpu.memory_space<hbm>>
      %dma_wait3A_81 = tpu.memref_slice %arg3[%mul3A_2] : memref<16384xi32, #tpu.memory_space<hbm>> -> memref<512xi32, #tpu.memory_space<hbm>>
      tpu.wait_dma2 semaphore(%run_scoped3A_77 : memref<!tpu.dma_semaphore, #tpu.memory_space<semaphore_mem>>) src(%dma_wait3A_81 : memref<512xi32, #tpu.memory_space<hbm>>) dst(%arg13 : memref<512xi32, #tpu.memory_space<vmem>>)
      tpu.yield
    }) : () -> ()
    %add3A_3 = arith.constant 0 : i32
    %add3A_4 = arith.addi %mul3A_2, %add3A_3 : i32
    %mul3A_5 = arith.constant 200 : i32
    %mul3A_6 = arith.muli %add3A_4, %mul3A_5 : i32
    %run_scoped3A = arith.constant 0 : i32
    "tpu.region"() ({
      %run_scoped3A_77 = tpu.sem_alloc : memref<!tpu.dma_semaphore, #tpu.memory_space<semaphore_mem>>
      %dma_start3A_78 = arith.constant 0 : i32
      %dma_start3A_79 = tpu.memref_slice %arg10[%run_scoped3A, %dma_start3A_78] : memref<2x1600xi32, #tpu.memory_space<vmem>> -> memref<1x1600xi32, #tpu.memory_space<vmem>>
      %dma_start3A_80 = tpu.memref_squeeze %dma_start3A_79 : memref<1x1600xi32, #tpu.memory_space<vmem>> -> memref<1600xi32, #tpu.memory_space<vmem>>
      %dma_start3A_81 = tpu.memref_slice %arg4[%mul3A_6] : memref<3276800xi32, #tpu.memory_space<hbm>> -> memref<1600xi32, #tpu.memory_space<hbm>>
      %dma_start3A_82 = arith.constant 0 : i32
      %dma_start3A_83 = tpu.memref_slice %arg10[%run_scoped3A, %dma_start3A_82] : memref<2x1600xi32, #tpu.memory_space<vmem>> -> memref<1x1600xi32, #tpu.memory_space<vmem>>
      %dma_start3A_84 = tpu.memref_squeeze %dma_start3A_83 : memref<1x1600xi32, #tpu.memory_space<vmem>> -> memref<1600xi32, #tpu.memory_space<vmem>>
      %dma_start3A_85 = tpu.memref_slice %arg4[%mul3A_6] : memref<3276800xi32, #tpu.memory_space<hbm>> -> memref<1600xi32, #tpu.memory_space<hbm>>
      tpu.enqueue_dma source(%dma_start3A_85 : memref<1600xi32, #tpu.memory_space<hbm>>) target(%dma_start3A_84 : memref<1600xi32, #tpu.memory_space<vmem>>) target_semaphore(%run_scoped3A_77 : memref<!tpu.dma_semaphore, #tpu.memory_space<semaphore_mem>>)
      %dma_wait3A_86 = arith.constant 0 : i32
      %dma_wait3A_87 = tpu.memref_slice %arg10[%run_scoped3A, %dma_wait3A_86] : memref<2x1600xi32, #tpu.memory_space<vmem>> -> memref<1x1600xi32, #tpu.memory_space<vmem>>
      %dma_wait3A_88 = tpu.memref_squeeze %dma_wait3A_87 : memref<1x1600xi32, #tpu.memory_space<vmem>> -> memref<1600xi32, #tpu.memory_space<vmem>>
      %dma_wait3A_89 = tpu.memref_slice %arg4[%mul3A_6] : memref<3276800xi32, #tpu.memory_space<hbm>> -> memref<1600xi32, #tpu.memory_space<hbm>>
      %dma_wait3A_90 = arith.constant 0 : i32
      %dma_wait3A_91 = tpu.memref_slice %arg10[%run_scoped3A, %dma_wait3A_90] : memref<2x1600xi32, #tpu.memory_space<vmem>> -> memref<1x1600xi32, #tpu.memory_space<vmem>>
      %dma_wait3A_92 = tpu.memref_squeeze %dma_wait3A_91 : memref<1x1600xi32, #tpu.memory_space<vmem>> -> memref<1600xi32, #tpu.memory_space<vmem>>
      %dma_wait3A_93 = tpu.memref_slice %arg4[%mul3A_6] : memref<3276800xi32, #tpu.memory_space<hbm>> -> memref<1600xi32, #tpu.memory_space<hbm>>
      tpu.wait_dma2 semaphore(%run_scoped3A_77 : memref<!tpu.dma_semaphore, #tpu.memory_space<semaphore_mem>>) src(%dma_wait3A_93 : memref<1600xi32, #tpu.memory_space<hbm>>) dst(%dma_wait3A_92 : memref<1600xi32, #tpu.memory_space<vmem>>)
      tpu.yield
    }) : () -> ()
    %dma_start3A = arith.constant 0 : i32
    %dma_start3A_7 = arith.constant 0 : i32
    %dma_start3A_8 = arith.constant 0 : i32
    %dma_start3A_9 = arith.constant 0 : i32
    %dma_start3A_10 = tpu.memref_slice %arg11[%dma_start3A_7, %dma_start3A_8, %dma_start3A_9] : memref<2x1600x32xbf16, #tpu.memory_space<vmem>> -> memref<1x1600x32xbf16, #tpu.memory_space<vmem>>
    %dma_start3A_11 = tpu.memref_squeeze %dma_start3A_10 : memref<1x1600x32xbf16, #tpu.memory_space<vmem>> -> memref<1600x32xbf16, #tpu.memory_space<vmem>>
    %dma_start3A_12 = arith.constant 0 : i32
    %dma_start3A_13 = tpu.memref_slice %arg10[%dma_start3A, %dma_start3A_12] : memref<2x1600xi32, #tpu.memory_space<vmem>> -> memref<1x1600xi32, #tpu.memory_space<vmem>>
    %dma_start3A_14 = tpu.memref_squeeze %dma_start3A_13 : memref<1x1600xi32, #tpu.memory_space<vmem>> -> memref<1600xi32, #tpu.memory_space<vmem>>
    %dma_start3A_15 = arith.constant 0 : i32
    %dma_start3A_16 = arith.constant 0 : i32
    %dma_start3A_17 = tpu.memref_slice %arg7[%dma_start3A_15, %dma_start3A_16] : memref<100002x32xbf16, #tpu.memory_space<hbm>> -> memref<100002x32xbf16, #tpu.memory_space<hbm>>
    tpu.enqueue_indirect_dma source(%dma_start3A_17 : memref<100002x32xbf16, #tpu.memory_space<hbm>>) target(%dma_start3A_11 : memref<1600x32xbf16, #tpu.memory_space<vmem>>) offsets(%dma_start3A_14 : memref<1600xi32, #tpu.memory_space<vmem>>) semaphore(%arg18 : memref<!tpu.dma_semaphore, #tpu.memory_space<semaphore_mem>>)
    %dma_start3A_18 = arith.constant 0 : i32
    %dma_start3A_19 = arith.constant 0 : i32
    %dma_start3A_20 = arith.constant 0 : i32
    %dma_start3A_21 = tpu.memref_slice %arg14[%dma_start3A_18, %dma_start3A_19, %dma_start3A_20] : memref<2x8x16xf32, #tpu.memory_space<vmem>> -> memref<1x8x16xf32, #tpu.memory_space<vmem>>
    %dma_start3A_22 = tpu.memref_squeeze %dma_start3A_21 : memref<1x8x16xf32, #tpu.memory_space<vmem>> -> memref<8x16xf32, #tpu.memory_space<vmem>>
    %dma_start3A_23 = arith.constant 0 : i32
    %dma_start3A_24 = tpu.memref_slice %arg12[%dma_start3A_23] : memref<512xi32, #tpu.memory_space<vmem>> -> memref<8xi32, #tpu.memory_space<vmem>>
    %dma_start3A_25 = arith.constant 0 : i32
    %dma_start3A_26 = arith.constant 0 : i32
    %dma_start3A_27 = tpu.memref_slice %arg5[%dma_start3A_25, %dma_start3A_26] : memref<8x16xf32, #tpu.memory_space<hbm>> -> memref<8x16xf32, #tpu.memory_space<hbm>>
    tpu.enqueue_indirect_dma source(%dma_start3A_27 : memref<8x16xf32, #tpu.memory_space<hbm>>) target(%dma_start3A_22 : memref<8x16xf32, #tpu.memory_space<vmem>>) offsets(%dma_start3A_24 : memref<8xi32, #tpu.memory_space<vmem>>) semaphore(%arg18 : memref<!tpu.dma_semaphore, #tpu.memory_space<semaphore_mem>>)
    %dma_start3A_28 = arith.constant 0 : i32
    %dma_start3A_29 = arith.constant 0 : i32
    %dma_start3A_30 = arith.constant 0 : i32
    %dma_start3A_31 = tpu.memref_slice %arg15[%dma_start3A_28, %dma_start3A_29, %dma_start3A_30] : memref<2x8x16xf32, #tpu.memory_space<vmem>> -> memref<1x8x16xf32, #tpu.memory_space<vmem>>
    %dma_start3A_32 = tpu.memref_squeeze %dma_start3A_31 : memref<1x8x16xf32, #tpu.memory_space<vmem>> -> memref<8x16xf32, #tpu.memory_space<vmem>>
    %dma_start3A_33 = arith.constant 0 : i32
    %dma_start3A_34 = tpu.memref_slice %arg13[%dma_start3A_33] : memref<512xi32, #tpu.memory_space<vmem>> -> memref<8xi32, #tpu.memory_space<vmem>>
    %dma_start3A_35 = arith.constant 0 : i32
    %dma_start3A_36 = arith.constant 0 : i32
    %dma_start3A_37 = tpu.memref_slice %arg6[%dma_start3A_35, %dma_start3A_36] : memref<104x16xf32, #tpu.memory_space<hbm>> -> memref<104x16xf32, #tpu.memory_space<hbm>>
    tpu.enqueue_indirect_dma source(%dma_start3A_37 : memref<104x16xf32, #tpu.memory_space<hbm>>) target(%dma_start3A_32 : memref<8x16xf32, #tpu.memory_space<vmem>>) offsets(%dma_start3A_34 : memref<8xi32, #tpu.memory_space<vmem>>) semaphore(%arg18 : memref<!tpu.dma_semaphore, #tpu.memory_space<semaphore_mem>>)
    %dma_start3A_38 = arith.constant 0 : i32
    %dma_start3A_39 = arith.constant 0 : i32
    %dma_start3A_40 = arith.constant 0 : i32
    %dma_start3A_41 = tpu.memref_slice %arg16[%dma_start3A_38, %dma_start3A_39, %dma_start3A_40] : memref<2x8x32xf32, #tpu.memory_space<vmem>> -> memref<1x8x32xf32, #tpu.memory_space<vmem>>
    %dma_start3A_42 = tpu.memref_squeeze %dma_start3A_41 : memref<1x8x32xf32, #tpu.memory_space<vmem>> -> memref<8x32xf32, #tpu.memory_space<vmem>>
    %dma_start3A_43 = arith.constant 0 : i32
    %dma_start3A_44 = tpu.memref_slice %arg8[%add3A_4, %dma_start3A_43] : memref<16384x32xf32, #tpu.memory_space<hbm>> -> memref<8x32xf32, #tpu.memory_space<hbm>>
    %dma_start3A_45 = arith.constant 0 : i32
    %dma_start3A_46 = arith.constant 0 : i32
    %dma_start3A_47 = tpu.memref_slice %arg16[%dma_start3A_38, %dma_start3A_45, %dma_start3A_46] : memref<2x8x32xf32, #tpu.memory_space<vmem>> -> memref<1x8x32xf32, #tpu.memory_space<vmem>>
    %dma_start3A_48 = tpu.memref_squeeze %dma_start3A_47 : memref<1x8x32xf32, #tpu.memory_space<vmem>> -> memref<8x32xf32, #tpu.memory_space<vmem>>
    %dma_start3A_49 = arith.constant 0 : i32
    %dma_start3A_50 = tpu.memref_slice %arg8[%add3A_4, %dma_start3A_49] : memref<16384x32xf32, #tpu.memory_space<hbm>> -> memref<8x32xf32, #tpu.memory_space<hbm>>
    tpu.enqueue_dma source(%dma_start3A_50 : memref<8x32xf32, #tpu.memory_space<hbm>>) target(%dma_start3A_48 : memref<8x32xf32, #tpu.memory_space<vmem>>) target_semaphore(%arg18 : memref<!tpu.dma_semaphore, #tpu.memory_space<semaphore_mem>>)
    %scan3A = arith.constant 0 : i32
    %scan3A_51 = arith.constant 0 : i32
    %scan3A_52 = arith.constant 32 : i32
    %scan3A_53 = arith.addi %scan3A_51, %scan3A_52 : i32
    %scan3A_54 = arith.constant 1 : i32
    scf.for %scan3A_77 = %scan3A_51 to %scan3A_53 step %scan3A_54  : i32 {
      %mul3A_78 = arith.constant 2 : i32
      %mul3A_79 = arith.muli %scan3A_77, %mul3A_78 : i32
      %add3A_80 = arith.constant 0 : i32
      %add3A_81 = arith.addi %mul3A_79, %add3A_80 : i32
      %add3A_82 = arith.constant 1 : i32
      %add3A_83 = arith.addi %add3A_81, %add3A_82 : i32
      %lt3A = arith.constant 64 : i32
      %lt3A_84 = arith.cmpi slt, %add3A_83, %lt3A : i32
      %convert_element_type3A = arith.extui %lt3A_84 : i1 to i32
      %cond3A = arith.constant 0 : i32
      %cond3A_85 = arith.cmpi ne, %convert_element_type3A, %cond3A : i32
      scf.if %cond3A_85 {
        %add3A_270 = arith.constant 1 : i32
        %add3A_271 = arith.addi %add3A_81, %add3A_270 : i32
        %mul3A_272 = arith.constant 8 : i32
        %mul3A_273 = arith.muli %add3A_271, %mul3A_272 : i32
        %add3A_274 = arith.addi %mul3A_2, %mul3A_273 : i32
        %mul3A_275 = arith.constant 200 : i32
        %mul3A_276 = arith.muli %add3A_274, %mul3A_275 : i32
        %run_scoped3A_277 = arith.constant 1 : i32
        "tpu.region"() ({
          %run_scoped3A_325 = tpu.sem_alloc : memref<!tpu.dma_semaphore, #tpu.memory_space<semaphore_mem>>
          %dma_start3A_326 = arith.constant 0 : i32
          %dma_start3A_327 = tpu.memref_slice %arg10[%run_scoped3A_277, %dma_start3A_326] : memref<2x1600xi32, #tpu.memory_space<vmem>> -> memref<1x1600xi32, #tpu.memory_space<vmem>>
          %dma_start3A_328 = tpu.memref_squeeze %dma_start3A_327 : memref<1x1600xi32, #tpu.memory_space<vmem>> -> memref<1600xi32, #tpu.memory_space<vmem>>
          %dma_start3A_329 = tpu.memref_slice %arg4[%mul3A_276] : memref<3276800xi32, #tpu.memory_space<hbm>> -> memref<1600xi32, #tpu.memory_space<hbm>>
          %dma_start3A_330 = arith.constant 0 : i32
          %dma_start3A_331 = tpu.memref_slice %arg10[%run_scoped3A_277, %dma_start3A_330] : memref<2x1600xi32, #tpu.memory_space<vmem>> -> memref<1x1600xi32, #tpu.memory_space<vmem>>
          %dma_start3A_332 = tpu.memref_squeeze %dma_start3A_331 : memref<1x1600xi32, #tpu.memory_space<vmem>> -> memref<1600xi32, #tpu.memory_space<vmem>>
          %dma_start3A_333 = tpu.memref_slice %arg4[%mul3A_276] : memref<3276800xi32, #tpu.memory_space<hbm>> -> memref<1600xi32, #tpu.memory_space<hbm>>
          tpu.enqueue_dma source(%dma_start3A_333 : memref<1600xi32, #tpu.memory_space<hbm>>) target(%dma_start3A_332 : memref<1600xi32, #tpu.memory_space<vmem>>) target_semaphore(%run_scoped3A_325 : memref<!tpu.dma_semaphore, #tpu.memory_space<semaphore_mem>>)
          %dma_wait3A_334 = arith.constant 0 : i32
          %dma_wait3A_335 = tpu.memref_slice %arg10[%run_scoped3A_277, %dma_wait3A_334] : memref<2x1600xi32, #tpu.memory_space<vmem>> -> memref<1x1600xi32, #tpu.memory_space<vmem>>
          %dma_wait3A_336 = tpu.memref_squeeze %dma_wait3A_335 : memref<1x1600xi32, #tpu.memory_space<vmem>> -> memref<1600xi32, #tpu.memory_space<vmem>>
          %dma_wait3A_337 = tpu.memref_slice %arg4[%mul3A_276] : memref<3276800xi32, #tpu.memory_space<hbm>> -> memref<1600xi32, #tpu.memory_space<hbm>>
          %dma_wait3A_338 = arith.constant 0 : i32
          %dma_wait3A_339 = tpu.memref_slice %arg10[%run_scoped3A_277, %dma_wait3A_338] : memref<2x1600xi32, #tpu.memory_space<vmem>> -> memref<1x1600xi32, #tpu.memory_space<vmem>>
          %dma_wait3A_340 = tpu.memref_squeeze %dma_wait3A_339 : memref<1x1600xi32, #tpu.memory_space<vmem>> -> memref<1600xi32, #tpu.memory_space<vmem>>
          %dma_wait3A_341 = tpu.memref_slice %arg4[%mul3A_276] : memref<3276800xi32, #tpu.memory_space<hbm>> -> memref<1600xi32, #tpu.memory_space<hbm>>
          tpu.wait_dma2 semaphore(%run_scoped3A_325 : memref<!tpu.dma_semaphore, #tpu.memory_space<semaphore_mem>>) src(%dma_wait3A_341 : memref<1600xi32, #tpu.memory_space<hbm>>) dst(%dma_wait3A_340 : memref<1600xi32, #tpu.memory_space<vmem>>)
          tpu.yield
        }) : () -> ()
        %dma_start3A_278 = arith.constant 1 : i32
        %dma_start3A_279 = arith.constant 1 : i32
        %dma_start3A_280 = arith.constant 0 : i32
        %dma_start3A_281 = arith.constant 0 : i32
        %dma_start3A_282 = tpu.memref_slice %arg11[%dma_start3A_279, %dma_start3A_280, %dma_start3A_281] : memref<2x1600x32xbf16, #tpu.memory_space<vmem>> -> memref<1x1600x32xbf16, #tpu.memory_space<vmem>>
        %dma_start3A_283 = tpu.memref_squeeze %dma_start3A_282 : memref<1x1600x32xbf16, #tpu.memory_space<vmem>> -> memref<1600x32xbf16, #tpu.memory_space<vmem>>
        %dma_start3A_284 = arith.constant 0 : i32
        %dma_start3A_285 = tpu.memref_slice %arg10[%dma_start3A_278, %dma_start3A_284] : memref<2x1600xi32, #tpu.memory_space<vmem>> -> memref<1x1600xi32, #tpu.memory_space<vmem>>
        %dma_start3A_286 = tpu.memref_squeeze %dma_start3A_285 : memref<1x1600xi32, #tpu.memory_space<vmem>> -> memref<1600xi32, #tpu.memory_space<vmem>>
        %dma_start3A_287 = arith.constant 0 : i32
        %dma_start3A_288 = arith.constant 0 : i32
        %dma_start3A_289 = tpu.memref_slice %arg7[%dma_start3A_287, %dma_start3A_288] : memref<100002x32xbf16, #tpu.memory_space<hbm>> -> memref<100002x32xbf16, #tpu.memory_space<hbm>>
        tpu.enqueue_indirect_dma source(%dma_start3A_289 : memref<100002x32xbf16, #tpu.memory_space<hbm>>) target(%dma_start3A_283 : memref<1600x32xbf16, #tpu.memory_space<vmem>>) offsets(%dma_start3A_286 : memref<1600xi32, #tpu.memory_space<vmem>>) semaphore(%arg19 : memref<!tpu.dma_semaphore, #tpu.memory_space<semaphore_mem>>)
        %mul3A_290 = arith.constant 8 : i32
        %mul3A_291 = arith.muli %add3A_271, %mul3A_290 : i32
        %dma_start3A_292 = arith.constant 1 : i32
        %dma_start3A_293 = arith.constant 0 : i32
        %dma_start3A_294 = arith.constant 0 : i32
        %dma_start3A_295 = tpu.memref_slice %arg14[%dma_start3A_292, %dma_start3A_293, %dma_start3A_294] : memref<2x8x16xf32, #tpu.memory_space<vmem>> -> memref<1x8x16xf32, #tpu.memory_space<vmem>>
        %dma_start3A_296 = tpu.memref_squeeze %dma_start3A_295 : memref<1x8x16xf32, #tpu.memory_space<vmem>> -> memref<8x16xf32, #tpu.memory_space<vmem>>
        %dma_start3A_297 = tpu.memref_slice %arg12[%mul3A_291] : memref<512xi32, #tpu.memory_space<vmem>> -> memref<8xi32, #tpu.memory_space<vmem>>
        %dma_start3A_298 = arith.constant 0 : i32
        %dma_start3A_299 = arith.constant 0 : i32
        %dma_start3A_300 = tpu.memref_slice %arg5[%dma_start3A_298, %dma_start3A_299] : memref<8x16xf32, #tpu.memory_space<hbm>> -> memref<8x16xf32, #tpu.memory_space<hbm>>
        tpu.enqueue_indirect_dma source(%dma_start3A_300 : memref<8x16xf32, #tpu.memory_space<hbm>>) target(%dma_start3A_296 : memref<8x16xf32, #tpu.memory_space<vmem>>) offsets(%dma_start3A_297 : memref<8xi32, #tpu.memory_space<vmem>>) semaphore(%arg19 : memref<!tpu.dma_semaphore, #tpu.memory_space<semaphore_mem>>)
        %mul3A_301 = arith.constant 8 : i32
        %mul3A_302 = arith.muli %add3A_271, %mul3A_301 : i32
        %dma_start3A_303 = arith.constant 1 : i32
        %dma_start3A_304 = arith.constant 0 : i32
        %dma_start3A_305 = arith.constant 0 : i32
        %dma_start3A_306 = tpu.memref_slice %arg15[%dma_start3A_303, %dma_start3A_304, %dma_start3A_305] : memref<2x8x16xf32, #tpu.memory_space<vmem>> -> memref<1x8x16xf32, #tpu.memory_space<vmem>>
        %dma_start3A_307 = tpu.memref_squeeze %dma_start3A_306 : memref<1x8x16xf32, #tpu.memory_space<vmem>> -> memref<8x16xf32, #tpu.memory_space<vmem>>
        %dma_start3A_308 = tpu.memref_slice %arg13[%mul3A_302] : memref<512xi32, #tpu.memory_space<vmem>> -> memref<8xi32, #tpu.memory_space<vmem>>
        %dma_start3A_309 = arith.constant 0 : i32
        %dma_start3A_310 = arith.constant 0 : i32
        %dma_start3A_311 = tpu.memref_slice %arg6[%dma_start3A_309, %dma_start3A_310] : memref<104x16xf32, #tpu.memory_space<hbm>> -> memref<104x16xf32, #tpu.memory_space<hbm>>
        tpu.enqueue_indirect_dma source(%dma_start3A_311 : memref<104x16xf32, #tpu.memory_space<hbm>>) target(%dma_start3A_307 : memref<8x16xf32, #tpu.memory_space<vmem>>) offsets(%dma_start3A_308 : memref<8xi32, #tpu.memory_space<vmem>>) semaphore(%arg19 : memref<!tpu.dma_semaphore, #tpu.memory_space<semaphore_mem>>)
        %dma_start3A_312 = arith.constant 1 : i32
        %dma_start3A_313 = arith.constant 0 : i32
        %dma_start3A_314 = arith.constant 0 : i32
        %dma_start3A_315 = tpu.memref_slice %arg16[%dma_start3A_312, %dma_start3A_313, %dma_start3A_314] : memref<2x8x32xf32, #tpu.memory_space<vmem>> -> memref<1x8x32xf32, #tpu.memory_space<vmem>>
        %dma_start3A_316 = tpu.memref_squeeze %dma_start3A_315 : memref<1x8x32xf32, #tpu.memory_space<vmem>> -> memref<8x32xf32, #tpu.memory_space<vmem>>
        %dma_start3A_317 = arith.constant 0 : i32
        %dma_start3A_318 = tpu.memref_slice %arg8[%add3A_274, %dma_start3A_317] : memref<16384x32xf32, #tpu.memory_space<hbm>> -> memref<8x32xf32, #tpu.memory_space<hbm>>
        %dma_start3A_319 = arith.constant 0 : i32
        %dma_start3A_320 = arith.constant 0 : i32
        %dma_start3A_321 = tpu.memref_slice %arg16[%dma_start3A_312, %dma_start3A_319, %dma_start3A_320] : memref<2x8x32xf32, #tpu.memory_space<vmem>> -> memref<1x8x32xf32, #tpu.memory_space<vmem>>
        %dma_start3A_322 = tpu.memref_squeeze %dma_start3A_321 : memref<1x8x32xf32, #tpu.memory_space<vmem>> -> memref<8x32xf32, #tpu.memory_space<vmem>>
        %dma_start3A_323 = arith.constant 0 : i32
        %dma_start3A_324 = tpu.memref_slice %arg8[%add3A_274, %dma_start3A_323] : memref<16384x32xf32, #tpu.memory_space<hbm>> -> memref<8x32xf32, #tpu.memory_space<hbm>>
        tpu.enqueue_dma source(%dma_start3A_324 : memref<8x32xf32, #tpu.memory_space<hbm>>) target(%dma_start3A_322 : memref<8x32xf32, #tpu.memory_space<vmem>>) target_semaphore(%arg19 : memref<!tpu.dma_semaphore, #tpu.memory_space<semaphore_mem>>)
      } else {
      }
      %dma_wait3A_86 = arith.constant 0 : i32
      %dma_wait3A_87 = arith.constant 0 : i32
      %dma_wait3A_88 = arith.constant 0 : i32
      %dma_wait3A_89 = tpu.memref_slice %arg11[%dma_wait3A_86, %dma_wait3A_87, %dma_wait3A_88] : memref<2x1600x32xbf16, #tpu.memory_space<vmem>> -> memref<1x1600x32xbf16, #tpu.memory_space<vmem>>
      %dma_wait3A_90 = tpu.memref_squeeze %dma_wait3A_89 : memref<1x1600x32xbf16, #tpu.memory_space<vmem>> -> memref<1600x32xbf16, #tpu.memory_space<vmem>>
      %dma_wait3A_91 = arith.constant 0 : i32
      %dma_wait3A_92 = arith.constant 0 : i32
      %dma_wait3A_93 = tpu.memref_slice %arg7[%dma_wait3A_91, %dma_wait3A_92] : memref<100002x32xbf16, #tpu.memory_space<hbm>> -> memref<1600x32xbf16, #tpu.memory_space<hbm>>
      %dma_wait3A_94 = arith.constant 0 : i32
      %dma_wait3A_95 = arith.constant 0 : i32
      %dma_wait3A_96 = tpu.memref_slice %arg11[%dma_wait3A_86, %dma_wait3A_94, %dma_wait3A_95] : memref<2x1600x32xbf16, #tpu.memory_space<vmem>> -> memref<1x1600x32xbf16, #tpu.memory_space<vmem>>
      %dma_wait3A_97 = tpu.memref_squeeze %dma_wait3A_96 : memref<1x1600x32xbf16, #tpu.memory_space<vmem>> -> memref<1600x32xbf16, #tpu.memory_space<vmem>>
      %dma_wait3A_98 = arith.constant 0 : i32
      %dma_wait3A_99 = arith.constant 0 : i32
      %dma_wait3A_100 = tpu.memref_slice %arg7[%dma_wait3A_98, %dma_wait3A_99] : memref<100002x32xbf16, #tpu.memory_space<hbm>> -> memref<1600x32xbf16, #tpu.memory_space<hbm>>
      tpu.wait_dma2 semaphore(%arg18 : memref<!tpu.dma_semaphore, #tpu.memory_space<semaphore_mem>>) src(%dma_wait3A_100 : memref<1600x32xbf16, #tpu.memory_space<hbm>>) dst(%dma_wait3A_97 : memref<1600x32xbf16, #tpu.memory_space<vmem>>)
      %dma_wait3A_101 = arith.constant 0 : i32
      %dma_wait3A_102 = arith.constant 0 : i32
      %dma_wait3A_103 = arith.constant 0 : i32
      %dma_wait3A_104 = tpu.memref_slice %arg14[%dma_wait3A_101, %dma_wait3A_102, %dma_wait3A_103] : memref<2x8x16xf32, #tpu.memory_space<vmem>> -> memref<1x8x16xf32, #tpu.memory_space<vmem>>
      %dma_wait3A_105 = tpu.memref_squeeze %dma_wait3A_104 : memref<1x8x16xf32, #tpu.memory_space<vmem>> -> memref<8x16xf32, #tpu.memory_space<vmem>>
      %dma_wait3A_106 = arith.constant 0 : i32
      %dma_wait3A_107 = arith.constant 0 : i32
      %dma_wait3A_108 = tpu.memref_slice %arg5[%dma_wait3A_106, %dma_wait3A_107] : memref<8x16xf32, #tpu.memory_space<hbm>> -> memref<8x16xf32, #tpu.memory_space<hbm>>
      %dma_wait3A_109 = arith.constant 0 : i32
      %dma_wait3A_110 = arith.constant 0 : i32
      %dma_wait3A_111 = tpu.memref_slice %arg14[%dma_wait3A_101, %dma_wait3A_109, %dma_wait3A_110] : memref<2x8x16xf32, #tpu.memory_space<vmem>> -> memref<1x8x16xf32, #tpu.memory_space<vmem>>
      %dma_wait3A_112 = tpu.memref_squeeze %dma_wait3A_111 : memref<1x8x16xf32, #tpu.memory_space<vmem>> -> memref<8x16xf32, #tpu.memory_space<vmem>>
      %dma_wait3A_113 = arith.constant 0 : i32
      %dma_wait3A_114 = arith.constant 0 : i32
      %dma_wait3A_115 = tpu.memref_slice %arg5[%dma_wait3A_113, %dma_wait3A_114] : memref<8x16xf32, #tpu.memory_space<hbm>> -> memref<8x16xf32, #tpu.memory_space<hbm>>
      tpu.wait_dma2 semaphore(%arg18 : memref<!tpu.dma_semaphore, #tpu.memory_space<semaphore_mem>>) src(%dma_wait3A_115 : memref<8x16xf32, #tpu.memory_space<hbm>>) dst(%dma_wait3A_112 : memref<8x16xf32, #tpu.memory_space<vmem>>)
      %dma_wait3A_116 = arith.constant 0 : i32
      %dma_wait3A_117 = arith.constant 0 : i32
      %dma_wait3A_118 = arith.constant 0 : i32
      %dma_wait3A_119 = tpu.memref_slice %arg15[%dma_wait3A_116, %dma_wait3A_117, %dma_wait3A_118] : memref<2x8x16xf32, #tpu.memory_space<vmem>> -> memref<1x8x16xf32, #tpu.memory_space<vmem>>
      %dma_wait3A_120 = tpu.memref_squeeze %dma_wait3A_119 : memref<1x8x16xf32, #tpu.memory_space<vmem>> -> memref<8x16xf32, #tpu.memory_space<vmem>>
      %dma_wait3A_121 = arith.constant 0 : i32
      %dma_wait3A_122 = arith.constant 0 : i32
      %dma_wait3A_123 = tpu.memref_slice %arg6[%dma_wait3A_121, %dma_wait3A_122] : memref<104x16xf32, #tpu.memory_space<hbm>> -> memref<8x16xf32, #tpu.memory_space<hbm>>
      %dma_wait3A_124 = arith.constant 0 : i32
      %dma_wait3A_125 = arith.constant 0 : i32
      %dma_wait3A_126 = tpu.memref_slice %arg15[%dma_wait3A_116, %dma_wait3A_124, %dma_wait3A_125] : memref<2x8x16xf32, #tpu.memory_space<vmem>> -> memref<1x8x16xf32, #tpu.memory_space<vmem>>
      %dma_wait3A_127 = tpu.memref_squeeze %dma_wait3A_126 : memref<1x8x16xf32, #tpu.memory_space<vmem>> -> memref<8x16xf32, #tpu.memory_space<vmem>>
      %dma_wait3A_128 = arith.constant 0 : i32
      %dma_wait3A_129 = arith.constant 0 : i32
      %dma_wait3A_130 = tpu.memref_slice %arg6[%dma_wait3A_128, %dma_wait3A_129] : memref<104x16xf32, #tpu.memory_space<hbm>> -> memref<8x16xf32, #tpu.memory_space<hbm>>
      tpu.wait_dma2 semaphore(%arg18 : memref<!tpu.dma_semaphore, #tpu.memory_space<semaphore_mem>>) src(%dma_wait3A_130 : memref<8x16xf32, #tpu.memory_space<hbm>>) dst(%dma_wait3A_127 : memref<8x16xf32, #tpu.memory_space<vmem>>)
      %dma_wait3A_131 = arith.constant 0 : i32
      %dma_wait3A_132 = arith.constant 0 : i32
      %dma_wait3A_133 = arith.constant 0 : i32
      %dma_wait3A_134 = tpu.memref_slice %arg16[%dma_wait3A_131, %dma_wait3A_132, %dma_wait3A_133] : memref<2x8x32xf32, #tpu.memory_space<vmem>> -> memref<1x8x32xf32, #tpu.memory_space<vmem>>
      %dma_wait3A_135 = tpu.memref_squeeze %dma_wait3A_134 : memref<1x8x32xf32, #tpu.memory_space<vmem>> -> memref<8x32xf32, #tpu.memory_space<vmem>>
      %dma_wait3A_136 = arith.constant 0 : i32
      %dma_wait3A_137 = arith.constant 0 : i32
      %dma_wait3A_138 = tpu.memref_slice %arg8[%dma_wait3A_136, %dma_wait3A_137] : memref<16384x32xf32, #tpu.memory_space<hbm>> -> memref<8x32xf32, #tpu.memory_space<hbm>>
      %dma_wait3A_139 = arith.constant 0 : i32
      %dma_wait3A_140 = arith.constant 0 : i32
      %dma_wait3A_141 = tpu.memref_slice %arg16[%dma_wait3A_131, %dma_wait3A_139, %dma_wait3A_140] : memref<2x8x32xf32, #tpu.memory_space<vmem>> -> memref<1x8x32xf32, #tpu.memory_space<vmem>>
      %dma_wait3A_142 = tpu.memref_squeeze %dma_wait3A_141 : memref<1x8x32xf32, #tpu.memory_space<vmem>> -> memref<8x32xf32, #tpu.memory_space<vmem>>
      %dma_wait3A_143 = arith.constant 0 : i32
      %dma_wait3A_144 = arith.constant 0 : i32
      %dma_wait3A_145 = tpu.memref_slice %arg8[%dma_wait3A_143, %dma_wait3A_144] : memref<16384x32xf32, #tpu.memory_space<hbm>> -> memref<8x32xf32, #tpu.memory_space<hbm>>
      tpu.wait_dma2 semaphore(%arg18 : memref<!tpu.dma_semaphore, #tpu.memory_space<semaphore_mem>>) src(%dma_wait3A_145 : memref<8x32xf32, #tpu.memory_space<hbm>>) dst(%dma_wait3A_142 : memref<8x32xf32, #tpu.memory_space<vmem>>)
      %ge3A = arith.constant 2 : i32
      %ge3A_146 = arith.cmpi sge, %add3A_81, %ge3A : i32
      %convert_element_type3A_147 = arith.extui %ge3A_146 : i1 to i32
      %cond3A_148 = arith.constant 0 : i32
      %cond3A_149 = arith.cmpi ne, %convert_element_type3A_147, %cond3A_148 : i32
      scf.if %cond3A_149 {
        %dma_wait3A_270 = arith.constant 0 : i32
        %dma_wait3A_271 = arith.constant 0 : i32
        %dma_wait3A_272 = tpu.memref_slice %arg17[%dma_wait3A_270, %dma_wait3A_271] : memref<2x576xf32, #tpu.memory_space<vmem>> -> memref<1x576xf32, #tpu.memory_space<vmem>>
        %dma_wait3A_273 = tpu.memref_squeeze %dma_wait3A_272 : memref<1x576xf32, #tpu.memory_space<vmem>> -> memref<576xf32, #tpu.memory_space<vmem>>
        %dma_wait3A_274 = arith.constant 0 : i32
        %dma_wait3A_275 = tpu.memref_slice %arg9[%dma_wait3A_274] : memref<1179648xf32, #tpu.memory_space<hbm>> -> memref<576xf32, #tpu.memory_space<hbm>>
        %dma_wait3A_276 = arith.constant 0 : i32
        %dma_wait3A_277 = tpu.memref_slice %arg9[%dma_wait3A_276] : memref<1179648xf32, #tpu.memory_space<hbm>> -> memref<576xf32, #tpu.memory_space<hbm>>
        %dma_wait3A_278 = arith.constant 0 : i32
        %dma_wait3A_279 = tpu.memref_slice %arg17[%dma_wait3A_270, %dma_wait3A_278] : memref<2x576xf32, #tpu.memory_space<vmem>> -> memref<1x576xf32, #tpu.memory_space<vmem>>
        %dma_wait3A_280 = tpu.memref_squeeze %dma_wait3A_279 : memref<1x576xf32, #tpu.memory_space<vmem>> -> memref<576xf32, #tpu.memory_space<vmem>>
        tpu.wait_dma2 semaphore(%arg20 : memref<!tpu.dma_semaphore, #tpu.memory_space<semaphore_mem>>) src(%dma_wait3A_280 : memref<576xf32, #tpu.memory_space<vmem>>) dst(%dma_wait3A_277 : memref<576xf32, #tpu.memory_space<hbm>>)
      } else {
      }
      %scan3A_150 = arith.constant 0 : i32
      %scan3A_151 = arith.constant 0 : i32
      %scan3A_152 = arith.constant 0 : i32
      %scan3A_153 = arith.constant 0 : i32
      %scan3A_154 = arith.constant 8 : i32
      %scan3A_155 = arith.addi %scan3A_153, %scan3A_154 : i32
      %scan3A_156 = arith.constant 1 : i32
      scf.for %scan3A_270 = %scan3A_153 to %scan3A_155 step %scan3A_156  : i32 {
        %broadcast_in_dim3A = arith.constant 0.000000e+00 : f32
        %broadcast_in_dim3A_271 = vector.broadcast %broadcast_in_dim3A : f32 to vector<16xf32>
        %parallel_loop3A = arith.constant 0 : i32
        %parallel_loop3A_272 = arith.constant 200 : i32
        %parallel_loop3A_273 = arith.constant 4 : i32
        %parallel_loop3A_274:4 = scf.for %parallel_loop3A_353 = %parallel_loop3A to %parallel_loop3A_272 step %parallel_loop3A_273 iter_args(%parallel_loop3A_354 = %broadcast_in_dim3A_271, %parallel_loop3A_355 = %broadcast_in_dim3A_271, %parallel_loop3A_356 = %broadcast_in_dim3A_271, %parallel_loop3A_357 = %broadcast_in_dim3A_271) -> (vector<16xf32>, vector<16xf32>, vector<16xf32>, vector<16xf32>)  : i32 {
          %parallel_loop3A_358 = arith.constant 200 : i32
          %parallel_loop3A_359 = arith.muli %scan3A_270, %parallel_loop3A_358 : i32
          %parallel_loop3A_360 = arith.addi %parallel_loop3A_359, %parallel_loop3A_353 : i32
          %parallel_loop3A_361 = arith.constant 0 : i32
          %parallel_loop3A_362 = arith.addi %parallel_loop3A_360, %parallel_loop3A_361 : i32
          %parallel_loop3A_363 = arith.constant 0 : i32
          %parallel_loop3A_364 = arith.constant 0 : i32
          %parallel_loop3A_365 = tpu.memref_slice %arg11[%scan3A_151, %parallel_loop3A_363, %parallel_loop3A_364] : memref<2x1600x32xbf16, #tpu.memory_space<vmem>> -> memref<1x1600x32xbf16, #tpu.memory_space<vmem>>
          %parallel_loop3A_366 = tpu.memref_squeeze %parallel_loop3A_365 : memref<1x1600x32xbf16, #tpu.memory_space<vmem>> -> memref<1600x32xbf16, #tpu.memory_space<vmem>>
          %parallel_loop3A_367 = arith.index_cast %parallel_loop3A_362 : i32 to index
          %parallel_loop3A_368 = arith.constant 0 : index
          %parallel_loop3A_369 = tpu.vector_load %parallel_loop3A_366[%parallel_loop3A_367, %parallel_loop3A_368] {strides = array<i32>} : memref<1600x32xbf16, #tpu.memory_space<vmem>>, vector<32xbf16>,
          %parallel_loop3A_370 = tpu.unpack_subelements %parallel_loop3A_369, 0 {pack_format = #tpu.pack_format<interleaved>} : vector<32xbf16> -> vector<16xf32>
          %parallel_loop3A_371 = tpu.unpack_subelements %parallel_loop3A_369, 1 {pack_format = #tpu.pack_format<interleaved>} : vector<32xbf16> -> vector<16xf32>
          %parallel_loop3A_372 = arith.addf %parallel_loop3A_354, %parallel_loop3A_370 : vector<16xf32>
          %parallel_loop3A_373 = arith.addf %parallel_loop3A_355, %parallel_loop3A_371 : vector<16xf32>
          %parallel_loop3A_374 = arith.constant 1 : i32
          %parallel_loop3A_375 = arith.addi %parallel_loop3A_360, %parallel_loop3A_374 : i32
          %parallel_loop3A_376 = arith.constant 0 : i32
          %parallel_loop3A_377 = arith.constant 0 : i32
          %parallel_loop3A_378 = tpu.memref_slice %arg11[%scan3A_151, %parallel_loop3A_376, %parallel_loop3A_377] : memref<2x1600x32xbf16, #tpu.memory_space<vmem>> -> memref<1x1600x32xbf16, #tpu.memory_space<vmem>>
          %parallel_loop3A_379 = tpu.memref_squeeze %parallel_loop3A_378 : memref<1x1600x32xbf16, #tpu.memory_space<vmem>> -> memref<1600x32xbf16, #tpu.memory_space<vmem>>
          %parallel_loop3A_380 = arith.index_cast %parallel_loop3A_375 : i32 to index
          %parallel_loop3A_381 = arith.constant 0 : index
          %parallel_loop3A_382 = tpu.vector_load %parallel_loop3A_379[%parallel_loop3A_380, %parallel_loop3A_381] {strides = array<i32>} : memref<1600x32xbf16, #tpu.memory_space<vmem>>, vector<32xbf16>,
          %parallel_loop3A_383 = tpu.unpack_subelements %parallel_loop3A_382, 0 {pack_format = #tpu.pack_format<interleaved>} : vector<32xbf16> -> vector<16xf32>
          %parallel_loop3A_384 = tpu.unpack_subelements %parallel_loop3A_382, 1 {pack_format = #tpu.pack_format<interleaved>} : vector<32xbf16> -> vector<16xf32>
          %parallel_loop3A_385 = arith.addf %parallel_loop3A_356, %parallel_loop3A_383 : vector<16xf32>
          %parallel_loop3A_386 = arith.addf %parallel_loop3A_357, %parallel_loop3A_384 : vector<16xf32>
          %parallel_loop3A_387 = arith.constant 2 : i32
          %parallel_loop3A_388 = arith.addi %parallel_loop3A_360, %parallel_loop3A_387 : i32
          %parallel_loop3A_389 = arith.constant 0 : i32
          %parallel_loop3A_390 = arith.constant 0 : i32
          %parallel_loop3A_391 = tpu.memref_slice %arg11[%scan3A_151, %parallel_loop3A_389, %parallel_loop3A_390] : memref<2x1600x32xbf16, #tpu.memory_space<vmem>> -> memref<1x1600x32xbf16, #tpu.memory_space<vmem>>
          %parallel_loop3A_392 = tpu.memref_squeeze %parallel_loop3A_391 : memref<1x1600x32xbf16, #tpu.memory_space<vmem>> -> memref<1600x32xbf16, #tpu.memory_space<vmem>>
          %parallel_loop3A_393 = arith.index_cast %parallel_loop3A_388 : i32 to index
          %parallel_loop3A_394 = arith.constant 0 : index
          %parallel_loop3A_395 = tpu.vector_load %parallel_loop3A_392[%parallel_loop3A_393, %parallel_loop3A_394] {strides = array<i32>} : memref<1600x32xbf16, #tpu.memory_space<vmem>>, vector<32xbf16>,
          %parallel_loop3A_396 = tpu.unpack_subelements %parallel_loop3A_395, 0 {pack_format = #tpu.pack_format<interleaved>} : vector<32xbf16> -> vector<16xf32>
          %parallel_loop3A_397 = tpu.unpack_subelements %parallel_loop3A_395, 1 {pack_format = #tpu.pack_format<interleaved>} : vector<32xbf16> -> vector<16xf32>
          %parallel_loop3A_398 = arith.addf %parallel_loop3A_372, %parallel_loop3A_396 : vector<16xf32>
          %parallel_loop3A_399 = arith.addf %parallel_loop3A_373, %parallel_loop3A_397 : vector<16xf32>
          %parallel_loop3A_400 = arith.constant 3 : i32
          %parallel_loop3A_401 = arith.addi %parallel_loop3A_360, %parallel_loop3A_400 : i32
          %parallel_loop3A_402 = arith.constant 0 : i32
          %parallel_loop3A_403 = arith.constant 0 : i32
          %parallel_loop3A_404 = tpu.memref_slice %arg11[%scan3A_151, %parallel_loop3A_402, %parallel_loop3A_403] : memref<2x1600x32xbf16, #tpu.memory_space<vmem>> -> memref<1x1600x32xbf16, #tpu.memory_space<vmem>>
          %parallel_loop3A_405 = tpu.memref_squeeze %parallel_loop3A_404 : memref<1x1600x32xbf16, #tpu.memory_space<vmem>> -> memref<1600x32xbf16, #tpu.memory_space<vmem>>
          %parallel_loop3A_406 = arith.index_cast %parallel_loop3A_401 : i32 to index
          %parallel_loop3A_407 = arith.constant 0 : index
          %parallel_loop3A_408 = tpu.vector_load %parallel_loop3A_405[%parallel_loop3A_406, %parallel_loop3A_407] {strides = array<i32>} : memref<1600x32xbf16, #tpu.memory_space<vmem>>, vector<32xbf16>,
          %parallel_loop3A_409 = tpu.unpack_subelements %parallel_loop3A_408, 0 {pack_format = #tpu.pack_format<interleaved>} : vector<32xbf16> -> vector<16xf32>
          %parallel_loop3A_410 = tpu.unpack_subelements %parallel_loop3A_408, 1 {pack_format = #tpu.pack_format<interleaved>} : vector<32xbf16> -> vector<16xf32>
          %parallel_loop3A_411 = arith.addf %parallel_loop3A_385, %parallel_loop3A_409 : vector<16xf32>
          %parallel_loop3A_412 = arith.addf %parallel_loop3A_386, %parallel_loop3A_410 : vector<16xf32>
          scf.yield %parallel_loop3A_398, %parallel_loop3A_399, %parallel_loop3A_411, %parallel_loop3A_412 : vector<16xf32>, vector<16xf32>, vector<16xf32>, vector<16xf32>
        } {sc.loop_unroll_factor = 2 : i64, sc.parallel_access}
        %get3A = arith.constant 0 : i32
        %get3A_275 = arith.index_cast %get3A : i32 to index
        %get3A_276 = arith.index_cast %scan3A_270 : i32 to index
        %get3A_277 = arith.constant 0 : index
        %get3A_278 = tpu.vector_load %arg16[%get3A_275, %get3A_276, %get3A_277] {strides = array<i32>} : memref<2x8x32xf32, #tpu.memory_space<vmem>>, vector<16xf32>,
        %mul3A_279 = arith.constant 72 : i32
        %mul3A_280 = arith.muli %scan3A_270, %mul3A_279 : i32
        %swap3A = arith.constant 0 : i32
        %swap3A_281 = tpu.memref_slice %arg17[%scan3A_152, %swap3A] : memref<2x576xf32, #tpu.memory_space<vmem>> -> memref<1x576xf32, #tpu.memory_space<vmem>>
        %swap3A_282 = tpu.memref_squeeze %swap3A_281 : memref<1x576xf32, #tpu.memory_space<vmem>> -> memref<576xf32, #tpu.memory_space<vmem>>
        %swap3A_283 = arith.index_cast %mul3A_280 : i32 to index
        %swap3A_284 = tpu.vector_load %swap3A_282[%swap3A_283] {strides = array<i32>} : memref<576xf32, #tpu.memory_space<vmem>>, vector<16xf32>,
        tpu.vector_store %swap3A_282[%swap3A_283], %get3A_278 {strides = array<i32>} : memref<576xf32, #tpu.memory_space<vmem>>, vector<16xf32>,
        %get3A_285 = arith.constant 0 : i32
        %get3A_286 = arith.index_cast %get3A_285 : i32 to index
        %get3A_287 = arith.index_cast %scan3A_270 : i32 to index
        %get3A_288 = arith.constant 16 : index
        %get3A_289 = tpu.vector_load %arg16[%get3A_286, %get3A_287, %get3A_288] {strides = array<i32>} : memref<2x8x32xf32, #tpu.memory_space<vmem>>, vector<16xf32>,
        %mul3A_290 = arith.constant 72 : i32
        %mul3A_291 = arith.muli %scan3A_270, %mul3A_290 : i32
        %add3A_292 = arith.constant 16 : i32
        %add3A_293 = arith.addi %mul3A_291, %add3A_292 : i32
        %swap3A_294 = arith.constant 0 : i32
        %swap3A_295 = tpu.memref_slice %arg17[%scan3A_152, %swap3A_294] : memref<2x576xf32, #tpu.memory_space<vmem>> -> memref<1x576xf32, #tpu.memory_space<vmem>>
        %swap3A_296 = tpu.memref_squeeze %swap3A_295 : memref<1x576xf32, #tpu.memory_space<vmem>> -> memref<576xf32, #tpu.memory_space<vmem>>
        %swap3A_297 = arith.index_cast %add3A_293 : i32 to index
        %swap3A_298 = tpu.vector_load %swap3A_296[%swap3A_297] {strides = array<i32>} : memref<576xf32, #tpu.memory_space<vmem>>, vector<16xf32>,
        tpu.vector_store %swap3A_296[%swap3A_297], %get3A_289 {strides = array<i32>} : memref<576xf32, #tpu.memory_space<vmem>>, vector<16xf32>,
        %get3A_299 = arith.constant 0 : i32
        %get3A_300 = arith.index_cast %get3A_299 : i32 to index
        %get3A_301 = arith.index_cast %scan3A_270 : i32 to index
        %get3A_302 = arith.constant 0 : index
        %get3A_303 = tpu.vector_load %arg14[%get3A_300, %get3A_301, %get3A_302] {strides = array<i32>} : memref<2x8x16xf32, #tpu.memory_space<vmem>>, vector<16xf32>,
        %mul3A_304 = arith.constant 72 : i32
        %mul3A_305 = arith.muli %scan3A_270, %mul3A_304 : i32
        %add3A_306 = arith.constant 32 : i32
        %add3A_307 = arith.addi %mul3A_305, %add3A_306 : i32
        %swap3A_308 = arith.constant 0 : i32
        %swap3A_309 = tpu.memref_slice %arg17[%scan3A_152, %swap3A_308] : memref<2x576xf32, #tpu.memory_space<vmem>> -> memref<1x576xf32, #tpu.memory_space<vmem>>
        %swap3A_310 = tpu.memref_squeeze %swap3A_309 : memref<1x576xf32, #tpu.memory_space<vmem>> -> memref<576xf32, #tpu.memory_space<vmem>>
        %swap3A_311 = arith.index_cast %add3A_307 : i32 to index
        %swap3A_312 = tpu.vector_load %swap3A_310[%swap3A_311] {strides = array<i32>} : memref<576xf32, #tpu.memory_space<vmem>>, vector<16xf32>,
        tpu.vector_store %swap3A_310[%swap3A_311], %get3A_303 {strides = array<i32>} : memref<576xf32, #tpu.memory_space<vmem>>, vector<16xf32>,
        %get3A_313 = arith.constant 0 : i32
        %get3A_314 = arith.index_cast %get3A_313 : i32 to index
        %get3A_315 = arith.index_cast %scan3A_270 : i32 to index
        %get3A_316 = arith.constant 0 : index
        %get3A_317 = tpu.vector_load %arg15[%get3A_314, %get3A_315, %get3A_316] {strides = array<i32>} : memref<2x8x16xf32, #tpu.memory_space<vmem>>, vector<16xf32>,
        %mul3A_318 = arith.constant 72 : i32
        %mul3A_319 = arith.muli %scan3A_270, %mul3A_318 : i32
        %add3A_320 = arith.constant 36 : i32
        %add3A_321 = arith.addi %mul3A_319, %add3A_320 : i32
        %swap3A_322 = arith.constant 0 : i32
        %swap3A_323 = tpu.memref_slice %arg17[%scan3A_152, %swap3A_322] : memref<2x576xf32, #tpu.memory_space<vmem>> -> memref<1x576xf32, #tpu.memory_space<vmem>>
        %swap3A_324 = tpu.memref_squeeze %swap3A_323 : memref<1x576xf32, #tpu.memory_space<vmem>> -> memref<576xf32, #tpu.memory_space<vmem>>
        %swap3A_325 = arith.index_cast %add3A_321 : i32 to index
        %swap3A_326 = tpu.vector_load %swap3A_324[%swap3A_325] {strides = array<i32>} : memref<576xf32, #tpu.memory_space<vmem>>, vector<16xf32>,
        tpu.vector_store %swap3A_324[%swap3A_325], %get3A_317 {strides = array<i32>} : memref<576xf32, #tpu.memory_space<vmem>>, vector<16xf32>,
        %add3A_327 = arith.addf %parallel_loop3A_274#0, %parallel_loop3A_274#2 : vector<16xf32>
        %mul3A_328 = arith.constant 2.500000e-02 : f32
        %mul3A_329 = vector.broadcast %mul3A_328 : f32 to vector<16xf32>
        %mul3A_330 = arith.mulf %add3A_327, %mul3A_329 : vector<16xf32>
        %mul3A_331 = arith.constant 72 : i32
        %mul3A_332 = arith.muli %scan3A_270, %mul3A_331 : i32
        %add3A_333 = arith.constant 40 : i32
        %add3A_334 = arith.addi %mul3A_332, %add3A_333 : i32
        %swap3A_335 = arith.constant 0 : i32
        %swap3A_336 = tpu.memref_slice %arg17[%scan3A_152, %swap3A_335] : memref<2x576xf32, #tpu.memory_space<vmem>> -> memref<1x576xf32, #tpu.memory_space<vmem>>
        %swap3A_337 = tpu.memref_squeeze %swap3A_336 : memref<1x576xf32, #tpu.memory_space<vmem>> -> memref<576xf32, #tpu.memory_space<vmem>>
        %swap3A_338 = arith.index_cast %add3A_334 : i32 to index
        %swap3A_339 = tpu.vector_load %swap3A_337[%swap3A_338] {strides = array<i32>} : memref<576xf32, #tpu.memory_space<vmem>>, vector<16xf32>,
        tpu.vector_store %swap3A_337[%swap3A_338], %mul3A_330 {strides = array<i32>} : memref<576xf32, #tpu.memory_space<vmem>>, vector<16xf32>,
        %add3A_340 = arith.addf %parallel_loop3A_274#1, %parallel_loop3A_274#3 : vector<16xf32>
        %mul3A_341 = arith.constant 2.500000e-02 : f32
        %mul3A_342 = vector.broadcast %mul3A_341 : f32 to vector<16xf32>
        %mul3A_343 = arith.mulf %add3A_340, %mul3A_342 : vector<16xf32>
        %mul3A_344 = arith.constant 72 : i32
        %mul3A_345 = arith.muli %scan3A_270, %mul3A_344 : i32
        %add3A_346 = arith.constant 56 : i32
        %add3A_347 = arith.addi %mul3A_345, %add3A_346 : i32
        %swap3A_348 = arith.constant 0 : i32
        %swap3A_349 = tpu.memref_slice %arg17[%scan3A_152, %swap3A_348] : memref<2x576xf32, #tpu.memory_space<vmem>> -> memref<1x576xf32, #tpu.memory_space<vmem>>
        %swap3A_350 = tpu.memref_squeeze %swap3A_349 : memref<1x576xf32, #tpu.memory_space<vmem>> -> memref<576xf32, #tpu.memory_space<vmem>>
        %swap3A_351 = arith.index_cast %add3A_347 : i32 to index
        %swap3A_352 = tpu.vector_load %swap3A_350[%swap3A_351] {strides = array<i32>} : memref<576xf32, #tpu.memory_space<vmem>>, vector<16xf32>,
        tpu.vector_store %swap3A_350[%swap3A_351], %mul3A_343 {strides = array<i32>} : memref<576xf32, #tpu.memory_space<vmem>>, vector<16xf32>,
      }
      %scan3A_157 = arith.constant 8 : i32
      %mul3A_158 = arith.constant 8 : i32
      %mul3A_159 = arith.muli %add3A_81, %mul3A_158 : i32
      %add3A_160 = arith.addi %mul3A_2, %mul3A_159 : i32
      %mul3A_161 = arith.constant 72 : i32
      %mul3A_162 = arith.muli %add3A_160, %mul3A_161 : i32
      %dma_start3A_163 = arith.constant 0 : i32
      %dma_start3A_164 = arith.constant 0 : i32
      %dma_start3A_165 = tpu.memref_slice %arg17[%dma_start3A_163, %dma_start3A_164] : memref<2x576xf32, #tpu.memory_space<vmem>> -> memref<1x576xf32, #tpu.memory_space<vmem>>
      %dma_start3A_166 = tpu.memref_squeeze %dma_start3A_165 : memref<1x576xf32, #tpu.memory_space<vmem>> -> memref<576xf32, #tpu.memory_space<vmem>>
      %dma_start3A_167 = tpu.memref_slice %arg9[%mul3A_162] : memref<1179648xf32, #tpu.memory_space<hbm>> -> memref<576xf32, #tpu.memory_space<hbm>>
      %dma_start3A_168 = tpu.memref_slice %arg9[%mul3A_162] : memref<1179648xf32, #tpu.memory_space<hbm>> -> memref<576xf32, #tpu.memory_space<hbm>>
      %dma_start3A_169 = arith.constant 0 : i32
      %dma_start3A_170 = tpu.memref_slice %arg17[%dma_start3A_163, %dma_start3A_169] : memref<2x576xf32, #tpu.memory_space<vmem>> -> memref<1x576xf32, #tpu.memory_space<vmem>>
      %dma_start3A_171 = tpu.memref_squeeze %dma_start3A_170 : memref<1x576xf32, #tpu.memory_space<vmem>> -> memref<576xf32, #tpu.memory_space<vmem>>
      tpu.enqueue_dma source(%dma_start3A_171 : memref<576xf32, #tpu.memory_space<vmem>>) target(%dma_start3A_168 : memref<576xf32, #tpu.memory_space<hbm>>) target_semaphore(%arg20 : memref<!tpu.dma_semaphore, #tpu.memory_space<semaphore_mem>>)
      %mul3A_172 = arith.constant 2 : i32
      %mul3A_173 = arith.muli %scan3A_77, %mul3A_172 : i32
      %add3A_174 = arith.constant 1 : i32
      %add3A_175 = arith.addi %mul3A_173, %add3A_174 : i32
      %add3A_176 = arith.constant 1 : i32
      %add3A_177 = arith.addi %add3A_175, %add3A_176 : i32
      %lt3A_178 = arith.constant 64 : i32
      %lt3A_179 = arith.cmpi slt, %add3A_177, %lt3A_178 : i32
      %convert_element_type3A_180 = arith.extui %lt3A_179 : i1 to i32
      %cond3A_181 = arith.constant 0 : i32
      %cond3A_182 = arith.cmpi ne, %convert_element_type3A_180, %cond3A_181 : i32
      scf.if %cond3A_182 {
        %add3A_270 = arith.constant 1 : i32
        %add3A_271 = arith.addi %add3A_175, %add3A_270 : i32
        %mul3A_272 = arith.constant 8 : i32
        %mul3A_273 = arith.muli %add3A_271, %mul3A_272 : i32
        %add3A_274 = arith.addi %mul3A_2, %mul3A_273 : i32
        %mul3A_275 = arith.constant 200 : i32
        %mul3A_276 = arith.muli %add3A_274, %mul3A_275 : i32
        %run_scoped3A_277 = arith.constant 0 : i32
        "tpu.region"() ({
          %run_scoped3A_325 = tpu.sem_alloc : memref<!tpu.dma_semaphore, #tpu.memory_space<semaphore_mem>>
          %dma_start3A_326 = arith.constant 0 : i32
          %dma_start3A_327 = tpu.memref_slice %arg10[%run_scoped3A_277, %dma_start3A_326] : memref<2x1600xi32, #tpu.memory_space<vmem>> -> memref<1x1600xi32, #tpu.memory_space<vmem>>
          %dma_start3A_328 = tpu.memref_squeeze %dma_start3A_327 : memref<1x1600xi32, #tpu.memory_space<vmem>> -> memref<1600xi32, #tpu.memory_space<vmem>>
          %dma_start3A_329 = tpu.memref_slice %arg4[%mul3A_276] : memref<3276800xi32, #tpu.memory_space<hbm>> -> memref<1600xi32, #tpu.memory_space<hbm>>
          %dma_start3A_330 = arith.constant 0 : i32
          %dma_start3A_331 = tpu.memref_slice %arg10[%run_scoped3A_277, %dma_start3A_330] : memref<2x1600xi32, #tpu.memory_space<vmem>> -> memref<1x1600xi32, #tpu.memory_space<vmem>>
          %dma_start3A_332 = tpu.memref_squeeze %dma_start3A_331 : memref<1x1600xi32, #tpu.memory_space<vmem>> -> memref<1600xi32, #tpu.memory_space<vmem>>
          %dma_start3A_333 = tpu.memref_slice %arg4[%mul3A_276] : memref<3276800xi32, #tpu.memory_space<hbm>> -> memref<1600xi32, #tpu.memory_space<hbm>>
          tpu.enqueue_dma source(%dma_start3A_333 : memref<1600xi32, #tpu.memory_space<hbm>>) target(%dma_start3A_332 : memref<1600xi32, #tpu.memory_space<vmem>>) target_semaphore(%run_scoped3A_325 : memref<!tpu.dma_semaphore, #tpu.memory_space<semaphore_mem>>)
          %dma_wait3A_334 = arith.constant 0 : i32
          %dma_wait3A_335 = tpu.memref_slice %arg10[%run_scoped3A_277, %dma_wait3A_334] : memref<2x1600xi32, #tpu.memory_space<vmem>> -> memref<1x1600xi32, #tpu.memory_space<vmem>>
          %dma_wait3A_336 = tpu.memref_squeeze %dma_wait3A_335 : memref<1x1600xi32, #tpu.memory_space<vmem>> -> memref<1600xi32, #tpu.memory_space<vmem>>
          %dma_wait3A_337 = tpu.memref_slice %arg4[%mul3A_276] : memref<3276800xi32, #tpu.memory_space<hbm>> -> memref<1600xi32, #tpu.memory_space<hbm>>
          %dma_wait3A_338 = arith.constant 0 : i32
          %dma_wait3A_339 = tpu.memref_slice %arg10[%run_scoped3A_277, %dma_wait3A_338] : memref<2x1600xi32, #tpu.memory_space<vmem>> -> memref<1x1600xi32, #tpu.memory_space<vmem>>
          %dma_wait3A_340 = tpu.memref_squeeze %dma_wait3A_339 : memref<1x1600xi32, #tpu.memory_space<vmem>> -> memref<1600xi32, #tpu.memory_space<vmem>>
          %dma_wait3A_341 = tpu.memref_slice %arg4[%mul3A_276] : memref<3276800xi32, #tpu.memory_space<hbm>> -> memref<1600xi32, #tpu.memory_space<hbm>>
          tpu.wait_dma2 semaphore(%run_scoped3A_325 : memref<!tpu.dma_semaphore, #tpu.memory_space<semaphore_mem>>) src(%dma_wait3A_341 : memref<1600xi32, #tpu.memory_space<hbm>>) dst(%dma_wait3A_340 : memref<1600xi32, #tpu.memory_space<vmem>>)
          tpu.yield
        }) : () -> ()
        %dma_start3A_278 = arith.constant 0 : i32
        %dma_start3A_279 = arith.constant 0 : i32
        %dma_start3A_280 = arith.constant 0 : i32
        %dma_start3A_281 = arith.constant 0 : i32
        %dma_start3A_282 = tpu.memref_slice %arg11[%dma_start3A_279, %dma_start3A_280, %dma_start3A_281] : memref<2x1600x32xbf16, #tpu.memory_space<vmem>> -> memref<1x1600x32xbf16, #tpu.memory_space<vmem>>
        %dma_start3A_283 = tpu.memref_squeeze %dma_start3A_282 : memref<1x1600x32xbf16, #tpu.memory_space<vmem>> -> memref<1600x32xbf16, #tpu.memory_space<vmem>>
        %dma_start3A_284 = arith.constant 0 : i32
        %dma_start3A_285 = tpu.memref_slice %arg10[%dma_start3A_278, %dma_start3A_284] : memref<2x1600xi32, #tpu.memory_space<vmem>> -> memref<1x1600xi32, #tpu.memory_space<vmem>>
        %dma_start3A_286 = tpu.memref_squeeze %dma_start3A_285 : memref<1x1600xi32, #tpu.memory_space<vmem>> -> memref<1600xi32, #tpu.memory_space<vmem>>
        %dma_start3A_287 = arith.constant 0 : i32
        %dma_start3A_288 = arith.constant 0 : i32
        %dma_start3A_289 = tpu.memref_slice %arg7[%dma_start3A_287, %dma_start3A_288] : memref<100002x32xbf16, #tpu.memory_space<hbm>> -> memref<100002x32xbf16, #tpu.memory_space<hbm>>
        tpu.enqueue_indirect_dma source(%dma_start3A_289 : memref<100002x32xbf16, #tpu.memory_space<hbm>>) target(%dma_start3A_283 : memref<1600x32xbf16, #tpu.memory_space<vmem>>) offsets(%dma_start3A_286 : memref<1600xi32, #tpu.memory_space<vmem>>) semaphore(%arg18 : memref<!tpu.dma_semaphore, #tpu.memory_space<semaphore_mem>>)
        %mul3A_290 = arith.constant 8 : i32
        %mul3A_291 = arith.muli %add3A_271, %mul3A_290 : i32
        %dma_start3A_292 = arith.constant 0 : i32
        %dma_start3A_293 = arith.constant 0 : i32
        %dma_start3A_294 = arith.constant 0 : i32
        %dma_start3A_295 = tpu.memref_slice %arg14[%dma_start3A_292, %dma_start3A_293, %dma_start3A_294] : memref<2x8x16xf32, #tpu.memory_space<vmem>> -> memref<1x8x16xf32, #tpu.memory_space<vmem>>
        %dma_start3A_296 = tpu.memref_squeeze %dma_start3A_295 : memref<1x8x16xf32, #tpu.memory_space<vmem>> -> memref<8x16xf32, #tpu.memory_space<vmem>>
        %dma_start3A_297 = tpu.memref_slice %arg12[%mul3A_291] : memref<512xi32, #tpu.memory_space<vmem>> -> memref<8xi32, #tpu.memory_space<vmem>>
        %dma_start3A_298 = arith.constant 0 : i32
        %dma_start3A_299 = arith.constant 0 : i32
        %dma_start3A_300 = tpu.memref_slice %arg5[%dma_start3A_298, %dma_start3A_299] : memref<8x16xf32, #tpu.memory_space<hbm>> -> memref<8x16xf32, #tpu.memory_space<hbm>>
        tpu.enqueue_indirect_dma source(%dma_start3A_300 : memref<8x16xf32, #tpu.memory_space<hbm>>) target(%dma_start3A_296 : memref<8x16xf32, #tpu.memory_space<vmem>>) offsets(%dma_start3A_297 : memref<8xi32, #tpu.memory_space<vmem>>) semaphore(%arg18 : memref<!tpu.dma_semaphore, #tpu.memory_space<semaphore_mem>>)
        %mul3A_301 = arith.constant 8 : i32
        %mul3A_302 = arith.muli %add3A_271, %mul3A_301 : i32
        %dma_start3A_303 = arith.constant 0 : i32
        %dma_start3A_304 = arith.constant 0 : i32
        %dma_start3A_305 = arith.constant 0 : i32
        %dma_start3A_306 = tpu.memref_slice %arg15[%dma_start3A_303, %dma_start3A_304, %dma_start3A_305] : memref<2x8x16xf32, #tpu.memory_space<vmem>> -> memref<1x8x16xf32, #tpu.memory_space<vmem>>
        %dma_start3A_307 = tpu.memref_squeeze %dma_start3A_306 : memref<1x8x16xf32, #tpu.memory_space<vmem>> -> memref<8x16xf32, #tpu.memory_space<vmem>>
        %dma_start3A_308 = tpu.memref_slice %arg13[%mul3A_302] : memref<512xi32, #tpu.memory_space<vmem>> -> memref<8xi32, #tpu.memory_space<vmem>>
        %dma_start3A_309 = arith.constant 0 : i32
        %dma_start3A_310 = arith.constant 0 : i32
        %dma_start3A_311 = tpu.memref_slice %arg6[%dma_start3A_309, %dma_start3A_310] : memref<104x16xf32, #tpu.memory_space<hbm>> -> memref<104x16xf32, #tpu.memory_space<hbm>>
        tpu.enqueue_indirect_dma source(%dma_start3A_311 : memref<104x16xf32, #tpu.memory_space<hbm>>) target(%dma_start3A_307 : memref<8x16xf32, #tpu.memory_space<vmem>>) offsets(%dma_start3A_308 : memref<8xi32, #tpu.memory_space<vmem>>) semaphore(%arg18 : memref<!tpu.dma_semaphore, #tpu.memory_space<semaphore_mem>>)
        %dma_start3A_312 = arith.constant 0 : i32
        %dma_start3A_313 = arith.constant 0 : i32
        %dma_start3A_314 = arith.constant 0 : i32
        %dma_start3A_315 = tpu.memref_slice %arg16[%dma_start3A_312, %dma_start3A_313, %dma_start3A_314] : memref<2x8x32xf32, #tpu.memory_space<vmem>> -> memref<1x8x32xf32, #tpu.memory_space<vmem>>
        %dma_start3A_316 = tpu.memref_squeeze %dma_start3A_315 : memref<1x8x32xf32, #tpu.memory_space<vmem>> -> memref<8x32xf32, #tpu.memory_space<vmem>>
        %dma_start3A_317 = arith.constant 0 : i32
        %dma_start3A_318 = tpu.memref_slice %arg8[%add3A_274, %dma_start3A_317] : memref<16384x32xf32, #tpu.memory_space<hbm>> -> memref<8x32xf32, #tpu.memory_space<hbm>>
        %dma_start3A_319 = arith.constant 0 : i32
        %dma_start3A_320 = arith.constant 0 : i32
        %dma_start3A_321 = tpu.memref_slice %arg16[%dma_start3A_312, %dma_start3A_319, %dma_start3A_320] : memref<2x8x32xf32, #tpu.memory_space<vmem>> -> memref<1x8x32xf32, #tpu.memory_space<vmem>>
        %dma_start3A_322 = tpu.memref_squeeze %dma_start3A_321 : memref<1x8x32xf32, #tpu.memory_space<vmem>> -> memref<8x32xf32, #tpu.memory_space<vmem>>
        %dma_start3A_323 = arith.constant 0 : i32
        %dma_start3A_324 = tpu.memref_slice %arg8[%add3A_274, %dma_start3A_323] : memref<16384x32xf32, #tpu.memory_space<hbm>> -> memref<8x32xf32, #tpu.memory_space<hbm>>
        tpu.enqueue_dma source(%dma_start3A_324 : memref<8x32xf32, #tpu.memory_space<hbm>>) target(%dma_start3A_322 : memref<8x32xf32, #tpu.memory_space<vmem>>) target_semaphore(%arg18 : memref<!tpu.dma_semaphore, #tpu.memory_space<semaphore_mem>>)
      } else {
      }
      %dma_wait3A_183 = arith.constant 1 : i32
      %dma_wait3A_184 = arith.constant 0 : i32
      %dma_wait3A_185 = arith.constant 0 : i32
      %dma_wait3A_186 = tpu.memref_slice %arg11[%dma_wait3A_183, %dma_wait3A_184, %dma_wait3A_185] : memref<2x1600x32xbf16, #tpu.memory_space<vmem>> -> memref<1x1600x32xbf16, #tpu.memory_space<vmem>>
      %dma_wait3A_187 = tpu.memref_squeeze %dma_wait3A_186 : memref<1x1600x32xbf16, #tpu.memory_space<vmem>> -> memref<1600x32xbf16, #tpu.memory_space<vmem>>
      %dma_wait3A_188 = arith.constant 0 : i32
      %dma_wait3A_189 = arith.constant 0 : i32
      %dma_wait3A_190 = tpu.memref_slice %arg7[%dma_wait3A_188, %dma_wait3A_189] : memref<100002x32xbf16, #tpu.memory_space<hbm>> -> memref<1600x32xbf16, #tpu.memory_space<hbm>>
      %dma_wait3A_191 = arith.constant 0 : i32
      %dma_wait3A_192 = arith.constant 0 : i32
      %dma_wait3A_193 = tpu.memref_slice %arg11[%dma_wait3A_183, %dma_wait3A_191, %dma_wait3A_192] : memref<2x1600x32xbf16, #tpu.memory_space<vmem>> -> memref<1x1600x32xbf16, #tpu.memory_space<vmem>>
      %dma_wait3A_194 = tpu.memref_squeeze %dma_wait3A_193 : memref<1x1600x32xbf16, #tpu.memory_space<vmem>> -> memref<1600x32xbf16, #tpu.memory_space<vmem>>
      %dma_wait3A_195 = arith.constant 0 : i32
      %dma_wait3A_196 = arith.constant 0 : i32
      %dma_wait3A_197 = tpu.memref_slice %arg7[%dma_wait3A_195, %dma_wait3A_196] : memref<100002x32xbf16, #tpu.memory_space<hbm>> -> memref<1600x32xbf16, #tpu.memory_space<hbm>>
      tpu.wait_dma2 semaphore(%arg19 : memref<!tpu.dma_semaphore, #tpu.memory_space<semaphore_mem>>) src(%dma_wait3A_197 : memref<1600x32xbf16, #tpu.memory_space<hbm>>) dst(%dma_wait3A_194 : memref<1600x32xbf16, #tpu.memory_space<vmem>>)
      %dma_wait3A_198 = arith.constant 1 : i32
      %dma_wait3A_199 = arith.constant 0 : i32
      %dma_wait3A_200 = arith.constant 0 : i32
      %dma_wait3A_201 = tpu.memref_slice %arg14[%dma_wait3A_198, %dma_wait3A_199, %dma_wait3A_200] : memref<2x8x16xf32, #tpu.memory_space<vmem>> -> memref<1x8x16xf32, #tpu.memory_space<vmem>>
      %dma_wait3A_202 = tpu.memref_squeeze %dma_wait3A_201 : memref<1x8x16xf32, #tpu.memory_space<vmem>> -> memref<8x16xf32, #tpu.memory_space<vmem>>
      %dma_wait3A_203 = arith.constant 0 : i32
      %dma_wait3A_204 = arith.constant 0 : i32
      %dma_wait3A_205 = tpu.memref_slice %arg5[%dma_wait3A_203, %dma_wait3A_204] : memref<8x16xf32, #tpu.memory_space<hbm>> -> memref<8x16xf32, #tpu.memory_space<hbm>>
      %dma_wait3A_206 = arith.constant 0 : i32
      %dma_wait3A_207 = arith.constant 0 : i32
      %dma_wait3A_208 = tpu.memref_slice %arg14[%dma_wait3A_198, %dma_wait3A_206, %dma_wait3A_207] : memref<2x8x16xf32, #tpu.memory_space<vmem>> -> memref<1x8x16xf32, #tpu.memory_space<vmem>>
      %dma_wait3A_209 = tpu.memref_squeeze %dma_wait3A_208 : memref<1x8x16xf32, #tpu.memory_space<vmem>> -> memref<8x16xf32, #tpu.memory_space<vmem>>
      %dma_wait3A_210 = arith.constant 0 : i32
      %dma_wait3A_211 = arith.constant 0 : i32
      %dma_wait3A_212 = tpu.memref_slice %arg5[%dma_wait3A_210, %dma_wait3A_211] : memref<8x16xf32, #tpu.memory_space<hbm>> -> memref<8x16xf32, #tpu.memory_space<hbm>>
      tpu.wait_dma2 semaphore(%arg19 : memref<!tpu.dma_semaphore, #tpu.memory_space<semaphore_mem>>) src(%dma_wait3A_212 : memref<8x16xf32, #tpu.memory_space<hbm>>) dst(%dma_wait3A_209 : memref<8x16xf32, #tpu.memory_space<vmem>>)
      %dma_wait3A_213 = arith.constant 1 : i32
      %dma_wait3A_214 = arith.constant 0 : i32
      %dma_wait3A_215 = arith.constant 0 : i32
      %dma_wait3A_216 = tpu.memref_slice %arg15[%dma_wait3A_213, %dma_wait3A_214, %dma_wait3A_215] : memref<2x8x16xf32, #tpu.memory_space<vmem>> -> memref<1x8x16xf32, #tpu.memory_space<vmem>>
      %dma_wait3A_217 = tpu.memref_squeeze %dma_wait3A_216 : memref<1x8x16xf32, #tpu.memory_space<vmem>> -> memref<8x16xf32, #tpu.memory_space<vmem>>
      %dma_wait3A_218 = arith.constant 0 : i32
      %dma_wait3A_219 = arith.constant 0 : i32
      %dma_wait3A_220 = tpu.memref_slice %arg6[%dma_wait3A_218, %dma_wait3A_219] : memref<104x16xf32, #tpu.memory_space<hbm>> -> memref<8x16xf32, #tpu.memory_space<hbm>>
      %dma_wait3A_221 = arith.constant 0 : i32
      %dma_wait3A_222 = arith.constant 0 : i32
      %dma_wait3A_223 = tpu.memref_slice %arg15[%dma_wait3A_213, %dma_wait3A_221, %dma_wait3A_222] : memref<2x8x16xf32, #tpu.memory_space<vmem>> -> memref<1x8x16xf32, #tpu.memory_space<vmem>>
      %dma_wait3A_224 = tpu.memref_squeeze %dma_wait3A_223 : memref<1x8x16xf32, #tpu.memory_space<vmem>> -> memref<8x16xf32, #tpu.memory_space<vmem>>
      %dma_wait3A_225 = arith.constant 0 : i32
      %dma_wait3A_226 = arith.constant 0 : i32
      %dma_wait3A_227 = tpu.memref_slice %arg6[%dma_wait3A_225, %dma_wait3A_226] : memref<104x16xf32, #tpu.memory_space<hbm>> -> memref<8x16xf32, #tpu.memory_space<hbm>>
      tpu.wait_dma2 semaphore(%arg19 : memref<!tpu.dma_semaphore, #tpu.memory_space<semaphore_mem>>) src(%dma_wait3A_227 : memref<8x16xf32, #tpu.memory_space<hbm>>) dst(%dma_wait3A_224 : memref<8x16xf32, #tpu.memory_space<vmem>>)
      %dma_wait3A_228 = arith.constant 1 : i32
      %dma_wait3A_229 = arith.constant 0 : i32
      %dma_wait3A_230 = arith.constant 0 : i32
      %dma_wait3A_231 = tpu.memref_slice %arg16[%dma_wait3A_228, %dma_wait3A_229, %dma_wait3A_230] : memref<2x8x32xf32, #tpu.memory_space<vmem>> -> memref<1x8x32xf32, #tpu.memory_space<vmem>>
      %dma_wait3A_232 = tpu.memref_squeeze %dma_wait3A_231 : memref<1x8x32xf32, #tpu.memory_space<vmem>> -> memref<8x32xf32, #tpu.memory_space<vmem>>
      %dma_wait3A_233 = arith.constant 0 : i32
      %dma_wait3A_234 = arith.constant 0 : i32
      %dma_wait3A_235 = tpu.memref_slice %arg8[%dma_wait3A_233, %dma_wait3A_234] : memref<16384x32xf32, #tpu.memory_space<hbm>> -> memref<8x32xf32, #tpu.memory_space<hbm>>
      %dma_wait3A_236 = arith.constant 0 : i32
      %dma_wait3A_237 = arith.constant 0 : i32
      %dma_wait3A_238 = tpu.memref_slice %arg16[%dma_wait3A_228, %dma_wait3A_236, %dma_wait3A_237] : memref<2x8x32xf32, #tpu.memory_space<vmem>> -> memref<1x8x32xf32, #tpu.memory_space<vmem>>
      %dma_wait3A_239 = tpu.memref_squeeze %dma_wait3A_238 : memref<1x8x32xf32, #tpu.memory_space<vmem>> -> memref<8x32xf32, #tpu.memory_space<vmem>>
      %dma_wait3A_240 = arith.constant 0 : i32
      %dma_wait3A_241 = arith.constant 0 : i32
      %dma_wait3A_242 = tpu.memref_slice %arg8[%dma_wait3A_240, %dma_wait3A_241] : memref<16384x32xf32, #tpu.memory_space<hbm>> -> memref<8x32xf32, #tpu.memory_space<hbm>>
      tpu.wait_dma2 semaphore(%arg19 : memref<!tpu.dma_semaphore, #tpu.memory_space<semaphore_mem>>) src(%dma_wait3A_242 : memref<8x32xf32, #tpu.memory_space<hbm>>) dst(%dma_wait3A_239 : memref<8x32xf32, #tpu.memory_space<vmem>>)
      %ge3A_243 = arith.constant 2 : i32
      %ge3A_244 = arith.cmpi sge, %add3A_175, %ge3A_243 : i32
      %convert_element_type3A_245 = arith.extui %ge3A_244 : i1 to i32
      %cond3A_246 = arith.constant 0 : i32
      %cond3A_247 = arith.cmpi ne, %convert_element_type3A_245, %cond3A_246 : i32
      scf.if %cond3A_247 {
        %dma_wait3A_270 = arith.constant 1 : i32
        %dma_wait3A_271 = arith.constant 0 : i32
        %dma_wait3A_272 = tpu.memref_slice %arg17[%dma_wait3A_270, %dma_wait3A_271] : memref<2x576xf32, #tpu.memory_space<vmem>> -> memref<1x576xf32, #tpu.memory_space<vmem>>
        %dma_wait3A_273 = tpu.memref_squeeze %dma_wait3A_272 : memref<1x576xf32, #tpu.memory_space<vmem>> -> memref<576xf32, #tpu.memory_space<vmem>>
        %dma_wait3A_274 = arith.constant 0 : i32
        %dma_wait3A_275 = tpu.memref_slice %arg9[%dma_wait3A_274] : memref<1179648xf32, #tpu.memory_space<hbm>> -> memref<576xf32, #tpu.memory_space<hbm>>
        %dma_wait3A_276 = arith.constant 0 : i32
        %dma_wait3A_277 = tpu.memref_slice %arg9[%dma_wait3A_276] : memref<1179648xf32, #tpu.memory_space<hbm>> -> memref<576xf32, #tpu.memory_space<hbm>>
        %dma_wait3A_278 = arith.constant 0 : i32
        %dma_wait3A_279 = tpu.memref_slice %arg17[%dma_wait3A_270, %dma_wait3A_278] : memref<2x576xf32, #tpu.memory_space<vmem>> -> memref<1x576xf32, #tpu.memory_space<vmem>>
        %dma_wait3A_280 = tpu.memref_squeeze %dma_wait3A_279 : memref<1x576xf32, #tpu.memory_space<vmem>> -> memref<576xf32, #tpu.memory_space<vmem>>
        tpu.wait_dma2 semaphore(%arg21 : memref<!tpu.dma_semaphore, #tpu.memory_space<semaphore_mem>>) src(%dma_wait3A_280 : memref<576xf32, #tpu.memory_space<vmem>>) dst(%dma_wait3A_277 : memref<576xf32, #tpu.memory_space<hbm>>)
      } else {
      }
      %scan3A_248 = arith.constant 0 : i32
      %scan3A_249 = arith.constant 1 : i32
      %scan3A_250 = arith.constant 1 : i32
      %scan3A_251 = arith.constant 0 : i32
      %scan3A_252 = arith.constant 8 : i32
      %scan3A_253 = arith.addi %scan3A_251, %scan3A_252 : i32
      %scan3A_254 = arith.constant 1 : i32
      scf.for %scan3A_270 = %scan3A_251 to %scan3A_253 step %scan3A_254  : i32 {
        %broadcast_in_dim3A = arith.constant 0.000000e+00 : f32
        %broadcast_in_dim3A_271 = vector.broadcast %broadcast_in_dim3A : f32 to vector<16xf32>
        %parallel_loop3A = arith.constant 0 : i32
        %parallel_loop3A_272 = arith.constant 200 : i32
        %parallel_loop3A_273 = arith.constant 4 : i32
        %parallel_loop3A_274:4 = scf.for %parallel_loop3A_353 = %parallel_loop3A to %parallel_loop3A_272 step %parallel_loop3A_273 iter_args(%parallel_loop3A_354 = %broadcast_in_dim3A_271, %parallel_loop3A_355 = %broadcast_in_dim3A_271, %parallel_loop3A_356 = %broadcast_in_dim3A_271, %parallel_loop3A_357 = %broadcast_in_dim3A_271) -> (vector<16xf32>, vector<16xf32>, vector<16xf32>, vector<16xf32>)  : i32 {
          %parallel_loop3A_358 = arith.constant 200 : i32
          %parallel_loop3A_359 = arith.muli %scan3A_270, %parallel_loop3A_358 : i32
          %parallel_loop3A_360 = arith.addi %parallel_loop3A_359, %parallel_loop3A_353 : i32
          %parallel_loop3A_361 = arith.constant 0 : i32
          %parallel_loop3A_362 = arith.addi %parallel_loop3A_360, %parallel_loop3A_361 : i32
          %parallel_loop3A_363 = arith.constant 0 : i32
          %parallel_loop3A_364 = arith.constant 0 : i32
          %parallel_loop3A_365 = tpu.memref_slice %arg11[%scan3A_249, %parallel_loop3A_363, %parallel_loop3A_364] : memref<2x1600x32xbf16, #tpu.memory_space<vmem>> -> memref<1x1600x32xbf16, #tpu.memory_space<vmem>>
          %parallel_loop3A_366 = tpu.memref_squeeze %parallel_loop3A_365 : memref<1x1600x32xbf16, #tpu.memory_space<vmem>> -> memref<1600x32xbf16, #tpu.memory_space<vmem>>
          %parallel_loop3A_367 = arith.index_cast %parallel_loop3A_362 : i32 to index
          %parallel_loop3A_368 = arith.constant 0 : index
          %parallel_loop3A_369 = tpu.vector_load %parallel_loop3A_366[%parallel_loop3A_367, %parallel_loop3A_368] {strides = array<i32>} : memref<1600x32xbf16, #tpu.memory_space<vmem>>, vector<32xbf16>,
          %parallel_loop3A_370 = tpu.unpack_subelements %parallel_loop3A_369, 0 {pack_format = #tpu.pack_format<interleaved>} : vector<32xbf16> -> vector<16xf32>
          %parallel_loop3A_371 = tpu.unpack_subelements %parallel_loop3A_369, 1 {pack_format = #tpu.pack_format<interleaved>} : vector<32xbf16> -> vector<16xf32>
          %parallel_loop3A_372 = arith.addf %parallel_loop3A_354, %parallel_loop3A_370 : vector<16xf32>
          %parallel_loop3A_373 = arith.addf %parallel_loop3A_355, %parallel_loop3A_371 : vector<16xf32>
          %parallel_loop3A_374 = arith.constant 1 : i32
          %parallel_loop3A_375 = arith.addi %parallel_loop3A_360, %parallel_loop3A_374 : i32
          %parallel_loop3A_376 = arith.constant 0 : i32
          %parallel_loop3A_377 = arith.constant 0 : i32
          %parallel_loop3A_378 = tpu.memref_slice %arg11[%scan3A_249, %parallel_loop3A_376, %parallel_loop3A_377] : memref<2x1600x32xbf16, #tpu.memory_space<vmem>> -> memref<1x1600x32xbf16, #tpu.memory_space<vmem>>
          %parallel_loop3A_379 = tpu.memref_squeeze %parallel_loop3A_378 : memref<1x1600x32xbf16, #tpu.memory_space<vmem>> -> memref<1600x32xbf16, #tpu.memory_space<vmem>>
          %parallel_loop3A_380 = arith.index_cast %parallel_loop3A_375 : i32 to index
          %parallel_loop3A_381 = arith.constant 0 : index
          %parallel_loop3A_382 = tpu.vector_load %parallel_loop3A_379[%parallel_loop3A_380, %parallel_loop3A_381] {strides = array<i32>} : memref<1600x32xbf16, #tpu.memory_space<vmem>>, vector<32xbf16>,
          %parallel_loop3A_383 = tpu.unpack_subelements %parallel_loop3A_382, 0 {pack_format = #tpu.pack_format<interleaved>} : vector<32xbf16> -> vector<16xf32>
          %parallel_loop3A_384 = tpu.unpack_subelements %parallel_loop3A_382, 1 {pack_format = #tpu.pack_format<interleaved>} : vector<32xbf16> -> vector<16xf32>
          %parallel_loop3A_385 = arith.addf %parallel_loop3A_356, %parallel_loop3A_383 : vector<16xf32>
          %parallel_loop3A_386 = arith.addf %parallel_loop3A_357, %parallel_loop3A_384 : vector<16xf32>
          %parallel_loop3A_387 = arith.constant 2 : i32
          %parallel_loop3A_388 = arith.addi %parallel_loop3A_360, %parallel_loop3A_387 : i32
          %parallel_loop3A_389 = arith.constant 0 : i32
          %parallel_loop3A_390 = arith.constant 0 : i32
          %parallel_loop3A_391 = tpu.memref_slice %arg11[%scan3A_249, %parallel_loop3A_389, %parallel_loop3A_390] : memref<2x1600x32xbf16, #tpu.memory_space<vmem>> -> memref<1x1600x32xbf16, #tpu.memory_space<vmem>>
          %parallel_loop3A_392 = tpu.memref_squeeze %parallel_loop3A_391 : memref<1x1600x32xbf16, #tpu.memory_space<vmem>> -> memref<1600x32xbf16, #tpu.memory_space<vmem>>
          %parallel_loop3A_393 = arith.index_cast %parallel_loop3A_388 : i32 to index
          %parallel_loop3A_394 = arith.constant 0 : index
          %parallel_loop3A_395 = tpu.vector_load %parallel_loop3A_392[%parallel_loop3A_393, %parallel_loop3A_394] {strides = array<i32>} : memref<1600x32xbf16, #tpu.memory_space<vmem>>, vector<32xbf16>,
          %parallel_loop3A_396 = tpu.unpack_subelements %parallel_loop3A_395, 0 {pack_format = #tpu.pack_format<interleaved>} : vector<32xbf16> -> vector<16xf32>
          %parallel_loop3A_397 = tpu.unpack_subelements %parallel_loop3A_395, 1 {pack_format = #tpu.pack_format<interleaved>} : vector<32xbf16> -> vector<16xf32>
          %parallel_loop3A_398 = arith.addf %parallel_loop3A_372, %parallel_loop3A_396 : vector<16xf32>
          %parallel_loop3A_399 = arith.addf %parallel_loop3A_373, %parallel_loop3A_397 : vector<16xf32>
          %parallel_loop3A_400 = arith.constant 3 : i32
          %parallel_loop3A_401 = arith.addi %parallel_loop3A_360, %parallel_loop3A_400 : i32
          %parallel_loop3A_402 = arith.constant 0 : i32
          %parallel_loop3A_403 = arith.constant 0 : i32
          %parallel_loop3A_404 = tpu.memref_slice %arg11[%scan3A_249, %parallel_loop3A_402, %parallel_loop3A_403] : memref<2x1600x32xbf16, #tpu.memory_space<vmem>> -> memref<1x1600x32xbf16, #tpu.memory_space<vmem>>
          %parallel_loop3A_405 = tpu.memref_squeeze %parallel_loop3A_404 : memref<1x1600x32xbf16, #tpu.memory_space<vmem>> -> memref<1600x32xbf16, #tpu.memory_space<vmem>>
          %parallel_loop3A_406 = arith.index_cast %parallel_loop3A_401 : i32 to index
          %parallel_loop3A_407 = arith.constant 0 : index
          %parallel_loop3A_408 = tpu.vector_load %parallel_loop3A_405[%parallel_loop3A_406, %parallel_loop3A_407] {strides = array<i32>} : memref<1600x32xbf16, #tpu.memory_space<vmem>>, vector<32xbf16>,
          %parallel_loop3A_409 = tpu.unpack_subelements %parallel_loop3A_408, 0 {pack_format = #tpu.pack_format<interleaved>} : vector<32xbf16> -> vector<16xf32>
          %parallel_loop3A_410 = tpu.unpack_subelements %parallel_loop3A_408, 1 {pack_format = #tpu.pack_format<interleaved>} : vector<32xbf16> -> vector<16xf32>
          %parallel_loop3A_411 = arith.addf %parallel_loop3A_385, %parallel_loop3A_409 : vector<16xf32>
          %parallel_loop3A_412 = arith.addf %parallel_loop3A_386, %parallel_loop3A_410 : vector<16xf32>
          scf.yield %parallel_loop3A_398, %parallel_loop3A_399, %parallel_loop3A_411, %parallel_loop3A_412 : vector<16xf32>, vector<16xf32>, vector<16xf32>, vector<16xf32>
        } {sc.loop_unroll_factor = 2 : i64, sc.parallel_access}
        %get3A = arith.constant 1 : i32
        %get3A_275 = arith.index_cast %get3A : i32 to index
        %get3A_276 = arith.index_cast %scan3A_270 : i32 to index
        %get3A_277 = arith.constant 0 : index
        %get3A_278 = tpu.vector_load %arg16[%get3A_275, %get3A_276, %get3A_277] {strides = array<i32>} : memref<2x8x32xf32, #tpu.memory_space<vmem>>, vector<16xf32>,
        %mul3A_279 = arith.constant 72 : i32
        %mul3A_280 = arith.muli %scan3A_270, %mul3A_279 : i32
        %swap3A = arith.constant 0 : i32
        %swap3A_281 = tpu.memref_slice %arg17[%scan3A_250, %swap3A] : memref<2x576xf32, #tpu.memory_space<vmem>> -> memref<1x576xf32, #tpu.memory_space<vmem>>
        %swap3A_282 = tpu.memref_squeeze %swap3A_281 : memref<1x576xf32, #tpu.memory_space<vmem>> -> memref<576xf32, #tpu.memory_space<vmem>>
        %swap3A_283 = arith.index_cast %mul3A_280 : i32 to index
        %swap3A_284 = tpu.vector_load %swap3A_282[%swap3A_283] {strides = array<i32>} : memref<576xf32, #tpu.memory_space<vmem>>, vector<16xf32>,
        tpu.vector_store %swap3A_282[%swap3A_283], %get3A_278 {strides = array<i32>} : memref<576xf32, #tpu.memory_space<vmem>>, vector<16xf32>,
        %get3A_285 = arith.constant 1 : i32
        %get3A_286 = arith.index_cast %get3A_285 : i32 to index
        %get3A_287 = arith.index_cast %scan3A_270 : i32 to index
        %get3A_288 = arith.constant 16 : index
        %get3A_289 = tpu.vector_load %arg16[%get3A_286, %get3A_287, %get3A_288] {strides = array<i32>} : memref<2x8x32xf32, #tpu.memory_space<vmem>>, vector<16xf32>,
        %mul3A_290 = arith.constant 72 : i32
        %mul3A_291 = arith.muli %scan3A_270, %mul3A_290 : i32
        %add3A_292 = arith.constant 16 : i32
        %add3A_293 = arith.addi %mul3A_291, %add3A_292 : i32
        %swap3A_294 = arith.constant 0 : i32
        %swap3A_295 = tpu.memref_slice %arg17[%scan3A_250, %swap3A_294] : memref<2x576xf32, #tpu.memory_space<vmem>> -> memref<1x576xf32, #tpu.memory_space<vmem>>
        %swap3A_296 = tpu.memref_squeeze %swap3A_295 : memref<1x576xf32, #tpu.memory_space<vmem>> -> memref<576xf32, #tpu.memory_space<vmem>>
        %swap3A_297 = arith.index_cast %add3A_293 : i32 to index
        %swap3A_298 = tpu.vector_load %swap3A_296[%swap3A_297] {strides = array<i32>} : memref<576xf32, #tpu.memory_space<vmem>>, vector<16xf32>,
        tpu.vector_store %swap3A_296[%swap3A_297], %get3A_289 {strides = array<i32>} : memref<576xf32, #tpu.memory_space<vmem>>, vector<16xf32>,
        %get3A_299 = arith.constant 1 : i32
        %get3A_300 = arith.index_cast %get3A_299 : i32 to index
        %get3A_301 = arith.index_cast %scan3A_270 : i32 to index
        %get3A_302 = arith.constant 0 : index
        %get3A_303 = tpu.vector_load %arg14[%get3A_300, %get3A_301, %get3A_302] {strides = array<i32>} : memref<2x8x16xf32, #tpu.memory_space<vmem>>, vector<16xf32>,
        %mul3A_304 = arith.constant 72 : i32
        %mul3A_305 = arith.muli %scan3A_270, %mul3A_304 : i32
        %add3A_306 = arith.constant 32 : i32
        %add3A_307 = arith.addi %mul3A_305, %add3A_306 : i32
        %swap3A_308 = arith.constant 0 : i32
        %swap3A_309 = tpu.memref_slice %arg17[%scan3A_250, %swap3A_308] : memref<2x576xf32, #tpu.memory_space<vmem>> -> memref<1x576xf32, #tpu.memory_space<vmem>>
        %swap3A_310 = tpu.memref_squeeze %swap3A_309 : memref<1x576xf32, #tpu.memory_space<vmem>> -> memref<576xf32, #tpu.memory_space<vmem>>
        %swap3A_311 = arith.index_cast %add3A_307 : i32 to index
        %swap3A_312 = tpu.vector_load %swap3A_310[%swap3A_311] {strides = array<i32>} : memref<576xf32, #tpu.memory_space<vmem>>, vector<16xf32>,
        tpu.vector_store %swap3A_310[%swap3A_311], %get3A_303 {strides = array<i32>} : memref<576xf32, #tpu.memory_space<vmem>>, vector<16xf32>,
        %get3A_313 = arith.constant 1 : i32
        %get3A_314 = arith.index_cast %get3A_313 : i32 to index
        %get3A_315 = arith.index_cast %scan3A_270 : i32 to index
        %get3A_316 = arith.constant 0 : index
        %get3A_317 = tpu.vector_load %arg15[%get3A_314, %get3A_315, %get3A_316] {strides = array<i32>} : memref<2x8x16xf32, #tpu.memory_space<vmem>>, vector<16xf32>,
        %mul3A_318 = arith.constant 72 : i32
        %mul3A_319 = arith.muli %scan3A_270, %mul3A_318 : i32
        %add3A_320 = arith.constant 36 : i32
        %add3A_321 = arith.addi %mul3A_319, %add3A_320 : i32
        %swap3A_322 = arith.constant 0 : i32
        %swap3A_323 = tpu.memref_slice %arg17[%scan3A_250, %swap3A_322] : memref<2x576xf32, #tpu.memory_space<vmem>> -> memref<1x576xf32, #tpu.memory_space<vmem>>
        %swap3A_324 = tpu.memref_squeeze %swap3A_323 : memref<1x576xf32, #tpu.memory_space<vmem>> -> memref<576xf32, #tpu.memory_space<vmem>>
        %swap3A_325 = arith.index_cast %add3A_321 : i32 to index
        %swap3A_326 = tpu.vector_load %swap3A_324[%swap3A_325] {strides = array<i32>} : memref<576xf32, #tpu.memory_space<vmem>>, vector<16xf32>,
        tpu.vector_store %swap3A_324[%swap3A_325], %get3A_317 {strides = array<i32>} : memref<576xf32, #tpu.memory_space<vmem>>, vector<16xf32>,
        %add3A_327 = arith.addf %parallel_loop3A_274#0, %parallel_loop3A_274#2 : vector<16xf32>
        %mul3A_328 = arith.constant 2.500000e-02 : f32
        %mul3A_329 = vector.broadcast %mul3A_328 : f32 to vector<16xf32>
        %mul3A_330 = arith.mulf %add3A_327, %mul3A_329 : vector<16xf32>
        %mul3A_331 = arith.constant 72 : i32
        %mul3A_332 = arith.muli %scan3A_270, %mul3A_331 : i32
        %add3A_333 = arith.constant 40 : i32
        %add3A_334 = arith.addi %mul3A_332, %add3A_333 : i32
        %swap3A_335 = arith.constant 0 : i32
        %swap3A_336 = tpu.memref_slice %arg17[%scan3A_250, %swap3A_335] : memref<2x576xf32, #tpu.memory_space<vmem>> -> memref<1x576xf32, #tpu.memory_space<vmem>>
        %swap3A_337 = tpu.memref_squeeze %swap3A_336 : memref<1x576xf32, #tpu.memory_space<vmem>> -> memref<576xf32, #tpu.memory_space<vmem>>
        %swap3A_338 = arith.index_cast %add3A_334 : i32 to index
        %swap3A_339 = tpu.vector_load %swap3A_337[%swap3A_338] {strides = array<i32>} : memref<576xf32, #tpu.memory_space<vmem>>, vector<16xf32>,
        tpu.vector_store %swap3A_337[%swap3A_338], %mul3A_330 {strides = array<i32>} : memref<576xf32, #tpu.memory_space<vmem>>, vector<16xf32>,
        %add3A_340 = arith.addf %parallel_loop3A_274#1, %parallel_loop3A_274#3 : vector<16xf32>
        %mul3A_341 = arith.constant 2.500000e-02 : f32
        %mul3A_342 = vector.broadcast %mul3A_341 : f32 to vector<16xf32>
        %mul3A_343 = arith.mulf %add3A_340, %mul3A_342 : vector<16xf32>
        %mul3A_344 = arith.constant 72 : i32
        %mul3A_345 = arith.muli %scan3A_270, %mul3A_344 : i32
        %add3A_346 = arith.constant 56 : i32
        %add3A_347 = arith.addi %mul3A_345, %add3A_346 : i32
        %swap3A_348 = arith.constant 0 : i32
        %swap3A_349 = tpu.memref_slice %arg17[%scan3A_250, %swap3A_348] : memref<2x576xf32, #tpu.memory_space<vmem>> -> memref<1x576xf32, #tpu.memory_space<vmem>>
        %swap3A_350 = tpu.memref_squeeze %swap3A_349 : memref<1x576xf32, #tpu.memory_space<vmem>> -> memref<576xf32, #tpu.memory_space<vmem>>
        %swap3A_351 = arith.index_cast %add3A_347 : i32 to index
        %swap3A_352 = tpu.vector_load %swap3A_350[%swap3A_351] {strides = array<i32>} : memref<576xf32, #tpu.memory_space<vmem>>, vector<16xf32>,
        tpu.vector_store %swap3A_350[%swap3A_351], %mul3A_343 {strides = array<i32>} : memref<576xf32, #tpu.memory_space<vmem>>, vector<16xf32>,
      }
      %scan3A_255 = arith.constant 8 : i32
      %mul3A_256 = arith.constant 8 : i32
      %mul3A_257 = arith.muli %add3A_175, %mul3A_256 : i32
      %add3A_258 = arith.addi %mul3A_2, %mul3A_257 : i32
      %mul3A_259 = arith.constant 72 : i32
      %mul3A_260 = arith.muli %add3A_258, %mul3A_259 : i32
      %dma_start3A_261 = arith.constant 1 : i32
      %dma_start3A_262 = arith.constant 0 : i32
      %dma_start3A_263 = tpu.memref_slice %arg17[%dma_start3A_261, %dma_start3A_262] : memref<2x576xf32, #tpu.memory_space<vmem>> -> memref<1x576xf32, #tpu.memory_space<vmem>>
      %dma_start3A_264 = tpu.memref_squeeze %dma_start3A_263 : memref<1x576xf32, #tpu.memory_space<vmem>> -> memref<576xf32, #tpu.memory_space<vmem>>
      %dma_start3A_265 = tpu.memref_slice %arg9[%mul3A_260] : memref<1179648xf32, #tpu.memory_space<hbm>> -> memref<576xf32, #tpu.memory_space<hbm>>
      %dma_start3A_266 = tpu.memref_slice %arg9[%mul3A_260] : memref<1179648xf32, #tpu.memory_space<hbm>> -> memref<576xf32, #tpu.memory_space<hbm>>
      %dma_start3A_267 = arith.constant 0 : i32
      %dma_start3A_268 = tpu.memref_slice %arg17[%dma_start3A_261, %dma_start3A_267] : memref<2x576xf32, #tpu.memory_space<vmem>> -> memref<1x576xf32, #tpu.memory_space<vmem>>
      %dma_start3A_269 = tpu.memref_squeeze %dma_start3A_268 : memref<1x576xf32, #tpu.memory_space<vmem>> -> memref<576xf32, #tpu.memory_space<vmem>>
      tpu.enqueue_dma source(%dma_start3A_269 : memref<576xf32, #tpu.memory_space<vmem>>) target(%dma_start3A_266 : memref<576xf32, #tpu.memory_space<hbm>>) target_semaphore(%arg21 : memref<!tpu.dma_semaphore, #tpu.memory_space<semaphore_mem>>)
    }
    %scan3A_55 = arith.constant 32 : i32
    %dma_wait3A = arith.constant 0 : i32
    %dma_wait3A_56 = arith.constant 0 : i32
    %dma_wait3A_57 = tpu.memref_slice %arg17[%dma_wait3A, %dma_wait3A_56] : memref<2x576xf32, #tpu.memory_space<vmem>> -> memref<1x576xf32, #tpu.memory_space<vmem>>
    %dma_wait3A_58 = tpu.memref_squeeze %dma_wait3A_57 : memref<1x576xf32, #tpu.memory_space<vmem>> -> memref<576xf32, #tpu.memory_space<vmem>>
    %dma_wait3A_59 = arith.constant 0 : i32
    %dma_wait3A_60 = tpu.memref_slice %arg9[%dma_wait3A_59] : memref<1179648xf32, #tpu.memory_space<hbm>> -> memref<576xf32, #tpu.memory_space<hbm>>
    %dma_wait3A_61 = arith.constant 0 : i32
    %dma_wait3A_62 = tpu.memref_slice %arg9[%dma_wait3A_61] : memref<1179648xf32, #tpu.memory_space<hbm>> -> memref<576xf32, #tpu.memory_space<hbm>>
    %dma_wait3A_63 = arith.constant 0 : i32
    %dma_wait3A_64 = tpu.memref_slice %arg17[%dma_wait3A, %dma_wait3A_63] : memref<2x576xf32, #tpu.memory_space<vmem>> -> memref<1x576xf32, #tpu.memory_space<vmem>>
    %dma_wait3A_65 = tpu.memref_squeeze %dma_wait3A_64 : memref<1x576xf32, #tpu.memory_space<vmem>> -> memref<576xf32, #tpu.memory_space<vmem>>
    tpu.wait_dma2 semaphore(%arg20 : memref<!tpu.dma_semaphore, #tpu.memory_space<semaphore_mem>>) src(%dma_wait3A_65 : memref<576xf32, #tpu.memory_space<vmem>>) dst(%dma_wait3A_62 : memref<576xf32, #tpu.memory_space<hbm>>)
    %dma_wait3A_66 = arith.constant 1 : i32
    %dma_wait3A_67 = arith.constant 0 : i32
    %dma_wait3A_68 = tpu.memref_slice %arg17[%dma_wait3A_66, %dma_wait3A_67] : memref<2x576xf32, #tpu.memory_space<vmem>> -> memref<1x576xf32, #tpu.memory_space<vmem>>
    %dma_wait3A_69 = tpu.memref_squeeze %dma_wait3A_68 : memref<1x576xf32, #tpu.memory_space<vmem>> -> memref<576xf32, #tpu.memory_space<vmem>>
    %dma_wait3A_70 = arith.constant 0 : i32
    %dma_wait3A_71 = tpu.memref_slice %arg9[%dma_wait3A_70] : memref<1179648xf32, #tpu.memory_space<hbm>> -> memref<576xf32, #tpu.memory_space<hbm>>
    %dma_wait3A_72 = arith.constant 0 : i32
    %dma_wait3A_73 = tpu.memref_slice %arg9[%dma_wait3A_72] : memref<1179648xf32, #tpu.memory_space<hbm>> -> memref<576xf32, #tpu.memory_space<hbm>>
    %dma_wait3A_74 = arith.constant 0 : i32
    %dma_wait3A_75 = tpu.memref_slice %arg17[%dma_wait3A_66, %dma_wait3A_74] : memref<2x576xf32, #tpu.memory_space<vmem>> -> memref<1x576xf32, #tpu.memory_space<vmem>>
    %dma_wait3A_76 = tpu.memref_squeeze %dma_wait3A_75 : memref<1x576xf32, #tpu.memory_space<vmem>> -> memref<576xf32, #tpu.memory_space<vmem>>
    tpu.wait_dma2 semaphore(%arg21 : memref<!tpu.dma_semaphore, #tpu.memory_space<semaphore_mem>>) src(%dma_wait3A_76 : memref<576xf32, #tpu.memory_space<vmem>>) dst(%dma_wait3A_73 : memref<576xf32, #tpu.memory_space<hbm>>)
    return
  }
}

</mosaic_0001>

<sc_bundles>
// kernel: kernel.4.cloned.1.call-start
scs
__scs_entry_jumppad:
0x0: {  	(pc) =	sbr.rel $0x88, $3  }
0x1: {  	(tag) =	ssettag $0x0;
	lr =	simm.s32 $0x1  }
0x2: {  	[smem:$0x3F99] =	sst lr;
	_ =	strace $0xD0000000  }
0x3: {  	_ = 	snop  }
0x4: {  	_ = 	snop  }
0x5: {  	_ = 	snop  }
0x6: {  	_ = 	snop  }
0x7: {  	_ = 	snop  }
__scs_overlays_trampoline_lowered:
0x8: {  	[smem:$0x3FA8] =	sst s0  }
0x9: {  	[smem:$0x3FA9] =	sst s1  }
0xa: {  	[smem:$0x3FAA] =	sst s2  }
0xb: {  	[smem:$0x3FAB] =	sst s3  }
0xc: {  	[smem:$0x3FAC] =	sst s4  }
0xd: {  	[smem:$0x3FAD] =	sst s5  }
0xe: {  	[smem:$0x3FAE] =	sst s6  }
0xf: {  	[smem:$0x3FAF] =	sst s7  }
0x10: {  	[smem:$0x3FB0] =	sst s8  }
0x11: {  	[smem:$0x3FB1] =	sst s9;
	s0 =	simm.s32 @!p0 $0x0  }
0x12: {  	s1 =	sld [smem:$0x3F97];
	s0 =	simm.s32 @p0 $0x1  }
0x13: {  	[smem:$0x3FB2] =	sst s0;
	s0 =	simm.s32 @!p1 $0x0  }
0x14: {  	s2 =	sld [smem:$0x3F96];
	s0 =	simm.s32 @p1 $0x1  }
0x15: {  	[smem:$0x3FB3] =	sst s0;
	s0 =	simm.s32 @!p2 $0x0  }
0x16: {  	s3 =	sld [smem:$0x3FDB];
	s0 =	simm.s32 @p2 $0x1  }
0x17: {  	s4 =	simm.s32 $0x1BF5;
	[smem:$0x3FB5] =	sst s0  }
0x18: {  	s0 =	sld [smem:$0x3F98];
	_ =	swait.ge [sflag:s4], $0x0  }
0x19: {  	s7 =	sld [smem:$0x3F99]  }
0x1a: {  	s8 =	sadd.s32 $0xFFFFE003, lr  }
0x1b: {  	s9 =	sadd.s32 $0xFFFFFEF7, lr;
	s5 =	simm.s32 $0xFFFFFFFF;
	p2 =	slt.u32 s8, $0xFFFFF086  }
0x1c: {  	p1 =	slt.u32 s9, $0xF7A;
	s5 =	simm.s32 @!p2 $0x0  }
0x1d: {  	s5 =	simm.s32 @p1 $0x1;
	p0 =	seq.s32 s7, s2  }
0x1e: {  	s7 =	smul.u32 @!p0 $0xF7A, s2;
	p2 =	seq.s32 @!p0 s5, $0x0  }
0x1f: {  	s9 =	smul.u32 $0xF7A, s1;
	s8 =	simm.s32 @!p0 $0x1BF5;
	p2 =	por !p2, p0  }
0x20: {  	[sflag:s8] =	ssyncset.s32 @!p0 $0xFFFFF086;
	s6 =	sadd.s32 @!p0 s3, s7;
	s7 =	simm.s32 @!p0 $0x108  }
0x21: {  	s3 =	sadd.s32 s3, s9;
	s6 =	sadd.s32 @!p0 $0x88, s6;
	s7 =	simm.s32 @p2 $0x1082  }
0x22: {  	[simem:s7], [sflag:s8] =	dma.local @!p0 [hbm:s6], $0xF7A  }
0x23: {  	s9 =	sor.u32 $0xD0000000, s2;
	s6 =	simm.s32 $0x108;
	_ =	swait.ge @!p0 [sflag:s8], $0x0  }
0x24: {  	s3 =	sadd.s32 $0x88, s3;
	s6 =	simm.s32 @!p1 $0x1082;
	[sflag:s4] =	ssyncset.s32 $0xFFFFF086  }
0x25: {  	[simem:s6], [sflag:s4] =	dma.local [hbm:s3], $0xF7A  }
0x26: {  	[smem:$0x3F99] =	sst s1;
	(tag) =	ssettag s2;
	_ =	strace s9  }
0x27: {  	s1 =	sld [smem:$0x3FA9]  }
0x28: {  	s2 =	sld [smem:$0x3FAA]  }
0x29: {  	s4 =	sld [smem:$0x3FAC]  }
0x2a: {  	p0 =	seq.s32 s5, $0x0;
	s5 =	sld [smem:$0x3FAD]  }
0x2b: {  	s6 =	sld [smem:$0x3FAE]  }
0x2c: {  	s7 =	sld [smem:$0x3FAF]  }
0x2d: {  	s3 =	simm.s32 $0x108;
	s8 =	sld [smem:$0x3FB0]  }
0x2e: {  	s3 =	simm.s32 @!p0 $0x1082;
	s9 =	sld [smem:$0x3FB1]  }
0x2f: {  	lr =	sadd.s32 s0, s3;
	s0 =	sld [smem:$0x3FA8]  }
0x30: {  	s3 =	sld [smem:$0x3FAB]  }
0x31: {  	[smem:$0x3FB4] =	sst s10  }
0x32: {  	s10 =	sld [smem:$0x3FB2];
	_ =	sdelay $0x3  }
0x33: {  	p0 =	seq.s32 s10, $0x1;
	s10 =	sld [smem:$0x3FB4];
	_ =	sdelay $0x3  }
0x34: {  	[smem:$0x3FB4] =	sst s10  }
0x35: {  	s10 =	sld [smem:$0x3FB3];
	_ =	sdelay $0x3  }
0x36: {  	p1 =	seq.s32 s10, $0x1;
	s10 =	sld [smem:$0x3FB4];
	_ =	sdelay $0x3  }
0x37: {  	[smem:$0x3FB4] =	sst s10  }
0x38: {  	s10 =	sld [smem:$0x3FB5]  }
0x39: {  	_ = 	snop;
	(pc) =	sbr.ind lr, $3  }
0x3a: {  	_ = 	snop  }
0x3b: {  	_ = 	snop  }
0x3c: {  	p2 =	seq.s32 s10, $0x1;
	s10 =	sld [smem:$0x3FB4]  }
0x3d: {  	_ =	shalt  }
0x3e: {  	_ =	shalt  }
0x3f: {  	_ =	shalt  }
0x40: {  	_ =	shalt  }
0x41: {  	_ =	shalt  }
0x42: {  	_ =	shalt  }
0x43: {  	_ =	shalt  }
0x44: {  	_ =	shalt  }
0x45: {  	_ =	shalt  }
0x46: {  	_ =	shalt  }
0x47: {  	_ =	shalt  }
0x48: {  	_ =	shalt  }
0x49: {  	_ =	shalt  }
0x4a: {  	_ =	shalt  }
0x4b: {  	_ =	shalt  }
0x4c: {  	_ =	shalt  }
0x4d: {  	_ =	shalt  }
0x4e: {  	_ =	shalt  }
0x4f: {  	_ =	shalt  }
0x50: {  	_ =	shalt  }
0x51: {  	_ =	shalt  }
0x52: {  	_ =	shalt  }
0x53: {  	_ =	shalt  }
0x54: {  	_ =	shalt  }
0x55: {  	_ =	shalt  }
0x56: {  	_ =	shalt  }
0x57: {  	_ =	shalt  }
0x58: {  	_ =	shalt  }
0x59: {  	_ =	shalt  }
0x5a: {  	_ =	shalt  }
0x5b: {  	_ =	shalt  }
0x5c: {  	_ =	shalt  }
0x5d: {  	_ =	shalt  }
0x5e: {  	_ =	shalt  }
0x5f: {  	_ =	shalt  }
0x60: {  	_ =	shalt  }
0x61: {  	_ =	shalt  }
0x62: {  	_ =	shalt  }
0x63: {  	_ =	shalt  }
0x64: {  	_ =	shalt  }
0x65: {  	_ =	shalt  }
0x66: {  	_ =	shalt  }
0x67: {  	_ =	shalt  }
0x68: {  	_ =	shalt  }
0x69: {  	_ =	shalt  }
0x6a: {  	_ =	shalt  }
0x6b: {  	_ =	shalt  }
0x6c: {  	_ =	shalt  }
0x6d: {  	_ =	shalt  }
0x6e: {  	_ =	shalt  }
0x6f: {  	_ =	shalt  }
0x70: {  	_ =	shalt  }
0x71: {  	_ =	shalt  }
0x72: {  	_ =	shalt  }
0x73: {  	_ =	shalt  }
0x74: {  	_ =	shalt  }
0x75: {  	_ =	shalt  }
0x76: {  	_ =	shalt  }
0x77: {  	_ =	shalt  }
0x78: {  	_ =	shalt  }
0x79: {  	_ =	shalt  }
0x7a: {  	_ =	shalt  }
0x7b: {  	_ =	shalt  }
0x7c: {  	_ =	shalt  }
0x7d: {  	_ =	shalt  }
0x7e: {  	_ =	shalt  }
0x7f: {  	_ =	shalt  }
0x80: {  	_ =	shalt  }
0x81: {  	_ =	shalt  }
0x82: {  	_ =	shalt  }
0x83: {  	_ =	shalt  }
0x84: {  	_ =	shalt  }
0x85: {  	_ =	shalt  }
0x86: {  	_ =	shalt  }
0x87: {  	_ =	shalt  }
.Lfunc_end0:
.L_simem_size_0:
called_computation_lowered:
.L_overlay_start_0:
0x88: {  	s2 =	sld [smem:$0x3FD9]  }
0x89: {  	s3 =	sld [smem:$0x3FFE];
	_ =	sdelay $0x1  }
0x8a: {  	s1 =	srdreg.scid  }
0x8b: {  	s0 =	sand.u32 $0x1, s1  }
0x8c: {  	s17 =	sshll.u32 s0, $0xA;
	s2 =	sadd.s32 s3, s2  }
0x8d: {  	s2 =	sadd.s32 s2, s17  }
0x8e: {  	[smem:$0x3FC0] =	sst s2  }
0x8f: {  	_ = 	snop  }
0x90: {  	s2 =	sld [smem:$0x3FC9]  }
0x91: {  	s18 =	sld [smem:$0x3FC5];
	(tm) =	ssettm $0x1  }
0x92: {  	s4 =	sld [smem:$0x3FFB];
	_ =	sdelay $0x3  }
0x93: {  	_ =	strace s4  }
0x94: {  	s4 =	sld [smem:$0x3FFC];
	_ =	sdelay $0x3  }
0x95: {  	_ =	strace s4  }
0x96: {  	s4 =	sld [smem:$0x3FFD];
	_ =	sdelay $0x3  }
0x97: {  	_ =	strace s4  }
0x98: {  	_ =	strace $0x8FFFFFFF  }
0x99: {  	s19 =	sld [smem:$0x3FDB];
	_ =	sdelay $0x1  }
0x9a: {  	s5 =	simm.s32 $_scs_section_size  }
0x9b: {  	s6 =	simm.s32 $_size__tile_overlayer_lowered;
	s7 =	simm.s32 $_tile_overlayer_lowered  }
0x9c: {  	s22 =	simm.s32 $0x1BFF;
	s21 =	sshll.u32 s7, $0x1;
	s4 =	sadd.s32 s5, s19  }
0x9d: {  	s8 =	simm.s32 $0x0;
	s20 =	sshll.u32 s6, $0x1;
	s6 =	sadd.s32 s21, s4  }
0x9e: {  	[timem:s8], [sflag:s22] =	dma.local [hbm:s6], s20  }
0x9f: {  	_ =	swait.ge [sflag:s22], s20  }
0xa0: {  	s5 =	ssub.s32 $0x0, s20;
	[sflag:s22] =	ssyncset.done $0x0  }
0xa1: {  	[sflag:s22] =	ssyncadd.s32 s5;
	_ =	sdelay $0x1  }
0xa2: {  	s23 =	simm.s32 $0x1B8B  }
0xa3: {  	_ =	swait.ge [sflag:s23], $0x1  }
0xa4: {  	[sflag:s23] =	ssyncset.done $0x0  }
0xa5: {  	s25 =	simm.s32 $0x1B8E;
	s24 =	sld [smem:$0x3FFE];
	[sflag:s23] =	ssyncadd.s32 $0xFFFFFFFF  }
0xa6: {  	s26 =	simm.s32 $execute0_lowered;
	[smem:$0x3FD2] =	sst s25  }
0xa7: {  	s6 =	sshll.u32 s26, $0x1;
	_ =	strace $0x80000046;
	[dreg:$0x1] =	wrdreg $0xFFFFFFFF  }
0xa8: {  	s28 =	simm.s32 $_size_execute0_lowered;
	s4 =	sadd.s32 s4, s6;
	[dreg:$0x0] =	wrdreg $0x0  }
0xa9: {  	s6 =	sshll.u32 s28, $0x1;
	[dreg:$0x2] =	wrdreg s4  }
0xaa: {  	[dreg:$0x3] =	wrdreg s6  }
0xab: {  	[dreg:$0x4] =	wrdreg $0xC0  }
0xac: {  	_ =	task [dreg:s8], $0x5FFFF  }
0xad: {  	[dreg:$0x1] =	wrdreg $0xFFFFFFFF  }
0xae: {  	[dreg:$0x0] =	wrdreg $0x60  }
0xaf: {  	[dreg:$0x2] =	wrdreg s2  }
0xb0: {  	[dreg:$0x3] =	wrdreg s18  }
0xb1: {  	[dreg:$0x4] =	wrdreg s24  }
0xb2: {  	[dreg:$0x5] =	wrdreg $0x9  }
0xb3: {  	_ =	task.clear_ibuf [dreg:s8], $0x6FFFF;
	_ =	strace $0x90000046  }
0xb4: {  	s29 =	simm.s32 $0x9;
	_ =	strace $0x80000048  }
0xb5: {  	_ =	swait.ge [sflag:s29], $0x1  }
0xb6: {  	[sflag:s29] =	ssyncadd.s32 $0xFFFFFFFF  }
0xb7: {  	_ =	strace $0x90000048  }
0xb8: {  	_ =	sfence  }
0xb9: {  	s30 =	sld [smem:$0x0];
	_ =	sdelay $0x2  }
0xba: {  	s31 =	sshll.u32 s1, $0xD;
	s1 =	sshrl.u32 s1, $0x2  }
0xbb: {  	s3 =	sand.u32 $0x4000, s31;
	s1 =	sadd.s32 s1, s30  }
0xbc: {  	s0 =	sor.u32 s3, s0;
	s1 =	sshll.u32 s1, $0x11  }
0xbd: {  	s0 =	sor.u32 s1, s0  }
0xbe: {  	s0 =	sadd.s32 $0x8F2B, s0  }
0xbf: {  	[sflag:s0] =	ssyncadd.remote.s32 $0x1  }
0xc0: {  	_ =	sfence.sel $0xFFFF  }
0xc1: {  	[dreg:$0x0] =	wrdreg $0xFFFFFFFF;
	(pc) =	sbr.abs _section_cstart, $3  }
0xc2: {  	[dreg:$0x1] =	wrdreg $0xFFFFFFFF  }
0xc3: {  	_ =	task.clear_ibuf [dreg:s8], $0x2FFFF;
	_ =	strace $0x9FFFFFFF  }
0xc4: {  	(tm) =	ssettm $0x7FFFFFFF  }
0xc5: {  	_ =	shalt  }
tec
execute0_lowered:
.L_overlay_start_1:
0x0: {  	(tag) =	ssettag $0x1  }
0x1: {  	s0 =	rddreg [dreg:$0x0]  }
0x2: {  	s1 =	rddreg [dreg:$0x1]  }
0x3: {  	s2 =	rddreg [dreg:$0x2];
	s3 =	simm.s32 $0x0;
	v0 =	vlaneseq.u32;
	vm1 =	vcmask $0x308  }
0x4: {  	s7 =	stileid.u32;
	s4 =	srdreg.scid;
	vm2 =	vcmask $0x70C;
	vm3 =	vcmask $0xB10;
	s9 =	simm.s32 $0x1;
	v0 =	vmul.u32 $0x80, v0  }
0x5: {  	vm0 =	vmmov $0x1;
	vm4 =	vcmask $0xF14;
	vm5 =	vcmask $0x1318;
	s10 =	simm.s32 $0x7A1400;
	s11 =	simm.s32 $0x280;
	s19 =	simm.s32 $0x8280  }
0x6: {  	vm6 =	vcmask $0x171C;
	vm7 =	vcmask $0x1B20;
	s20 =	simm.s32 $0x9280;
	s21 =	simm.s32 $0xA280;
	s22 =	simm.s32 $0xB280;
	v1 =	vor.u32 $0x800, v0  }
0x7: {  	s28 =	simm.s32 $0x10280;
	s29 =	simm.s32 $0x2;
	s30 =	simm.s32 $0x10680;
	v2 =	vor.u32 $0x1000, v0;
	v3 =	vor.u32 $0x1800, v0;
	v4 =	vor.u32 $0x2000, v0  }
0x8: {  	s31 =	simm.s32 $0x3;
	[smem:$0x7FF] =	sst s3;
	s5 =	sshll.u32 s7, $0xE;
	v5 =	vor.u32 $0x2800, v0;
	v6 =	vor.u32 $0x3000, v0;
	v7 =	vor.u32 $0x3800, v0  }
0x9: {  	s4 =	sand.u32 $0x1, s4;
	s7 =	sshll.u32 s7, $0xA;
	_ =	strace $0x80000047;
	v8 =	vor.u32 $0x4000, v0;
	v9 =	vor.u32 $0x4800, v0;
	v10 =	vor.u32 $0x5000, v0  }
0xa: {  	s6 =	ssub.s32 $0x2, s4;
	s8 =	sshll.u32 s4, $0x9;
	s2 =	sadd.s32 s5, s2;
	v11 =	vor.u32 $0x5800, v0;
	v12 =	vor.u32 $0x6000, v0;
	v13 =	vor.u32 $0x6800, v0  }
0xb: {  	s25 =	sshll.u32 s4, $0xD;
	s23 =	sshrl.u32 s6, $0x1;
	s7 =	sor.u32 s8, s7;
	v14 =	vor.u32 $0x7000, v0;
	v15 =	vor.u32 $0x7800, v0;
	v16 =	vor.u32 $0x8000, v0  }
0xc: {  	s26 =	sadd.s32 s25, s2;
	s8 =	simm.s32 $0x400;
	v17 =	vor.u32 $0x8800, v0;
	v18 =	vor.u32 $0x9000, v0;
	v19 =	vor.u32 $0x9800, v0;
	s25 =	simm.s32 $0xE280  }
0xd: {  	v20 =	vor.u32 $0xA000, v0;
	v21 =	vor.u32 $0xA800, v0;
	v22 =	vor.u32 $0xB000, v0;
	s2 =	simm.s32 $0x0;
	s5 =	ssub.s32 s6, s23;
	s24 =	sshrl.u32 s7, $0x3  }
0xe: {  	v23 =	vor.u32 $0xB800, v0;
	v24 =	vor.u32 $0xC000, v0;
	v25 =	vor.u32 $0xC800, v0;
	s6 =	sadd.s32 $0x2400, s26;
	s7 =	simm.s32 $0x5;
	s23 =	simm.s32 $0xC280  }
0xf: {  	v26 =	vor.u32 $0xD000, v0;
	v27 =	vor.u32 $0xD800, v0;
	v28 =	vor.u32 $0xE000, v0;
	s26 =	simm.s32 $0xF280;
	s0 =	sadd.s32 s0, s24;
	s5 =	smax.u32 s5, $0x1  }
0x10: {  	v29 =	vor.u32 $0xE800, v0;
	v30 =	vor.u32 $0xF000, v0;
	v31 =	vor.u32 $0xF800, v0;
	s24 =	simm.s32 $0xD280;
	[dreg:$0x4] =	wrdreg s0;
	s0 =	simm.s32 $0x4  }
.LBB2_1:
0x11: {  	s4 =	rddreg [dreg:$0x4]  }
0x12: {  	[tilespmem:s3], [sflag:$0x5] =	stream.linear.gather [hbm4b:s4+s3], $0x200, $0x38;
	[tilespmem:$0x10A80] =	vst v63  }
0x13: {  	_ =	swait.ge [sflag:s7], $0x200  }
0x14: {  	[sflag:s7] =	ssyncset.done $0x0  }
0x15: {  	[sflag:s7] =	ssyncadd.s32 $0xFFFFFE00  }
0x16: {  	v32 =	vld [tilespmem:$0x0];
	_ =	sdelay $0x4  }
0x17: {  	v32 =	vnsel vm0, $0x0, v32  }
0x18: {  	v32 =	vxor.u32 $0x80000000, v32  }
0x19: {  	(xrf0) =	vmax.scan.msk.u32 $0xffff, v32;
	_ =	sdelay $0x5  }
0x1a: {  	v32, _, _ =	vpop (xrf0)  }
0x1b: {  	(v2sf) =	vpush v32, $0xF;
	_ =	sdelay $0xe  }
0x1c: {  	s12 =	spop (v2sf)  }
0x1d: {  	s13 =	sxor.u32 $0x80000000, s12  }
0x1e: {  	p0 =	sgt.s32 s12, $0xFFFFFFFF;
	s14 =	sand.u32 $0x7F, s12;
	p1 =	slt.s32 s13, $0x1  }
0x1f: {  	s13 =	sshra.s32 s13, $0x1F;
	p3 =	sne.s32 s14, $0x0;
	p0 =	por p0, p1  }
0x20: {  	s13 =	sshrl.u32 s13, $0x19;
	p0 =	por !p3, !p0  }
0x21: {  	s12 =	sadd.s32 s13, s12;
	s13 =	simm.s32 $0x1;
	p0 =	por !p0, !p0  }
0x22: {  	s12 =	sshrl.u32 s12, $0x7;
	s13 =	simm.s32 @!p0 $0x0  }
0x23: {  	s12 =	ssub.s32 s12, s13  }
0x24: {  	s12 =	sshll.u32 s12, $0x7  }
0x25: {  	s12 =	sand.u32 $0x1FFFFF80, s12  }
0x26: {  	s12 =	sadd.s32 s1, s12  }
0x27: {  	[tilespmem:s11], [sflag:$0x1] =	stream.strided.gather [hbm4b:s12+s8], $0x1000, s10, s8, $0x38;
	[tilespmem:$0x10A80] =	vst v63  }
0x28: {  	v57 =	vld [tilespmem:$0x0];
	_ =	sdelay $0x4  }
0x29: {  	v32 =	vsel vm1, $0x0, v57  }
0x2a: {  	v32 =	vxor.u32 $0x80000000, v32  }
0x2b: {  	(xrf0) =	vmax.scan.msk.u32 $0xffff, v32;
	_ =	sdelay $0x5  }
0x2c: {  	v32, _, _ =	vpop (xrf0)  }
0x2d: {  	(v2sf) =	vpush v32, $0xF;
	_ =	sdelay $0xe  }
0x2e: {  	s15 =	spop (v2sf)  }
0x2f: {  	s16 =	sxor.u32 $0x80000000, s15  }
0x30: {  	p4 =	sgt.s32 s15, $0xFFFFFFFF;
	s17 =	sand.u32 $0x7F, s15;
	p5 =	slt.s32 s16, $0x1  }
0x31: {  	s13 =	sshra.s32 s16, $0x1F;
	p6 =	sne.s32 s17, $0x0;
	p0 =	por p4, p5  }
0x32: {  	s13 =	sshrl.u32 s13, $0x19;
	p0 =	por !p6, !p0  }
0x33: {  	s12 =	sadd.s32 s13, s15;
	s13 =	simm.s32 $0x1;
	p0 =	por !p0, !p0  }
0x34: {  	s12 =	sshrl.u32 s12, $0x7;
	s13 =	simm.s32 @!p0 $0x0  }
0x35: {  	s12 =	ssub.s32 s12, s13  }
0x36: {  	s12 =	sshll.u32 s12, $0x7  }
0x37: {  	s12 =	sand.u32 $0x1FFFFF80, s12  }
0x38: {  	s18 =	simm.s32 $0x1280;
	s12 =	sadd.s32 s1, s12  }
0x39: {  	[tilespmem:s18], [sflag:$0x1] =	stream.strided.gather [hbm4b:s12+s8], $0x1000, s10, s8, $0x38;
	[tilespmem:$0x10A80] =	vst v63  }
0x3a: {  	v58 =	vld [tilespmem:$0x0];
	_ =	sdelay $0x4  }
0x3b: {  	v32 =	vsel vm2, $0x0, v58  }
0x3c: {  	v32 =	vxor.u32 $0x80000000, v32  }
0x3d: {  	(xrf0) =	vmax.scan.msk.u32 $0xffff, v32;
	_ =	sdelay $0x5  }
0x3e: {  	v32, _, _ =	vpop (xrf0)  }
0x3f: {  	(v2sf) =	vpush v32, $0xF;
	_ =	sdelay $0xe  }
0x40: {  	s4 =	spop (v2sf)  }
0x41: {  	s14 =	sxor.u32 $0x80000000, s4  }
0x42: {  	p1 =	sgt.s32 s4, $0xFFFFFFFF;
	s15 =	sand.u32 $0x7F, s4;
	p2 =	slt.s32 s14, $0x1  }
0x43: {  	s13 =	sshra.s32 s14, $0x1F;
	p3 =	sne.s32 s15, $0x0;
	p0 =	por p1, p2  }
0x44: {  	s13 =	sshrl.u32 s13, $0x19;
	p0 =	por !p3, !p0  }
0x45: {  	s12 =	sadd.s32 s13, s4;
	s13 =	simm.s32 $0x1;
	p0 =	por !p0, !p0  }
0x46: {  	s12 =	sshrl.u32 s12, $0x7;
	s13 =	simm.s32 @!p0 $0x0  }
0x47: {  	s12 =	ssub.s32 s12, s13  }
0x48: {  	s12 =	sshll.u32 s12, $0x7  }
0x49: {  	s12 =	sand.u32 $0x1FFFFF80, s12  }
0x4a: {  	s16 =	simm.s32 $0x2280;
	s12 =	sadd.s32 s1, s12  }
0x4b: {  	[tilespmem:s16], [sflag:$0x1] =	stream.strided.gather [hbm4b:s12+s8], $0x1000, s10, s8, $0x38;
	[tilespmem:$0x10A80] =	vst v63  }
0x4c: {  	v59 =	vld [tilespmem:$0x0];
	_ =	sdelay $0x4  }
0x4d: {  	v32 =	vsel vm3, $0x0, v59  }
0x4e: {  	v32 =	vxor.u32 $0x80000000, v32  }
0x4f: {  	(xrf0) =	vmax.scan.msk.u32 $0xffff, v32;
	_ =	sdelay $0x5  }
0x50: {  	v32, _, _ =	vpop (xrf0)  }
0x51: {  	(v2sf) =	vpush v32, $0xF;
	_ =	sdelay $0xe  }
0x52: {  	s17 =	spop (v2sf)  }
0x53: {  	s18 =	sxor.u32 $0x80000000, s17  }
0x54: {  	p4 =	sgt.s32 s17, $0xFFFFFFFF;
	s4 =	sand.u32 $0x7F, s17;
	p5 =	slt.s32 s18, $0x1  }
0x55: {  	s13 =	sshra.s32 s18, $0x1F;
	p6 =	sne.s32 s4, $0x0;
	p0 =	por p4, p5  }
0x56: {  	s13 =	sshrl.u32 s13, $0x19;
	p0 =	por !p6, !p0  }
0x57: {  	s12 =	sadd.s32 s13, s17;
	s13 =	simm.s32 $0x1;
	p0 =	por !p0, !p0  }
0x58: {  	s12 =	sshrl.u32 s12, $0x7;
	s13 =	simm.s32 @!p0 $0x0  }
0x59: {  	s12 =	ssub.s32 s12, s13  }
0x5a: {  	s12 =	sshll.u32 s12, $0x7  }
0x5b: {  	s12 =	sand.u32 $0x1FFFFF80, s12  }
0x5c: {  	s14 =	simm.s32 $0x3280;
	s12 =	sadd.s32 s1, s12  }
0x5d: {  	[tilespmem:s14], [sflag:$0x1] =	stream.strided.gather [hbm4b:s12+s8], $0x1000, s10, s8, $0x38;
	[tilespmem:$0x10A80] =	vst v63  }
0x5e: {  	v60 =	vld [tilespmem:$0x0];
	_ =	sdelay $0x4  }
0x5f: {  	v32 =	vsel vm4, $0x0, v60  }
0x60: {  	v32 =	vxor.u32 $0x80000000, v32  }
0x61: {  	(xrf0) =	vmax.scan.msk.u32 $0xffff, v32;
	_ =	sdelay $0x5  }
0x62: {  	v32, _, _ =	vpop (xrf0)  }
0x63: {  	(v2sf) =	vpush v32, $0xF;
	_ =	sdelay $0xe  }
0x64: {  	s15 =	spop (v2sf)  }
0x65: {  	s16 =	sxor.u32 $0x80000000, s15  }
0x66: {  	p1 =	sgt.s32 s15, $0xFFFFFFFF;
	s17 =	sand.u32 $0x7F, s15;
	p2 =	slt.s32 s16, $0x1  }
0x67: {  	s13 =	sshra.s32 s16, $0x1F;
	p3 =	sne.s32 s17, $0x0;
	p0 =	por p1, p2  }
0x68: {  	s13 =	sshrl.u32 s13, $0x19;
	p0 =	por !p3, !p0  }
0x69: {  	s12 =	sadd.s32 s13, s15;
	s13 =	simm.s32 $0x1;
	p0 =	por !p0, !p0  }
0x6a: {  	s12 =	sshrl.u32 s12, $0x7;
	s13 =	simm.s32 @!p0 $0x0  }
0x6b: {  	s12 =	ssub.s32 s12, s13  }
0x6c: {  	s12 =	sshll.u32 s12, $0x7  }
0x6d: {  	s12 =	sand.u32 $0x1FFFFF80, s12  }
0x6e: {  	s18 =	simm.s32 $0x4280;
	s12 =	sadd.s32 s1, s12  }
0x6f: {  	[tilespmem:s18], [sflag:$0x1] =	stream.strided.gather [hbm4b:s12+s8], $0x1000, s10, s8, $0x38;
	[tilespmem:$0x10A80] =	vst v63  }
0x70: {  	v61 =	vld [tilespmem:$0x0];
	_ =	sdelay $0x4  }
0x71: {  	v32 =	vsel vm5, $0x0, v61  }
0x72: {  	v32 =	vxor.u32 $0x80000000, v32  }
0x73: {  	(xrf0) =	vmax.scan.msk.u32 $0xffff, v32;
	_ =	sdelay $0x5  }
0x74: {  	v32, _, _ =	vpop (xrf0)  }
0x75: {  	(v2sf) =	vpush v32, $0xF;
	_ =	sdelay $0xe  }
0x76: {  	s4 =	spop (v2sf)  }
0x77: {  	s14 =	sxor.u32 $0x80000000, s4  }
0x78: {  	p4 =	sgt.s32 s4, $0xFFFFFFFF;
	s15 =	sand.u32 $0x7F, s4;
	p5 =	slt.s32 s14, $0x1  }
0x79: {  	s13 =	sshra.s32 s14, $0x1F;
	p6 =	sne.s32 s15, $0x0;
	p0 =	por p4, p5  }
0x7a: {  	s13 =	sshrl.u32 s13, $0x19;
	p0 =	por !p6, !p0  }
0x7b: {  	s12 =	sadd.s32 s13, s4;
	s13 =	simm.s32 $0x1;
	p0 =	por !p0, !p0  }
0x7c: {  	s12 =	sshrl.u32 s12, $0x7;
	s13 =	simm.s32 @!p0 $0x0  }
0x7d: {  	s12 =	ssub.s32 s12, s13  }
0x7e: {  	s12 =	sshll.u32 s12, $0x7  }
0x7f: {  	s12 =	sand.u32 $0x1FFFFF80, s12  }
0x80: {  	s16 =	simm.s32 $0x5280;
	s12 =	sadd.s32 s1, s12  }
0x81: {  	[tilespmem:s16], [sflag:$0x1] =	stream.strided.gather [hbm4b:s12+s8], $0x1000, s10, s8, $0x38;
	[tilespmem:$0x10A80] =	vst v63  }
0x82: {  	v62 =	vld [tilespmem:$0x0];
	_ =	sdelay $0x4  }
0x83: {  	v32 =	vsel vm6, $0x0, v62  }
0x84: {  	v32 =	vxor.u32 $0x80000000, v32  }
0x85: {  	(xrf0) =	vmax.scan.msk.u32 $0xffff, v32;
	_ =	sdelay $0x5  }
0x86: {  	v32, _, _ =	vpop (xrf0)  }
0x87: {  	(v2sf) =	vpush v32, $0xF;
	_ =	sdelay $0xe  }
0x88: {  	s17 =	spop (v2sf)  }
0x89: {  	s18 =	sxor.u32 $0x80000000, s17  }
0x8a: {  	p1 =	sgt.s32 s17, $0xFFFFFFFF;
	s4 =	sand.u32 $0x7F, s17;
	p2 =	slt.s32 s18, $0x1  }
0x8b: {  	s13 =	sshra.s32 s18, $0x1F;
	p3 =	sne.s32 s4, $0x0;
	p0 =	por p1, p2  }
0x8c: {  	s13 =	sshrl.u32 s13, $0x19;
	p0 =	por !p3, !p0  }
0x8d: {  	s12 =	sadd.s32 s13, s17;
	s13 =	simm.s32 $0x1;
	p0 =	por !p0, !p0  }
0x8e: {  	s12 =	sshrl.u32 s12, $0x7;
	s13 =	simm.s32 @!p0 $0x0  }
0x8f: {  	s12 =	ssub.s32 s12, s13  }
0x90: {  	s12 =	sshll.u32 s12, $0x7  }
0x91: {  	s12 =	sand.u32 $0x1FFFFF80, s12  }
0x92: {  	s14 =	simm.s32 $0x6280;
	s12 =	sadd.s32 s1, s12  }
0x93: {  	[tilespmem:s14], [sflag:$0x1] =	stream.strided.gather [hbm4b:s12+s8], $0x1000, s10, s8, $0x38;
	[tilespmem:$0x10A80] =	vst v63  }
0x94: {  	v63 =	vld [tilespmem:$0x0];
	_ =	sdelay $0x4  }
0x95: {  	v32 =	vsel vm7, $0x0, v63  }
0x96: {  	v32 =	vxor.u32 $0x80000000, v32  }
0x97: {  	(xrf0) =	vmax.scan.msk.u32 $0xffff, v32;
	_ =	sdelay $0x5  }
0x98: {  	v32, _, _ =	vpop (xrf0)  }
0x99: {  	(v2sf) =	vpush v32, $0xF;
	_ =	sdelay $0xe  }
0x9a: {  	s15 =	spop (v2sf)  }
0x9b: {  	s16 =	sxor.u32 $0x80000000, s15  }
0x9c: {  	p4 =	sgt.s32 s15, $0xFFFFFFFF;
	s17 =	sand.u32 $0x7F, s15;
	p5 =	slt.s32 s16, $0x1  }
0x9d: {  	s13 =	sshra.s32 s16, $0x1F;
	p6 =	sne.s32 s17, $0x0;
	p0 =	por p4, p5  }
0x9e: {  	s13 =	sshrl.u32 s13, $0x19;
	p0 =	por !p6, !p0  }
0x9f: {  	s12 =	sadd.s32 s13, s15;
	s13 =	simm.s32 $0x1;
	p0 =	por !p0, !p0  }
0xa0: {  	s12 =	sshrl.u32 s12, $0x7;
	s13 =	simm.s32 @!p0 $0x0  }
0xa1: {  	s12 =	ssub.s32 s12, s13  }
0xa2: {  	s12 =	sshll.u32 s12, $0x7  }
0xa3: {  	s12 =	sand.u32 $0x1FFFFF80, s12  }
0xa4: {  	s18 =	simm.s32 $0x7280;
	s12 =	sadd.s32 s1, s12  }
0xa5: {  	[tilespmem:s18], [sflag:$0x1] =	stream.strided.gather [hbm4b:s12+s8], $0x1000, s10, s8, $0x38;
	[tilespmem:$0x10A80] =	vst v63  }
0xa6: {  	s13 =	simm.s32 $0x0;
	s12 =	simm.s32 $0x8  }
.LBB2_2:
0xa7: {  	v32 =	vld [tilespmem:s12+$0x0];
	_ =	sdelay $0x4  }
0xa8: {  	v32 =	vnsel vm0, $0x0, v32  }
0xa9: {  	v32 =	vxor.u32 $0x80000000, v32  }
0xaa: {  	(xrf0) =	vmax.scan.msk.u32 $0xffff, v32;
	_ =	sdelay $0x5  }
0xab: {  	v32, _, _ =	vpop (xrf0)  }
0xac: {  	(v2sf) =	vpush v32, $0xF;
	_ =	sdelay $0xe  }
0xad: {  	s14 =	spop (v2sf)  }
0xae: {  	s15 =	sxor.u32 $0x80000000, s14  }
0xaf: {  	p0 =	sgt.s32 s14, $0xFFFFFFFF;
	s16 =	sand.u32 $0x7F, s14;
	p1 =	slt.s32 s15, $0x1  }
0xb0: {  	s15 =	sshra.s32 s15, $0x1F;
	p3 =	sne.s32 s16, $0x0;
	p0 =	por p0, p1  }
0xb1: {  	s15 =	sshrl.u32 s15, $0x19;
	p0 =	por !p3, !p0  }
0xb2: {  	s14 =	sadd.s32 s15, s14;
	s15 =	simm.s32 $0x1;
	p0 =	por !p0, !p0  }
0xb3: {  	s14 =	sshrl.u32 s14, $0x7;
	s15 =	simm.s32 @!p0 $0x0  }
0xb4: {  	s14 =	ssub.s32 s14, s15  }
0xb5: {  	s14 =	sshll.u32 s14, $0x7  }
0xb6: {  	s14 =	sand.u32 $0x1FFFFF80, s14  }
0xb7: {  	s14 =	sadd.s32 s1, s14  }
0xb8: {  	[tilespmem:s19], [sflag:$0x2] =	stream.strided.gather [hbm4b:s14+s8], $0x1000, s10, s8, $0x38;
	[tilespmem:$0x10A80] =	vst v63  }
0xb9: {  	v38 =	vld [tilespmem:s12+$0x0];
	_ =	sdelay $0x4  }
0xba: {  	v32 =	vsel vm1, $0x0, v38  }
0xbb: {  	v32 =	vxor.u32 $0x80000000, v32  }
0xbc: {  	(xrf0) =	vmax.scan.msk.u32 $0xffff, v32;
	_ =	sdelay $0x5  }
0xbd: {  	v32, _, _ =	vpop (xrf0)  }
0xbe: {  	(v2sf) =	vpush v32, $0xF;
	_ =	sdelay $0xe  }
0xbf: {  	s17 =	spop (v2sf)  }
0xc0: {  	s18 =	sxor.u32 $0x80000000, s17  }
0xc1: {  	p4 =	sgt.s32 s17, $0xFFFFFFFF;
	s4 =	sand.u32 $0x7F, s17;
	p5 =	slt.s32 s18, $0x1  }
0xc2: {  	s15 =	sshra.s32 s18, $0x1F;
	p6 =	sne.s32 s4, $0x0;
	p0 =	por p4, p5  }
0xc3: {  	s15 =	sshrl.u32 s15, $0x19;
	p0 =	por !p6, !p0  }
0xc4: {  	s14 =	sadd.s32 s15, s17;
	s15 =	simm.s32 $0x1;
	p0 =	por !p0, !p0  }
0xc5: {  	s14 =	sshrl.u32 s14, $0x7;
	s15 =	simm.s32 @!p0 $0x0  }
0xc6: {  	s14 =	ssub.s32 s14, s15  }
0xc7: {  	s14 =	sshll.u32 s14, $0x7  }
0xc8: {  	s14 =	sand.u32 $0x1FFFFF80, s14  }
0xc9: {  	s14 =	sadd.s32 s1, s14  }
0xca: {  	[tilespmem:s20], [sflag:$0x2] =	stream.strided.gather [hbm4b:s14+s8], $0x1000, s10, s8, $0x38;
	[tilespmem:$0x10A80] =	vst v63  }
0xcb: {  	v39 =	vld [tilespmem:s12+$0x0];
	_ =	sdelay $0x4  }
0xcc: {  	v32 =	vsel vm2, $0x0, v39  }
0xcd: {  	v32 =	vxor.u32 $0x80000000, v32  }
0xce: {  	(xrf0) =	vmax.scan.msk.u32 $0xffff, v32;
	_ =	sdelay $0x5  }
0xcf: {  	v32, _, _ =	vpop (xrf0)  }
0xd0: {  	(v2sf) =	vpush v32, $0xF;
	_ =	sdelay $0xe  }
0xd1: {  	s17 =	spop (v2sf)  }
0xd2: {  	s18 =	sxor.u32 $0x80000000, s17  }
0xd3: {  	p1 =	sgt.s32 s17, $0xFFFFFFFF;
	s4 =	sand.u32 $0x7F, s17;
	p2 =	slt.s32 s18, $0x1  }
0xd4: {  	s15 =	sshra.s32 s18, $0x1F;
	p3 =	sne.s32 s4, $0x0;
	p0 =	por p1, p2  }
0xd5: {  	s15 =	sshrl.u32 s15, $0x19;
	p0 =	por !p3, !p0  }
0xd6: {  	s14 =	sadd.s32 s15, s17;
	s15 =	simm.s32 $0x1;
	p0 =	por !p0, !p0  }
0xd7: {  	s14 =	sshrl.u32 s14, $0x7;
	s15 =	simm.s32 @!p0 $0x0  }
0xd8: {  	s14 =	ssub.s32 s14, s15  }
0xd9: {  	s14 =	sshll.u32 s14, $0x7  }
0xda: {  	s14 =	sand.u32 $0x1FFFFF80, s14  }
0xdb: {  	s14 =	sadd.s32 s1, s14  }
0xdc: {  	[tilespmem:s21], [sflag:$0x2] =	stream.strided.gather [hbm4b:s14+s8], $0x1000, s10, s8, $0x38;
	[tilespmem:$0x10A80] =	vst v63  }
0xdd: {  	v40 =	vld [tilespmem:s12+$0x0];
	_ =	sdelay $0x4  }
0xde: {  	v32 =	vsel vm3, $0x0, v40  }
0xdf: {  	v32 =	vxor.u32 $0x80000000, v32  }
0xe0: {  	(xrf0) =	vmax.scan.msk.u32 $0xffff, v32;
	_ =	sdelay $0x5  }
0xe1: {  	v32, _, _ =	vpop (xrf0)  }
0xe2: {  	(v2sf) =	vpush v32, $0xF;
	_ =	sdelay $0xe  }
0xe3: {  	s17 =	spop (v2sf)  }
0xe4: {  	s18 =	sxor.u32 $0x80000000, s17  }
0xe5: {  	p4 =	sgt.s32 s17, $0xFFFFFFFF;
	s4 =	sand.u32 $0x7F, s17;
	p5 =	slt.s32 s18, $0x1  }
0xe6: {  	s15 =	sshra.s32 s18, $0x1F;
	p6 =	sne.s32 s4, $0x0;
	p0 =	por p4, p5  }
0xe7: {  	s15 =	sshrl.u32 s15, $0x19;
	p0 =	por !p6, !p0  }
0xe8: {  	s14 =	sadd.s32 s15, s17;
	s15 =	simm.s32 $0x1;
	p0 =	por !p0, !p0  }
0xe9: {  	s14 =	sshrl.u32 s14, $0x7;
	s15 =	simm.s32 @!p0 $0x0  }
0xea: {  	s14 =	ssub.s32 s14, s15  }
0xeb: {  	s14 =	sshll.u32 s14, $0x7  }
0xec: {  	s14 =	sand.u32 $0x1FFFFF80, s14  }
0xed: {  	s14 =	sadd.s32 s1, s14  }
0xee: {  	[tilespmem:s22], [sflag:$0x2] =	stream.strided.gather [hbm4b:s14+s8], $0x1000, s10, s8, $0x38;
	[tilespmem:$0x10A80] =	vst v63  }
0xef: {  	v41 =	vld [tilespmem:s12+$0x0];
	_ =	sdelay $0x4  }
0xf0: {  	v32 =	vsel vm4, $0x0, v41  }
0xf1: {  	v32 =	vxor.u32 $0x80000000, v32  }
0xf2: {  	(xrf0) =	vmax.scan.msk.u32 $0xffff, v32;
	_ =	sdelay $0x5  }
0xf3: {  	v32, _, _ =	vpop (xrf0)  }
0xf4: {  	(v2sf) =	vpush v32, $0xF;
	_ =	sdelay $0xe  }
0xf5: {  	s17 =	spop (v2sf)  }
0xf6: {  	s18 =	sxor.u32 $0x80000000, s17  }
0xf7: {  	p1 =	sgt.s32 s17, $0xFFFFFFFF;
	s4 =	sand.u32 $0x7F, s17;
	p2 =	slt.s32 s18, $0x1  }
0xf8: {  	s15 =	sshra.s32 s18, $0x1F;
	p3 =	sne.s32 s4, $0x0;
	p0 =	por p1, p2  }
0xf9: {  	s15 =	sshrl.u32 s15, $0x19;
	p0 =	por !p3, !p0  }
0xfa: {  	s14 =	sadd.s32 s15, s17;
	s15 =	simm.s32 $0x1;
	p0 =	por !p0, !p0  }
0xfb: {  	s14 =	sshrl.u32 s14, $0x7;
	s15 =	simm.s32 @!p0 $0x0  }
0xfc: {  	s14 =	ssub.s32 s14, s15  }
0xfd: {  	s14 =	sshll.u32 s14, $0x7  }
0xfe: {  	s14 =	sand.u32 $0x1FFFFF80, s14  }
0xff: {  	s14 =	sadd.s32 s1, s14  }
0x100: {  	[tilespmem:s23], [sflag:$0x2] =	stream.strided.gather [hbm4b:s14+s8], $0x1000, s10, s8, $0x38;
	[tilespmem:$0x10A80] =	vst v63  }
0x101: {  	v42 =	vld [tilespmem:s12+$0x0];
	_ =	sdelay $0x4  }
0x102: {  	v32 =	vsel vm5, $0x0, v42  }
0x103: {  	v32 =	vxor.u32 $0x80000000, v32  }
0x104: {  	(xrf0) =	vmax.scan.msk.u32 $0xffff, v32;
	_ =	sdelay $0x5  }
0x105: {  	v32, _, _ =	vpop (xrf0)  }
0x106: {  	(v2sf) =	vpush v32, $0xF;
	_ =	sdelay $0xe  }
0x107: {  	s17 =	spop (v2sf)  }
0x108: {  	s18 =	sxor.u32 $0x80000000, s17  }
0x109: {  	p4 =	sgt.s32 s17, $0xFFFFFFFF;
	s4 =	sand.u32 $0x7F, s17;
	p5 =	slt.s32 s18, $0x1  }
0x10a: {  	s15 =	sshra.s32 s18, $0x1F;
	p6 =	sne.s32 s4, $0x0;
	p0 =	por p4, p5  }
0x10b: {  	s15 =	sshrl.u32 s15, $0x19;
	p0 =	por !p6, !p0  }
0x10c: {  	s14 =	sadd.s32 s15, s17;
	s15 =	simm.s32 $0x1;
	p0 =	por !p0, !p0  }
0x10d: {  	s14 =	sshrl.u32 s14, $0x7;
	s15 =	simm.s32 @!p0 $0x0  }
0x10e: {  	s14 =	ssub.s32 s14, s15  }
0x10f: {  	s14 =	sshll.u32 s14, $0x7  }
0x110: {  	s14 =	sand.u32 $0x1FFFFF80, s14  }
0x111: {  	s14 =	sadd.s32 s1, s14  }
0x112: {  	[tilespmem:s24], [sflag:$0x2] =	stream.strided.gather [hbm4b:s14+s8], $0x1000, s10, s8, $0x38;
	[tilespmem:$0x10A80] =	vst v63  }
0x113: {  	v43 =	vld [tilespmem:s12+$0x0];
	_ =	sdelay $0x4  }
0x114: {  	v32 =	vsel vm6, $0x0, v43  }
0x115: {  	v32 =	vxor.u32 $0x80000000, v32  }
0x116: {  	(xrf0) =	vmax.scan.msk.u32 $0xffff, v32;
	_ =	sdelay $0x5  }
0x117: {  	v32, _, _ =	vpop (xrf0)  }
0x118: {  	(v2sf) =	vpush v32, $0xF;
	_ =	sdelay $0xe  }
0x119: {  	s17 =	spop (v2sf)  }
0x11a: {  	s18 =	sxor.u32 $0x80000000, s17  }
0x11b: {  	p1 =	sgt.s32 s17, $0xFFFFFFFF;
	s4 =	sand.u32 $0x7F, s17;
	p2 =	slt.s32 s18, $0x1  }
0x11c: {  	s15 =	sshra.s32 s18, $0x1F;
	p3 =	sne.s32 s4, $0x0;
	p0 =	por p1, p2  }
0x11d: {  	s15 =	sshrl.u32 s15, $0x19;
	p0 =	por !p3, !p0  }
0x11e: {  	s14 =	sadd.s32 s15, s17;
	s15 =	simm.s32 $0x1;
	p0 =	por !p0, !p0  }
0x11f: {  	s14 =	sshrl.u32 s14, $0x7;
	s15 =	simm.s32 @!p0 $0x0  }
0x120: {  	s14 =	ssub.s32 s14, s15  }
0x121: {  	s14 =	sshll.u32 s14, $0x7  }
0x122: {  	s14 =	sand.u32 $0x1FFFFF80, s14  }
0x123: {  	s14 =	sadd.s32 s1, s14  }
0x124: {  	[tilespmem:s25], [sflag:$0x2] =	stream.strided.gather [hbm4b:s14+s8], $0x1000, s10, s8, $0x38;
	[tilespmem:$0x10A80] =	vst v63  }
0x125: {  	v44 =	vld [tilespmem:s12+$0x0];
	_ =	sdelay $0x4  }
0x126: {  	v32 =	vsel vm7, $0x0, v44  }
0x127: {  	v32 =	vxor.u32 $0x80000000, v32  }
0x128: {  	(xrf0) =	vmax.scan.msk.u32 $0xffff, v32;
	_ =	sdelay $0x5  }
0x129: {  	v32, _, _ =	vpop (xrf0)  }
0x12a: {  	(v2sf) =	vpush v32, $0xF;
	_ =	sdelay $0xe  }
0x12b: {  	s17 =	spop (v2sf)  }
0x12c: {  	s18 =	sxor.u32 $0x80000000, s17  }
0x12d: {  	p4 =	sgt.s32 s17, $0xFFFFFFFF;
	s4 =	sand.u32 $0x7F, s17;
	p5 =	slt.s32 s18, $0x1  }
0x12e: {  	s15 =	sshra.s32 s18, $0x1F;
	p6 =	sne.s32 s4, $0x0;
	p0 =	por p4, p5  }
0x12f: {  	s15 =	sshrl.u32 s15, $0x19;
	p0 =	por !p6, !p0  }
0x130: {  	s14 =	sadd.s32 s15, s17;
	s15 =	simm.s32 $0x1;
	p0 =	por !p0, !p0  }
0x131: {  	s14 =	sshrl.u32 s14, $0x7;
	s15 =	simm.s32 @!p0 $0x0  }
0x132: {  	s14 =	ssub.s32 s14, s15  }
0x133: {  	s14 =	sshll.u32 s14, $0x7  }
0x134: {  	s14 =	sand.u32 $0x1FFFFF80, s14  }
0x135: {  	p0 =	seq.s32 s13, $0x0;
	s14 =	sadd.s32 s1, s14  }
0x136: {  	[tilespmem:s26], [sflag:$0x2] =	stream.strided.gather [hbm4b:s14+s8], $0x1000, s10, s8, $0x38;
	[tilespmem:$0x10A80] =	vst v63  }
0x137: {  	s14 =	simm.s32 @!p0 $0x3  }
0x138: {  	_ =	swait.ge @!p0 [sflag:s14], $0x400  }
0x139: {  	[sflag:s14] =	ssyncset.done @!p0 $0x0  }
0x13a: {  	[sflag:s14] =	ssyncadd.s32 @!p0 $0xFFFFFC00  }
0x13b: {  	_ =	swait.ge [sflag:s9], $0x1000  }
0x13c: {  	[sflag:s9] =	ssyncset.done $0x0  }
0x13d: {  	[sflag:s9] =	ssyncadd.s32 $0xFFFFF000  }
0x13e: {  	v45 =	vld [tilespmem:s12+$0xFFFFFFF8];
	_ =	sdelay $0x4  }
0x13f: {  	v32 =	vnsel vm0, $0x0, v45  }
0x140: {  	v32 =	vxor.u32 $0x80000000, v32  }
0x141: {  	(xrf0) =	vmax.scan.msk.u32 $0xffff, v32;
	_ =	sdelay $0x5  }
0x142: {  	v32, _, _ =	vpop (xrf0)  }
0x143: {  	(v2sf) =	vpush v32, $0xF;
	_ =	sdelay $0xe  }
0x144: {  	s16 =	spop (v2sf)  }
0x145: {  	s17 =	sxor.u32 $0x80000000, s16  }
0x146: {  	p2 =	sgt.s32 s16, $0xFFFFFFFF;
	s14 =	sand.u32 $0x7F, s16;
	p1 =	slt.s32 s17, $0x1  }
0x147: {  	s18 =	sshra.s32 s17, $0x1F;
	p3 =	sne.s32 s14, $0x0;
	p0 =	por p2, p1  }
0x148: {  	s4 =	sshrl.u32 s18, $0x19;
	p0 =	por !p3, !p0  }
0x149: {  	s16 =	simm.s32 $0x1;
	s14 =	sadd.s32 s4, s17;
	p0 =	por !p0, !p0  }
0x14a: {  	s14 =	sshrl.u32 s14, $0x7;
	s16 =	simm.s32 @!p0 $0x0  }
0x14b: {  	s14 =	ssub.s32 s16, s14  }
0x14c: {  	s14 =	sshll.u32 s14, $0x7  }
0x14d: {  	s14 =	sadd.s32 s17, s14  }
0x14e: {  	v46 =	vadd.s32 s14, v0  }
0x14f: {  	v33 =	vadd.s32 s14, v1;
	_ =	sdelay $0x3  }
0x150: {  	v32 =	vld.idx.msk [tilespmem:v46+s11+$0x0], $0xffff  }
0x151: {  	v33 =	vld.idx.msk [tilespmem:v33+s11+$0x0], $0xffff;
	_ =	sdelay $0x3  }
0x152: {  	[tilespmem:$0x10280] =	vst v32  }
0x153: {  	[tilespmem:$0x10290] =	vst v33  }
0x154: {  	_ =	swait.ge [sflag:s9], $0x1000  }
0x155: {  	[sflag:s9] =	ssyncset.done $0x0  }
0x156: {  	[sflag:s9] =	ssyncadd.s32 $0xFFFFF000  }
0x157: {  	v47 =	vld [tilespmem:s12+$0xFFFFFFF8];
	_ =	sdelay $0x4  }
0x158: {  	v32 =	vsel vm1, $0x0, v47  }
0x159: {  	v32 =	vxor.u32 $0x80000000, v32  }
0x15a: {  	(xrf0) =	vmax.scan.msk.u32 $0xffff, v32;
	_ =	sdelay $0x5  }
0x15b: {  	v32, _, _ =	vpop (xrf0)  }
0x15c: {  	(v2sf) =	vpush v32, $0xF;
	_ =	sdelay $0xe  }
0x15d: {  	s16 =	spop (v2sf)  }
0x15e: {  	s17 =	sxor.u32 $0x80000000, s16  }
0x15f: {  	p5 =	sgt.s32 s16, $0xFFFFFFFF;
	s14 =	sand.u32 $0x7F, s16;
	p4 =	slt.s32 s17, $0x1  }
0x160: {  	s18 =	sshra.s32 s17, $0x1F;
	p6 =	sne.s32 s14, $0x0;
	p0 =	por p5, p4  }
0x161: {  	s4 =	sshrl.u32 s18, $0x19;
	p0 =	por !p6, !p0  }
0x162: {  	s16 =	simm.s32 $0x1;
	s14 =	sadd.s32 s4, s17;
	p0 =	por !p0, !p0  }
0x163: {  	s14 =	sshrl.u32 s14, $0x7;
	s16 =	simm.s32 @!p0 $0x0  }
0x164: {  	s14 =	ssub.s32 s16, s14  }
0x165: {  	s14 =	sshll.u32 s14, $0x7  }
0x166: {  	s14 =	sadd.s32 s17, s14  }
0x167: {  	v48 =	vadd.s32 s14, v2  }
0x168: {  	v49 =	vadd.s32 s14, v3;
	_ =	sdelay $0x3  }
0x169: {  	v32 =	vld.idx.msk [tilespmem:v48+s11+$0x0], $0xffff  }
0x16a: {  	v33 =	vld.idx.msk [tilespmem:v49+s11+$0x0], $0xffff;
	_ =	sdelay $0x3  }
0x16b: {  	[tilespmem:$0x10300] =	vst v32  }
0x16c: {  	[tilespmem:$0x10310] =	vst v33  }
0x16d: {  	_ =	swait.ge [sflag:s9], $0x1000  }
0x16e: {  	[sflag:s9] =	ssyncset.done $0x0  }
0x16f: {  	[sflag:s9] =	ssyncadd.s32 $0xFFFFF000  }
0x170: {  	v50 =	vld [tilespmem:s12+$0xFFFFFFF8];
	_ =	sdelay $0x4  }
0x171: {  	v32 =	vsel vm2, $0x0, v50  }
0x172: {  	v32 =	vxor.u32 $0x80000000, v32  }
0x173: {  	(xrf0) =	vmax.scan.msk.u32 $0xffff, v32;
	_ =	sdelay $0x5  }
0x174: {  	v32, _, _ =	vpop (xrf0)  }
0x175: {  	(v2sf) =	vpush v32, $0xF;
	_ =	sdelay $0xe  }
0x176: {  	s16 =	spop (v2sf)  }
0x177: {  	s17 =	sxor.u32 $0x80000000, s16  }
0x178: {  	p2 =	sgt.s32 s16, $0xFFFFFFFF;
	s14 =	sand.u32 $0x7F, s16;
	p1 =	slt.s32 s17, $0x1  }
0x179: {  	s18 =	sshra.s32 s17, $0x1F;
	p3 =	sne.s32 s14, $0x0;
	p0 =	por p2, p1  }
0x17a: {  	s4 =	sshrl.u32 s18, $0x19;
	p0 =	por !p3, !p0  }
0x17b: {  	s16 =	simm.s32 $0x1;
	s14 =	sadd.s32 s4, s17;
	p0 =	por !p0, !p0  }
0x17c: {  	s14 =	sshrl.u32 s14, $0x7;
	s16 =	simm.s32 @!p0 $0x0  }
0x17d: {  	s14 =	ssub.s32 s16, s14  }
0x17e: {  	s14 =	sshll.u32 s14, $0x7  }
0x17f: {  	s14 =	sadd.s32 s17, s14  }
0x180: {  	v51 =	vadd.s32 s14, v4  }
0x181: {  	v52 =	vadd.s32 s14, v5;
	_ =	sdelay $0x3  }
0x182: {  	v32 =	vld.idx.msk [tilespmem:v51+s11+$0x0], $0xffff  }
0x183: {  	v33 =	vld.idx.msk [tilespmem:v52+s11+$0x0], $0xffff;
	_ =	sdelay $0x3  }
0x184: {  	[tilespmem:$0x10380] =	vst v32  }
0x185: {  	[tilespmem:$0x10390] =	vst v33  }
0x186: {  	_ =	swait.ge [sflag:s9], $0x1000  }
0x187: {  	[sflag:s9] =	ssyncset.done $0x0  }
0x188: {  	[sflag:s9] =	ssyncadd.s32 $0xFFFFF000  }
0x189: {  	v53 =	vld [tilespmem:s12+$0xFFFFFFF8];
	_ =	sdelay $0x4  }
0x18a: {  	v32 =	vsel vm3, $0x0, v53  }
0x18b: {  	v32 =	vxor.u32 $0x80000000, v32  }
0x18c: {  	(xrf0) =	vmax.scan.msk.u32 $0xffff, v32;
	_ =	sdelay $0x5  }
0x18d: {  	v32, _, _ =	vpop (xrf0)  }
0x18e: {  	(v2sf) =	vpush v32, $0xF;
	_ =	sdelay $0xe  }
0x18f: {  	s16 =	spop (v2sf)  }
0x190: {  	s17 =	sxor.u32 $0x80000000, s16  }
0x191: {  	p5 =	sgt.s32 s16, $0xFFFFFFFF;
	s14 =	sand.u32 $0x7F, s16;
	p4 =	slt.s32 s17, $0x1  }
0x192: {  	s18 =	sshra.s32 s17, $0x1F;
	p6 =	sne.s32 s14, $0x0;
	p0 =	por p5, p4  }
0x193: {  	s4 =	sshrl.u32 s18, $0x19;
	p0 =	por !p6, !p0  }
0x194: {  	s16 =	simm.s32 $0x1;
	s14 =	sadd.s32 s4, s17;
	p0 =	por !p0, !p0  }
0x195: {  	s14 =	sshrl.u32 s14, $0x7;
	s16 =	simm.s32 @!p0 $0x0  }
0x196: {  	s14 =	ssub.s32 s16, s14  }
0x197: {  	s14 =	sshll.u32 s14, $0x7  }
0x198: {  	s14 =	sadd.s32 s17, s14  }
0x199: {  	v54 =	vadd.s32 s14, v6  }
0x19a: {  	v55 =	vadd.s32 s14, v7;
	_ =	sdelay $0x3  }
0x19b: {  	v32 =	vld.idx.msk [tilespmem:v54+s11+$0x0], $0xffff  }
0x19c: {  	v33 =	vld.idx.msk [tilespmem:v55+s11+$0x0], $0xffff;
	_ =	sdelay $0x3  }
0x19d: {  	[tilespmem:$0x10400] =	vst v32  }
0x19e: {  	[tilespmem:$0x10410] =	vst v33  }
0x19f: {  	_ =	swait.ge [sflag:s9], $0x1000  }
0x1a0: {  	[sflag:s9] =	ssyncset.done $0x0  }
0x1a1: {  	[sflag:s9] =	ssyncadd.s32 $0xFFFFF000  }
0x1a2: {  	v56 =	vld [tilespmem:s12+$0xFFFFFFF8];
	_ =	sdelay $0x4  }
0x1a3: {  	v32 =	vsel vm4, $0x0, v56  }
0x1a4: {  	v32 =	vxor.u32 $0x80000000, v32  }
0x1a5: {  	(xrf0) =	vmax.scan.msk.u32 $0xffff, v32;
	_ =	sdelay $0x5  }
0x1a6: {  	v32, _, _ =	vpop (xrf0)  }
0x1a7: {  	(v2sf) =	vpush v32, $0xF;
	_ =	sdelay $0xe  }
0x1a8: {  	s16 =	spop (v2sf)  }
0x1a9: {  	s17 =	sxor.u32 $0x80000000, s16  }
0x1aa: {  	p2 =	sgt.s32 s16, $0xFFFFFFFF;
	s14 =	sand.u32 $0x7F, s16;
	p1 =	slt.s32 s17, $0x1  }
0x1ab: {  	s18 =	sshra.s32 s17, $0x1F;
	p3 =	sne.s32 s14, $0x0;
	p0 =	por p2, p1  }
0x1ac: {  	s4 =	sshrl.u32 s18, $0x19;
	p0 =	por !p3, !p0  }
0x1ad: {  	s16 =	simm.s32 $0x1;
	s14 =	sadd.s32 s4, s17;
	p0 =	por !p0, !p0  }
0x1ae: {  	s14 =	sshrl.u32 s14, $0x7;
	s16 =	simm.s32 @!p0 $0x0  }
0x1af: {  	s14 =	ssub.s32 s16, s14  }
0x1b0: {  	s14 =	sshll.u32 s14, $0x7  }
0x1b1: {  	s14 =	sadd.s32 s17, s14  }
0x1b2: {  	v57 =	vadd.s32 s14, v8  }
0x1b3: {  	v58 =	vadd.s32 s14, v9;
	_ =	sdelay $0x3  }
0x1b4: {  	v32 =	vld.idx.msk [tilespmem:v57+s11+$0x0], $0xffff  }
0x1b5: {  	v33 =	vld.idx.msk [tilespmem:v58+s11+$0x0], $0xffff;
	_ =	sdelay $0x3  }
0x1b6: {  	[tilespmem:$0x10480] =	vst v32  }
0x1b7: {  	[tilespmem:$0x10490] =	vst v33  }
0x1b8: {  	_ =	swait.ge [sflag:s9], $0x1000  }
0x1b9: {  	[sflag:s9] =	ssyncset.done $0x0  }
0x1ba: {  	[sflag:s9] =	ssyncadd.s32 $0xFFFFF000  }
0x1bb: {  	v59 =	vld [tilespmem:s12+$0xFFFFFFF8];
	_ =	sdelay $0x4  }
0x1bc: {  	v32 =	vsel vm5, $0x0, v59  }
0x1bd: {  	v32 =	vxor.u32 $0x80000000, v32  }
0x1be: {  	(xrf0) =	vmax.scan.msk.u32 $0xffff, v32;
	_ =	sdelay $0x5  }
0x1bf: {  	v32, _, _ =	vpop (xrf0)  }
0x1c0: {  	(v2sf) =	vpush v32, $0xF;
	_ =	sdelay $0xe  }
0x1c1: {  	s16 =	spop (v2sf)  }
0x1c2: {  	s17 =	sxor.u32 $0x80000000, s16  }
0x1c3: {  	p5 =	sgt.s32 s16, $0xFFFFFFFF;
	s14 =	sand.u32 $0x7F, s16;
	p4 =	slt.s32 s17, $0x1  }
0x1c4: {  	s18 =	sshra.s32 s17, $0x1F;
	p6 =	sne.s32 s14, $0x0;
	p0 =	por p5, p4  }
0x1c5: {  	s4 =	sshrl.u32 s18, $0x19;
	p0 =	por !p6, !p0  }
0x1c6: {  	s16 =	simm.s32 $0x1;
	s14 =	sadd.s32 s4, s17;
	p0 =	por !p0, !p0  }
0x1c7: {  	s14 =	sshrl.u32 s14, $0x7;
	s16 =	simm.s32 @!p0 $0x0  }
0x1c8: {  	s14 =	ssub.s32 s16, s14  }
0x1c9: {  	s14 =	sshll.u32 s14, $0x7  }
0x1ca: {  	s14 =	sadd.s32 s17, s14  }
0x1cb: {  	v60 =	vadd.s32 s14, v10  }
0x1cc: {  	v61 =	vadd.s32 s14, v11;
	_ =	sdelay $0x3  }
0x1cd: {  	v32 =	vld.idx.msk [tilespmem:v60+s11+$0x0], $0xffff  }
0x1ce: {  	v33 =	vld.idx.msk [tilespmem:v61+s11+$0x0], $0xffff;
	_ =	sdelay $0x3  }
0x1cf: {  	[tilespmem:$0x10500] =	vst v32  }
0x1d0: {  	[tilespmem:$0x10510] =	vst v33  }
0x1d1: {  	_ =	swait.ge [sflag:s9], $0x1000  }
0x1d2: {  	[sflag:s9] =	ssyncset.done $0x0  }
0x1d3: {  	[sflag:s9] =	ssyncadd.s32 $0xFFFFF000  }
0x1d4: {  	v62 =	vld [tilespmem:s12+$0xFFFFFFF8];
	_ =	sdelay $0x4  }
0x1d5: {  	v32 =	vsel vm6, $0x0, v62  }
0x1d6: {  	v32 =	vxor.u32 $0x80000000, v32  }
0x1d7: {  	(xrf0) =	vmax.scan.msk.u32 $0xffff, v32;
	_ =	sdelay $0x5  }
0x1d8: {  	v32, _, _ =	vpop (xrf0)  }
0x1d9: {  	(v2sf) =	vpush v32, $0xF;
	_ =	sdelay $0xe  }
0x1da: {  	s16 =	spop (v2sf)  }
0x1db: {  	s17 =	sxor.u32 $0x80000000, s16  }
0x1dc: {  	p2 =	sgt.s32 s16, $0xFFFFFFFF;
	s14 =	sand.u32 $0x7F, s16;
	p1 =	slt.s32 s17, $0x1  }
0x1dd: {  	s18 =	sshra.s32 s17, $0x1F;
	p3 =	sne.s32 s14, $0x0;
	p0 =	por p2, p1  }
0x1de: {  	s4 =	sshrl.u32 s18, $0x19;
	p0 =	por !p3, !p0  }
0x1df: {  	s16 =	simm.s32 $0x1;
	s14 =	sadd.s32 s4, s17;
	p0 =	por !p0, !p0  }
0x1e0: {  	s14 =	sshrl.u32 s14, $0x7;
	s16 =	simm.s32 @!p0 $0x0  }
0x1e1: {  	s14 =	ssub.s32 s16, s14  }
0x1e2: {  	s14 =	sshll.u32 s14, $0x7  }
0x1e3: {  	s14 =	sadd.s32 s17, s14  }
0x1e4: {  	v63 =	vadd.s32 s14, v12  }
0x1e5: {  	v36 =	vadd.s32 s14, v13;
	_ =	sdelay $0x3  }
0x1e6: {  	v32 =	vld.idx.msk [tilespmem:v63+s11+$0x0], $0xffff  }
0x1e7: {  	v33 =	vld.idx.msk [tilespmem:v36+s11+$0x0], $0xffff;
	_ =	sdelay $0x3  }
0x1e8: {  	[tilespmem:$0x10580] =	vst v32  }
0x1e9: {  	[tilespmem:$0x10590] =	vst v33  }
0x1ea: {  	_ =	swait.ge [sflag:s9], $0x1000  }
0x1eb: {  	[sflag:s9] =	ssyncset.done $0x0  }
0x1ec: {  	[sflag:s9] =	ssyncadd.s32 $0xFFFFF000  }
0x1ed: {  	v37 =	vld [tilespmem:s12+$0xFFFFFFF8];
	_ =	sdelay $0x4  }
0x1ee: {  	v32 =	vsel vm7, $0x0, v37  }
0x1ef: {  	v32 =	vxor.u32 $0x80000000, v32  }
0x1f0: {  	(xrf0) =	vmax.scan.msk.u32 $0xffff, v32;
	_ =	sdelay $0x5  }
0x1f1: {  	v32, _, _ =	vpop (xrf0)  }
0x1f2: {  	(v2sf) =	vpush v32, $0xF;
	_ =	sdelay $0xe  }
0x1f3: {  	s16 =	spop (v2sf)  }
0x1f4: {  	s17 =	sxor.u32 $0x80000000, s16  }
0x1f5: {  	p5 =	sgt.s32 s16, $0xFFFFFFFF;
	s14 =	sand.u32 $0x7F, s16;
	p4 =	slt.s32 s17, $0x1  }
0x1f6: {  	s18 =	sshra.s32 s17, $0x1F;
	p6 =	sne.s32 s14, $0x0;
	p0 =	por p5, p4  }
0x1f7: {  	s4 =	sshrl.u32 s18, $0x19;
	p0 =	por !p6, !p0  }
0x1f8: {  	s16 =	simm.s32 $0x1;
	s14 =	sadd.s32 s4, s17;
	p0 =	por !p0, !p0  }
0x1f9: {  	s14 =	sshrl.u32 s14, $0x7;
	s16 =	simm.s32 @!p0 $0x0  }
0x1fa: {  	s14 =	ssub.s32 s16, s14  }
0x1fb: {  	s14 =	sshll.u32 s14, $0x7  }
0x1fc: {  	s14 =	sadd.s32 s17, s14  }
0x1fd: {  	v38 =	vadd.s32 s14, v14  }
0x1fe: {  	v39 =	vadd.s32 s14, v15;
	_ =	sdelay $0x3  }
0x1ff: {  	v32 =	vld.idx.msk [tilespmem:v38+s11+$0x0], $0xffff  }
0x200: {  	v33 =	vld.idx.msk [tilespmem:v39+s11+$0x0], $0xffff;
	_ =	sdelay $0x3  }
0x201: {  	[tilespmem:$0x10600] =	vst v32  }
0x202: {  	p0 =	seq.s32 s13, $0x1F00;
	s14 =	sadd.s32 s13, s6;
	[tilespmem:$0x10610] =	vst v33  }
0x203: {  	[hbm4b:s14+s3] =	stream.linear.scatter [tilespmem:s28], [sflag:$0x3], $0x400, $0x38;
	[tilespmem:$0x10A80] =	vst v63  }
0x204: {  	v32 =	vld @!p0 [tilespmem:s12+$0x8];
	_ =	sdelay $0x3  }
0x205: {  	vm8 =	vmmov @!p0 $0x1  }
0x206: {  	v32 =	vnsel @!p0 vm8, $0x0, v32  }
0x207: {  	v32 =	vxor.u32 @!p0 $0x80000000, v32  }
0x208: {  	(xrf0) =	vmax.scan.msk.u32 @!p0 $0xffff, v32;
	_ =	sdelay $0x5  }
0x209: {  	v32, _, _ =	vpop @!p0 (xrf0)  }
0x20a: {  	(v2sf) =	vpush @!p0 v32, $0xF;
	_ =	sdelay $0xe  }
0x20b: {  	s15 =	spop @!p0 (v2sf)  }
0x20c: {  	s16 =	sxor.u32 @!p0 $0x80000000, s15  }
0x20d: {  	p1 =	sgt.s32 @!p0 s15, $0xFFFFFFFF;
	s17 =	sand.u32 @!p0 $0x7F, s15;
	p2 =	slt.s32 @!p0 s16, $0x1  }
0x20e: {  	p1 =	por @!p0 p1, p2;
	p2 =	sne.s32 @!p0 s17, $0x0  }
0x20f: {  	s16 =	sshra.s32 @!p0 s16, $0x1F;
	p1 =	por @!p0 !p2, !p1  }
0x210: {  	s16 =	sshrl.u32 @!p0 s16, $0x19;
	p1 =	por @!p0 !p1, !p1  }
0x211: {  	s15 =	sadd.s32 @!p0 s16, s15;
	s16 =	simm.s32 @!p0 $0x1;
	p1 =	por !p1, p0  }
0x212: {  	s15 =	sshrl.u32 @!p0 s15, $0x7;
	s16 =	simm.s32 @p1 $0x0  }
0x213: {  	s15 =	ssub.s32 @!p0 s15, s16  }
0x214: {  	s15 =	sshll.u32 @!p0 s15, $0x7  }
0x215: {  	s18 =	simm.s32 @!p0 $0x280;
	s15 =	sand.u32 @!p0 $0x1FFFFF80, s15  }
0x216: {  	s16 =	simm.s32 @!p0 $0x7A1400;
	s17 =	sadd.s32 @!p0 s1, s15;
	s15 =	simm.s32 @!p0 $0x400  }
0x217: {  	[tilespmem:s18], [sflag:$0x1] =	stream.strided.gather @!p0 [hbm4b:s17+s15], $0x1000, s16, s15, $0x38;
	[tilespmem:$0x10A80] =	vst v63  }
0x218: {  	v32 =	vld @!p0 [tilespmem:s12+$0x8];
	_ =	sdelay $0x3  }
0x219: {  	vm8 =	vcmask @!p0 $0x308  }
0x21a: {  	v32 =	vsel @!p0 vm8, $0x0, v32  }
0x21b: {  	v32 =	vxor.u32 @!p0 $0x80000000, v32  }
0x21c: {  	(xrf0) =	vmax.scan.msk.u32 @!p0 $0xffff, v32;
	_ =	sdelay $0x5  }
0x21d: {  	v32, _, _ =	vpop @!p0 (xrf0)  }
0x21e: {  	(v2sf) =	vpush @!p0 v32, $0xF;
	_ =	sdelay $0xe  }
0x21f: {  	s17 =	spop @!p0 (v2sf)  }
0x220: {  	s18 =	sxor.u32 @!p0 $0x80000000, s17  }
0x221: {  	p1 =	sgt.s32 @!p0 s17, $0xFFFFFFFF;
	s4 =	sand.u32 @!p0 $0x7F, s17;
	p2 =	slt.s32 @!p0 s18, $0x1  }
0x222: {  	p1 =	por @!p0 p1, p2;
	p2 =	sne.s32 @!p0 s4, $0x0  }
0x223: {  	s4 =	sshra.s32 @!p0 s18, $0x1F;
	p1 =	por @!p0 !p2, !p1  }
0x224: {  	s4 =	sshrl.u32 @!p0 s4, $0x19;
	p1 =	por @!p0 !p1, !p1  }
0x225: {  	s4 =	sadd.s32 @!p0 s4, s17;
	s17 =	simm.s32 @!p0 $0x1;
	p1 =	por !p1, p0  }
0x226: {  	s4 =	sshrl.u32 @!p0 s4, $0x7;
	s17 =	simm.s32 @p1 $0x0  }
0x227: {  	s4 =	ssub.s32 @!p0 s4, s17  }
0x228: {  	s4 =	sshll.u32 @!p0 s4, $0x7  }
0x229: {  	s4 =	sand.u32 @!p0 $0x1FFFFF80, s4  }
0x22a: {  	s17 =	simm.s32 @!p0 $0x1280;
	s4 =	sadd.s32 @!p0 s1, s4  }
0x22b: {  	[tilespmem:s17], [sflag:$0x1] =	stream.strided.gather @!p0 [hbm4b:s4+s15], $0x1000, s16, s15, $0x38;
	[tilespmem:$0x10A80] =	vst v63  }
0x22c: {  	v32 =	vld @!p0 [tilespmem:s12+$0x8];
	_ =	sdelay $0x3  }
0x22d: {  	vm8 =	vcmask @!p0 $0x70C  }
0x22e: {  	v32 =	vsel @!p0 vm8, $0x0, v32  }
0x22f: {  	v32 =	vxor.u32 @!p0 $0x80000000, v32  }
0x230: {  	(xrf0) =	vmax.scan.msk.u32 @!p0 $0xffff, v32;
	_ =	sdelay $0x5  }
0x231: {  	v32, _, _ =	vpop @!p0 (xrf0)  }
0x232: {  	(v2sf) =	vpush @!p0 v32, $0xF;
	_ =	sdelay $0xe  }
0x233: {  	s4 =	spop @!p0 (v2sf)  }
0x234: {  	s17 =	sxor.u32 @!p0 $0x80000000, s4  }
0x235: {  	p1 =	sgt.s32 @!p0 s4, $0xFFFFFFFF;
	s18 =	sand.u32 @!p0 $0x7F, s4;
	p2 =	slt.s32 @!p0 s17, $0x1  }
0x236: {  	p1 =	por @!p0 p1, p2;
	p2 =	sne.s32 @!p0 s18, $0x0  }
0x237: {  	s17 =	sshra.s32 @!p0 s17, $0x1F;
	p1 =	por @!p0 !p2, !p1  }
0x238: {  	s17 =	sshrl.u32 @!p0 s17, $0x19;
	p1 =	por @!p0 !p1, !p1  }
0x239: {  	s4 =	sadd.s32 @!p0 s17, s4;
	s17 =	simm.s32 @!p0 $0x1;
	p1 =	por !p1, p0  }
0x23a: {  	s4 =	sshrl.u32 @!p0 s4, $0x7;
	s17 =	simm.s32 @p1 $0x0  }
0x23b: {  	s4 =	ssub.s32 @!p0 s4, s17  }
0x23c: {  	s4 =	sshll.u32 @!p0 s4, $0x7  }
0x23d: {  	s4 =	sand.u32 @!p0 $0x1FFFFF80, s4  }
0x23e: {  	s17 =	simm.s32 @!p0 $0x2280;
	s4 =	sadd.s32 @!p0 s1, s4  }
0x23f: {  	[tilespmem:s17], [sflag:$0x1] =	stream.strided.gather @!p0 [hbm4b:s4+s15], $0x1000, s16, s15, $0x38;
	[tilespmem:$0x10A80] =	vst v63  }
0x240: {  	v32 =	vld @!p0 [tilespmem:s12+$0x8];
	_ =	sdelay $0x3  }
0x241: {  	vm8 =	vcmask @!p0 $0xB10  }
0x242: {  	v32 =	vsel @!p0 vm8, $0x0, v32  }
0x243: {  	v32 =	vxor.u32 @!p0 $0x80000000, v32  }
0x244: {  	(xrf0) =	vmax.scan.msk.u32 @!p0 $0xffff, v32;
	_ =	sdelay $0x5  }
0x245: {  	v32, _, _ =	vpop @!p0 (xrf0)  }
0x246: {  	(v2sf) =	vpush @!p0 v32, $0xF;
	_ =	sdelay $0xe  }
0x247: {  	s4 =	spop @!p0 (v2sf)  }
0x248: {  	s17 =	sxor.u32 @!p0 $0x80000000, s4  }
0x249: {  	p1 =	sgt.s32 @!p0 s4, $0xFFFFFFFF;
	s18 =	sand.u32 @!p0 $0x7F, s4;
	p2 =	slt.s32 @!p0 s17, $0x1  }
0x24a: {  	p1 =	por @!p0 p1, p2;
	p2 =	sne.s32 @!p0 s18, $0x0  }
0x24b: {  	s17 =	sshra.s32 @!p0 s17, $0x1F;
	p1 =	por @!p0 !p2, !p1  }
0x24c: {  	s17 =	sshrl.u32 @!p0 s17, $0x19;
	p1 =	por @!p0 !p1, !p1  }
0x24d: {  	s4 =	sadd.s32 @!p0 s17, s4;
	s17 =	simm.s32 @!p0 $0x1;
	p1 =	por !p1, p0  }
0x24e: {  	s4 =	sshrl.u32 @!p0 s4, $0x7;
	s17 =	simm.s32 @p1 $0x0  }
0x24f: {  	s4 =	ssub.s32 @!p0 s4, s17  }
0x250: {  	s4 =	sshll.u32 @!p0 s4, $0x7  }
0x251: {  	s4 =	sand.u32 @!p0 $0x1FFFFF80, s4  }
0x252: {  	s17 =	simm.s32 @!p0 $0x3280;
	s4 =	sadd.s32 @!p0 s1, s4  }
0x253: {  	[tilespmem:s17], [sflag:$0x1] =	stream.strided.gather @!p0 [hbm4b:s4+s15], $0x1000, s16, s15, $0x38;
	[tilespmem:$0x10A80] =	vst v63  }
0x254: {  	v32 =	vld @!p0 [tilespmem:s12+$0x8];
	_ =	sdelay $0x3  }
0x255: {  	vm8 =	vcmask @!p0 $0xF14  }
0x256: {  	v32 =	vsel @!p0 vm8, $0x0, v32  }
0x257: {  	v32 =	vxor.u32 @!p0 $0x80000000, v32  }
0x258: {  	(xrf0) =	vmax.scan.msk.u32 @!p0 $0xffff, v32;
	_ =	sdelay $0x5  }
0x259: {  	v32, _, _ =	vpop @!p0 (xrf0)  }
0x25a: {  	(v2sf) =	vpush @!p0 v32, $0xF;
	_ =	sdelay $0xe  }
0x25b: {  	s4 =	spop @!p0 (v2sf)  }
0x25c: {  	s17 =	sxor.u32 @!p0 $0x80000000, s4  }
0x25d: {  	p1 =	sgt.s32 @!p0 s4, $0xFFFFFFFF;
	s18 =	sand.u32 @!p0 $0x7F, s4;
	p2 =	slt.s32 @!p0 s17, $0x1  }
0x25e: {  	p1 =	por @!p0 p1, p2;
	p2 =	sne.s32 @!p0 s18, $0x0  }
0x25f: {  	s17 =	sshra.s32 @!p0 s17, $0x1F;
	p1 =	por @!p0 !p2, !p1  }
0x260: {  	s17 =	sshrl.u32 @!p0 s17, $0x19;
	p1 =	por @!p0 !p1, !p1  }
0x261: {  	s4 =	sadd.s32 @!p0 s17, s4;
	s17 =	simm.s32 @!p0 $0x1;
	p1 =	por !p1, p0  }
0x262: {  	s4 =	sshrl.u32 @!p0 s4, $0x7;
	s17 =	simm.s32 @p1 $0x0  }
0x263: {  	s4 =	ssub.s32 @!p0 s4, s17  }
0x264: {  	s4 =	sshll.u32 @!p0 s4, $0x7  }
0x265: {  	s4 =	sand.u32 @!p0 $0x1FFFFF80, s4  }
0x266: {  	s17 =	simm.s32 @!p0 $0x4280;
	s4 =	sadd.s32 @!p0 s1, s4  }
0x267: {  	[tilespmem:s17], [sflag:$0x1] =	stream.strided.gather @!p0 [hbm4b:s4+s15], $0x1000, s16, s15, $0x38;
	[tilespmem:$0x10A80] =	vst v63  }
0x268: {  	v32 =	vld @!p0 [tilespmem:s12+$0x8];
	_ =	sdelay $0x3  }
0x269: {  	vm8 =	vcmask @!p0 $0x1318  }
0x26a: {  	v32 =	vsel @!p0 vm8, $0x0, v32  }
0x26b: {  	v32 =	vxor.u32 @!p0 $0x80000000, v32  }
0x26c: {  	(xrf0) =	vmax.scan.msk.u32 @!p0 $0xffff, v32;
	_ =	sdelay $0x5  }
0x26d: {  	v32, _, _ =	vpop @!p0 (xrf0)  }
0x26e: {  	(v2sf) =	vpush @!p0 v32, $0xF;
	_ =	sdelay $0xe  }
0x26f: {  	s4 =	spop @!p0 (v2sf)  }
0x270: {  	s17 =	sxor.u32 @!p0 $0x80000000, s4  }
0x271: {  	p1 =	sgt.s32 @!p0 s4, $0xFFFFFFFF;
	s18 =	sand.u32 @!p0 $0x7F, s4;
	p2 =	slt.s32 @!p0 s17, $0x1  }
0x272: {  	p1 =	por @!p0 p1, p2;
	p2 =	sne.s32 @!p0 s18, $0x0  }
0x273: {  	s17 =	sshra.s32 @!p0 s17, $0x1F;
	p1 =	por @!p0 !p2, !p1  }
0x274: {  	s17 =	sshrl.u32 @!p0 s17, $0x19;
	p1 =	por @!p0 !p1, !p1  }
0x275: {  	s4 =	sadd.s32 @!p0 s17, s4;
	s17 =	simm.s32 @!p0 $0x1;
	p1 =	por !p1, p0  }
0x276: {  	s4 =	sshrl.u32 @!p0 s4, $0x7;
	s17 =	simm.s32 @p1 $0x0  }
0x277: {  	s4 =	ssub.s32 @!p0 s4, s17  }
0x278: {  	s4 =	sshll.u32 @!p0 s4, $0x7  }
0x279: {  	s4 =	sand.u32 @!p0 $0x1FFFFF80, s4  }
0x27a: {  	s17 =	simm.s32 @!p0 $0x5280;
	s4 =	sadd.s32 @!p0 s1, s4  }
0x27b: {  	[tilespmem:s17], [sflag:$0x1] =	stream.strided.gather @!p0 [hbm4b:s4+s15], $0x1000, s16, s15, $0x38;
	[tilespmem:$0x10A80] =	vst v63  }
0x27c: {  	v32 =	vld @!p0 [tilespmem:s12+$0x8];
	_ =	sdelay $0x3  }
0x27d: {  	vm8 =	vcmask @!p0 $0x171C  }
0x27e: {  	v32 =	vsel @!p0 vm8, $0x0, v32  }
0x27f: {  	v32 =	vxor.u32 @!p0 $0x80000000, v32  }
0x280: {  	(xrf0) =	vmax.scan.msk.u32 @!p0 $0xffff, v32;
	_ =	sdelay $0x5  }
0x281: {  	v32, _, _ =	vpop @!p0 (xrf0)  }
0x282: {  	(v2sf) =	vpush @!p0 v32, $0xF;
	_ =	sdelay $0xe  }
0x283: {  	s4 =	spop @!p0 (v2sf)  }
0x284: {  	s17 =	sxor.u32 @!p0 $0x80000000, s4  }
0x285: {  	p1 =	sgt.s32 @!p0 s4, $0xFFFFFFFF;
	s18 =	sand.u32 @!p0 $0x7F, s4;
	p2 =	slt.s32 @!p0 s17, $0x1  }
0x286: {  	p1 =	por @!p0 p1, p2;
	p2 =	sne.s32 @!p0 s18, $0x0  }
0x287: {  	s17 =	sshra.s32 @!p0 s17, $0x1F;
	p1 =	por @!p0 !p2, !p1  }
0x288: {  	s17 =	sshrl.u32 @!p0 s17, $0x19;
	p1 =	por @!p0 !p1, !p1  }
0x289: {  	s4 =	sadd.s32 @!p0 s17, s4;
	s17 =	simm.s32 @!p0 $0x1;
	p1 =	por !p1, p0  }
0x28a: {  	s4 =	sshrl.u32 @!p0 s4, $0x7;
	s17 =	simm.s32 @p1 $0x0  }
0x28b: {  	s4 =	ssub.s32 @!p0 s4, s17  }
0x28c: {  	s4 =	sshll.u32 @!p0 s4, $0x7  }
0x28d: {  	s4 =	sand.u32 @!p0 $0x1FFFFF80, s4  }
0x28e: {  	s17 =	simm.s32 @!p0 $0x6280;
	s4 =	sadd.s32 @!p0 s1, s4  }
0x28f: {  	[tilespmem:s17], [sflag:$0x1] =	stream.strided.gather @!p0 [hbm4b:s4+s15], $0x1000, s16, s15, $0x38;
	[tilespmem:$0x10A80] =	vst v63  }
0x290: {  	v32 =	vld @!p0 [tilespmem:s12+$0x8];
	_ =	sdelay $0x3  }
0x291: {  	vm8 =	vcmask @!p0 $0x1B20  }
0x292: {  	v32 =	vsel @!p0 vm8, $0x0, v32  }
0x293: {  	v32 =	vxor.u32 @!p0 $0x80000000, v32  }
0x294: {  	(xrf0) =	vmax.scan.msk.u32 @!p0 $0xffff, v32;
	_ =	sdelay $0x5  }
0x295: {  	v32, _, _ =	vpop @!p0 (xrf0)  }
0x296: {  	(v2sf) =	vpush @!p0 v32, $0xF;
	_ =	sdelay $0xe  }
0x297: {  	s4 =	spop @!p0 (v2sf)  }
0x298: {  	s17 =	sxor.u32 @!p0 $0x80000000, s4  }
0x299: {  	p1 =	sgt.s32 @!p0 s4, $0xFFFFFFFF;
	s18 =	sand.u32 @!p0 $0x7F, s4;
	p2 =	slt.s32 @!p0 s17, $0x1  }
0x29a: {  	p1 =	por @!p0 p1, p2;
	p2 =	sne.s32 @!p0 s18, $0x0  }
0x29b: {  	s17 =	sshra.s32 @!p0 s17, $0x1F;
	p1 =	por @!p0 !p2, !p1  }
0x29c: {  	s17 =	sshrl.u32 @!p0 s17, $0x19;
	p1 =	por @!p0 !p1, !p1  }
0x29d: {  	s18 =	simm.s32 @!p0 $0x1;
	s4 =	sadd.s32 @!p0 s17, s4;
	p1 =	por !p1, p0  }
0x29e: {  	s4 =	sshrl.u32 @!p0 s4, $0x7;
	s18 =	simm.s32 @p1 $0x0  }
0x29f: {  	s4 =	ssub.s32 @!p0 s4, s18  }
0x2a0: {  	s4 =	sshll.u32 @!p0 s4, $0x7  }
0x2a1: {  	s4 =	sand.u32 @!p0 $0x1FFFFF80, s4  }
0x2a2: {  	s17 =	simm.s32 @!p0 $0x7280;
	p1 =	seq.s32 @!p0 s13, $0x0;
	s4 =	sadd.s32 @!p0 s1, s4  }
0x2a3: {  	[tilespmem:s17], [sflag:$0x1] =	stream.strided.gather @!p0 [hbm4b:s4+s15], $0x1000, s16, s15, $0x38;
	[tilespmem:$0x10A80] =	vst v63  }
0x2a4: {  	p0 =	por p0, !p1  }
0x2a5: {  	_ =	swait.ge @p0 [sflag:s0], $0x400  }
0x2a6: {  	[sflag:s0] =	ssyncset.done @p0 $0x0  }
0x2a7: {  	[sflag:s0] =	ssyncadd.s32 @p0 $0xFFFFFC00  }
0x2a8: {  	_ =	swait.ge [sflag:s29], $0x1000  }
0x2a9: {  	[sflag:s29] =	ssyncset.done $0x0  }
0x2aa: {  	[sflag:s29] =	ssyncadd.s32 $0xFFFFF000  }
0x2ab: {  	v40 =	vld [tilespmem:s12+$0x0];
	_ =	sdelay $0x4  }
0x2ac: {  	v32 =	vnsel vm0, $0x0, v40  }
0x2ad: {  	v32 =	vxor.u32 $0x80000000, v32  }
0x2ae: {  	(xrf0) =	vmax.scan.msk.u32 $0xffff, v32;
	_ =	sdelay $0x5  }
0x2af: {  	v32, _, _ =	vpop (xrf0)  }
0x2b0: {  	(v2sf) =	vpush v32, $0xF;
	_ =	sdelay $0xe  }
0x2b1: {  	s16 =	spop (v2sf)  }
0x2b2: {  	s15 =	sxor.u32 $0x80000000, s16  }
0x2b3: {  	p2 =	sgt.s32 s16, $0xFFFFFFFF;
	s4 =	sand.u32 $0x7F, s16;
	p1 =	slt.s32 s15, $0x1  }
0x2b4: {  	s17 =	sshra.s32 s15, $0x1F;
	p3 =	sne.s32 s4, $0x0;
	p0 =	por p2, p1  }
0x2b5: {  	s18 =	sshrl.u32 s17, $0x19;
	p0 =	por !p3, !p0  }
0x2b6: {  	s16 =	simm.s32 $0x1;
	s4 =	sadd.s32 s18, s15;
	p0 =	por !p0, !p0  }
0x2b7: {  	s4 =	sshrl.u32 s4, $0x7;
	s16 =	simm.s32 @!p0 $0x0  }
0x2b8: {  	s4 =	ssub.s32 s16, s4  }
0x2b9: {  	s4 =	sshll.u32 s4, $0x7  }
0x2ba: {  	s4 =	sadd.s32 s15, s4  }
0x2bb: {  	v41 =	vadd.s32 s4, v16  }
0x2bc: {  	v42 =	vadd.s32 s4, v17;
	_ =	sdelay $0x3  }
0x2bd: {  	v32 =	vld.idx.msk [tilespmem:v41+s11+$0x0], $0xffff  }
0x2be: {  	v33 =	vld.idx.msk [tilespmem:v42+s11+$0x0], $0xffff;
	_ =	sdelay $0x3  }
0x2bf: {  	[tilespmem:$0x10680] =	vst v32  }
0x2c0: {  	[tilespmem:$0x10690] =	vst v33  }
0x2c1: {  	_ =	swait.ge [sflag:s29], $0x1000  }
0x2c2: {  	[sflag:s29] =	ssyncset.done $0x0  }
0x2c3: {  	[sflag:s29] =	ssyncadd.s32 $0xFFFFF000  }
0x2c4: {  	v43 =	vld [tilespmem:s12+$0x0];
	_ =	sdelay $0x4  }
0x2c5: {  	v32 =	vsel vm1, $0x0, v43  }
0x2c6: {  	v32 =	vxor.u32 $0x80000000, v32  }
0x2c7: {  	(xrf0) =	vmax.scan.msk.u32 $0xffff, v32;
	_ =	sdelay $0x5  }
0x2c8: {  	v32, _, _ =	vpop (xrf0)  }
0x2c9: {  	(v2sf) =	vpush v32, $0xF;
	_ =	sdelay $0xe  }
0x2ca: {  	s16 =	spop (v2sf)  }
0x2cb: {  	s15 =	sxor.u32 $0x80000000, s16  }
0x2cc: {  	p5 =	sgt.s32 s16, $0xFFFFFFFF;
	s4 =	sand.u32 $0x7F, s16;
	p4 =	slt.s32 s15, $0x1  }
0x2cd: {  	s17 =	sshra.s32 s15, $0x1F;
	p6 =	sne.s32 s4, $0x0;
	p0 =	por p5, p4  }
0x2ce: {  	s18 =	sshrl.u32 s17, $0x19;
	p0 =	por !p6, !p0  }
0x2cf: {  	s16 =	simm.s32 $0x1;
	s4 =	sadd.s32 s18, s15;
	p0 =	por !p0, !p0  }
0x2d0: {  	s4 =	sshrl.u32 s4, $0x7;
	s16 =	simm.s32 @!p0 $0x0  }
0x2d1: {  	s4 =	ssub.s32 s16, s4  }
0x2d2: {  	s4 =	sshll.u32 s4, $0x7  }
0x2d3: {  	s4 =	sadd.s32 s15, s4  }
0x2d4: {  	v44 =	vadd.s32 s4, v18  }
0x2d5: {  	v45 =	vadd.s32 s4, v19;
	_ =	sdelay $0x3  }
0x2d6: {  	v32 =	vld.idx.msk [tilespmem:v44+s11+$0x0], $0xffff  }
0x2d7: {  	v33 =	vld.idx.msk [tilespmem:v45+s11+$0x0], $0xffff;
	_ =	sdelay $0x3  }
0x2d8: {  	[tilespmem:$0x10700] =	vst v32  }
0x2d9: {  	[tilespmem:$0x10710] =	vst v33  }
0x2da: {  	_ =	swait.ge [sflag:s29], $0x1000  }
0x2db: {  	[sflag:s29] =	ssyncset.done $0x0  }
0x2dc: {  	[sflag:s29] =	ssyncadd.s32 $0xFFFFF000  }
0x2dd: {  	v46 =	vld [tilespmem:s12+$0x0];
	_ =	sdelay $0x4  }
0x2de: {  	v32 =	vsel vm2, $0x0, v46  }
0x2df: {  	v32 =	vxor.u32 $0x80000000, v32  }
0x2e0: {  	(xrf0) =	vmax.scan.msk.u32 $0xffff, v32;
	_ =	sdelay $0x5  }
0x2e1: {  	v32, _, _ =	vpop (xrf0)  }
0x2e2: {  	(v2sf) =	vpush v32, $0xF;
	_ =	sdelay $0xe  }
0x2e3: {  	s16 =	spop (v2sf)  }
0x2e4: {  	s15 =	sxor.u32 $0x80000000, s16  }
0x2e5: {  	p2 =	sgt.s32 s16, $0xFFFFFFFF;
	s4 =	sand.u32 $0x7F, s16;
	p1 =	slt.s32 s15, $0x1  }
0x2e6: {  	s17 =	sshra.s32 s15, $0x1F;
	p3 =	sne.s32 s4, $0x0;
	p0 =	por p2, p1  }
0x2e7: {  	s18 =	sshrl.u32 s17, $0x19;
	p0 =	por !p3, !p0  }
0x2e8: {  	s16 =	simm.s32 $0x1;
	s4 =	sadd.s32 s18, s15;
	p0 =	por !p0, !p0  }
0x2e9: {  	s4 =	sshrl.u32 s4, $0x7;
	s16 =	simm.s32 @!p0 $0x0  }
0x2ea: {  	s4 =	ssub.s32 s16, s4  }
0x2eb: {  	s4 =	sshll.u32 s4, $0x7  }
0x2ec: {  	s4 =	sadd.s32 s15, s4  }
0x2ed: {  	v47 =	vadd.s32 s4, v20  }
0x2ee: {  	v48 =	vadd.s32 s4, v21;
	_ =	sdelay $0x3  }
0x2ef: {  	v32 =	vld.idx.msk [tilespmem:v47+s11+$0x0], $0xffff  }
0x2f0: {  	v33 =	vld.idx.msk [tilespmem:v48+s11+$0x0], $0xffff;
	_ =	sdelay $0x3  }
0x2f1: {  	[tilespmem:$0x10780] =	vst v32  }
0x2f2: {  	[tilespmem:$0x10790] =	vst v33  }
0x2f3: {  	_ =	swait.ge [sflag:s29], $0x1000  }
0x2f4: {  	[sflag:s29] =	ssyncset.done $0x0  }
0x2f5: {  	[sflag:s29] =	ssyncadd.s32 $0xFFFFF000  }
0x2f6: {  	v49 =	vld [tilespmem:s12+$0x0];
	_ =	sdelay $0x4  }
0x2f7: {  	v32 =	vsel vm3, $0x0, v49  }
0x2f8: {  	v32 =	vxor.u32 $0x80000000, v32  }
0x2f9: {  	(xrf0) =	vmax.scan.msk.u32 $0xffff, v32;
	_ =	sdelay $0x5  }
0x2fa: {  	v32, _, _ =	vpop (xrf0)  }
0x2fb: {  	(v2sf) =	vpush v32, $0xF;
	_ =	sdelay $0xe  }
0x2fc: {  	s16 =	spop (v2sf)  }
0x2fd: {  	s15 =	sxor.u32 $0x80000000, s16  }
0x2fe: {  	p5 =	sgt.s32 s16, $0xFFFFFFFF;
	s4 =	sand.u32 $0x7F, s16;
	p4 =	slt.s32 s15, $0x1  }
0x2ff: {  	s17 =	sshra.s32 s15, $0x1F;
	p6 =	sne.s32 s4, $0x0;
	p0 =	por p5, p4  }
0x300: {  	s18 =	sshrl.u32 s17, $0x19;
	p0 =	por !p6, !p0  }
0x301: {  	s16 =	simm.s32 $0x1;
	s4 =	sadd.s32 s18, s15;
	p0 =	por !p0, !p0  }
0x302: {  	s4 =	sshrl.u32 s4, $0x7;
	s16 =	simm.s32 @!p0 $0x0  }
0x303: {  	s4 =	ssub.s32 s16, s4  }
0x304: {  	s4 =	sshll.u32 s4, $0x7  }
0x305: {  	s4 =	sadd.s32 s15, s4  }
0x306: {  	v50 =	vadd.s32 s4, v22  }
0x307: {  	v51 =	vadd.s32 s4, v23;
	_ =	sdelay $0x3  }
0x308: {  	v32 =	vld.idx.msk [tilespmem:v50+s11+$0x0], $0xffff  }
0x309: {  	v33 =	vld.idx.msk [tilespmem:v51+s11+$0x0], $0xffff;
	_ =	sdelay $0x3  }
0x30a: {  	[tilespmem:$0x10800] =	vst v32  }
0x30b: {  	[tilespmem:$0x10810] =	vst v33  }
0x30c: {  	_ =	swait.ge [sflag:s29], $0x1000  }
0x30d: {  	[sflag:s29] =	ssyncset.done $0x0  }
0x30e: {  	[sflag:s29] =	ssyncadd.s32 $0xFFFFF000  }
0x30f: {  	v52 =	vld [tilespmem:s12+$0x0];
	_ =	sdelay $0x4  }
0x310: {  	v32 =	vsel vm4, $0x0, v52  }
0x311: {  	v32 =	vxor.u32 $0x80000000, v32  }
0x312: {  	(xrf0) =	vmax.scan.msk.u32 $0xffff, v32;
	_ =	sdelay $0x5  }
0x313: {  	v32, _, _ =	vpop (xrf0)  }
0x314: {  	(v2sf) =	vpush v32, $0xF;
	_ =	sdelay $0xe  }
0x315: {  	s16 =	spop (v2sf)  }
0x316: {  	s15 =	sxor.u32 $0x80000000, s16  }
0x317: {  	p2 =	sgt.s32 s16, $0xFFFFFFFF;
	s4 =	sand.u32 $0x7F, s16;
	p1 =	slt.s32 s15, $0x1  }
0x318: {  	s17 =	sshra.s32 s15, $0x1F;
	p3 =	sne.s32 s4, $0x0;
	p0 =	por p2, p1  }
0x319: {  	s18 =	sshrl.u32 s17, $0x19;
	p0 =	por !p3, !p0  }
0x31a: {  	s16 =	simm.s32 $0x1;
	s4 =	sadd.s32 s18, s15;
	p0 =	por !p0, !p0  }
0x31b: {  	s4 =	sshrl.u32 s4, $0x7;
	s16 =	simm.s32 @!p0 $0x0  }
0x31c: {  	s4 =	ssub.s32 s16, s4  }
0x31d: {  	s4 =	sshll.u32 s4, $0x7  }
0x31e: {  	s4 =	sadd.s32 s15, s4  }
0x31f: {  	v53 =	vadd.s32 s4, v24  }
0x320: {  	v54 =	vadd.s32 s4, v25;
	_ =	sdelay $0x3  }
0x321: {  	v32 =	vld.idx.msk [tilespmem:v53+s11+$0x0], $0xffff  }
0x322: {  	v33 =	vld.idx.msk [tilespmem:v54+s11+$0x0], $0xffff;
	_ =	sdelay $0x3  }
0x323: {  	[tilespmem:$0x10880] =	vst v32  }
0x324: {  	[tilespmem:$0x10890] =	vst v33  }
0x325: {  	_ =	swait.ge [sflag:s29], $0x1000  }
0x326: {  	[sflag:s29] =	ssyncset.done $0x0  }
0x327: {  	[sflag:s29] =	ssyncadd.s32 $0xFFFFF000  }
0x328: {  	v55 =	vld [tilespmem:s12+$0x0];
	_ =	sdelay $0x4  }
0x329: {  	v32 =	vsel vm5, $0x0, v55  }
0x32a: {  	v32 =	vxor.u32 $0x80000000, v32  }
0x32b: {  	(xrf0) =	vmax.scan.msk.u32 $0xffff, v32;
	_ =	sdelay $0x5  }
0x32c: {  	v32, _, _ =	vpop (xrf0)  }
0x32d: {  	(v2sf) =	vpush v32, $0xF;
	_ =	sdelay $0xe  }
0x32e: {  	s16 =	spop (v2sf)  }
0x32f: {  	s15 =	sxor.u32 $0x80000000, s16  }
0x330: {  	p5 =	sgt.s32 s16, $0xFFFFFFFF;
	s4 =	sand.u32 $0x7F, s16;
	p4 =	slt.s32 s15, $0x1  }
0x331: {  	s17 =	sshra.s32 s15, $0x1F;
	p6 =	sne.s32 s4, $0x0;
	p0 =	por p5, p4  }
0x332: {  	s18 =	sshrl.u32 s17, $0x19;
	p0 =	por !p6, !p0  }
0x333: {  	s16 =	simm.s32 $0x1;
	s4 =	sadd.s32 s18, s15;
	p0 =	por !p0, !p0  }
0x334: {  	s4 =	sshrl.u32 s4, $0x7;
	s16 =	simm.s32 @!p0 $0x0  }
0x335: {  	s4 =	ssub.s32 s16, s4  }
0x336: {  	s4 =	sshll.u32 s4, $0x7  }
0x337: {  	s4 =	sadd.s32 s15, s4  }
0x338: {  	v56 =	vadd.s32 s4, v26  }
0x339: {  	v57 =	vadd.s32 s4, v27;
	_ =	sdelay $0x3  }
0x33a: {  	v32 =	vld.idx.msk [tilespmem:v56+s11+$0x0], $0xffff  }
0x33b: {  	v33 =	vld.idx.msk [tilespmem:v57+s11+$0x0], $0xffff;
	_ =	sdelay $0x3  }
0x33c: {  	[tilespmem:$0x10900] =	vst v32  }
0x33d: {  	[tilespmem:$0x10910] =	vst v33  }
0x33e: {  	_ =	swait.ge [sflag:s29], $0x1000  }
0x33f: {  	[sflag:s29] =	ssyncset.done $0x0  }
0x340: {  	[sflag:s29] =	ssyncadd.s32 $0xFFFFF000  }
0x341: {  	v58 =	vld [tilespmem:s12+$0x0];
	_ =	sdelay $0x4  }
0x342: {  	v32 =	vsel vm6, $0x0, v58  }
0x343: {  	v32 =	vxor.u32 $0x80000000, v32  }
0x344: {  	(xrf0) =	vmax.scan.msk.u32 $0xffff, v32;
	_ =	sdelay $0x5  }
0x345: {  	v32, _, _ =	vpop (xrf0)  }
0x346: {  	(v2sf) =	vpush v32, $0xF;
	_ =	sdelay $0xe  }
0x347: {  	s16 =	spop (v2sf)  }
0x348: {  	s17 =	sxor.u32 $0x80000000, s16  }
0x349: {  	p2 =	sgt.s32 s16, $0xFFFFFFFF;
	s4 =	sand.u32 $0x7F, s16;
	p1 =	slt.s32 s17, $0x1  }
0x34a: {  	s18 =	sshra.s32 s17, $0x1F;
	p3 =	sne.s32 s4, $0x0;
	p0 =	por p2, p1  }
0x34b: {  	s16 =	sshrl.u32 s18, $0x19;
	p0 =	por !p3, !p0  }
0x34c: {  	s4 =	sadd.s32 s16, s17;
	s16 =	simm.s32 $0x1;
	p0 =	por !p0, !p0  }
0x34d: {  	s4 =	sshrl.u32 s4, $0x7;
	s16 =	simm.s32 @!p0 $0x0  }
0x34e: {  	s4 =	ssub.s32 s16, s4  }
0x34f: {  	s4 =	sshll.u32 s4, $0x7  }
0x350: {  	s4 =	sadd.s32 s17, s4  }
0x351: {  	v59 =	vadd.s32 s4, v28  }
0x352: {  	v60 =	vadd.s32 s4, v29;
	_ =	sdelay $0x3  }
0x353: {  	v32 =	vld.idx.msk [tilespmem:v59+s11+$0x0], $0xffff  }
0x354: {  	v33 =	vld.idx.msk [tilespmem:v60+s11+$0x0], $0xffff;
	_ =	sdelay $0x3  }
0x355: {  	[tilespmem:$0x10980] =	vst v32  }
0x356: {  	[tilespmem:$0x10990] =	vst v33  }
0x357: {  	_ =	swait.ge [sflag:s29], $0x1000  }
0x358: {  	[sflag:s29] =	ssyncset.done $0x0  }
0x359: {  	[sflag:s29] =	ssyncadd.s32 $0xFFFFF000  }
0x35a: {  	v61 =	vld [tilespmem:s12+$0x0];
	_ =	sdelay $0x4  }
0x35b: {  	v32 =	vsel vm7, $0x0, v61  }
0x35c: {  	v32 =	vxor.u32 $0x80000000, v32  }
0x35d: {  	(xrf0) =	vmax.scan.msk.u32 $0xffff, v32;
	_ =	sdelay $0x5  }
0x35e: {  	v32, _, _ =	vpop (xrf0)  }
0x35f: {  	(v2sf) =	vpush v32, $0xF;
	_ =	sdelay $0xe  }
0x360: {  	s17 =	spop (v2sf)  }
0x361: {  	s15 =	sxor.u32 $0x80000000, s17  }
0x362: {  	p5 =	sgt.s32 s17, $0xFFFFFFFF;
	s4 =	sand.u32 $0x7F, s17;
	p4 =	slt.s32 s15, $0x1  }
0x363: {  	s18 =	sshra.s32 s15, $0x1F;
	p6 =	sne.s32 s4, $0x0;
	p0 =	por p5, p4  }
0x364: {  	s17 =	sshrl.u32 s18, $0x19;
	p0 =	por !p6, !p0  }
0x365: {  	s16 =	simm.s32 $0x1;
	s4 =	sadd.s32 s17, s15;
	p0 =	por !p0, !p0  }
0x366: {  	s4 =	sshrl.u32 s4, $0x7;
	s16 =	simm.s32 @!p0 $0x0  }
0x367: {  	s4 =	ssub.s32 s16, s4  }
0x368: {  	s4 =	sshll.u32 s4, $0x7  }
0x369: {  	s4 =	sadd.s32 s15, s4  }
0x36a: {  	v62 =	vadd.s32 s4, v30  }
0x36b: {  	v63 =	vadd.s32 s4, v31;
	_ =	sdelay $0x3  }
0x36c: {  	v32 =	vld.idx.msk [tilespmem:v62+s11+$0x0], $0xffff  }
0x36d: {  	s13 =	sadd.s32 $0x100, s13;
	v33 =	vld.idx.msk [tilespmem:v63+s11+$0x0], $0xffff  }
0x36e: {  	p0 =	sne.s32 s13, $0x2000  }
.Ltmp0:
0x36f: {  	_ = 	snop;
	(pc) =	sbr.rel @p0 .LBB2_2-.Ltmp0, $4  }
0x370: {  	_ = 	snop  }
0x371: {  	[tilespmem:$0x10A00] =	vst v32  }
0x372: {  	s12 =	sadd.s32 $0x10, s12;
	s18 =	sadd.s32 $0x80, s14;
	[tilespmem:$0x10A10] =	vst v33  }
0x373: {  	[hbm4b:s18+s3] =	stream.linear.scatter [tilespmem:s30], [sflag:$0x4], $0x400, $0x38;
	[tilespmem:$0x10A80] =	vst v63  }
0x374: {  	s2 =	sadd.s32 $0x1, s2  }
0x375: {  	_ =	swait.ge [sflag:s31], $0x400;
	p0 =	sne.s32 s2, s5  }
.Ltmp1:
0x376: {  	[sflag:s31] =	ssyncset.done $0x0;
	(pc) =	sbr.rel @p0 .LBB2_1-.Ltmp1, $4  }
0x377: {  	[sflag:s31] =	ssyncadd.s32 $0xFFFFFC00  }
0x378: {  	_ =	swait.ge [sflag:s0], $0x400  }
0x379: {  	[sflag:s0] =	ssyncset.done $0x0  }
0x37a: {  	[sflag:s0] =	ssyncadd.s32 $0xFFFFFC00  }
0x37b: {  	_ =	sfence.sel $0x180000  }
0x37c: {  	[bflag:$0x0] =	sbarrier.arrive $0xFFFF  }
0x37d: {  	_ =	strace $0x90000047  }
0x37e: {  	s0 =	stileid.u32;
	[bflag:$0x2] =	sbarrier.arrive $0xFFFF  }
0x37f: {  	p0 =	sne.s32 s0, $0x0;
	s0 =	rddreg [dreg:$0x3]  }
0x380: {  	s0 =	sadd.s32 @!p0 $0x100000, s0  }
0x381: {  	[sflag:s0] =	ssyncadd.tile.s32 @!p0 $0x1;
	_ =	shalt  }
.Lfunc_end2:
_tile_overlayer_lowered:
.L_overlay_start_2:
0x382: {  	(tag) =	ssettag $0x2  }
0x383: {  	s0 =	rddreg [dreg:$0x0];
	s2 =	stileid.u32  }
0x384: {  	s1 =	rddreg [dreg:$0x1];
	p0 =	sne.s32 s2, $0x0  }
0x385: {  	s3 =	rddreg [dreg:$0x2];
	[bflag:$0x3] =	sbarrier.arrive $0xFFFF;
	s2 =	simm.s32 @!p0 $0x1C05  }
0x386: {  	[timem:s3], [sflag:s2] =	dma.local @!p0 [hbm:s0], s1  }
0x387: {  	s0 =	simm.s32 @!p0 $0x5  }
0x388: {  	_ =	swait.ge @!p0 [sflag:s0], s1  }
0x389: {  	s1 =	ssub.s32 @!p0 $0x0, s1;
	[sflag:s0] =	ssyncset.done @!p0 $0x0  }
0x38a: {  	[sflag:s0] =	ssyncadd.s32 @!p0 s1  }
0x38b: {  	[bflag:$0x3] =	sbarrier.arrive $0xFFFF  }
0x38c: {  	_ =	shalt  }

// kernel: kernel.7.cloned.1.call-start
scs
__scs_entry_jumppad:
0x0: {  	(pc) =	sbr.rel $0x88, $3  }
0x1: {  	(tag) =	ssettag $0x0;
	lr =	simm.s32 $0x1  }
0x2: {  	[smem:$0x3F99] =	sst lr;
	_ =	strace $0xD0000000  }
0x3: {  	_ = 	snop  }
0x4: {  	_ = 	snop  }
0x5: {  	_ = 	snop  }
0x6: {  	_ = 	snop  }
0x7: {  	_ = 	snop  }
__scs_overlays_trampoline_lowered:
0x8: {  	[smem:$0x3FA8] =	sst s0  }
0x9: {  	[smem:$0x3FA9] =	sst s1  }
0xa: {  	[smem:$0x3FAA] =	sst s2  }
0xb: {  	[smem:$0x3FAB] =	sst s3  }
0xc: {  	[smem:$0x3FAC] =	sst s4  }
0xd: {  	[smem:$0x3FAD] =	sst s5  }
0xe: {  	[smem:$0x3FAE] =	sst s6  }
0xf: {  	[smem:$0x3FAF] =	sst s7  }
0x10: {  	[smem:$0x3FB0] =	sst s8  }
0x11: {  	[smem:$0x3FB1] =	sst s9;
	s0 =	simm.s32 @!p0 $0x0  }
0x12: {  	s1 =	sld [smem:$0x3F97];
	s0 =	simm.s32 @p0 $0x1  }
0x13: {  	[smem:$0x3FB2] =	sst s0;
	s0 =	simm.s32 @!p1 $0x0  }
0x14: {  	s2 =	sld [smem:$0x3F96];
	s0 =	simm.s32 @p1 $0x1  }
0x15: {  	[smem:$0x3FB3] =	sst s0;
	s0 =	simm.s32 @!p2 $0x0  }
0x16: {  	s3 =	sld [smem:$0x3FDB];
	s0 =	simm.s32 @p2 $0x1  }
0x17: {  	s4 =	simm.s32 $0x1BF5;
	[smem:$0x3FB5] =	sst s0  }
0x18: {  	s0 =	sld [smem:$0x3F98];
	_ =	swait.ge [sflag:s4], $0x0  }
0x19: {  	s7 =	sld [smem:$0x3F99]  }
0x1a: {  	s8 =	sadd.s32 $0xFFFFE003, lr  }
0x1b: {  	s9 =	sadd.s32 $0xFFFFFEF7, lr;
	s5 =	simm.s32 $0xFFFFFFFF;
	p2 =	slt.u32 s8, $0xFFFFF086  }
0x1c: {  	p1 =	slt.u32 s9, $0xF7A;
	s5 =	simm.s32 @!p2 $0x0  }
0x1d: {  	s5 =	simm.s32 @p1 $0x1;
	p0 =	seq.s32 s7, s2  }
0x1e: {  	s7 =	smul.u32 @!p0 $0xF7A, s2;
	p2 =	seq.s32 @!p0 s5, $0x0  }
0x1f: {  	s9 =	smul.u32 $0xF7A, s1;
	s8 =	simm.s32 @!p0 $0x1BF5;
	p2 =	por !p2, p0  }
0x20: {  	[sflag:s8] =	ssyncset.s32 @!p0 $0xFFFFF086;
	s6 =	sadd.s32 @!p0 s3, s7;
	s7 =	simm.s32 @!p0 $0x108  }
0x21: {  	s3 =	sadd.s32 s3, s9;
	s6 =	sadd.s32 @!p0 $0x88, s6;
	s7 =	simm.s32 @p2 $0x1082  }
0x22: {  	[simem:s7], [sflag:s8] =	dma.local @!p0 [hbm:s6], $0xF7A  }
0x23: {  	s9 =	sor.u32 $0xD0000000, s2;
	s6 =	simm.s32 $0x108;
	_ =	swait.ge @!p0 [sflag:s8], $0x0  }
0x24: {  	s3 =	sadd.s32 $0x88, s3;
	s6 =	simm.s32 @!p1 $0x1082;
	[sflag:s4] =	ssyncset.s32 $0xFFFFF086  }
0x25: {  	[simem:s6], [sflag:s4] =	dma.local [hbm:s3], $0xF7A  }
0x26: {  	[smem:$0x3F99] =	sst s1;
	(tag) =	ssettag s2;
	_ =	strace s9  }
0x27: {  	s1 =	sld [smem:$0x3FA9]  }
0x28: {  	s2 =	sld [smem:$0x3FAA]  }
0x29: {  	s4 =	sld [smem:$0x3FAC]  }
0x2a: {  	p0 =	seq.s32 s5, $0x0;
	s5 =	sld [smem:$0x3FAD]  }
0x2b: {  	s6 =	sld [smem:$0x3FAE]  }
0x2c: {  	s7 =	sld [smem:$0x3FAF]  }
0x2d: {  	s3 =	simm.s32 $0x108;
	s8 =	sld [smem:$0x3FB0]  }
0x2e: {  	s3 =	simm.s32 @!p0 $0x1082;
	s9 =	sld [smem:$0x3FB1]  }
0x2f: {  	lr =	sadd.s32 s0, s3;
	s0 =	sld [smem:$0x3FA8]  }
0x30: {  	s3 =	sld [smem:$0x3FAB]  }
0x31: {  	[smem:$0x3FB4] =	sst s10  }
0x32: {  	s10 =	sld [smem:$0x3FB2];
	_ =	sdelay $0x3  }
0x33: {  	p0 =	seq.s32 s10, $0x1;
	s10 =	sld [smem:$0x3FB4];
	_ =	sdelay $0x3  }
0x34: {  	[smem:$0x3FB4] =	sst s10  }
0x35: {  	s10 =	sld [smem:$0x3FB3];
	_ =	sdelay $0x3  }
0x36: {  	p1 =	seq.s32 s10, $0x1;
	s10 =	sld [smem:$0x3FB4];
	_ =	sdelay $0x3  }
0x37: {  	[smem:$0x3FB4] =	sst s10  }
0x38: {  	s10 =	sld [smem:$0x3FB5]  }
0x39: {  	_ = 	snop;
	(pc) =	sbr.ind lr, $3  }
0x3a: {  	_ = 	snop  }
0x3b: {  	_ = 	snop  }
0x3c: {  	p2 =	seq.s32 s10, $0x1;
	s10 =	sld [smem:$0x3FB4]  }
0x3d: {  	_ =	shalt  }
0x3e: {  	_ =	shalt  }
0x3f: {  	_ =	shalt  }
0x40: {  	_ =	shalt  }
0x41: {  	_ =	shalt  }
0x42: {  	_ =	shalt  }
0x43: {  	_ =	shalt  }
0x44: {  	_ =	shalt  }
0x45: {  	_ =	shalt  }
0x46: {  	_ =	shalt  }
0x47: {  	_ =	shalt  }
0x48: {  	_ =	shalt  }
0x49: {  	_ =	shalt  }
0x4a: {  	_ =	shalt  }
0x4b: {  	_ =	shalt  }
0x4c: {  	_ =	shalt  }
0x4d: {  	_ =	shalt  }
0x4e: {  	_ =	shalt  }
0x4f: {  	_ =	shalt  }
0x50: {  	_ =	shalt  }
0x51: {  	_ =	shalt  }
0x52: {  	_ =	shalt  }
0x53: {  	_ =	shalt  }
0x54: {  	_ =	shalt  }
0x55: {  	_ =	shalt  }
0x56: {  	_ =	shalt  }
0x57: {  	_ =	shalt  }
0x58: {  	_ =	shalt  }
0x59: {  	_ =	shalt  }
0x5a: {  	_ =	shalt  }
0x5b: {  	_ =	shalt  }
0x5c: {  	_ =	shalt  }
0x5d: {  	_ =	shalt  }
0x5e: {  	_ =	shalt  }
0x5f: {  	_ =	shalt  }
0x60: {  	_ =	shalt  }
0x61: {  	_ =	shalt  }
0x62: {  	_ =	shalt  }
0x63: {  	_ =	shalt  }
0x64: {  	_ =	shalt  }
0x65: {  	_ =	shalt  }
0x66: {  	_ =	shalt  }
0x67: {  	_ =	shalt  }
0x68: {  	_ =	shalt  }
0x69: {  	_ =	shalt  }
0x6a: {  	_ =	shalt  }
0x6b: {  	_ =	shalt  }
0x6c: {  	_ =	shalt  }
0x6d: {  	_ =	shalt  }
0x6e: {  	_ =	shalt  }
0x6f: {  	_ =	shalt  }
0x70: {  	_ =	shalt  }
0x71: {  	_ =	shalt  }
0x72: {  	_ =	shalt  }
0x73: {  	_ =	shalt  }
0x74: {  	_ =	shalt  }
0x75: {  	_ =	shalt  }
0x76: {  	_ =	shalt  }
0x77: {  	_ =	shalt  }
0x78: {  	_ =	shalt  }
0x79: {  	_ =	shalt  }
0x7a: {  	_ =	shalt  }
0x7b: {  	_ =	shalt  }
0x7c: {  	_ =	shalt  }
0x7d: {  	_ =	shalt  }
0x7e: {  	_ =	shalt  }
0x7f: {  	_ =	shalt  }
0x80: {  	_ =	shalt  }
0x81: {  	_ =	shalt  }
0x82: {  	_ =	shalt  }
0x83: {  	_ =	shalt  }
0x84: {  	_ =	shalt  }
0x85: {  	_ =	shalt  }
0x86: {  	_ =	shalt  }
0x87: {  	_ =	shalt  }
.Lfunc_end0:
.L_simem_size_0:
called_computation.1_lowered:
.L_overlay_start_0:
0x88: {  	s2 =	sld [smem:$0x3FD9]  }
0x89: {  	s3 =	sld [smem:$0x3FFE];
	_ =	sdelay $0x1  }
0x8a: {  	s1 =	srdreg.scid  }
0x8b: {  	s0 =	sand.u32 $0x1, s1  }
0x8c: {  	s17 =	sshll.u32 s0, $0xA;
	s2 =	sadd.s32 s3, s2  }
0x8d: {  	s2 =	sadd.s32 s2, s17  }
0x8e: {  	[smem:$0x3FC0] =	sst s2  }
0x8f: {  	_ = 	snop  }
0x90: {  	s2 =	sld [smem:$0x3FC8]  }
0x91: {  	s18 =	sld [smem:$0x3FC7]  }
0x92: {  	s4 =	sld [smem:$0x3FD0];
	(tm) =	ssettm $0x1  }
0x93: {  	s5 =	sld [smem:$0x3FFB];
	_ =	sdelay $0x3  }
0x94: {  	_ =	strace s5  }
0x95: {  	s5 =	sld [smem:$0x3FFC];
	_ =	sdelay $0x3  }
0x96: {  	_ =	strace s5  }
0x97: {  	s5 =	sld [smem:$0x3FFD];
	_ =	sdelay $0x3  }
0x98: {  	_ =	strace s5  }
0x99: {  	_ =	strace $0x8FFFFFFF  }
0x9a: {  	s19 =	sld [smem:$0x3FDB];
	_ =	sdelay $0x1  }
0x9b: {  	s6 =	simm.s32 $_scs_section_size  }
0x9c: {  	s7 =	simm.s32 $_size__tile_overlayer_lowered;
	s8 =	simm.s32 $_tile_overlayer_lowered  }
0x9d: {  	s22 =	simm.s32 $0x1BFF;
	s21 =	sshll.u32 s8, $0x1;
	s5 =	sadd.s32 s6, s19  }
0x9e: {  	s9 =	simm.s32 $0x0;
	s20 =	sshll.u32 s7, $0x1;
	s7 =	sadd.s32 s21, s5  }
0x9f: {  	[timem:s9], [sflag:s22] =	dma.local [hbm:s7], s20  }
0xa0: {  	_ =	swait.ge [sflag:s22], s20  }
0xa1: {  	s6 =	ssub.s32 $0x0, s20;
	[sflag:s22] =	ssyncset.done $0x0  }
0xa2: {  	[sflag:s22] =	ssyncadd.s32 s6;
	_ =	sdelay $0x1  }
0xa3: {  	s23 =	simm.s32 $0x1B8B  }
0xa4: {  	_ =	swait.ge [sflag:s23], $0x1  }
0xa5: {  	[sflag:s23] =	ssyncset.done $0x0  }
0xa6: {  	s25 =	simm.s32 $0x1B8E;
	s24 =	sld [smem:$0x3FFE];
	[sflag:s23] =	ssyncadd.s32 $0xFFFFFFFF  }
0xa7: {  	s26 =	simm.s32 $execute0_lowered;
	[smem:$0x3FD2] =	sst s25  }
0xa8: {  	s7 =	sshll.u32 s26, $0x1;
	_ =	strace $0x80000049;
	[dreg:$0x1] =	wrdreg $0xFFFFFFFF  }
0xa9: {  	s28 =	simm.s32 $_size_execute0_lowered;
	s5 =	sadd.s32 s5, s7;
	[dreg:$0x0] =	wrdreg $0x0  }
0xaa: {  	s7 =	sshll.u32 s28, $0x1;
	[dreg:$0x2] =	wrdreg s5  }
0xab: {  	[dreg:$0x3] =	wrdreg s7  }
0xac: {  	[dreg:$0x4] =	wrdreg $0xC0  }
0xad: {  	_ =	task [dreg:s9], $0x5FFFF  }
0xae: {  	[dreg:$0x1] =	wrdreg $0xFFFFFFFF  }
0xaf: {  	[dreg:$0x0] =	wrdreg $0x60  }
0xb0: {  	[dreg:$0x2] =	wrdreg s2  }
0xb1: {  	[dreg:$0x3] =	wrdreg s18  }
0xb2: {  	[dreg:$0x4] =	wrdreg s24  }
0xb3: {  	[dreg:$0x5] =	wrdreg s4  }
0xb4: {  	[dreg:$0x6] =	wrdreg $0x9  }
0xb5: {  	_ =	task.clear_ibuf [dreg:s9], $0x7FFFF;
	_ =	strace $0x90000049  }
0xb6: {  	s29 =	simm.s32 $0x9;
	_ =	strace $0x8000004B  }
0xb7: {  	_ =	swait.ge [sflag:s29], $0x1  }
0xb8: {  	[sflag:s29] =	ssyncadd.s32 $0xFFFFFFFF  }
0xb9: {  	_ =	strace $0x9000004B  }
0xba: {  	_ =	sfence  }
0xbb: {  	s30 =	sld [smem:$0x0];
	_ =	sdelay $0x2  }
0xbc: {  	s31 =	sshll.u32 s1, $0xD;
	s1 =	sshrl.u32 s1, $0x2  }
0xbd: {  	s3 =	sand.u32 $0x4000, s31;
	s1 =	sadd.s32 s1, s30  }
0xbe: {  	s0 =	sor.u32 s3, s0;
	s1 =	sshll.u32 s1, $0x11  }
0xbf: {  	s0 =	sor.u32 s1, s0  }
0xc0: {  	s0 =	sadd.s32 $0x8F2B, s0  }
0xc1: {  	[sflag:s0] =	ssyncadd.remote.s32 $0x1  }
0xc2: {  	_ =	sfence.sel $0xFFFF  }
0xc3: {  	[dreg:$0x0] =	wrdreg $0xFFFFFFFF;
	(pc) =	sbr.abs _section_cstart, $3  }
0xc4: {  	[dreg:$0x1] =	wrdreg $0xFFFFFFFF  }
0xc5: {  	_ =	task.clear_ibuf [dreg:s9], $0x2FFFF;
	_ =	strace $0x9FFFFFFF  }
0xc6: {  	(tm) =	ssettm $0x7FFFFFFF  }
0xc7: {  	_ =	shalt  }
tec
execute0_lowered:
.L_overlay_start_1:
0x0: {  	(tag) =	ssettag $0x1  }
0x1: {  	s0 =	rddreg [dreg:$0x0]  }
0x2: {  	s3 =	rddreg [dreg:$0x1]  }
0x3: {  	s8 =	rddreg [dreg:$0x2]  }
0x4: {  	s1 =	rddreg [dreg:$0x3];
	s2 =	simm.s32 $0x0  }
0x5: {  	s7 =	srdreg.scid;
	s11 =	stileid.u32;
	s16 =	simm.s32 $0x5  }
0x6: {  	s18 =	simm.s32 $0x640;
	s20 =	simm.s32 $0x8;
	s28 =	simm.s32 $0xDB80  }
0x7: {  	s29 =	simm.s32 $0x1;
	s30 =	simm.s32 $0xDC80;
	s31 =	simm.s32 $0x2  }
0x8: {  	s19 =	simm.s32 $0x4;
	s21 =	simm.s32 $0x0;
	[smem:$0x7FF] =	sst s2  }
0x9: {  	s4 =	sadd.s32 $0x73200, s8;
	s5 =	sadd.s32 $0xD7400, s8;
	s6 =	sadd.s32 $0xD7200, s8  }
0xa: {  	s9 =	sand.u32 $0x1, s7;
	s7 =	sadd.s32 $0x42400, s8;
	s11 =	sshll.u32 s11, $0x1  }
0xb: {  	s8 =	sadd.s32 $0xD7600, s8;
	s10 =	ssub.s32 $0x2, s9;
	s11 =	sor.u32 s9, s11  }
0xc: {  	_ =	strace $0x8000004A;
	s12 =	sshrl.u32 s10, $0x1;
	s24 =	sshll.u32 s11, $0x6  }
0xd: {  	s13 =	smul.u32 $0x3200, s11;
	s9 =	sshll.u32 s11, $0x9;
	s0 =	sadd.s32 s0, s24  }
0xe: {  	s25 =	sshll.u32 s11, $0xB;
	s3 =	sadd.s32 s3, s24;
	[dreg:$0x5] =	wrdreg s0  }
0xf: {  	s10 =	ssub.s32 s10, s12;
	s24 =	simm.s32 $0x7080;
	[dreg:$0x6] =	wrdreg s3  }
0x10: {  	s26 =	sadd.s32 s4, s13;
	s0 =	sadd.s32 s8, s25;
	s14 =	smax.u32 s10, $0x1  }
0x11: {  	s25 =	simm.s32 $0xD900;
	s3 =	simm.s32 $0x3;
	[dreg:$0x7] =	wrdreg s26  }
0x12: {  	[dreg:$0x8] =	wrdreg s0;
	s26 =	simm.s32 $0xDA00;
	s0 =	simm.s32 $0xDEC0  }
.LBB2_1:
0x13: {  	s10 =	rddreg [dreg:$0x5];
	s11 =	simm.s32 $0xD480  }
0x14: {  	[tilespmem:s11], [sflag:$0x5] =	stream.linear.gather [hbm4b:s10+s2], $0x200, $0x38;
	[tilespmem:$0xE100] =	vst v63  }
0x15: {  	_ =	swait.ge [sflag:s16], $0x200  }
0x16: {  	[sflag:s16] =	ssyncset.done $0x0  }
0x17: {  	s12 =	simm.s32 $0xD680;
	s22 =	rddreg [dreg:$0x6];
	[sflag:s16] =	ssyncadd.s32 $0xFFFFFE00  }
0x18: {  	[tilespmem:s12], [sflag:$0x5] =	stream.linear.gather [hbm4b:s22+s2], $0x200, $0x38;
	[tilespmem:$0xE100] =	vst v63  }
0x19: {  	_ =	swait.ge [sflag:s16], $0x200  }
0x1a: {  	[sflag:s16] =	ssyncset.done $0x0  }
0x1b: {  	s23 =	rddreg [dreg:$0x7];
	[sflag:s16] =	ssyncadd.s32 $0xFFFFFE00  }
0x1c: {  	[tilespmem:s2], [sflag:$0x5] =	stream.linear.gather [hbm4b:s23+s2], $0x640, $0x38;
	[tilespmem:$0xE100] =	vst v63  }
0x1d: {  	_ =	swait.ge [sflag:s16], $0x640  }
0x1e: {  	[sflag:s16] =	ssyncset.done $0x0  }
0x1f: {  	s13 =	simm.s32 $0xC80;
	[sflag:s16] =	ssyncadd.s32 $0xFFFFF9C0  }
0x20: {  	[tilespmem:s13], [sflag:$0x1] =	stream.indirect.gather [hbm4b:s7+s18], $0x10, s2, s18, $0xb8;
	[tilespmem:$0xE100] =	vst v63  }
0x21: {  	s15 =	simm.s32 $0xD880  }
0x22: {  	[tilespmem:s15], [sflag:$0x1] =	stream.indirect.gather [hbm4b:s5+s20], $0x10, s11, s20, $0xb8;
	[tilespmem:$0xE100] =	vst v63  }
0x23: {  	s17 =	simm.s32 $0xD980  }
0x24: {  	[tilespmem:s17], [sflag:$0x1] =	stream.indirect.gather [hbm4b:s6+s20], $0x10, s12, s20, $0xb8;
	[tilespmem:$0xE100] =	vst v63  }
0x25: {  	s23 =	simm.s32 $0xDA80;
	s22 =	rddreg [dreg:$0x8]  }
0x26: {  	[tilespmem:s23], [sflag:$0x1] =	stream.linear.gather [hbm4b:s22+s2], $0x100, $0x38;
	[tilespmem:$0xE100] =	vst v63  }
0x27: {  	s22 =	simm.s32 $0x0  }
.LBB2_2:
0x28: {  	s15 =	sshll.u32 s22, $0x4  }
0x29: {  	s10 =	sor.u32 s9, s15  }
0x2a: {  	s23 =	sor.u32 $0x8, s10  }
0x2b: {  	s10 =	smul.u32 $0x19, s23;
	_ =	sdelay $0x1  }
0x2c: {  	s10 =	sadd.s32 s4, s10  }
0x2d: {  	[tilespmem:s18], [sflag:$0x5] =	stream.linear.gather [hbm4b:s10+s2], $0x640, $0x38;
	[tilespmem:$0xE100] =	vst v63  }
0x2e: {  	_ =	swait.ge [sflag:s16], $0x640  }
0x2f: {  	[sflag:s16] =	ssyncset.done $0x0  }
0x30: {  	[sflag:s16] =	ssyncadd.s32 $0xFFFFF9C0  }
0x31: {  	[tilespmem:s24], [sflag:$0x2] =	stream.indirect.gather [hbm4b:s7+s18], $0x10, s18, s18, $0xb8;
	[tilespmem:$0xE100] =	vst v63  }
0x32: {  	s12 =	sadd.s32 $0xD488, s15;
	s17 =	sshll.u32 s23, $0x2  }
0x33: {  	[tilespmem:s25], [sflag:$0x2] =	stream.indirect.gather [hbm4b:s5+s20], $0x10, s12, s20, $0xb8;
	[tilespmem:$0xE100] =	vst v63  }
0x34: {  	s13 =	sadd.s32 $0xD688, s15;
	s10 =	sand.u32 $0x1FFFFFE0, s17  }
0x35: {  	[tilespmem:s26], [sflag:$0x2] =	stream.indirect.gather [hbm4b:s6+s20], $0x10, s13, s20, $0xb8;
	[tilespmem:$0xE100] =	vst v63  }
0x36: {  	s10 =	sadd.s32 s8, s10  }
0x37: {  	[tilespmem:s28], [sflag:$0x2] =	stream.linear.gather [hbm4b:s10+s2], $0x100, $0x38;
	[tilespmem:$0xE100] =	vst v63  }
0x38: {  	_ =	swait.ge [sflag:s29], $0x6400  }
0x39: {  	[sflag:s29] =	ssyncset.done $0x0  }
0x3a: {  	[sflag:s29] =	ssyncadd.s32 $0xFFFF9C00  }
0x3b: {  	_ =	swait.ge [sflag:s29], $0x80  }
0x3c: {  	[sflag:s29] =	ssyncset.done $0x0  }
0x3d: {  	[sflag:s29] =	ssyncadd.s32 $0xFFFFFF80  }
0x3e: {  	_ =	swait.ge [sflag:s29], $0x80  }
0x3f: {  	[sflag:s29] =	ssyncset.done $0x0  }
0x40: {  	[sflag:s29] =	ssyncadd.s32 $0xFFFFFF80  }
0x41: {  	_ =	swait.ge [sflag:s29], $0x100  }
0x42: {  	p0 =	seq.s32 s22, $0x0;
	[sflag:s29] =	ssyncset.done $0x0  }
0x43: {  	s10 =	simm.s32 @!p0 $0x3;
	[sflag:s29] =	ssyncadd.s32 $0xFFFFFF00  }
0x44: {  	_ =	swait.ge @!p0 [sflag:s10], $0x240  }
0x45: {  	[sflag:s10] =	ssyncset.done @!p0 $0x0  }
0x46: {  	s17 =	simm.s32 $0xCC0;
	[sflag:s10] =	ssyncadd.s32 @!p0 $0xFFFFFDC0;
	s10 =	simm.s32 $0x0  }
.LBB2_3:
0x47: {  	v1 =	vld [tilespmem:s17+$0x20]  }
0x48: {  	v3 =	vld [tilespmem:s17+$0x0]  }
0x49: {  	v4 =	vld [tilespmem:s17+$0xFFFFFFE0]  }
0x4a: {  	v10 =	vld [tilespmem:s17+$0xFFFFFFC0]  }
0x4b: {  	v14 =	vld [tilespmem:s17+$0xFFFFFFD0];
	_ =	sdelay $0x1  }
0x4c: {  	v8 =	vimm.f32 $0.0e+00;
	v5 =	vld [tilespmem:s17+$0xFFFFFFF0];
	v2 =	vunpack.i.u.bf16.f32 v3  }
0x4d: {  	v0 =	vunpack.i.u.bf16.f32 v1;
	v1 =	vunpack.i.l.bf16.f32 v1;
	v7 =	vunpack.i.u.bf16.f32 v4  }
0x4e: {  	v6 =	vld [tilespmem:s17+$0x10];
	v9 =	vunpack.i.l.bf16.f32 v4;
	v3 =	vunpack.i.l.bf16.f32 v3;
	v4 =	vunpack.i.l.bf16.f32 v10  }
0x4f: {  	v10 =	vunpack.i.u.bf16.f32 v10;
	v13 =	vunpack.i.u.bf16.f32 v14;
	v14 =	vunpack.i.l.bf16.f32 v14  }
0x50: {  	s11 =	simm.s32 $0x0;
	s12 =	sadd.s32 $0x80, s17;
	v11 =	vadd.f32 v4, v8;
	v12 =	vadd.f32 v10, v8;
	v4 =	vld [tilespmem:s17+$0x30];
	v10 =	vimm.f32 $0.0e+00  }
.LBB2_4:
0x51: {  	v15 =	vld [tilespmem:s12+$0x20];
	v8 =	vadd.f32 v14, v8;
	v10 =	vadd.f32 v13, v10;
	v13 =	vunpack.i.u.bf16.f32 v5  }
0x52: {  	v5 =	vunpack.i.l.bf16.f32 v5;
	v14 =	vld [tilespmem:s12+$0x0];
	v9 =	vadd.f32 v9, v11;
	v7 =	vadd.f32 v7, v12  }
0x53: {  	v11 =	vld [tilespmem:s12+$0xFFFFFFE0];
	v5 =	vadd.f32 v5, v8;
	v8 =	vadd.f32 v13, v10;
	v10 =	vunpack.i.u.bf16.f32 v6  }
0x54: {  	v6 =	vunpack.i.l.bf16.f32 v6;
	v12 =	vld [tilespmem:s12+$0xFFFFFFC0];
	v3 =	vadd.f32 v3, v9;
	v2 =	vadd.f32 v2, v7  }
0x55: {  	s11 =	sadd.s32 $0x8, s11;
	v16 =	vld [tilespmem:s12+$0xFFFFFFD0];
	v6 =	vadd.f32 v6, v5;
	v7 =	vadd.f32 v10, v8;
	v9 =	vunpack.i.u.bf16.f32 v4  }
0x56: {  	p1 =	slt.u32 s11, $0xC0;
	v17 =	vadd.f32 v1, v3;
	v18 =	vadd.f32 v0, v2;
	v0 =	vunpack.i.l.bf16.f32 v4  }
.Ltmp0:
0x57: {  	v5 =	vld [tilespmem:s12+$0xFFFFFFF0];
	v8 =	vadd.f32 v0, v6;
	v10 =	vadd.f32 v9, v7;
	(pc) =	sbr.rel @p1 .LBB2_4-.Ltmp0, $4  }
0x58: {  	v1 =	vunpack.i.l.bf16.f32 v15;
	v2 =	vunpack.i.u.bf16.f32 v14;
	v0 =	vunpack.i.u.bf16.f32 v15  }
0x59: {  	v3 =	vunpack.i.l.bf16.f32 v14;
	v7 =	vunpack.i.u.bf16.f32 v11;
	v9 =	vunpack.i.l.bf16.f32 v11;
	v6 =	vld [tilespmem:s12+$0x10]  }
0x5a: {  	v4 =	vunpack.i.u.bf16.f32 v12;
	v11 =	vunpack.i.l.bf16.f32 v12;
	v13 =	vunpack.i.u.bf16.f32 v16  }
0x5b: {  	v11 =	vadd.f32 v11, v17;
	v12 =	vadd.f32 v4, v18;
	v14 =	vunpack.i.l.bf16.f32 v16;
	v4 =	vld [tilespmem:s12+$0x30];
	s12 =	sadd.s32 $0x80, s12  }
0x5c: {  	s11 =	sshll.u32 s10, $0x5  }
0x5d: {  	s11 =	sand.u32 $0x3FFFFFE0, s11  }
0x5e: {  	v15 =	vld [tilespmem:s11+$0xDA80];
	_ =	sdelay $0x1  }
0x5f: {  	s12 =	smul.u32 $0x120, s10;
	_ =	sdelay $0x1  }
0x60: {  	s12 =	sshra.s32 s12, $0x2  }
0x61: {  	[tilespmem:s12+$0xDC80] =	vst v15  }
0x62: {  	v15 =	vld [tilespmem:s11+$0xDA90];
	_ =	sdelay $0x3  }
0x63: {  	v10 =	vadd.f32 v13, v10  }
0x64: {  	s13 =	sshll.u32 s10, $0x4;
	v8 =	vadd.f32 v14, v8;
	v56 =	vunpack.i.u.bf16.f32 v5;
	[tilespmem:s12+$0xDC90] =	vst v15  }
0x65: {  	v55 =	vunpack.i.l.bf16.f32 v5;
	v7 =	vadd.f32 v7, v12;
	v5 =	vadd.f32 v56, v10;
	v54 =	vld [tilespmem:s13+$0xD880]  }
0x66: {  	v9 =	vadd.f32 v9, v11;
	v8 =	vadd.f32 v55, v8;
	v58 =	vunpack.i.u.bf16.f32 v6  }
0x67: {  	v57 =	vunpack.i.l.bf16.f32 v6;
	v2 =	vadd.f32 v2, v7;
	v5 =	vadd.f32 v58, v5  }
0x68: {  	v3 =	vadd.f32 v3, v9;
	v8 =	vadd.f32 v57, v8;
	v60 =	vunpack.i.u.bf16.f32 v4  }
0x69: {  	v0 =	vadd.f32 v0, v2;
	v63 =	vadd.f32 v60, v5  }
0x6a: {  	v59 =	vunpack.i.l.bf16.f32 v4;
	v1 =	vadd.f32 v1, v3;
	[tilespmem:s12+$0xDCA0] =	vst v54  }
0x6b: {  	s10 =	sadd.s32 $0x1, s10;
	v61 =	vadd.f32 v59, v8;
	v0 =	vadd.f32 v63, v0;
	v62 =	vld [tilespmem:s13+$0xD980]  }
0x6c: {  	p1 =	sne.s32 s10, $0x8  }
.Ltmp1:
0x6d: {  	v1 =	vadd.f32 v61, v1;
	v0 =	vmul.f32 $2.500000040e-02, v0;
	(pc) =	sbr.rel @p1 .LBB2_3-.Ltmp1, $4  }
0x6e: {  	_ = 	snop  }
0x6f: {  	v1 =	vmul.f32 $2.500000040e-02, v1;
	[tilespmem:s12+$0xDCB8] =	vst v0  }
0x70: {  	[tilespmem:s12+$0xDCA4] =	vst v62  }
0x71: {  	s17 =	sadd.s32 $0xC80, s17;
	[tilespmem:s12+$0xDCA8] =	vst v1  }
0x72: {  	s10 =	sadd.s32 s9, s15;
	p1 =	seq.s32 s22, $0x1F  }
0x73: {  	s10 =	smul.u32 $0x9, s10;
	s11 =	sadd.s32 @!p1 s9, s15  }
0x74: {  	s11 =	sadd.s32 @!p1 $0x10, s11  }
0x75: {  	s10 =	sadd.s32 s1, s10;
	s12 =	smul.u32 @!p1 $0x19, s11  }
0x76: {  	[hbm4b:s10+s2] =	stream.linear.scatter [tilespmem:s30], [sflag:$0x3], $0x240, $0x38;
	[tilespmem:$0xE100] =	vst v63  }
0x77: {  	s10 =	sadd.s32 @!p1 s4, s12;
	s12 =	simm.s32 @!p1 $0x0  }
0x78: {  	[tilespmem:s12], [sflag:$0x5] =	stream.linear.gather @!p1 [hbm4b:s10+s12], $0x640, $0x38;
	[tilespmem:$0xE100] =	vst v63  }
0x79: {  	s10 =	simm.s32 @!p1 $0x5  }
0x7a: {  	_ =	swait.ge @!p1 [sflag:s10], $0x640  }
0x7b: {  	[sflag:s10] =	ssyncset.done @!p1 $0x0  }
0x7c: {  	s17 =	simm.s32 @!p1 $0xC80;
	[sflag:s10] =	ssyncadd.s32 @!p1 $0xFFFFF9C0;
	s10 =	simm.s32 @!p1 $0x640  }
0x7d: {  	[tilespmem:s17], [sflag:$0x1] =	stream.indirect.gather @!p1 [hbm4b:s7+s10], $0x10, s12, s10, $0xb8;
	[tilespmem:$0xE100] =	vst v63  }
0x7e: {  	s13 =	simm.s32 @!p1 $0xD880;
	s10 =	sadd.s32 @!p1 $0xD490, s15;
	s17 =	simm.s32 @!p1 $0x8  }
0x7f: {  	[tilespmem:s13], [sflag:$0x1] =	stream.indirect.gather @!p1 [hbm4b:s5+s17], $0x10, s10, s17, $0xb8;
	[tilespmem:$0xE100] =	vst v63  }
0x80: {  	s10 =	sadd.s32 @!p1 $0xD690, s15;
	s13 =	simm.s32 @!p1 $0xD980  }
0x81: {  	[tilespmem:s13], [sflag:$0x1] =	stream.indirect.gather @!p1 [hbm4b:s6+s17], $0x10, s10, s17, $0xb8;
	[tilespmem:$0xE100] =	vst v63  }
0x82: {  	s10 =	sshll.u32 @!p1 s11, $0x2  }
0x83: {  	s10 =	sand.u32 @!p1 $0x1FFFFFC0, s10  }
0x84: {  	s11 =	simm.s32 @!p1 $0xDA80;
	s10 =	sadd.s32 @!p1 s8, s10  }
0x85: {  	[tilespmem:s11], [sflag:$0x1] =	stream.linear.gather @!p1 [hbm4b:s10+s12], $0x100, $0x38;
	[tilespmem:$0xE100] =	vst v63  }
0x86: {  	_ =	swait.ge [sflag:s31], $0x6400  }
0x87: {  	[sflag:s31] =	ssyncset.done $0x0  }
0x88: {  	[sflag:s31] =	ssyncadd.s32 $0xFFFF9C00  }
0x89: {  	_ =	swait.ge [sflag:s31], $0x80  }
0x8a: {  	[sflag:s31] =	ssyncset.done $0x0  }
0x8b: {  	[sflag:s31] =	ssyncadd.s32 $0xFFFFFF80  }
0x8c: {  	_ =	swait.ge [sflag:s31], $0x80  }
0x8d: {  	[sflag:s31] =	ssyncset.done $0x0  }
0x8e: {  	[sflag:s31] =	ssyncadd.s32 $0xFFFFFF80  }
0x8f: {  	_ =	swait.ge [sflag:s31], $0x100  }
0x90: {  	[sflag:s31] =	ssyncset.done $0x0  }
0x91: {  	s10 =	simm.s32 @!p0 $0x4;
	[sflag:s31] =	ssyncadd.s32 $0xFFFFFF00  }
0x92: {  	_ =	swait.ge @!p0 [sflag:s10], $0x240  }
0x93: {  	[sflag:s10] =	ssyncset.done @!p0 $0x0  }
0x94: {  	s15 =	simm.s32 $0x7080;
	[sflag:s10] =	ssyncadd.s32 @!p0 $0xFFFFFDC0;
	s10 =	simm.s32 $0x0  }
.LBB2_7:
0x95: {  	v1 =	vld [tilespmem:s15+$0x60]  }
0x96: {  	v3 =	vld [tilespmem:s15+$0x40]  }
0x97: {  	v4 =	vld [tilespmem:s15+$0x20]  }
0x98: {  	v10 =	vld [tilespmem:s15+$0x0]  }
0x99: {  	v14 =	vld [tilespmem:s15+$0x10];
	_ =	sdelay $0x1  }
0x9a: {  	v8 =	vimm.f32 $0.0e+00;
	v5 =	vld [tilespmem:s15+$0x30];
	v2 =	vunpack.i.u.bf16.f32 v3  }
0x9b: {  	v0 =	vunpack.i.u.bf16.f32 v1;
	v1 =	vunpack.i.l.bf16.f32 v1;
	v7 =	vunpack.i.u.bf16.f32 v4  }
0x9c: {  	v6 =	vld [tilespmem:s15+$0x50];
	v9 =	vunpack.i.l.bf16.f32 v4;
	v3 =	vunpack.i.l.bf16.f32 v3;
	v4 =	vunpack.i.l.bf16.f32 v10  }
0x9d: {  	v10 =	vunpack.i.u.bf16.f32 v10;
	v13 =	vunpack.i.u.bf16.f32 v14;
	v14 =	vunpack.i.l.bf16.f32 v14  }
0x9e: {  	s11 =	simm.s32 $0x0;
	s12 =	sadd.s32 $0x80, s15;
	v11 =	vadd.f32 v4, v8;
	v12 =	vadd.f32 v10, v8;
	v4 =	vld [tilespmem:s15+$0x70];
	v10 =	vimm.f32 $0.0e+00  }
.LBB2_8:
0x9f: {  	v15 =	vld [tilespmem:s12+$0x60];
	v8 =	vadd.f32 v14, v8;
	v10 =	vadd.f32 v13, v10;
	v13 =	vunpack.i.u.bf16.f32 v5  }
0xa0: {  	v5 =	vunpack.i.l.bf16.f32 v5;
	v14 =	vld [tilespmem:s12+$0x40];
	v9 =	vadd.f32 v9, v11;
	v7 =	vadd.f32 v7, v12  }
0xa1: {  	v11 =	vld [tilespmem:s12+$0x20];
	v5 =	vadd.f32 v5, v8;
	v8 =	vadd.f32 v13, v10;
	v10 =	vunpack.i.u.bf16.f32 v6  }
0xa2: {  	v6 =	vunpack.i.l.bf16.f32 v6;
	v12 =	vld [tilespmem:s12+$0x0];
	v3 =	vadd.f32 v3, v9;
	v2 =	vadd.f32 v2, v7  }
0xa3: {  	s11 =	sadd.s32 $0x8, s11;
	v16 =	vld [tilespmem:s12+$0x10];
	v6 =	vadd.f32 v6, v5;
	v7 =	vadd.f32 v10, v8;
	v9 =	vunpack.i.u.bf16.f32 v4  }
0xa4: {  	p0 =	slt.u32 s11, $0xC0;
	v17 =	vadd.f32 v1, v3;
	v18 =	vadd.f32 v0, v2;
	v0 =	vunpack.i.l.bf16.f32 v4  }
.Ltmp2:
0xa5: {  	v5 =	vld [tilespmem:s12+$0x30];
	v8 =	vadd.f32 v0, v6;
	v10 =	vadd.f32 v9, v7;
	(pc) =	sbr.rel @p0 .LBB2_8-.Ltmp2, $4  }
0xa6: {  	v1 =	vunpack.i.l.bf16.f32 v15;
	v2 =	vunpack.i.u.bf16.f32 v14;
	v0 =	vunpack.i.u.bf16.f32 v15  }
0xa7: {  	v3 =	vunpack.i.l.bf16.f32 v14;
	v7 =	vunpack.i.u.bf16.f32 v11;
	v9 =	vunpack.i.l.bf16.f32 v11;
	v6 =	vld [tilespmem:s12+$0x50]  }
0xa8: {  	v4 =	vunpack.i.u.bf16.f32 v12;
	v11 =	vunpack.i.l.bf16.f32 v12;
	v13 =	vunpack.i.u.bf16.f32 v16  }
0xa9: {  	v11 =	vadd.f32 v11, v17;
	v12 =	vadd.f32 v4, v18;
	v14 =	vunpack.i.l.bf16.f32 v16;
	v4 =	vld [tilespmem:s12+$0x70];
	s12 =	sadd.s32 $0x80, s12  }
0xaa: {  	s11 =	sshll.u32 s10, $0x5  }
0xab: {  	s11 =	sand.u32 $0x3FFFFFE0, s11  }
0xac: {  	v15 =	vld [tilespmem:s11+$0xDB80];
	_ =	sdelay $0x1  }
0xad: {  	s12 =	smul.u32 $0x120, s10;
	_ =	sdelay $0x1  }
0xae: {  	s12 =	sshra.s32 s12, $0x2  }
0xaf: {  	[tilespmem:s12+$0xDEC0] =	vst v15  }
0xb0: {  	v15 =	vld [tilespmem:s11+$0xDB90];
	_ =	sdelay $0x3  }
0xb1: {  	v10 =	vadd.f32 v13, v10  }
0xb2: {  	s17 =	sshll.u32 s10, $0x4;
	v8 =	vadd.f32 v14, v8;
	v56 =	vunpack.i.u.bf16.f32 v5;
	[tilespmem:s12+$0xDED0] =	vst v15  }
0xb3: {  	v55 =	vunpack.i.l.bf16.f32 v5;
	v7 =	vadd.f32 v7, v12;
	v5 =	vadd.f32 v56, v10;
	v54 =	vld [tilespmem:s17+$0xD900]  }
0xb4: {  	v9 =	vadd.f32 v9, v11;
	v8 =	vadd.f32 v55, v8;
	v58 =	vunpack.i.u.bf16.f32 v6  }
0xb5: {  	v57 =	vunpack.i.l.bf16.f32 v6;
	v2 =	vadd.f32 v2, v7;
	v5 =	vadd.f32 v58, v5  }
0xb6: {  	v3 =	vadd.f32 v3, v9;
	v8 =	vadd.f32 v57, v8;
	v60 =	vunpack.i.u.bf16.f32 v4  }
0xb7: {  	v0 =	vadd.f32 v0, v2;
	v63 =	vadd.f32 v60, v5  }
0xb8: {  	v59 =	vunpack.i.l.bf16.f32 v4;
	v1 =	vadd.f32 v1, v3;
	[tilespmem:s12+$0xDEE0] =	vst v54  }
0xb9: {  	s10 =	sadd.s32 $0x1, s10;
	v61 =	vadd.f32 v59, v8;
	v0 =	vadd.f32 v63, v0;
	v62 =	vld [tilespmem:s17+$0xDA00]  }
0xba: {  	p0 =	sne.s32 s10, $0x8  }
.Ltmp3:
0xbb: {  	v1 =	vadd.f32 v61, v1;
	v0 =	vmul.f32 $2.500000040e-02, v0;
	(pc) =	sbr.rel @p0 .LBB2_7-.Ltmp3, $4  }
0xbc: {  	_ = 	snop  }
0xbd: {  	v1 =	vmul.f32 $2.500000040e-02, v1;
	[tilespmem:s12+$0xDEF8] =	vst v0  }
0xbe: {  	[tilespmem:s12+$0xDEE4] =	vst v62  }
0xbf: {  	s15 =	sadd.s32 $0xC80, s15;
	[tilespmem:s12+$0xDEE8] =	vst v1  }
0xc0: {  	s22 =	sadd.s32 $0x1, s22  }
0xc1: {  	p0 =	sne.s32 s22, $0x20  }
.Ltmp4:
0xc2: {  	_ = 	snop;
	(pc) =	sbr.rel @p0 .LBB2_2-.Ltmp4, $3  }
0xc3: {  	s10 =	smul.u32 $0x9, s23;
	_ =	sdelay $0x1  }
0xc4: {  	s10 =	sadd.s32 s1, s10  }
0xc5: {  	[hbm4b:s10+s2] =	stream.linear.scatter [tilespmem:s0], [sflag:$0x4], $0x240, $0x38;
	[tilespmem:$0xE100] =	vst v63  }
0xc6: {  	s21 =	sadd.s32 $0x1, s21  }
0xc7: {  	_ =	swait.ge [sflag:s3], $0x240;
	p0 =	sne.s32 s21, s14  }
.Ltmp5:
0xc8: {  	[sflag:s3] =	ssyncset.done $0x0;
	(pc) =	sbr.rel @p0 .LBB2_1-.Ltmp5, $4  }
0xc9: {  	[sflag:s3] =	ssyncadd.s32 $0xFFFFFDC0  }
0xca: {  	_ =	swait.ge [sflag:s19], $0x240  }
0xcb: {  	[sflag:s19] =	ssyncset.done $0x0  }
0xcc: {  	[sflag:s19] =	ssyncadd.s32 $0xFFFFFDC0  }
0xcd: {  	_ =	sfence.sel $0x180000  }
0xce: {  	[bflag:$0x0] =	sbarrier.arrive $0xFFFF  }
0xcf: {  	_ =	strace $0x9000004A  }
0xd0: {  	s0 =	stileid.u32;
	[bflag:$0x2] =	sbarrier.arrive $0xFFFF  }
0xd1: {  	p0 =	sne.s32 s0, $0x0;
	s0 =	rddreg [dreg:$0x4]  }
0xd2: {  	s0 =	sadd.s32 @!p0 $0x100000, s0  }
0xd3: {  	[sflag:s0] =	ssyncadd.tile.s32 @!p0 $0x1;
	_ =	shalt  }
.Lfunc_end2:
_tile_overlayer_lowered:
.L_overlay_start_2:
0xd4: {  	(tag) =	ssettag $0x2  }
0xd5: {  	s0 =	rddreg [dreg:$0x0];
	s2 =	stileid.u32  }
0xd6: {  	s1 =	rddreg [dreg:$0x1];
	p0 =	sne.s32 s2, $0x0  }
0xd7: {  	s3 =	rddreg [dreg:$0x2];
	[bflag:$0x3] =	sbarrier.arrive $0xFFFF;
	s2 =	simm.s32 @!p0 $0x1C05  }
0xd8: {  	[timem:s3], [sflag:s2] =	dma.local @!p0 [hbm:s0], s1  }
0xd9: {  	s0 =	simm.s32 @!p0 $0x5  }
0xda: {  	_ =	swait.ge @!p0 [sflag:s0], s1  }
0xdb: {  	s1 =	ssub.s32 @!p0 $0x0, s1;
	[sflag:s0] =	ssyncset.done @!p0 $0x0  }
0xdc: {  	[sflag:s0] =	ssyncadd.s32 @!p0 s1  }
0xdd: {  	[bflag:$0x3] =	sbarrier.arrive $0xFFFF  }
0xde: {  	_ =	shalt  }

</sc_bundles>
